<compile_context>
chip_gen: v7x
topology: tpu7x:2x2x1
jax: 0.10.2.dev20260603
libtpu: 0.0.44.dev20260713+nightly
codegen_flags: <defaults>
</compile_context>

<pallas_src>
import jax
import jax.numpy as jnp
from jax import lax
from jax.experimental import pallas as pl
from jax.experimental.pallas import tpu as pltpu
from jax.experimental.pallas import tpu_sc as plsc

N_NODES = 50000
N_EDGES = 800000
D_IN = 100
HIDDEN = 256
NQ = 4
DQ = 25
DQP = 32
DOUT = NQ * DQP
N_SC = 2
N_TILES = 16
STRIPE = 3200
LAST_STRIPE = N_NODES - (N_TILES - 1) * STRIPE
EB = 128
BLK_PER_TILE = 392
NBLK = BLK_PER_TILE * N_TILES
E_PAD = NBLK * EB
ACC_ROWS = 50048
NGRP = BLK_PER_TILE // 4
EB2 = 800
NBLK2 = N_EDGES // EB2
NW = N_SC * N_TILES
BLK2_PER_W = NBLK2 // NW
RB = 1000


def _stripe_copy(s, read, write):
    off = pl.multiple_of(s * STRIPE, STRIPE)

    @pl.when(s < N_TILES - 1)
    def _main():
        pltpu.sync_copy(read(pl.ds(off, STRIPE)), write(pl.ds(off, STRIPE)))

    @pl.when(s == N_TILES - 1)
    def _last():
        base = (N_TILES - 1) * STRIPE
        pltpu.sync_copy(read(pl.ds(base, LAST_STRIPE)),
                        write(pl.ds(base, LAST_STRIPE)))


def _agg_body(xq_hbm, edges_hbm, out_hbm, acc_sh, idx_a, idx_b, rows_a,
              rows_b, isem_a, isem_b, gsem_a, gsem_b):
    c = lax.axis_index("c")
    s = lax.axis_index("s")

    for p in range(2):
        for cc in range(N_SC):
            q = 2 * cc + p

            @pl.when(c == cc)
            def _init(q=q):
                _stripe_copy(s, lambda d: xq_hbm.at[q, d],
                             lambda d: acc_sh.at[d])

        plsc.subcore_barrier()

        for cc in range(N_SC):
            q = 2 * cc + p

            @pl.when(c == cc)
            def _edges(q=q):
                table = xq_hbm.at[q]
                base = pl.multiple_of(s * BLK_PER_TILE, BLK_PER_TILE)

                def idx_slice(off):
                    return edges_hbm.at[pl.ds(pl.multiple_of(off, 2), 2)]

                def gather(j, idx, rows, sem):
                    return pltpu.async_copy(table.at[idx.at[j, 0]],
                                            rows.at[j], sem)

                def gather_wait(j, idx, rows, sem):
                    pltpu.make_async_copy(table.at[idx.at[j, 0]],
                                          rows.at[j], sem).wait()

                def scat(j, idx, rows):
                    pltpu.sync_copy(rows.at[j], acc_sh.at[idx.at[j, 1]],
                                    add=True)

                pltpu.async_copy(idx_slice(base), idx_a, isem_a)
                pltpu.async_copy(idx_slice(base + 2), idx_b, isem_b)
                pltpu.make_async_copy(idx_slice(base), idx_a, isem_a).wait()
                gather(0, idx_a, rows_a, gsem_a)
                gather(1, idx_a, rows_a, gsem_a)

                def grp(g, carry):
                    koff = pl.multiple_of(base + 4 * g, 2)
                    gather_wait(0, idx_a, rows_a, gsem_a)
                    gather_wait(1, idx_a, rows_a, gsem_a)
                    pltpu.make_async_copy(idx_slice(koff + 2), idx_b,
                                          isem_b).wait()
                    hb0 = gather(0, idx_b, rows_b, gsem_b)
                    hb1 = gather(1, idx_b, rows_b, gsem_b)
                    scat(0, idx_a, rows_a)
                    scat(1, idx_a, rows_a)
                    hla = pltpu.async_copy(idx_slice(koff + 4), idx_a, isem_a)
                    hb0.wait()
                    hb1.wait()
                    hla.wait()
                    gather(0, idx_a, rows_a, gsem_a)
                    gather(1, idx_a, rows_a, gsem_a)
                    scat(0, idx_b, rows_b)
                    scat(1, idx_b, rows_b)
                    pltpu.async_copy(idx_slice(koff + 6), idx_b, isem_b)
                    return carry

                lax.fori_loop(0, NGRP - 1, grp, 0)

                gather_wait(0, idx_a, rows_a, gsem_a)
                gather_wait(1, idx_a, rows_a, gsem_a)
                pltpu.make_async_copy(idx_slice(base + BLK_PER_TILE - 2),
                                      idx_b, isem_b).wait()
                hb0 = gather(0, idx_b, rows_b, gsem_b)
                hb1 = gather(1, idx_b, rows_b, gsem_b)
                scat(0, idx_a, rows_a)
                scat(1, idx_a, rows_a)
                hb0.wait()
                hb1.wait()
                scat(0, idx_b, rows_b)
                scat(1, idx_b, rows_b)

        plsc.subcore_barrier()

        for cc in range(N_SC):
            q = 2 * cc + p

            @pl.when(c == cc)
            def _flush(q=q):
                _stripe_copy(s, lambda d: acc_sh.at[d],
                             lambda d: out_hbm.at[q, d])

        plsc.subcore_barrier()


_agg = pl.kernel(
    _agg_body,
    out_type=jax.ShapeDtypeStruct((NQ, N_NODES, DQP), jnp.float32),
    mesh=plsc.VectorSubcoreMesh(core_axis_name="c", subcore_axis_name="s"),
    scratch_types=[
        pltpu.VMEM_SHARED((ACC_ROWS, DQP), jnp.float32),
        pltpu.VMEM((2, 2, EB), jnp.int32),
        pltpu.VMEM((2, 2, EB), jnp.int32),
        pltpu.VMEM((2, EB, DQP), jnp.float32),
        pltpu.VMEM((2, EB, DQP), jnp.float32),
        pltpu.SemaphoreType.DMA,
        pltpu.SemaphoreType.DMA,
        pltpu.SemaphoreType.DMA,
        pltpu.SemaphoreType.DMA,
    ],
    compiler_params=pltpu.CompilerParams(use_tc_tiling_on_sc=False),
)


def _mlp_body(h_ref, w1_ref, b1_ref, w2_ref, b2_ref, out_ref):
    hcat = jnp.concatenate([h_ref[q] for q in range(NQ)], axis=1)
    z = lax.dot_general(hcat, w1_ref[...], (((1,), (0,)), ((), ())),
                        preferred_element_type=jnp.float32,
                        precision=lax.Precision.HIGHEST)
    z = jnp.maximum(z + b1_ref[...], 0.0)
    w2s = jnp.sum(w2_ref[...], axis=1)
    out_ref[...] = (jnp.sum(z * w2s[None, :], axis=1, keepdims=True)
                    + jnp.sum(b2_ref[...]))


_mlp = pl.pallas_call(
    _mlp_body,
    grid=(N_NODES // RB,),
    in_specs=[
        pl.BlockSpec((NQ, RB, DQP), lambda i: (0, i, 0)),
        pl.BlockSpec((DOUT, HIDDEN), lambda i: (0, 0)),
        pl.BlockSpec((1, HIDDEN), lambda i: (0, 0)),
        pl.BlockSpec((HIDDEN, HIDDEN), lambda i: (0, 0)),
        pl.BlockSpec((1, HIDDEN), lambda i: (0, 0)),
    ],
    out_specs=pl.BlockSpec((RB, 1), lambda i: (i, 0)),
    out_shape=jax.ShapeDtypeStruct((N_NODES, 1), jnp.float32),
)


def _gather_body(s_hbm, dst_hbm, out_hbm, s_v, dst_v, out_v):
    c = lax.axis_index("c")
    s = lax.axis_index("s")
    w = s * N_SC + c
    pltpu.sync_copy(s_hbm, s_v)
    nb = BLK2_PER_W + jnp.where(w < NBLK2 % NW, 1, 0)

    def blk(i, carry):
        off = pl.multiple_of((w + i * NW) * EB2, EB2)
        pltpu.sync_copy(dst_hbm.at[pl.ds(off, EB2)], dst_v)

        def inner(j, c2):
            idx = dst_v[pl.ds(j * 16, 16)]
            out_v[pl.ds(j * 16, 16)] = plsc.load_gather(s_v, [idx])
            return c2

        lax.fori_loop(0, EB2 // 16, inner, 0)
        pltpu.sync_copy(out_v, out_hbm.at[pl.ds(off, EB2)])
        return carry

    lax.fori_loop(0, nb, blk, 0)


_gather = pl.kernel(
    _gather_body,
    out_type=jax.ShapeDtypeStruct((N_EDGES,), jnp.float32),
    mesh=plsc.VectorSubcoreMesh(core_axis_name="c", subcore_axis_name="s"),
    scratch_types=[
        pltpu.VMEM((N_NODES,), jnp.float32),
        pltpu.VMEM((EB2,), jnp.int32),
        pltpu.VMEM((EB2,), jnp.float32),
    ],
    compiler_params=pltpu.CompilerParams(needs_layout_passes=False),
)


def kernel(x, edge_index, pos_embeddings, W1, b1, W2, b2):
    perm = (jnp.arange(D_IN)[:, None]
            == (jnp.arange(NQ * DQP) % DQP
                + DQ * (jnp.arange(NQ * DQP) // DQP))[None, :]
            ).astype(jnp.float32)
    xf = x.reshape(N_NODES, D_IN)
    ei = edge_index.astype(jnp.int32)
    srcp = jnp.concatenate([ei[0], jnp.zeros((E_PAD - N_EDGES,), jnp.int32)])
    dstp = jnp.concatenate(
        [ei[1], jnp.full((E_PAD - N_EDGES,), N_NODES, jnp.int32)])
    edges = jnp.stack(
        [srcp.reshape(NBLK, EB), dstp.reshape(NBLK, EB)], axis=1)
    xp = lax.dot_general(xf, perm, (((1,), (0,)), ((), ())),
                         preferred_element_type=jnp.float32,
                         precision=lax.Precision.HIGHEST)
    xqs = xp.reshape(N_NODES, NQ, DQP).transpose(1, 0, 2)
    h4 = _agg(xqs, edges)
    W1p = jnp.pad(W1.reshape(NQ, DQ, HIDDEN),
                  ((0, 0), (0, DQP - DQ), (0, 0))).reshape(DOUT, HIDDEN)
    s = _mlp(h4, W1p, b1.reshape(1, HIDDEN), W2,
             b2.reshape(1, HIDDEN)).reshape(N_NODES)
    return _gather(s, ei[1])

# --- scband reference (transcript-rebuilt; emitter-appended) ---
"""Pipeline reference for scband-ginmodel-nopos-44770739093601 (READ-ONLY COPY).

The authoritative reference and input builder live on the scoring server;
editing this copy changes nothing except your own understanding.
"""

import jax, jax.numpy as jnp
import numpy as np

N_NODES = 50000
N_EDGES = 800000
D_IN = 100
HIDDEN = 256

def setup_inputs(seed: int = 0) -> dict:
    key = jax.random.key(seed)
    ks = jax.random.split(key, 8)
    x = jax.random.normal(ks[0], (N_NODES, 1, D_IN), dtype=jnp.float32)
    edge_index = jax.random.randint(ks[1], (2, N_EDGES), 0, N_NODES, dtype=jnp.int64)
    pos_embeddings = jax.random.normal(ks[2], (N_NODES, 16), dtype=jnp.float32)
    W1 = jax.random.normal(ks[3], (D_IN, HIDDEN), dtype=jnp.float32) * (1.0 / np.sqrt(D_IN))
    b1 = jnp.zeros((HIDDEN,), dtype=jnp.float32)
    W2 = jax.random.normal(ks[4], (HIDDEN, HIDDEN), dtype=jnp.float32) * (1.0 / np.sqrt(HIDDEN))
    b2 = jnp.zeros((HIDDEN,), dtype=jnp.float32)
    return {"x": x, "edge_index": edge_index, "pos_embeddings": pos_embeddings, "W1": W1, "b1": b1, "W2": W2, "b2": b2}

def reference(x, edge_index, pos_embeddings, W1, b1, W2, b2):
    # x: [N, 1, D] -> flatten to [N, D] as in forward's x.view(-1, x.size(2))
    xf = x.reshape(-1, x.shape[2])
    src = edge_index[0]
    dst = edge_index[1]
    # GINConv (eps=0): h = MLP((1+eps)*x + sum_{j in N(i)} x_j)
    agg = jax.ops.segment_sum(xf[src], dst, num_segments=N_NODES)
    h = xf + agg
    h = jnp.maximum(h @ W1 + b1, 0.0)
    h = h @ W2 + b2
    # reviewer_embed = h[edge_index[0]]  (computed but unused)
    product_embed = h[dst]
    ratings = jnp.sum(product_embed, axis=1)
    return ratings

if __name__ == "__main__":
    import jax
    _d = setup_inputs()
    print(jax.jit(kernel)(*tuple(_d.values())))

</pallas_src>

<mosaic_0001>
#map = affine_map<(d0, d1) -> (0, 0, 0)>
module attributes {stable_mosaic.version = 14 : i64} {
  func.func @_agg_body(%arg0: i32, %arg1: i32, %arg2: memref<4x50000x32xf32, #tpu.memory_space<hbm>>, %arg3: memref<6272x2x128xi32, #tpu.memory_space<hbm>>, %arg4: memref<4x50000x32xf32, #tpu.memory_space<hbm>>, %arg5: memref<50048x32xf32, #tpu.memory_space<vmem_shared>>, %arg6: memref<2x2x128xi32, #tpu.memory_space<vmem>>, %arg7: memref<2x2x128xi32, #tpu.memory_space<vmem>>, %arg8: memref<2x128x32xf32, #tpu.memory_space<vmem>>, %arg9: memref<2x128x32xf32, #tpu.memory_space<vmem>>, %arg10: memref<!tpu.dma_semaphore, #tpu.memory_space<semaphore_mem>>, %arg11: memref<!tpu.dma_semaphore, #tpu.memory_space<semaphore_mem>>, %arg12: memref<!tpu.dma_semaphore, #tpu.memory_space<semaphore_mem>>, %arg13: memref<!tpu.dma_semaphore, #tpu.memory_space<semaphore_mem>>) attributes {dimension_semantics = [#tpu.dimension_semantics<core_parallel>, #tpu.dimension_semantics<subcore_parallel>], iteration_bounds = array<i64: 2, 16>, scalar_prefetch = 0 : i64, scratch_operands = 9 : i64, tpu.core_type = #tpu.core_type<sc_vector_subcore>, window_params = [{transform_indices = #map}, {transform_indices = #map}, {transform_indices = #map}]} {
    %eq3A = arith.constant 0 : i32
    %eq3A_0 = arith.cmpi eq, %arg0, %eq3A : i32
    %convert_element_type3A = arith.extui %eq3A_0 : i1 to i32
    %cond3A = arith.constant 0 : i32
    %cond3A_1 = arith.cmpi ne, %convert_element_type3A, %cond3A : i32
    scf.if %cond3A_1 {
      %mul3A = arith.constant 3200 : i32
      %mul3A_62 = arith.muli %arg1, %mul3A : i32
      %multiple_of3A = tpu.assume_multiple %mul3A_62, 3200 : i32
      %lt3A = arith.constant 15 : i32
      %lt3A_63 = arith.cmpi slt, %arg1, %lt3A : i32
      %convert_element_type3A_64 = arith.extui %lt3A_63 : i1 to i32
      %cond3A_65 = arith.constant 0 : i32
      %cond3A_66 = arith.cmpi ne, %convert_element_type3A_64, %cond3A_65 : i32
      scf.if %cond3A_66 {
        %run_scoped3A = arith.constant 0 : i32
        "tpu.region"() ({
          %run_scoped3A_72 = tpu.sem_alloc : memref<!tpu.dma_semaphore, #tpu.memory_space<semaphore_mem>>
          %dma_start3A = arith.constant 0 : i32
          %dma_start3A_73 = tpu.memref_slice %arg5[%multiple_of3A, %dma_start3A] : memref<50048x32xf32, #tpu.memory_space<vmem_shared>> -> memref<3200x32xf32, #tpu.memory_space<vmem_shared>>
          %dma_start3A_74 = arith.constant 0 : i32
          %dma_start3A_75 = tpu.memref_slice %arg2[%run_scoped3A, %multiple_of3A, %dma_start3A_74] : memref<4x50000x32xf32, #tpu.memory_space<hbm>> -> memref<1x3200x32xf32, #tpu.memory_space<hbm>>
          %dma_start3A_76 = tpu.memref_squeeze %dma_start3A_75 : memref<1x3200x32xf32, #tpu.memory_space<hbm>> -> memref<3200x32xf32, #tpu.memory_space<hbm>>
          tpu.enqueue_dma source(%dma_start3A_76 : memref<3200x32xf32, #tpu.memory_space<hbm>>) target(%dma_start3A_73 : memref<3200x32xf32, #tpu.memory_space<vmem_shared>>) target_semaphore(%run_scoped3A_72 : memref<!tpu.dma_semaphore, #tpu.memory_space<semaphore_mem>>)
          %dma_wait3A = arith.constant 0 : i32
          %dma_wait3A_77 = tpu.memref_slice %arg5[%multiple_of3A, %dma_wait3A] : memref<50048x32xf32, #tpu.memory_space<vmem_shared>> -> memref<3200x32xf32, #tpu.memory_space<vmem_shared>>
          %dma_wait3A_78 = arith.constant 0 : i32
          %dma_wait3A_79 = tpu.memref_slice %arg2[%run_scoped3A, %multiple_of3A, %dma_wait3A_78] : memref<4x50000x32xf32, #tpu.memory_space<hbm>> -> memref<1x3200x32xf32, #tpu.memory_space<hbm>>
          %dma_wait3A_80 = tpu.memref_squeeze %dma_wait3A_79 : memref<1x3200x32xf32, #tpu.memory_space<hbm>> -> memref<3200x32xf32, #tpu.memory_space<hbm>>
          tpu.wait_dma2 semaphore(%run_scoped3A_72 : memref<!tpu.dma_semaphore, #tpu.memory_space<semaphore_mem>>) src(%dma_wait3A_80 : memref<3200x32xf32, #tpu.memory_space<hbm>>) dst(%dma_wait3A_77 : memref<3200x32xf32, #tpu.memory_space<vmem_shared>>)
          tpu.yield
        }) : () -> ()
      } else {
      }
      %eq3A_67 = arith.constant 15 : i32
      %eq3A_68 = arith.cmpi eq, %arg1, %eq3A_67 : i32
      %convert_element_type3A_69 = arith.extui %eq3A_68 : i1 to i32
      %cond3A_70 = arith.constant 0 : i32
      %cond3A_71 = arith.cmpi ne, %convert_element_type3A_69, %cond3A_70 : i32
      scf.if %cond3A_71 {
        %run_scoped3A = arith.constant 0 : i32
        "tpu.region"() ({
          %run_scoped3A_72 = tpu.sem_alloc : memref<!tpu.dma_semaphore, #tpu.memory_space<semaphore_mem>>
          %dma_start3A = arith.constant 48000 : i32
          %dma_start3A_73 = arith.constant 0 : i32
          %dma_start3A_74 = tpu.memref_slice %arg5[%dma_start3A, %dma_start3A_73] : memref<50048x32xf32, #tpu.memory_space<vmem_shared>> -> memref<2000x32xf32, #tpu.memory_space<vmem_shared>>
          %dma_start3A_75 = arith.constant 48000 : i32
          %dma_start3A_76 = arith.constant 0 : i32
          %dma_start3A_77 = tpu.memref_slice %arg2[%run_scoped3A, %dma_start3A_75, %dma_start3A_76] : memref<4x50000x32xf32, #tpu.memory_space<hbm>> -> memref<1x2000x32xf32, #tpu.memory_space<hbm>>
          %dma_start3A_78 = tpu.memref_squeeze %dma_start3A_77 : memref<1x2000x32xf32, #tpu.memory_space<hbm>> -> memref<2000x32xf32, #tpu.memory_space<hbm>>
          tpu.enqueue_dma source(%dma_start3A_78 : memref<2000x32xf32, #tpu.memory_space<hbm>>) target(%dma_start3A_74 : memref<2000x32xf32, #tpu.memory_space<vmem_shared>>) target_semaphore(%run_scoped3A_72 : memref<!tpu.dma_semaphore, #tpu.memory_space<semaphore_mem>>)
          %dma_wait3A = arith.constant 48000 : i32
          %dma_wait3A_79 = arith.constant 0 : i32
          %dma_wait3A_80 = tpu.memref_slice %arg5[%dma_wait3A, %dma_wait3A_79] : memref<50048x32xf32, #tpu.memory_space<vmem_shared>> -> memref<2000x32xf32, #tpu.memory_space<vmem_shared>>
          %dma_wait3A_81 = arith.constant 48000 : i32
          %dma_wait3A_82 = arith.constant 0 : i32
          %dma_wait3A_83 = tpu.memref_slice %arg2[%run_scoped3A, %dma_wait3A_81, %dma_wait3A_82] : memref<4x50000x32xf32, #tpu.memory_space<hbm>> -> memref<1x2000x32xf32, #tpu.memory_space<hbm>>
          %dma_wait3A_84 = tpu.memref_squeeze %dma_wait3A_83 : memref<1x2000x32xf32, #tpu.memory_space<hbm>> -> memref<2000x32xf32, #tpu.memory_space<hbm>>
          tpu.wait_dma2 semaphore(%run_scoped3A_72 : memref<!tpu.dma_semaphore, #tpu.memory_space<semaphore_mem>>) src(%dma_wait3A_84 : memref<2000x32xf32, #tpu.memory_space<hbm>>) dst(%dma_wait3A_80 : memref<2000x32xf32, #tpu.memory_space<vmem_shared>>)
          tpu.yield
        }) : () -> ()
      } else {
      }
    } else {
    }
    %eq3A_2 = arith.constant 1 : i32
    %eq3A_3 = arith.cmpi eq, %arg0, %eq3A_2 : i32
    %convert_element_type3A_4 = arith.extui %eq3A_3 : i1 to i32
    %cond3A_5 = arith.constant 0 : i32
    %cond3A_6 = arith.cmpi ne, %convert_element_type3A_4, %cond3A_5 : i32
    scf.if %cond3A_6 {
      %mul3A = arith.constant 3200 : i32
      %mul3A_62 = arith.muli %arg1, %mul3A : i32
      %multiple_of3A = tpu.assume_multiple %mul3A_62, 3200 : i32
      %lt3A = arith.constant 15 : i32
      %lt3A_63 = arith.cmpi slt, %arg1, %lt3A : i32
      %convert_element_type3A_64 = arith.extui %lt3A_63 : i1 to i32
      %cond3A_65 = arith.constant 0 : i32
      %cond3A_66 = arith.cmpi ne, %convert_element_type3A_64, %cond3A_65 : i32
      scf.if %cond3A_66 {
        %run_scoped3A = arith.constant 2 : i32
        "tpu.region"() ({
          %run_scoped3A_72 = tpu.sem_alloc : memref<!tpu.dma_semaphore, #tpu.memory_space<semaphore_mem>>
          %dma_start3A = arith.constant 0 : i32
          %dma_start3A_73 = tpu.memref_slice %arg5[%multiple_of3A, %dma_start3A] : memref<50048x32xf32, #tpu.memory_space<vmem_shared>> -> memref<3200x32xf32, #tpu.memory_space<vmem_shared>>
          %dma_start3A_74 = arith.constant 0 : i32
          %dma_start3A_75 = tpu.memref_slice %arg2[%run_scoped3A, %multiple_of3A, %dma_start3A_74] : memref<4x50000x32xf32, #tpu.memory_space<hbm>> -> memref<1x3200x32xf32, #tpu.memory_space<hbm>>
          %dma_start3A_76 = tpu.memref_squeeze %dma_start3A_75 : memref<1x3200x32xf32, #tpu.memory_space<hbm>> -> memref<3200x32xf32, #tpu.memory_space<hbm>>
          tpu.enqueue_dma source(%dma_start3A_76 : memref<3200x32xf32, #tpu.memory_space<hbm>>) target(%dma_start3A_73 : memref<3200x32xf32, #tpu.memory_space<vmem_shared>>) target_semaphore(%run_scoped3A_72 : memref<!tpu.dma_semaphore, #tpu.memory_space<semaphore_mem>>)
          %dma_wait3A = arith.constant 0 : i32
          %dma_wait3A_77 = tpu.memref_slice %arg5[%multiple_of3A, %dma_wait3A] : memref<50048x32xf32, #tpu.memory_space<vmem_shared>> -> memref<3200x32xf32, #tpu.memory_space<vmem_shared>>
          %dma_wait3A_78 = arith.constant 0 : i32
          %dma_wait3A_79 = tpu.memref_slice %arg2[%run_scoped3A, %multiple_of3A, %dma_wait3A_78] : memref<4x50000x32xf32, #tpu.memory_space<hbm>> -> memref<1x3200x32xf32, #tpu.memory_space<hbm>>
          %dma_wait3A_80 = tpu.memref_squeeze %dma_wait3A_79 : memref<1x3200x32xf32, #tpu.memory_space<hbm>> -> memref<3200x32xf32, #tpu.memory_space<hbm>>
          tpu.wait_dma2 semaphore(%run_scoped3A_72 : memref<!tpu.dma_semaphore, #tpu.memory_space<semaphore_mem>>) src(%dma_wait3A_80 : memref<3200x32xf32, #tpu.memory_space<hbm>>) dst(%dma_wait3A_77 : memref<3200x32xf32, #tpu.memory_space<vmem_shared>>)
          tpu.yield
        }) : () -> ()
      } else {
      }
      %eq3A_67 = arith.constant 15 : i32
      %eq3A_68 = arith.cmpi eq, %arg1, %eq3A_67 : i32
      %convert_element_type3A_69 = arith.extui %eq3A_68 : i1 to i32
      %cond3A_70 = arith.constant 0 : i32
      %cond3A_71 = arith.cmpi ne, %convert_element_type3A_69, %cond3A_70 : i32
      scf.if %cond3A_71 {
        %run_scoped3A = arith.constant 2 : i32
        "tpu.region"() ({
          %run_scoped3A_72 = tpu.sem_alloc : memref<!tpu.dma_semaphore, #tpu.memory_space<semaphore_mem>>
          %dma_start3A = arith.constant 48000 : i32
          %dma_start3A_73 = arith.constant 0 : i32
          %dma_start3A_74 = tpu.memref_slice %arg5[%dma_start3A, %dma_start3A_73] : memref<50048x32xf32, #tpu.memory_space<vmem_shared>> -> memref<2000x32xf32, #tpu.memory_space<vmem_shared>>
          %dma_start3A_75 = arith.constant 48000 : i32
          %dma_start3A_76 = arith.constant 0 : i32
          %dma_start3A_77 = tpu.memref_slice %arg2[%run_scoped3A, %dma_start3A_75, %dma_start3A_76] : memref<4x50000x32xf32, #tpu.memory_space<hbm>> -> memref<1x2000x32xf32, #tpu.memory_space<hbm>>
          %dma_start3A_78 = tpu.memref_squeeze %dma_start3A_77 : memref<1x2000x32xf32, #tpu.memory_space<hbm>> -> memref<2000x32xf32, #tpu.memory_space<hbm>>
          tpu.enqueue_dma source(%dma_start3A_78 : memref<2000x32xf32, #tpu.memory_space<hbm>>) target(%dma_start3A_74 : memref<2000x32xf32, #tpu.memory_space<vmem_shared>>) target_semaphore(%run_scoped3A_72 : memref<!tpu.dma_semaphore, #tpu.memory_space<semaphore_mem>>)
          %dma_wait3A = arith.constant 48000 : i32
          %dma_wait3A_79 = arith.constant 0 : i32
          %dma_wait3A_80 = tpu.memref_slice %arg5[%dma_wait3A, %dma_wait3A_79] : memref<50048x32xf32, #tpu.memory_space<vmem_shared>> -> memref<2000x32xf32, #tpu.memory_space<vmem_shared>>
          %dma_wait3A_81 = arith.constant 48000 : i32
          %dma_wait3A_82 = arith.constant 0 : i32
          %dma_wait3A_83 = tpu.memref_slice %arg2[%run_scoped3A, %dma_wait3A_81, %dma_wait3A_82] : memref<4x50000x32xf32, #tpu.memory_space<hbm>> -> memref<1x2000x32xf32, #tpu.memory_space<hbm>>
          %dma_wait3A_84 = tpu.memref_squeeze %dma_wait3A_83 : memref<1x2000x32xf32, #tpu.memory_space<hbm>> -> memref<2000x32xf32, #tpu.memory_space<hbm>>
          tpu.wait_dma2 semaphore(%run_scoped3A_72 : memref<!tpu.dma_semaphore, #tpu.memory_space<semaphore_mem>>) src(%dma_wait3A_84 : memref<2000x32xf32, #tpu.memory_space<hbm>>) dst(%dma_wait3A_80 : memref<2000x32xf32, #tpu.memory_space<vmem_shared>>)
          tpu.yield
        }) : () -> ()
      } else {
      }
    } else {
    }
    %barrier3A = arith.constant 0 : index
    tpu.barrier barrier_id(%barrier3A)
    %eq3A_7 = arith.constant 0 : i32
    %eq3A_8 = arith.cmpi eq, %arg0, %eq3A_7 : i32
    %convert_element_type3A_9 = arith.extui %eq3A_8 : i1 to i32
    %cond3A_10 = arith.constant 0 : i32
    %cond3A_11 = arith.cmpi ne, %convert_element_type3A_9, %cond3A_10 : i32
    scf.if %cond3A_11 {
      %mul3A = arith.constant 392 : i32
      %mul3A_62 = arith.muli %arg1, %mul3A : i32
      %multiple_of3A = tpu.assume_multiple %mul3A_62, 392 : i32
      %multiple_of3A_63 = tpu.assume_multiple %multiple_of3A, 2 : i32
      %dma_start3A = arith.constant 0 : i32
      %dma_start3A_64 = arith.constant 0 : i32
      %dma_start3A_65 = tpu.memref_slice %arg3[%multiple_of3A_63, %dma_start3A, %dma_start3A_64] : memref<6272x2x128xi32, #tpu.memory_space<hbm>> -> memref<2x2x128xi32, #tpu.memory_space<hbm>>
      %dma_start3A_66 = arith.constant 0 : i32
      %dma_start3A_67 = arith.constant 0 : i32
      %dma_start3A_68 = tpu.memref_slice %arg3[%multiple_of3A_63, %dma_start3A_66, %dma_start3A_67] : memref<6272x2x128xi32, #tpu.memory_space<hbm>> -> memref<2x2x128xi32, #tpu.memory_space<hbm>>
      tpu.enqueue_dma source(%dma_start3A_68 : memref<2x2x128xi32, #tpu.memory_space<hbm>>) target(%arg6 : memref<2x2x128xi32, #tpu.memory_space<vmem>>) target_semaphore(%arg10 : memref<!tpu.dma_semaphore, #tpu.memory_space<semaphore_mem>>)
      %add3A = arith.constant 2 : i32
      %add3A_69 = arith.addi %multiple_of3A, %add3A : i32
      %multiple_of3A_70 = tpu.assume_multiple %add3A_69, 2 : i32
      %dma_start3A_71 = arith.constant 0 : i32
      %dma_start3A_72 = arith.constant 0 : i32
      %dma_start3A_73 = tpu.memref_slice %arg3[%multiple_of3A_70, %dma_start3A_71, %dma_start3A_72] : memref<6272x2x128xi32, #tpu.memory_space<hbm>> -> memref<2x2x128xi32, #tpu.memory_space<hbm>>
      %dma_start3A_74 = arith.constant 0 : i32
      %dma_start3A_75 = arith.constant 0 : i32
      %dma_start3A_76 = tpu.memref_slice %arg3[%multiple_of3A_70, %dma_start3A_74, %dma_start3A_75] : memref<6272x2x128xi32, #tpu.memory_space<hbm>> -> memref<2x2x128xi32, #tpu.memory_space<hbm>>
      tpu.enqueue_dma source(%dma_start3A_76 : memref<2x2x128xi32, #tpu.memory_space<hbm>>) target(%arg7 : memref<2x2x128xi32, #tpu.memory_space<vmem>>) target_semaphore(%arg11 : memref<!tpu.dma_semaphore, #tpu.memory_space<semaphore_mem>>)
      %multiple_of3A_77 = tpu.assume_multiple %multiple_of3A, 2 : i32
      %dma_wait3A = arith.constant 0 : i32
      %dma_wait3A_78 = arith.constant 0 : i32
      %dma_wait3A_79 = tpu.memref_slice %arg3[%multiple_of3A_77, %dma_wait3A, %dma_wait3A_78] : memref<6272x2x128xi32, #tpu.memory_space<hbm>> -> memref<2x2x128xi32, #tpu.memory_space<hbm>>
      %dma_wait3A_80 = arith.constant 0 : i32
      %dma_wait3A_81 = arith.constant 0 : i32
      %dma_wait3A_82 = tpu.memref_slice %arg3[%multiple_of3A_77, %dma_wait3A_80, %dma_wait3A_81] : memref<6272x2x128xi32, #tpu.memory_space<hbm>> -> memref<2x2x128xi32, #tpu.memory_space<hbm>>
      tpu.wait_dma2 semaphore(%arg10 : memref<!tpu.dma_semaphore, #tpu.memory_space<semaphore_mem>>) src(%dma_wait3A_82 : memref<2x2x128xi32, #tpu.memory_space<hbm>>) dst(%arg6 : memref<2x2x128xi32, #tpu.memory_space<vmem>>)
      %dma_start3A_83 = arith.constant 0 : i32
      %dma_start3A_84 = arith.constant 0 : i32
      %dma_start3A_85 = arith.constant 0 : i32
      %dma_start3A_86 = arith.constant 0 : i32
      %dma_start3A_87 = arith.constant 0 : i32
      %dma_start3A_88 = arith.constant 0 : i32
      %dma_start3A_89 = tpu.memref_slice %arg8[%dma_start3A_86, %dma_start3A_87, %dma_start3A_88] : memref<2x128x32xf32, #tpu.memory_space<vmem>> -> memref<1x128x32xf32, #tpu.memory_space<vmem>>
      %dma_start3A_90 = tpu.memref_squeeze %dma_start3A_89 : memref<1x128x32xf32, #tpu.memory_space<vmem>> -> memref<128x32xf32, #tpu.memory_space<vmem>>
      %dma_start3A_91 = arith.constant 0 : i32
      %dma_start3A_92 = tpu.memref_slice %arg6[%dma_start3A_84, %dma_start3A_85, %dma_start3A_91] : memref<2x2x128xi32, #tpu.memory_space<vmem>> -> memref<1x1x128xi32, #tpu.memory_space<vmem>>
      %dma_start3A_93 = tpu.memref_squeeze %dma_start3A_92 : memref<1x1x128xi32, #tpu.memory_space<vmem>> -> memref<128xi32, #tpu.memory_space<vmem>>
      %dma_start3A_94 = arith.constant 0 : i32
      %dma_start3A_95 = arith.constant 0 : i32
      %dma_start3A_96 = tpu.memref_slice %arg2[%dma_start3A_83, %dma_start3A_94, %dma_start3A_95] : memref<4x50000x32xf32, #tpu.memory_space<hbm>> -> memref<1x50000x32xf32, #tpu.memory_space<hbm>>
      %dma_start3A_97 = tpu.memref_squeeze %dma_start3A_96 : memref<1x50000x32xf32, #tpu.memory_space<hbm>> -> memref<50000x32xf32, #tpu.memory_space<hbm>>
      %dma_start3A_98 = arith.constant 0 : i32
      %dma_start3A_99 = arith.constant 0 : i32
      %dma_start3A_100 = tpu.memref_slice %dma_start3A_97[%dma_start3A_98, %dma_start3A_99] : memref<50000x32xf32, #tpu.memory_space<hbm>> -> memref<50000x32xf32, #tpu.memory_space<hbm>>
      tpu.enqueue_indirect_dma source(%dma_start3A_100 : memref<50000x32xf32, #tpu.memory_space<hbm>>) target(%dma_start3A_90 : memref<128x32xf32, #tpu.memory_space<vmem>>) offsets(%dma_start3A_93 : memref<128xi32, #tpu.memory_space<vmem>>) semaphore(%arg12 : memref<!tpu.dma_semaphore, #tpu.memory_space<semaphore_mem>>)
      %dma_start3A_101 = arith.constant 0 : i32
      %dma_start3A_102 = arith.constant 1 : i32
      %dma_start3A_103 = arith.constant 0 : i32
      %dma_start3A_104 = arith.constant 1 : i32
      %dma_start3A_105 = arith.constant 0 : i32
      %dma_start3A_106 = arith.constant 0 : i32
      %dma_start3A_107 = tpu.memref_slice %arg8[%dma_start3A_104, %dma_start3A_105, %dma_start3A_106] : memref<2x128x32xf32, #tpu.memory_space<vmem>> -> memref<1x128x32xf32, #tpu.memory_space<vmem>>
      %dma_start3A_108 = tpu.memref_squeeze %dma_start3A_107 : memref<1x128x32xf32, #tpu.memory_space<vmem>> -> memref<128x32xf32, #tpu.memory_space<vmem>>
      %dma_start3A_109 = arith.constant 0 : i32
      %dma_start3A_110 = tpu.memref_slice %arg6[%dma_start3A_102, %dma_start3A_103, %dma_start3A_109] : memref<2x2x128xi32, #tpu.memory_space<vmem>> -> memref<1x1x128xi32, #tpu.memory_space<vmem>>
      %dma_start3A_111 = tpu.memref_squeeze %dma_start3A_110 : memref<1x1x128xi32, #tpu.memory_space<vmem>> -> memref<128xi32, #tpu.memory_space<vmem>>
      %dma_start3A_112 = arith.constant 0 : i32
      %dma_start3A_113 = arith.constant 0 : i32
      %dma_start3A_114 = tpu.memref_slice %arg2[%dma_start3A_101, %dma_start3A_112, %dma_start3A_113] : memref<4x50000x32xf32, #tpu.memory_space<hbm>> -> memref<1x50000x32xf32, #tpu.memory_space<hbm>>
      %dma_start3A_115 = tpu.memref_squeeze %dma_start3A_114 : memref<1x50000x32xf32, #tpu.memory_space<hbm>> -> memref<50000x32xf32, #tpu.memory_space<hbm>>
      %dma_start3A_116 = arith.constant 0 : i32
      %dma_start3A_117 = arith.constant 0 : i32
      %dma_start3A_118 = tpu.memref_slice %dma_start3A_115[%dma_start3A_116, %dma_start3A_117] : memref<50000x32xf32, #tpu.memory_space<hbm>> -> memref<50000x32xf32, #tpu.memory_space<hbm>>
      tpu.enqueue_indirect_dma source(%dma_start3A_118 : memref<50000x32xf32, #tpu.memory_space<hbm>>) target(%dma_start3A_108 : memref<128x32xf32, #tpu.memory_space<vmem>>) offsets(%dma_start3A_111 : memref<128xi32, #tpu.memory_space<vmem>>) semaphore(%arg12 : memref<!tpu.dma_semaphore, #tpu.memory_space<semaphore_mem>>)
      %scan3A = arith.constant 0 : i32
      %scan3A_119 = arith.constant 0 : i32
      %scan3A_120 = arith.constant 0 : i32
      %scan3A_121 = arith.constant 97 : i32
      %scan3A_122 = arith.addi %scan3A_120, %scan3A_121 : i32
      %scan3A_123 = arith.constant 1 : i32
      scf.for %scan3A_254 = %scan3A_120 to %scan3A_122 step %scan3A_123  : i32 {
        %mul3A_255 = arith.constant 4 : i32
        %mul3A_256 = arith.muli %mul3A_255, %scan3A_254 : i32
        %add3A_257 = arith.addi %multiple_of3A, %mul3A_256 : i32
        %multiple_of3A_258 = tpu.assume_multiple %add3A_257, 2 : i32
        %dma_wait3A_259 = arith.constant 0 : i32
        %dma_wait3A_260 = arith.constant 0 : i32
        %dma_wait3A_261 = arith.constant 0 : i32
        %dma_wait3A_262 = arith.constant 0 : i32
        %dma_wait3A_263 = arith.constant 0 : i32
        %dma_wait3A_264 = tpu.memref_slice %arg8[%dma_wait3A_261, %dma_wait3A_262, %dma_wait3A_263] : memref<2x128x32xf32, #tpu.memory_space<vmem>> -> memref<1x128x32xf32, #tpu.memory_space<vmem>>
        %dma_wait3A_265 = tpu.memref_squeeze %dma_wait3A_264 : memref<1x128x32xf32, #tpu.memory_space<vmem>> -> memref<128x32xf32, #tpu.memory_space<vmem>>
        %dma_wait3A_266 = arith.constant 0 : i32
        %dma_wait3A_267 = tpu.memref_slice %arg6[%dma_wait3A_259, %dma_wait3A_260, %dma_wait3A_266] : memref<2x2x128xi32, #tpu.memory_space<vmem>> -> memref<1x1x128xi32, #tpu.memory_space<vmem>>
        %dma_wait3A_268 = tpu.memref_squeeze %dma_wait3A_267 : memref<1x1x128xi32, #tpu.memory_space<vmem>> -> memref<128xi32, #tpu.memory_space<vmem>>
        %dma_wait3A_269 = arith.constant 0 : i32
        %dma_wait3A_270 = arith.constant 0 : i32
        %dma_wait3A_271 = tpu.memref_slice %arg2[%scan3A_119, %dma_wait3A_269, %dma_wait3A_270] : memref<4x50000x32xf32, #tpu.memory_space<hbm>> -> memref<1x50000x32xf32, #tpu.memory_space<hbm>>
        %dma_wait3A_272 = tpu.memref_squeeze %dma_wait3A_271 : memref<1x50000x32xf32, #tpu.memory_space<hbm>> -> memref<50000x32xf32, #tpu.memory_space<hbm>>
        %dma_wait3A_273 = arith.constant 0 : i32
        %dma_wait3A_274 = arith.constant 0 : i32
        %dma_wait3A_275 = tpu.memref_slice %dma_wait3A_272[%dma_wait3A_273, %dma_wait3A_274] : memref<50000x32xf32, #tpu.memory_space<hbm>> -> memref<50000x32xf32, #tpu.memory_space<hbm>>
        tpu.wait_indirect_dma semaphore(%arg12 : memref<!tpu.dma_semaphore, #tpu.memory_space<semaphore_mem>>) src(%dma_wait3A_275 : memref<50000x32xf32, #tpu.memory_space<hbm>>) dst(%dma_wait3A_265 : memref<128x32xf32, #tpu.memory_space<vmem>>)
        %dma_wait3A_276 = arith.constant 1 : i32
        %dma_wait3A_277 = arith.constant 0 : i32
        %dma_wait3A_278 = arith.constant 1 : i32
        %dma_wait3A_279 = arith.constant 0 : i32
        %dma_wait3A_280 = arith.constant 0 : i32
        %dma_wait3A_281 = tpu.memref_slice %arg8[%dma_wait3A_278, %dma_wait3A_279, %dma_wait3A_280] : memref<2x128x32xf32, #tpu.memory_space<vmem>> -> memref<1x128x32xf32, #tpu.memory_space<vmem>>
        %dma_wait3A_282 = tpu.memref_squeeze %dma_wait3A_281 : memref<1x128x32xf32, #tpu.memory_space<vmem>> -> memref<128x32xf32, #tpu.memory_space<vmem>>
        %dma_wait3A_283 = arith.constant 0 : i32
        %dma_wait3A_284 = tpu.memref_slice %arg6[%dma_wait3A_276, %dma_wait3A_277, %dma_wait3A_283] : memref<2x2x128xi32, #tpu.memory_space<vmem>> -> memref<1x1x128xi32, #tpu.memory_space<vmem>>
        %dma_wait3A_285 = tpu.memref_squeeze %dma_wait3A_284 : memref<1x1x128xi32, #tpu.memory_space<vmem>> -> memref<128xi32, #tpu.memory_space<vmem>>
        %dma_wait3A_286 = arith.constant 0 : i32
        %dma_wait3A_287 = arith.constant 0 : i32
        %dma_wait3A_288 = tpu.memref_slice %arg2[%scan3A_119, %dma_wait3A_286, %dma_wait3A_287] : memref<4x50000x32xf32, #tpu.memory_space<hbm>> -> memref<1x50000x32xf32, #tpu.memory_space<hbm>>
        %dma_wait3A_289 = tpu.memref_squeeze %dma_wait3A_288 : memref<1x50000x32xf32, #tpu.memory_space<hbm>> -> memref<50000x32xf32, #tpu.memory_space<hbm>>
        %dma_wait3A_290 = arith.constant 0 : i32
        %dma_wait3A_291 = arith.constant 0 : i32
        %dma_wait3A_292 = tpu.memref_slice %dma_wait3A_289[%dma_wait3A_290, %dma_wait3A_291] : memref<50000x32xf32, #tpu.memory_space<hbm>> -> memref<50000x32xf32, #tpu.memory_space<hbm>>
        tpu.wait_indirect_dma semaphore(%arg12 : memref<!tpu.dma_semaphore, #tpu.memory_space<semaphore_mem>>) src(%dma_wait3A_292 : memref<50000x32xf32, #tpu.memory_space<hbm>>) dst(%dma_wait3A_282 : memref<128x32xf32, #tpu.memory_space<vmem>>)
        %add3A_293 = arith.constant 2 : i32
        %add3A_294 = arith.addi %multiple_of3A_258, %add3A_293 : i32
        %multiple_of3A_295 = tpu.assume_multiple %add3A_294, 2 : i32
        %dma_wait3A_296 = arith.constant 0 : i32
        %dma_wait3A_297 = arith.constant 0 : i32
        %dma_wait3A_298 = tpu.memref_slice %arg3[%multiple_of3A_295, %dma_wait3A_296, %dma_wait3A_297] : memref<6272x2x128xi32, #tpu.memory_space<hbm>> -> memref<2x2x128xi32, #tpu.memory_space<hbm>>
        %dma_wait3A_299 = arith.constant 0 : i32
        %dma_wait3A_300 = arith.constant 0 : i32
        %dma_wait3A_301 = tpu.memref_slice %arg3[%multiple_of3A_295, %dma_wait3A_299, %dma_wait3A_300] : memref<6272x2x128xi32, #tpu.memory_space<hbm>> -> memref<2x2x128xi32, #tpu.memory_space<hbm>>
        tpu.wait_dma2 semaphore(%arg11 : memref<!tpu.dma_semaphore, #tpu.memory_space<semaphore_mem>>) src(%dma_wait3A_301 : memref<2x2x128xi32, #tpu.memory_space<hbm>>) dst(%arg7 : memref<2x2x128xi32, #tpu.memory_space<vmem>>)
        %dma_start3A_302 = arith.constant 0 : i32
        %dma_start3A_303 = arith.constant 0 : i32
        %dma_start3A_304 = arith.constant 0 : i32
        %dma_start3A_305 = arith.constant 0 : i32
        %dma_start3A_306 = arith.constant 0 : i32
        %dma_start3A_307 = tpu.memref_slice %arg9[%dma_start3A_304, %dma_start3A_305, %dma_start3A_306] : memref<2x128x32xf32, #tpu.memory_space<vmem>> -> memref<1x128x32xf32, #tpu.memory_space<vmem>>
        %dma_start3A_308 = tpu.memref_squeeze %dma_start3A_307 : memref<1x128x32xf32, #tpu.memory_space<vmem>> -> memref<128x32xf32, #tpu.memory_space<vmem>>
        %dma_start3A_309 = arith.constant 0 : i32
        %dma_start3A_310 = tpu.memref_slice %arg7[%dma_start3A_302, %dma_start3A_303, %dma_start3A_309] : memref<2x2x128xi32, #tpu.memory_space<vmem>> -> memref<1x1x128xi32, #tpu.memory_space<vmem>>
        %dma_start3A_311 = tpu.memref_squeeze %dma_start3A_310 : memref<1x1x128xi32, #tpu.memory_space<vmem>> -> memref<128xi32, #tpu.memory_space<vmem>>
        %dma_start3A_312 = arith.constant 0 : i32
        %dma_start3A_313 = arith.constant 0 : i32
        %dma_start3A_314 = tpu.memref_slice %arg2[%scan3A_119, %dma_start3A_312, %dma_start3A_313] : memref<4x50000x32xf32, #tpu.memory_space<hbm>> -> memref<1x50000x32xf32, #tpu.memory_space<hbm>>
        %dma_start3A_315 = tpu.memref_squeeze %dma_start3A_314 : memref<1x50000x32xf32, #tpu.memory_space<hbm>> -> memref<50000x32xf32, #tpu.memory_space<hbm>>
        %dma_start3A_316 = arith.constant 0 : i32
        %dma_start3A_317 = arith.constant 0 : i32
        %dma_start3A_318 = tpu.memref_slice %dma_start3A_315[%dma_start3A_316, %dma_start3A_317] : memref<50000x32xf32, #tpu.memory_space<hbm>> -> memref<50000x32xf32, #tpu.memory_space<hbm>>
        tpu.enqueue_indirect_dma source(%dma_start3A_318 : memref<50000x32xf32, #tpu.memory_space<hbm>>) target(%dma_start3A_308 : memref<128x32xf32, #tpu.memory_space<vmem>>) offsets(%dma_start3A_311 : memref<128xi32, #tpu.memory_space<vmem>>) semaphore(%arg13 : memref<!tpu.dma_semaphore, #tpu.memory_space<semaphore_mem>>)
        %dma_start3A_319 = arith.constant 1 : i32
        %dma_start3A_320 = arith.constant 0 : i32
        %dma_start3A_321 = arith.constant 1 : i32
        %dma_start3A_322 = arith.constant 0 : i32
        %dma_start3A_323 = arith.constant 0 : i32
        %dma_start3A_324 = tpu.memref_slice %arg9[%dma_start3A_321, %dma_start3A_322, %dma_start3A_323] : memref<2x128x32xf32, #tpu.memory_space<vmem>> -> memref<1x128x32xf32, #tpu.memory_space<vmem>>
        %dma_start3A_325 = tpu.memref_squeeze %dma_start3A_324 : memref<1x128x32xf32, #tpu.memory_space<vmem>> -> memref<128x32xf32, #tpu.memory_space<vmem>>
        %dma_start3A_326 = arith.constant 0 : i32
        %dma_start3A_327 = tpu.memref_slice %arg7[%dma_start3A_319, %dma_start3A_320, %dma_start3A_326] : memref<2x2x128xi32, #tpu.memory_space<vmem>> -> memref<1x1x128xi32, #tpu.memory_space<vmem>>
        %dma_start3A_328 = tpu.memref_squeeze %dma_start3A_327 : memref<1x1x128xi32, #tpu.memory_space<vmem>> -> memref<128xi32, #tpu.memory_space<vmem>>
        %dma_start3A_329 = arith.constant 0 : i32
        %dma_start3A_330 = arith.constant 0 : i32
        %dma_start3A_331 = tpu.memref_slice %arg2[%scan3A_119, %dma_start3A_329, %dma_start3A_330] : memref<4x50000x32xf32, #tpu.memory_space<hbm>> -> memref<1x50000x32xf32, #tpu.memory_space<hbm>>
        %dma_start3A_332 = tpu.memref_squeeze %dma_start3A_331 : memref<1x50000x32xf32, #tpu.memory_space<hbm>> -> memref<50000x32xf32, #tpu.memory_space<hbm>>
        %dma_start3A_333 = arith.constant 0 : i32
        %dma_start3A_334 = arith.constant 0 : i32
        %dma_start3A_335 = tpu.memref_slice %dma_start3A_332[%dma_start3A_333, %dma_start3A_334] : memref<50000x32xf32, #tpu.memory_space<hbm>> -> memref<50000x32xf32, #tpu.memory_space<hbm>>
        tpu.enqueue_indirect_dma source(%dma_start3A_335 : memref<50000x32xf32, #tpu.memory_space<hbm>>) target(%dma_start3A_325 : memref<128x32xf32, #tpu.memory_space<vmem>>) offsets(%dma_start3A_328 : memref<128xi32, #tpu.memory_space<vmem>>) semaphore(%arg13 : memref<!tpu.dma_semaphore, #tpu.memory_space<semaphore_mem>>)
        %run_scoped3A_336 = arith.constant 0 : i32
        %run_scoped3A_337 = arith.constant 0 : i32
        %run_scoped3A_338 = arith.constant 1 : i32
        "tpu.region"() ({
          %run_scoped3A_440 = tpu.sem_alloc : memref<!tpu.dma_semaphore, #tpu.memory_space<semaphore_mem>>
          %dma_start3A_441 = arith.constant 0 : i32
          %dma_start3A_442 = arith.constant 0 : i32
          %dma_start3A_443 = tpu.memref_slice %arg8[%run_scoped3A_336, %dma_start3A_441, %dma_start3A_442] : memref<2x128x32xf32, #tpu.memory_space<vmem>> -> memref<1x128x32xf32, #tpu.memory_space<vmem>>
          %dma_start3A_444 = tpu.memref_squeeze %dma_start3A_443 : memref<1x128x32xf32, #tpu.memory_space<vmem>> -> memref<128x32xf32, #tpu.memory_space<vmem>>
          %dma_start3A_445 = arith.constant 0 : i32
          %dma_start3A_446 = tpu.memref_slice %arg6[%run_scoped3A_337, %run_scoped3A_338, %dma_start3A_445] : memref<2x2x128xi32, #tpu.memory_space<vmem>> -> memref<1x1x128xi32, #tpu.memory_space<vmem>>
          %dma_start3A_447 = tpu.memref_squeeze %dma_start3A_446 : memref<1x1x128xi32, #tpu.memory_space<vmem>> -> memref<128xi32, #tpu.memory_space<vmem>>
          %dma_start3A_448 = arith.constant 0 : i32
          %dma_start3A_449 = arith.constant 0 : i32
          %dma_start3A_450 = tpu.memref_slice %arg5[%dma_start3A_448, %dma_start3A_449] : memref<50048x32xf32, #tpu.memory_space<vmem_shared>> -> memref<50048x32xf32, #tpu.memory_space<vmem_shared>>
          tpu.enqueue_indirect_dma source(%dma_start3A_444 : memref<128x32xf32, #tpu.memory_space<vmem>>) target(%dma_start3A_450 : memref<50048x32xf32, #tpu.memory_space<vmem_shared>>) offsets(%dma_start3A_447 : memref<128xi32, #tpu.memory_space<vmem>>) semaphore(%run_scoped3A_440 : memref<!tpu.dma_semaphore, #tpu.memory_space<semaphore_mem>>) {add = true}
          %dma_wait3A_451 = arith.constant 0 : i32
          %dma_wait3A_452 = arith.constant 0 : i32
          %dma_wait3A_453 = tpu.memref_slice %arg8[%run_scoped3A_336, %dma_wait3A_451, %dma_wait3A_452] : memref<2x128x32xf32, #tpu.memory_space<vmem>> -> memref<1x128x32xf32, #tpu.memory_space<vmem>>
          %dma_wait3A_454 = tpu.memref_squeeze %dma_wait3A_453 : memref<1x128x32xf32, #tpu.memory_space<vmem>> -> memref<128x32xf32, #tpu.memory_space<vmem>>
          %dma_wait3A_455 = arith.constant 0 : i32
          %dma_wait3A_456 = tpu.memref_slice %arg6[%run_scoped3A_337, %run_scoped3A_338, %dma_wait3A_455] : memref<2x2x128xi32, #tpu.memory_space<vmem>> -> memref<1x1x128xi32, #tpu.memory_space<vmem>>
          %dma_wait3A_457 = tpu.memref_squeeze %dma_wait3A_456 : memref<1x1x128xi32, #tpu.memory_space<vmem>> -> memref<128xi32, #tpu.memory_space<vmem>>
          %dma_wait3A_458 = arith.constant 0 : i32
          %dma_wait3A_459 = arith.constant 0 : i32
          %dma_wait3A_460 = tpu.memref_slice %arg5[%dma_wait3A_458, %dma_wait3A_459] : memref<50048x32xf32, #tpu.memory_space<vmem_shared>> -> memref<50048x32xf32, #tpu.memory_space<vmem_shared>>
          tpu.wait_indirect_dma semaphore(%run_scoped3A_440 : memref<!tpu.dma_semaphore, #tpu.memory_space<semaphore_mem>>) src(%dma_wait3A_454 : memref<128x32xf32, #tpu.memory_space<vmem>>) dst(%dma_wait3A_460 : memref<50048x32xf32, #tpu.memory_space<vmem_shared>>)
          tpu.yield
        }) : () -> ()
        %run_scoped3A_339 = arith.constant 1 : i32
        %run_scoped3A_340 = arith.constant 1 : i32
        %run_scoped3A_341 = arith.constant 1 : i32
        "tpu.region"() ({
          %run_scoped3A_440 = tpu.sem_alloc : memref<!tpu.dma_semaphore, #tpu.memory_space<semaphore_mem>>
          %dma_start3A_441 = arith.constant 0 : i32
          %dma_start3A_442 = arith.constant 0 : i32
          %dma_start3A_443 = tpu.memref_slice %arg8[%run_scoped3A_339, %dma_start3A_441, %dma_start3A_442] : memref<2x128x32xf32, #tpu.memory_space<vmem>> -> memref<1x128x32xf32, #tpu.memory_space<vmem>>
          %dma_start3A_444 = tpu.memref_squeeze %dma_start3A_443 : memref<1x128x32xf32, #tpu.memory_space<vmem>> -> memref<128x32xf32, #tpu.memory_space<vmem>>
          %dma_start3A_445 = arith.constant 0 : i32
          %dma_start3A_446 = tpu.memref_slice %arg6[%run_scoped3A_340, %run_scoped3A_341, %dma_start3A_445] : memref<2x2x128xi32, #tpu.memory_space<vmem>> -> memref<1x1x128xi32, #tpu.memory_space<vmem>>
          %dma_start3A_447 = tpu.memref_squeeze %dma_start3A_446 : memref<1x1x128xi32, #tpu.memory_space<vmem>> -> memref<128xi32, #tpu.memory_space<vmem>>
          %dma_start3A_448 = arith.constant 0 : i32
          %dma_start3A_449 = arith.constant 0 : i32
          %dma_start3A_450 = tpu.memref_slice %arg5[%dma_start3A_448, %dma_start3A_449] : memref<50048x32xf32, #tpu.memory_space<vmem_shared>> -> memref<50048x32xf32, #tpu.memory_space<vmem_shared>>
          tpu.enqueue_indirect_dma source(%dma_start3A_444 : memref<128x32xf32, #tpu.memory_space<vmem>>) target(%dma_start3A_450 : memref<50048x32xf32, #tpu.memory_space<vmem_shared>>) offsets(%dma_start3A_447 : memref<128xi32, #tpu.memory_space<vmem>>) semaphore(%run_scoped3A_440 : memref<!tpu.dma_semaphore, #tpu.memory_space<semaphore_mem>>) {add = true}
          %dma_wait3A_451 = arith.constant 0 : i32
          %dma_wait3A_452 = arith.constant 0 : i32
          %dma_wait3A_453 = tpu.memref_slice %arg8[%run_scoped3A_339, %dma_wait3A_451, %dma_wait3A_452] : memref<2x128x32xf32, #tpu.memory_space<vmem>> -> memref<1x128x32xf32, #tpu.memory_space<vmem>>
          %dma_wait3A_454 = tpu.memref_squeeze %dma_wait3A_453 : memref<1x128x32xf32, #tpu.memory_space<vmem>> -> memref<128x32xf32, #tpu.memory_space<vmem>>
          %dma_wait3A_455 = arith.constant 0 : i32
          %dma_wait3A_456 = tpu.memref_slice %arg6[%run_scoped3A_340, %run_scoped3A_341, %dma_wait3A_455] : memref<2x2x128xi32, #tpu.memory_space<vmem>> -> memref<1x1x128xi32, #tpu.memory_space<vmem>>
          %dma_wait3A_457 = tpu.memref_squeeze %dma_wait3A_456 : memref<1x1x128xi32, #tpu.memory_space<vmem>> -> memref<128xi32, #tpu.memory_space<vmem>>
          %dma_wait3A_458 = arith.constant 0 : i32
          %dma_wait3A_459 = arith.constant 0 : i32
          %dma_wait3A_460 = tpu.memref_slice %arg5[%dma_wait3A_458, %dma_wait3A_459] : memref<50048x32xf32, #tpu.memory_space<vmem_shared>> -> memref<50048x32xf32, #tpu.memory_space<vmem_shared>>
          tpu.wait_indirect_dma semaphore(%run_scoped3A_440 : memref<!tpu.dma_semaphore, #tpu.memory_space<semaphore_mem>>) src(%dma_wait3A_454 : memref<128x32xf32, #tpu.memory_space<vmem>>) dst(%dma_wait3A_460 : memref<50048x32xf32, #tpu.memory_space<vmem_shared>>)
          tpu.yield
        }) : () -> ()
        %add3A_342 = arith.constant 4 : i32
        %add3A_343 = arith.addi %multiple_of3A_258, %add3A_342 : i32
        %multiple_of3A_344 = tpu.assume_multiple %add3A_343, 2 : i32
        %dma_start3A_345 = arith.constant 0 : i32
        %dma_start3A_346 = arith.constant 0 : i32
        %dma_start3A_347 = tpu.memref_slice %arg3[%multiple_of3A_344, %dma_start3A_345, %dma_start3A_346] : memref<6272x2x128xi32, #tpu.memory_space<hbm>> -> memref<2x2x128xi32, #tpu.memory_space<hbm>>
        %dma_start3A_348 = arith.constant 0 : i32
        %dma_start3A_349 = arith.constant 0 : i32
        %dma_start3A_350 = tpu.memref_slice %arg3[%multiple_of3A_344, %dma_start3A_348, %dma_start3A_349] : memref<6272x2x128xi32, #tpu.memory_space<hbm>> -> memref<2x2x128xi32, #tpu.memory_space<hbm>>
        tpu.enqueue_dma source(%dma_start3A_350 : memref<2x2x128xi32, #tpu.memory_space<hbm>>) target(%arg6 : memref<2x2x128xi32, #tpu.memory_space<vmem>>) target_semaphore(%arg10 : memref<!tpu.dma_semaphore, #tpu.memory_space<semaphore_mem>>)
        %dma_wait3A_351 = arith.constant 0 : i32
        %dma_wait3A_352 = arith.constant 0 : i32
        %dma_wait3A_353 = arith.constant 0 : i32
        %dma_wait3A_354 = arith.constant 0 : i32
        %dma_wait3A_355 = arith.constant 0 : i32
        %dma_wait3A_356 = tpu.memref_slice %arg9[%dma_wait3A_353, %dma_wait3A_354, %dma_wait3A_355] : memref<2x128x32xf32, #tpu.memory_space<vmem>> -> memref<1x128x32xf32, #tpu.memory_space<vmem>>
        %dma_wait3A_357 = tpu.memref_squeeze %dma_wait3A_356 : memref<1x128x32xf32, #tpu.memory_space<vmem>> -> memref<128x32xf32, #tpu.memory_space<vmem>>
        %dma_wait3A_358 = arith.constant 0 : i32
        %dma_wait3A_359 = tpu.memref_slice %arg7[%dma_wait3A_351, %dma_wait3A_352, %dma_wait3A_358] : memref<2x2x128xi32, #tpu.memory_space<vmem>> -> memref<1x1x128xi32, #tpu.memory_space<vmem>>
        %dma_wait3A_360 = tpu.memref_squeeze %dma_wait3A_359 : memref<1x1x128xi32, #tpu.memory_space<vmem>> -> memref<128xi32, #tpu.memory_space<vmem>>
        %dma_wait3A_361 = arith.constant 0 : i32
        %dma_wait3A_362 = arith.constant 0 : i32
        %dma_wait3A_363 = tpu.memref_slice %arg2[%scan3A_119, %dma_wait3A_361, %dma_wait3A_362] : memref<4x50000x32xf32, #tpu.memory_space<hbm>> -> memref<1x50000x32xf32, #tpu.memory_space<hbm>>
        %dma_wait3A_364 = tpu.memref_squeeze %dma_wait3A_363 : memref<1x50000x32xf32, #tpu.memory_space<hbm>> -> memref<50000x32xf32, #tpu.memory_space<hbm>>
        %dma_wait3A_365 = arith.constant 0 : i32
        %dma_wait3A_366 = arith.constant 0 : i32
        %dma_wait3A_367 = tpu.memref_slice %dma_wait3A_364[%dma_wait3A_365, %dma_wait3A_366] : memref<50000x32xf32, #tpu.memory_space<hbm>> -> memref<50000x32xf32, #tpu.memory_space<hbm>>
        tpu.wait_indirect_dma semaphore(%arg13 : memref<!tpu.dma_semaphore, #tpu.memory_space<semaphore_mem>>) src(%dma_wait3A_367 : memref<50000x32xf32, #tpu.memory_space<hbm>>) dst(%dma_wait3A_357 : memref<128x32xf32, #tpu.memory_space<vmem>>)
        %dma_wait3A_368 = arith.constant 1 : i32
        %dma_wait3A_369 = arith.constant 0 : i32
        %dma_wait3A_370 = arith.constant 1 : i32
        %dma_wait3A_371 = arith.constant 0 : i32
        %dma_wait3A_372 = arith.constant 0 : i32
        %dma_wait3A_373 = tpu.memref_slice %arg9[%dma_wait3A_370, %dma_wait3A_371, %dma_wait3A_372] : memref<2x128x32xf32, #tpu.memory_space<vmem>> -> memref<1x128x32xf32, #tpu.memory_space<vmem>>
        %dma_wait3A_374 = tpu.memref_squeeze %dma_wait3A_373 : memref<1x128x32xf32, #tpu.memory_space<vmem>> -> memref<128x32xf32, #tpu.memory_space<vmem>>
        %dma_wait3A_375 = arith.constant 0 : i32
        %dma_wait3A_376 = tpu.memref_slice %arg7[%dma_wait3A_368, %dma_wait3A_369, %dma_wait3A_375] : memref<2x2x128xi32, #tpu.memory_space<vmem>> -> memref<1x1x128xi32, #tpu.memory_space<vmem>>
        %dma_wait3A_377 = tpu.memref_squeeze %dma_wait3A_376 : memref<1x1x128xi32, #tpu.memory_space<vmem>> -> memref<128xi32, #tpu.memory_space<vmem>>
        %dma_wait3A_378 = arith.constant 0 : i32
        %dma_wait3A_379 = arith.constant 0 : i32
        %dma_wait3A_380 = tpu.memref_slice %arg2[%scan3A_119, %dma_wait3A_378, %dma_wait3A_379] : memref<4x50000x32xf32, #tpu.memory_space<hbm>> -> memref<1x50000x32xf32, #tpu.memory_space<hbm>>
        %dma_wait3A_381 = tpu.memref_squeeze %dma_wait3A_380 : memref<1x50000x32xf32, #tpu.memory_space<hbm>> -> memref<50000x32xf32, #tpu.memory_space<hbm>>
        %dma_wait3A_382 = arith.constant 0 : i32
        %dma_wait3A_383 = arith.constant 0 : i32
        %dma_wait3A_384 = tpu.memref_slice %dma_wait3A_381[%dma_wait3A_382, %dma_wait3A_383] : memref<50000x32xf32, #tpu.memory_space<hbm>> -> memref<50000x32xf32, #tpu.memory_space<hbm>>
        tpu.wait_indirect_dma semaphore(%arg13 : memref<!tpu.dma_semaphore, #tpu.memory_space<semaphore_mem>>) src(%dma_wait3A_384 : memref<50000x32xf32, #tpu.memory_space<hbm>>) dst(%dma_wait3A_374 : memref<128x32xf32, #tpu.memory_space<vmem>>)
        %dma_wait3A_385 = arith.constant 0 : i32
        %dma_wait3A_386 = arith.constant 0 : i32
        %dma_wait3A_387 = tpu.memref_slice %arg3[%multiple_of3A_344, %dma_wait3A_385, %dma_wait3A_386] : memref<6272x2x128xi32, #tpu.memory_space<hbm>> -> memref<2x2x128xi32, #tpu.memory_space<hbm>>
        %dma_wait3A_388 = arith.constant 0 : i32
        %dma_wait3A_389 = arith.constant 0 : i32
        %dma_wait3A_390 = tpu.memref_slice %arg3[%multiple_of3A_344, %dma_wait3A_388, %dma_wait3A_389] : memref<6272x2x128xi32, #tpu.memory_space<hbm>> -> memref<2x2x128xi32, #tpu.memory_space<hbm>>
        tpu.wait_dma2 semaphore(%arg10 : memref<!tpu.dma_semaphore, #tpu.memory_space<semaphore_mem>>) src(%dma_wait3A_390 : memref<2x2x128xi32, #tpu.memory_space<hbm>>) dst(%arg6 : memref<2x2x128xi32, #tpu.memory_space<vmem>>)
        %dma_start3A_391 = arith.constant 0 : i32
        %dma_start3A_392 = arith.constant 0 : i32
        %dma_start3A_393 = arith.constant 0 : i32
        %dma_start3A_394 = arith.constant 0 : i32
        %dma_start3A_395 = arith.constant 0 : i32
        %dma_start3A_396 = tpu.memref_slice %arg8[%dma_start3A_393, %dma_start3A_394, %dma_start3A_395] : memref<2x128x32xf32, #tpu.memory_space<vmem>> -> memref<1x128x32xf32, #tpu.memory_space<vmem>>
        %dma_start3A_397 = tpu.memref_squeeze %dma_start3A_396 : memref<1x128x32xf32, #tpu.memory_space<vmem>> -> memref<128x32xf32, #tpu.memory_space<vmem>>
        %dma_start3A_398 = arith.constant 0 : i32
        %dma_start3A_399 = tpu.memref_slice %arg6[%dma_start3A_391, %dma_start3A_392, %dma_start3A_398] : memref<2x2x128xi32, #tpu.memory_space<vmem>> -> memref<1x1x128xi32, #tpu.memory_space<vmem>>
        %dma_start3A_400 = tpu.memref_squeeze %dma_start3A_399 : memref<1x1x128xi32, #tpu.memory_space<vmem>> -> memref<128xi32, #tpu.memory_space<vmem>>
        %dma_start3A_401 = arith.constant 0 : i32
        %dma_start3A_402 = arith.constant 0 : i32
        %dma_start3A_403 = tpu.memref_slice %arg2[%scan3A_119, %dma_start3A_401, %dma_start3A_402] : memref<4x50000x32xf32, #tpu.memory_space<hbm>> -> memref<1x50000x32xf32, #tpu.memory_space<hbm>>
        %dma_start3A_404 = tpu.memref_squeeze %dma_start3A_403 : memref<1x50000x32xf32, #tpu.memory_space<hbm>> -> memref<50000x32xf32, #tpu.memory_space<hbm>>
        %dma_start3A_405 = arith.constant 0 : i32
        %dma_start3A_406 = arith.constant 0 : i32
        %dma_start3A_407 = tpu.memref_slice %dma_start3A_404[%dma_start3A_405, %dma_start3A_406] : memref<50000x32xf32, #tpu.memory_space<hbm>> -> memref<50000x32xf32, #tpu.memory_space<hbm>>
        tpu.enqueue_indirect_dma source(%dma_start3A_407 : memref<50000x32xf32, #tpu.memory_space<hbm>>) target(%dma_start3A_397 : memref<128x32xf32, #tpu.memory_space<vmem>>) offsets(%dma_start3A_400 : memref<128xi32, #tpu.memory_space<vmem>>) semaphore(%arg12 : memref<!tpu.dma_semaphore, #tpu.memory_space<semaphore_mem>>)
        %dma_start3A_408 = arith.constant 1 : i32
        %dma_start3A_409 = arith.constant 0 : i32
        %dma_start3A_410 = arith.constant 1 : i32
        %dma_start3A_411 = arith.constant 0 : i32
        %dma_start3A_412 = arith.constant 0 : i32
        %dma_start3A_413 = tpu.memref_slice %arg8[%dma_start3A_410, %dma_start3A_411, %dma_start3A_412] : memref<2x128x32xf32, #tpu.memory_space<vmem>> -> memref<1x128x32xf32, #tpu.memory_space<vmem>>
        %dma_start3A_414 = tpu.memref_squeeze %dma_start3A_413 : memref<1x128x32xf32, #tpu.memory_space<vmem>> -> memref<128x32xf32, #tpu.memory_space<vmem>>
        %dma_start3A_415 = arith.constant 0 : i32
        %dma_start3A_416 = tpu.memref_slice %arg6[%dma_start3A_408, %dma_start3A_409, %dma_start3A_415] : memref<2x2x128xi32, #tpu.memory_space<vmem>> -> memref<1x1x128xi32, #tpu.memory_space<vmem>>
        %dma_start3A_417 = tpu.memref_squeeze %dma_start3A_416 : memref<1x1x128xi32, #tpu.memory_space<vmem>> -> memref<128xi32, #tpu.memory_space<vmem>>
        %dma_start3A_418 = arith.constant 0 : i32
        %dma_start3A_419 = arith.constant 0 : i32
        %dma_start3A_420 = tpu.memref_slice %arg2[%scan3A_119, %dma_start3A_418, %dma_start3A_419] : memref<4x50000x32xf32, #tpu.memory_space<hbm>> -> memref<1x50000x32xf32, #tpu.memory_space<hbm>>
        %dma_start3A_421 = tpu.memref_squeeze %dma_start3A_420 : memref<1x50000x32xf32, #tpu.memory_space<hbm>> -> memref<50000x32xf32, #tpu.memory_space<hbm>>
        %dma_start3A_422 = arith.constant 0 : i32
        %dma_start3A_423 = arith.constant 0 : i32
        %dma_start3A_424 = tpu.memref_slice %dma_start3A_421[%dma_start3A_422, %dma_start3A_423] : memref<50000x32xf32, #tpu.memory_space<hbm>> -> memref<50000x32xf32, #tpu.memory_space<hbm>>
        tpu.enqueue_indirect_dma source(%dma_start3A_424 : memref<50000x32xf32, #tpu.memory_space<hbm>>) target(%dma_start3A_414 : memref<128x32xf32, #tpu.memory_space<vmem>>) offsets(%dma_start3A_417 : memref<128xi32, #tpu.memory_space<vmem>>) semaphore(%arg12 : memref<!tpu.dma_semaphore, #tpu.memory_space<semaphore_mem>>)
        %run_scoped3A_425 = arith.constant 0 : i32
        %run_scoped3A_426 = arith.constant 0 : i32
        %run_scoped3A_427 = arith.constant 1 : i32
        "tpu.region"() ({
          %run_scoped3A_440 = tpu.sem_alloc : memref<!tpu.dma_semaphore, #tpu.memory_space<semaphore_mem>>
          %dma_start3A_441 = arith.constant 0 : i32
          %dma_start3A_442 = arith.constant 0 : i32
          %dma_start3A_443 = tpu.memref_slice %arg9[%run_scoped3A_425, %dma_start3A_441, %dma_start3A_442] : memref<2x128x32xf32, #tpu.memory_space<vmem>> -> memref<1x128x32xf32, #tpu.memory_space<vmem>>
          %dma_start3A_444 = tpu.memref_squeeze %dma_start3A_443 : memref<1x128x32xf32, #tpu.memory_space<vmem>> -> memref<128x32xf32, #tpu.memory_space<vmem>>
          %dma_start3A_445 = arith.constant 0 : i32
          %dma_start3A_446 = tpu.memref_slice %arg7[%run_scoped3A_426, %run_scoped3A_427, %dma_start3A_445] : memref<2x2x128xi32, #tpu.memory_space<vmem>> -> memref<1x1x128xi32, #tpu.memory_space<vmem>>
          %dma_start3A_447 = tpu.memref_squeeze %dma_start3A_446 : memref<1x1x128xi32, #tpu.memory_space<vmem>> -> memref<128xi32, #tpu.memory_space<vmem>>
          %dma_start3A_448 = arith.constant 0 : i32
          %dma_start3A_449 = arith.constant 0 : i32
          %dma_start3A_450 = tpu.memref_slice %arg5[%dma_start3A_448, %dma_start3A_449] : memref<50048x32xf32, #tpu.memory_space<vmem_shared>> -> memref<50048x32xf32, #tpu.memory_space<vmem_shared>>
          tpu.enqueue_indirect_dma source(%dma_start3A_444 : memref<128x32xf32, #tpu.memory_space<vmem>>) target(%dma_start3A_450 : memref<50048x32xf32, #tpu.memory_space<vmem_shared>>) offsets(%dma_start3A_447 : memref<128xi32, #tpu.memory_space<vmem>>) semaphore(%run_scoped3A_440 : memref<!tpu.dma_semaphore, #tpu.memory_space<semaphore_mem>>) {add = true}
          %dma_wait3A_451 = arith.constant 0 : i32
          %dma_wait3A_452 = arith.constant 0 : i32
          %dma_wait3A_453 = tpu.memref_slice %arg9[%run_scoped3A_425, %dma_wait3A_451, %dma_wait3A_452] : memref<2x128x32xf32, #tpu.memory_space<vmem>> -> memref<1x128x32xf32, #tpu.memory_space<vmem>>
          %dma_wait3A_454 = tpu.memref_squeeze %dma_wait3A_453 : memref<1x128x32xf32, #tpu.memory_space<vmem>> -> memref<128x32xf32, #tpu.memory_space<vmem>>
          %dma_wait3A_455 = arith.constant 0 : i32
          %dma_wait3A_456 = tpu.memref_slice %arg7[%run_scoped3A_426, %run_scoped3A_427, %dma_wait3A_455] : memref<2x2x128xi32, #tpu.memory_space<vmem>> -> memref<1x1x128xi32, #tpu.memory_space<vmem>>
          %dma_wait3A_457 = tpu.memref_squeeze %dma_wait3A_456 : memref<1x1x128xi32, #tpu.memory_space<vmem>> -> memref<128xi32, #tpu.memory_space<vmem>>
          %dma_wait3A_458 = arith.constant 0 : i32
          %dma_wait3A_459 = arith.constant 0 : i32
          %dma_wait3A_460 = tpu.memref_slice %arg5[%dma_wait3A_458, %dma_wait3A_459] : memref<50048x32xf32, #tpu.memory_space<vmem_shared>> -> memref<50048x32xf32, #tpu.memory_space<vmem_shared>>
          tpu.wait_indirect_dma semaphore(%run_scoped3A_440 : memref<!tpu.dma_semaphore, #tpu.memory_space<semaphore_mem>>) src(%dma_wait3A_454 : memref<128x32xf32, #tpu.memory_space<vmem>>) dst(%dma_wait3A_460 : memref<50048x32xf32, #tpu.memory_space<vmem_shared>>)
          tpu.yield
        }) : () -> ()
        %run_scoped3A_428 = arith.constant 1 : i32
        %run_scoped3A_429 = arith.constant 1 : i32
        %run_scoped3A_430 = arith.constant 1 : i32
        "tpu.region"() ({
          %run_scoped3A_440 = tpu.sem_alloc : memref<!tpu.dma_semaphore, #tpu.memory_space<semaphore_mem>>
          %dma_start3A_441 = arith.constant 0 : i32
          %dma_start3A_442 = arith.constant 0 : i32
          %dma_start3A_443 = tpu.memref_slice %arg9[%run_scoped3A_428, %dma_start3A_441, %dma_start3A_442] : memref<2x128x32xf32, #tpu.memory_space<vmem>> -> memref<1x128x32xf32, #tpu.memory_space<vmem>>
          %dma_start3A_444 = tpu.memref_squeeze %dma_start3A_443 : memref<1x128x32xf32, #tpu.memory_space<vmem>> -> memref<128x32xf32, #tpu.memory_space<vmem>>
          %dma_start3A_445 = arith.constant 0 : i32
          %dma_start3A_446 = tpu.memref_slice %arg7[%run_scoped3A_429, %run_scoped3A_430, %dma_start3A_445] : memref<2x2x128xi32, #tpu.memory_space<vmem>> -> memref<1x1x128xi32, #tpu.memory_space<vmem>>
          %dma_start3A_447 = tpu.memref_squeeze %dma_start3A_446 : memref<1x1x128xi32, #tpu.memory_space<vmem>> -> memref<128xi32, #tpu.memory_space<vmem>>
          %dma_start3A_448 = arith.constant 0 : i32
          %dma_start3A_449 = arith.constant 0 : i32
          %dma_start3A_450 = tpu.memref_slice %arg5[%dma_start3A_448, %dma_start3A_449] : memref<50048x32xf32, #tpu.memory_space<vmem_shared>> -> memref<50048x32xf32, #tpu.memory_space<vmem_shared>>
          tpu.enqueue_indirect_dma source(%dma_start3A_444 : memref<128x32xf32, #tpu.memory_space<vmem>>) target(%dma_start3A_450 : memref<50048x32xf32, #tpu.memory_space<vmem_shared>>) offsets(%dma_start3A_447 : memref<128xi32, #tpu.memory_space<vmem>>) semaphore(%run_scoped3A_440 : memref<!tpu.dma_semaphore, #tpu.memory_space<semaphore_mem>>) {add = true}
          %dma_wait3A_451 = arith.constant 0 : i32
          %dma_wait3A_452 = arith.constant 0 : i32
          %dma_wait3A_453 = tpu.memref_slice %arg9[%run_scoped3A_428, %dma_wait3A_451, %dma_wait3A_452] : memref<2x128x32xf32, #tpu.memory_space<vmem>> -> memref<1x128x32xf32, #tpu.memory_space<vmem>>
          %dma_wait3A_454 = tpu.memref_squeeze %dma_wait3A_453 : memref<1x128x32xf32, #tpu.memory_space<vmem>> -> memref<128x32xf32, #tpu.memory_space<vmem>>
          %dma_wait3A_455 = arith.constant 0 : i32
          %dma_wait3A_456 = tpu.memref_slice %arg7[%run_scoped3A_429, %run_scoped3A_430, %dma_wait3A_455] : memref<2x2x128xi32, #tpu.memory_space<vmem>> -> memref<1x1x128xi32, #tpu.memory_space<vmem>>
          %dma_wait3A_457 = tpu.memref_squeeze %dma_wait3A_456 : memref<1x1x128xi32, #tpu.memory_space<vmem>> -> memref<128xi32, #tpu.memory_space<vmem>>
          %dma_wait3A_458 = arith.constant 0 : i32
          %dma_wait3A_459 = arith.constant 0 : i32
          %dma_wait3A_460 = tpu.memref_slice %arg5[%dma_wait3A_458, %dma_wait3A_459] : memref<50048x32xf32, #tpu.memory_space<vmem_shared>> -> memref<50048x32xf32, #tpu.memory_space<vmem_shared>>
          tpu.wait_indirect_dma semaphore(%run_scoped3A_440 : memref<!tpu.dma_semaphore, #tpu.memory_space<semaphore_mem>>) src(%dma_wait3A_454 : memref<128x32xf32, #tpu.memory_space<vmem>>) dst(%dma_wait3A_460 : memref<50048x32xf32, #tpu.memory_space<vmem_shared>>)
          tpu.yield
        }) : () -> ()
        %add3A_431 = arith.constant 6 : i32
        %add3A_432 = arith.addi %multiple_of3A_258, %add3A_431 : i32
        %multiple_of3A_433 = tpu.assume_multiple %add3A_432, 2 : i32
        %dma_start3A_434 = arith.constant 0 : i32
        %dma_start3A_435 = arith.constant 0 : i32
        %dma_start3A_436 = tpu.memref_slice %arg3[%multiple_of3A_433, %dma_start3A_434, %dma_start3A_435] : memref<6272x2x128xi32, #tpu.memory_space<hbm>> -> memref<2x2x128xi32, #tpu.memory_space<hbm>>
        %dma_start3A_437 = arith.constant 0 : i32
        %dma_start3A_438 = arith.constant 0 : i32
        %dma_start3A_439 = tpu.memref_slice %arg3[%multiple_of3A_433, %dma_start3A_437, %dma_start3A_438] : memref<6272x2x128xi32, #tpu.memory_space<hbm>> -> memref<2x2x128xi32, #tpu.memory_space<hbm>>
        tpu.enqueue_dma source(%dma_start3A_439 : memref<2x2x128xi32, #tpu.memory_space<hbm>>) target(%arg7 : memref<2x2x128xi32, #tpu.memory_space<vmem>>) target_semaphore(%arg11 : memref<!tpu.dma_semaphore, #tpu.memory_space<semaphore_mem>>)
      }
      %scan3A_124 = arith.constant 97 : i32
      %dma_wait3A_125 = arith.constant 0 : i32
      %dma_wait3A_126 = arith.constant 0 : i32
      %dma_wait3A_127 = arith.constant 0 : i32
      %dma_wait3A_128 = arith.constant 0 : i32
      %dma_wait3A_129 = arith.constant 0 : i32
      %dma_wait3A_130 = arith.constant 0 : i32
      %dma_wait3A_131 = tpu.memref_slice %arg8[%dma_wait3A_128, %dma_wait3A_129, %dma_wait3A_130] : memref<2x128x32xf32, #tpu.memory_space<vmem>> -> memref<1x128x32xf32, #tpu.memory_space<vmem>>
      %dma_wait3A_132 = tpu.memref_squeeze %dma_wait3A_131 : memref<1x128x32xf32, #tpu.memory_space<vmem>> -> memref<128x32xf32, #tpu.memory_space<vmem>>
      %dma_wait3A_133 = arith.constant 0 : i32
      %dma_wait3A_134 = tpu.memref_slice %arg6[%dma_wait3A_126, %dma_wait3A_127, %dma_wait3A_133] : memref<2x2x128xi32, #tpu.memory_space<vmem>> -> memref<1x1x128xi32, #tpu.memory_space<vmem>>
      %dma_wait3A_135 = tpu.memref_squeeze %dma_wait3A_134 : memref<1x1x128xi32, #tpu.memory_space<vmem>> -> memref<128xi32, #tpu.memory_space<vmem>>
      %dma_wait3A_136 = arith.constant 0 : i32
      %dma_wait3A_137 = arith.constant 0 : i32
      %dma_wait3A_138 = tpu.memref_slice %arg2[%dma_wait3A_125, %dma_wait3A_136, %dma_wait3A_137] : memref<4x50000x32xf32, #tpu.memory_space<hbm>> -> memref<1x50000x32xf32, #tpu.memory_space<hbm>>
      %dma_wait3A_139 = tpu.memref_squeeze %dma_wait3A_138 : memref<1x50000x32xf32, #tpu.memory_space<hbm>> -> memref<50000x32xf32, #tpu.memory_space<hbm>>
      %dma_wait3A_140 = arith.constant 0 : i32
      %dma_wait3A_141 = arith.constant 0 : i32
      %dma_wait3A_142 = tpu.memref_slice %dma_wait3A_139[%dma_wait3A_140, %dma_wait3A_141] : memref<50000x32xf32, #tpu.memory_space<hbm>> -> memref<50000x32xf32, #tpu.memory_space<hbm>>
      tpu.wait_indirect_dma semaphore(%arg12 : memref<!tpu.dma_semaphore, #tpu.memory_space<semaphore_mem>>) src(%dma_wait3A_142 : memref<50000x32xf32, #tpu.memory_space<hbm>>) dst(%dma_wait3A_132 : memref<128x32xf32, #tpu.memory_space<vmem>>)
      %dma_wait3A_143 = arith.constant 0 : i32
      %dma_wait3A_144 = arith.constant 1 : i32
      %dma_wait3A_145 = arith.constant 0 : i32
      %dma_wait3A_146 = arith.constant 1 : i32
      %dma_wait3A_147 = arith.constant 0 : i32
      %dma_wait3A_148 = arith.constant 0 : i32
      %dma_wait3A_149 = tpu.memref_slice %arg8[%dma_wait3A_146, %dma_wait3A_147, %dma_wait3A_148] : memref<2x128x32xf32, #tpu.memory_space<vmem>> -> memref<1x128x32xf32, #tpu.memory_space<vmem>>
      %dma_wait3A_150 = tpu.memref_squeeze %dma_wait3A_149 : memref<1x128x32xf32, #tpu.memory_space<vmem>> -> memref<128x32xf32, #tpu.memory_space<vmem>>
      %dma_wait3A_151 = arith.constant 0 : i32
      %dma_wait3A_152 = tpu.memref_slice %arg6[%dma_wait3A_144, %dma_wait3A_145, %dma_wait3A_151] : memref<2x2x128xi32, #tpu.memory_space<vmem>> -> memref<1x1x128xi32, #tpu.memory_space<vmem>>
      %dma_wait3A_153 = tpu.memref_squeeze %dma_wait3A_152 : memref<1x1x128xi32, #tpu.memory_space<vmem>> -> memref<128xi32, #tpu.memory_space<vmem>>
      %dma_wait3A_154 = arith.constant 0 : i32
      %dma_wait3A_155 = arith.constant 0 : i32
      %dma_wait3A_156 = tpu.memref_slice %arg2[%dma_wait3A_143, %dma_wait3A_154, %dma_wait3A_155] : memref<4x50000x32xf32, #tpu.memory_space<hbm>> -> memref<1x50000x32xf32, #tpu.memory_space<hbm>>
      %dma_wait3A_157 = tpu.memref_squeeze %dma_wait3A_156 : memref<1x50000x32xf32, #tpu.memory_space<hbm>> -> memref<50000x32xf32, #tpu.memory_space<hbm>>
      %dma_wait3A_158 = arith.constant 0 : i32
      %dma_wait3A_159 = arith.constant 0 : i32
      %dma_wait3A_160 = tpu.memref_slice %dma_wait3A_157[%dma_wait3A_158, %dma_wait3A_159] : memref<50000x32xf32, #tpu.memory_space<hbm>> -> memref<50000x32xf32, #tpu.memory_space<hbm>>
      tpu.wait_indirect_dma semaphore(%arg12 : memref<!tpu.dma_semaphore, #tpu.memory_space<semaphore_mem>>) src(%dma_wait3A_160 : memref<50000x32xf32, #tpu.memory_space<hbm>>) dst(%dma_wait3A_150 : memref<128x32xf32, #tpu.memory_space<vmem>>)
      %add3A_161 = arith.constant 392 : i32
      %add3A_162 = arith.addi %multiple_of3A, %add3A_161 : i32
      %sub3A = arith.constant 2 : i32
      %sub3A_163 = arith.subi %add3A_162, %sub3A : i32
      %multiple_of3A_164 = tpu.assume_multiple %sub3A_163, 2 : i32
      %dma_wait3A_165 = arith.constant 0 : i32
      %dma_wait3A_166 = arith.constant 0 : i32
      %dma_wait3A_167 = tpu.memref_slice %arg3[%multiple_of3A_164, %dma_wait3A_165, %dma_wait3A_166] : memref<6272x2x128xi32, #tpu.memory_space<hbm>> -> memref<2x2x128xi32, #tpu.memory_space<hbm>>
      %dma_wait3A_168 = arith.constant 0 : i32
      %dma_wait3A_169 = arith.constant 0 : i32
      %dma_wait3A_170 = tpu.memref_slice %arg3[%multiple_of3A_164, %dma_wait3A_168, %dma_wait3A_169] : memref<6272x2x128xi32, #tpu.memory_space<hbm>> -> memref<2x2x128xi32, #tpu.memory_space<hbm>>
      tpu.wait_dma2 semaphore(%arg11 : memref<!tpu.dma_semaphore, #tpu.memory_space<semaphore_mem>>) src(%dma_wait3A_170 : memref<2x2x128xi32, #tpu.memory_space<hbm>>) dst(%arg7 : memref<2x2x128xi32, #tpu.memory_space<vmem>>)
      %dma_start3A_171 = arith.constant 0 : i32
      %dma_start3A_172 = arith.constant 0 : i32
      %dma_start3A_173 = arith.constant 0 : i32
      %dma_start3A_174 = arith.constant 0 : i32
      %dma_start3A_175 = arith.constant 0 : i32
      %dma_start3A_176 = arith.constant 0 : i32
      %dma_start3A_177 = tpu.memref_slice %arg9[%dma_start3A_174, %dma_start3A_175, %dma_start3A_176] : memref<2x128x32xf32, #tpu.memory_space<vmem>> -> memref<1x128x32xf32, #tpu.memory_space<vmem>>
      %dma_start3A_178 = tpu.memref_squeeze %dma_start3A_177 : memref<1x128x32xf32, #tpu.memory_space<vmem>> -> memref<128x32xf32, #tpu.memory_space<vmem>>
      %dma_start3A_179 = arith.constant 0 : i32
      %dma_start3A_180 = tpu.memref_slice %arg7[%dma_start3A_172, %dma_start3A_173, %dma_start3A_179] : memref<2x2x128xi32, #tpu.memory_space<vmem>> -> memref<1x1x128xi32, #tpu.memory_space<vmem>>
      %dma_start3A_181 = tpu.memref_squeeze %dma_start3A_180 : memref<1x1x128xi32, #tpu.memory_space<vmem>> -> memref<128xi32, #tpu.memory_space<vmem>>
      %dma_start3A_182 = arith.constant 0 : i32
      %dma_start3A_183 = arith.constant 0 : i32
      %dma_start3A_184 = tpu.memref_slice %arg2[%dma_start3A_171, %dma_start3A_182, %dma_start3A_183] : memref<4x50000x32xf32, #tpu.memory_space<hbm>> -> memref<1x50000x32xf32, #tpu.memory_space<hbm>>
      %dma_start3A_185 = tpu.memref_squeeze %dma_start3A_184 : memref<1x50000x32xf32, #tpu.memory_space<hbm>> -> memref<50000x32xf32, #tpu.memory_space<hbm>>
      %dma_start3A_186 = arith.constant 0 : i32
      %dma_start3A_187 = arith.constant 0 : i32
      %dma_start3A_188 = tpu.memref_slice %dma_start3A_185[%dma_start3A_186, %dma_start3A_187] : memref<50000x32xf32, #tpu.memory_space<hbm>> -> memref<50000x32xf32, #tpu.memory_space<hbm>>
      tpu.enqueue_indirect_dma source(%dma_start3A_188 : memref<50000x32xf32, #tpu.memory_space<hbm>>) target(%dma_start3A_178 : memref<128x32xf32, #tpu.memory_space<vmem>>) offsets(%dma_start3A_181 : memref<128xi32, #tpu.memory_space<vmem>>) semaphore(%arg13 : memref<!tpu.dma_semaphore, #tpu.memory_space<semaphore_mem>>)
      %dma_start3A_189 = arith.constant 0 : i32
      %dma_start3A_190 = arith.constant 1 : i32
      %dma_start3A_191 = arith.constant 0 : i32
      %dma_start3A_192 = arith.constant 1 : i32
      %dma_start3A_193 = arith.constant 0 : i32
      %dma_start3A_194 = arith.constant 0 : i32
      %dma_start3A_195 = tpu.memref_slice %arg9[%dma_start3A_192, %dma_start3A_193, %dma_start3A_194] : memref<2x128x32xf32, #tpu.memory_space<vmem>> -> memref<1x128x32xf32, #tpu.memory_space<vmem>>
      %dma_start3A_196 = tpu.memref_squeeze %dma_start3A_195 : memref<1x128x32xf32, #tpu.memory_space<vmem>> -> memref<128x32xf32, #tpu.memory_space<vmem>>
      %dma_start3A_197 = arith.constant 0 : i32
      %dma_start3A_198 = tpu.memref_slice %arg7[%dma_start3A_190, %dma_start3A_191, %dma_start3A_197] : memref<2x2x128xi32, #tpu.memory_space<vmem>> -> memref<1x1x128xi32, #tpu.memory_space<vmem>>
      %dma_start3A_199 = tpu.memref_squeeze %dma_start3A_198 : memref<1x1x128xi32, #tpu.memory_space<vmem>> -> memref<128xi32, #tpu.memory_space<vmem>>
      %dma_start3A_200 = arith.constant 0 : i32
      %dma_start3A_201 = arith.constant 0 : i32
      %dma_start3A_202 = tpu.memref_slice %arg2[%dma_start3A_189, %dma_start3A_200, %dma_start3A_201] : memref<4x50000x32xf32, #tpu.memory_space<hbm>> -> memref<1x50000x32xf32, #tpu.memory_space<hbm>>
      %dma_start3A_203 = tpu.memref_squeeze %dma_start3A_202 : memref<1x50000x32xf32, #tpu.memory_space<hbm>> -> memref<50000x32xf32, #tpu.memory_space<hbm>>
      %dma_start3A_204 = arith.constant 0 : i32
      %dma_start3A_205 = arith.constant 0 : i32
      %dma_start3A_206 = tpu.memref_slice %dma_start3A_203[%dma_start3A_204, %dma_start3A_205] : memref<50000x32xf32, #tpu.memory_space<hbm>> -> memref<50000x32xf32, #tpu.memory_space<hbm>>
      tpu.enqueue_indirect_dma source(%dma_start3A_206 : memref<50000x32xf32, #tpu.memory_space<hbm>>) target(%dma_start3A_196 : memref<128x32xf32, #tpu.memory_space<vmem>>) offsets(%dma_start3A_199 : memref<128xi32, #tpu.memory_space<vmem>>) semaphore(%arg13 : memref<!tpu.dma_semaphore, #tpu.memory_space<semaphore_mem>>)
      %run_scoped3A = arith.constant 0 : i32
      %run_scoped3A_207 = arith.constant 0 : i32
      %run_scoped3A_208 = arith.constant 1 : i32
      "tpu.region"() ({
        %run_scoped3A_254 = tpu.sem_alloc : memref<!tpu.dma_semaphore, #tpu.memory_space<semaphore_mem>>
        %dma_start3A_255 = arith.constant 0 : i32
        %dma_start3A_256 = arith.constant 0 : i32
        %dma_start3A_257 = tpu.memref_slice %arg8[%run_scoped3A, %dma_start3A_255, %dma_start3A_256] : memref<2x128x32xf32, #tpu.memory_space<vmem>> -> memref<1x128x32xf32, #tpu.memory_space<vmem>>
        %dma_start3A_258 = tpu.memref_squeeze %dma_start3A_257 : memref<1x128x32xf32, #tpu.memory_space<vmem>> -> memref<128x32xf32, #tpu.memory_space<vmem>>
        %dma_start3A_259 = arith.constant 0 : i32
        %dma_start3A_260 = tpu.memref_slice %arg6[%run_scoped3A_207, %run_scoped3A_208, %dma_start3A_259] : memref<2x2x128xi32, #tpu.memory_space<vmem>> -> memref<1x1x128xi32, #tpu.memory_space<vmem>>
        %dma_start3A_261 = tpu.memref_squeeze %dma_start3A_260 : memref<1x1x128xi32, #tpu.memory_space<vmem>> -> memref<128xi32, #tpu.memory_space<vmem>>
        %dma_start3A_262 = arith.constant 0 : i32
        %dma_start3A_263 = arith.constant 0 : i32
        %dma_start3A_264 = tpu.memref_slice %arg5[%dma_start3A_262, %dma_start3A_263] : memref<50048x32xf32, #tpu.memory_space<vmem_shared>> -> memref<50048x32xf32, #tpu.memory_space<vmem_shared>>
        tpu.enqueue_indirect_dma source(%dma_start3A_258 : memref<128x32xf32, #tpu.memory_space<vmem>>) target(%dma_start3A_264 : memref<50048x32xf32, #tpu.memory_space<vmem_shared>>) offsets(%dma_start3A_261 : memref<128xi32, #tpu.memory_space<vmem>>) semaphore(%run_scoped3A_254 : memref<!tpu.dma_semaphore, #tpu.memory_space<semaphore_mem>>) {add = true}
        %dma_wait3A_265 = arith.constant 0 : i32
        %dma_wait3A_266 = arith.constant 0 : i32
        %dma_wait3A_267 = tpu.memref_slice %arg8[%run_scoped3A, %dma_wait3A_265, %dma_wait3A_266] : memref<2x128x32xf32, #tpu.memory_space<vmem>> -> memref<1x128x32xf32, #tpu.memory_space<vmem>>
        %dma_wait3A_268 = tpu.memref_squeeze %dma_wait3A_267 : memref<1x128x32xf32, #tpu.memory_space<vmem>> -> memref<128x32xf32, #tpu.memory_space<vmem>>
        %dma_wait3A_269 = arith.constant 0 : i32
        %dma_wait3A_270 = tpu.memref_slice %arg6[%run_scoped3A_207, %run_scoped3A_208, %dma_wait3A_269] : memref<2x2x128xi32, #tpu.memory_space<vmem>> -> memref<1x1x128xi32, #tpu.memory_space<vmem>>
        %dma_wait3A_271 = tpu.memref_squeeze %dma_wait3A_270 : memref<1x1x128xi32, #tpu.memory_space<vmem>> -> memref<128xi32, #tpu.memory_space<vmem>>
        %dma_wait3A_272 = arith.constant 0 : i32
        %dma_wait3A_273 = arith.constant 0 : i32
        %dma_wait3A_274 = tpu.memref_slice %arg5[%dma_wait3A_272, %dma_wait3A_273] : memref<50048x32xf32, #tpu.memory_space<vmem_shared>> -> memref<50048x32xf32, #tpu.memory_space<vmem_shared>>
        tpu.wait_indirect_dma semaphore(%run_scoped3A_254 : memref<!tpu.dma_semaphore, #tpu.memory_space<semaphore_mem>>) src(%dma_wait3A_268 : memref<128x32xf32, #tpu.memory_space<vmem>>) dst(%dma_wait3A_274 : memref<50048x32xf32, #tpu.memory_space<vmem_shared>>)
        tpu.yield
      }) : () -> ()
      %run_scoped3A_209 = arith.constant 1 : i32
      %run_scoped3A_210 = arith.constant 1 : i32
      %run_scoped3A_211 = arith.constant 1 : i32
      "tpu.region"() ({
        %run_scoped3A_254 = tpu.sem_alloc : memref<!tpu.dma_semaphore, #tpu.memory_space<semaphore_mem>>
        %dma_start3A_255 = arith.constant 0 : i32
        %dma_start3A_256 = arith.constant 0 : i32
        %dma_start3A_257 = tpu.memref_slice %arg8[%run_scoped3A_209, %dma_start3A_255, %dma_start3A_256] : memref<2x128x32xf32, #tpu.memory_space<vmem>> -> memref<1x128x32xf32, #tpu.memory_space<vmem>>
        %dma_start3A_258 = tpu.memref_squeeze %dma_start3A_257 : memref<1x128x32xf32, #tpu.memory_space<vmem>> -> memref<128x32xf32, #tpu.memory_space<vmem>>
        %dma_start3A_259 = arith.constant 0 : i32
        %dma_start3A_260 = tpu.memref_slice %arg6[%run_scoped3A_210, %run_scoped3A_211, %dma_start3A_259] : memref<2x2x128xi32, #tpu.memory_space<vmem>> -> memref<1x1x128xi32, #tpu.memory_space<vmem>>
        %dma_start3A_261 = tpu.memref_squeeze %dma_start3A_260 : memref<1x1x128xi32, #tpu.memory_space<vmem>> -> memref<128xi32, #tpu.memory_space<vmem>>
        %dma_start3A_262 = arith.constant 0 : i32
        %dma_start3A_263 = arith.constant 0 : i32
        %dma_start3A_264 = tpu.memref_slice %arg5[%dma_start3A_262, %dma_start3A_263] : memref<50048x32xf32, #tpu.memory_space<vmem_shared>> -> memref<50048x32xf32, #tpu.memory_space<vmem_shared>>
        tpu.enqueue_indirect_dma source(%dma_start3A_258 : memref<128x32xf32, #tpu.memory_space<vmem>>) target(%dma_start3A_264 : memref<50048x32xf32, #tpu.memory_space<vmem_shared>>) offsets(%dma_start3A_261 : memref<128xi32, #tpu.memory_space<vmem>>) semaphore(%run_scoped3A_254 : memref<!tpu.dma_semaphore, #tpu.memory_space<semaphore_mem>>) {add = true}
        %dma_wait3A_265 = arith.constant 0 : i32
        %dma_wait3A_266 = arith.constant 0 : i32
        %dma_wait3A_267 = tpu.memref_slice %arg8[%run_scoped3A_209, %dma_wait3A_265, %dma_wait3A_266] : memref<2x128x32xf32, #tpu.memory_space<vmem>> -> memref<1x128x32xf32, #tpu.memory_space<vmem>>
        %dma_wait3A_268 = tpu.memref_squeeze %dma_wait3A_267 : memref<1x128x32xf32, #tpu.memory_space<vmem>> -> memref<128x32xf32, #tpu.memory_space<vmem>>
        %dma_wait3A_269 = arith.constant 0 : i32
        %dma_wait3A_270 = tpu.memref_slice %arg6[%run_scoped3A_210, %run_scoped3A_211, %dma_wait3A_269] : memref<2x2x128xi32, #tpu.memory_space<vmem>> -> memref<1x1x128xi32, #tpu.memory_space<vmem>>
        %dma_wait3A_271 = tpu.memref_squeeze %dma_wait3A_270 : memref<1x1x128xi32, #tpu.memory_space<vmem>> -> memref<128xi32, #tpu.memory_space<vmem>>
        %dma_wait3A_272 = arith.constant 0 : i32
        %dma_wait3A_273 = arith.constant 0 : i32
        %dma_wait3A_274 = tpu.memref_slice %arg5[%dma_wait3A_272, %dma_wait3A_273] : memref<50048x32xf32, #tpu.memory_space<vmem_shared>> -> memref<50048x32xf32, #tpu.memory_space<vmem_shared>>
        tpu.wait_indirect_dma semaphore(%run_scoped3A_254 : memref<!tpu.dma_semaphore, #tpu.memory_space<semaphore_mem>>) src(%dma_wait3A_268 : memref<128x32xf32, #tpu.memory_space<vmem>>) dst(%dma_wait3A_274 : memref<50048x32xf32, #tpu.memory_space<vmem_shared>>)
        tpu.yield
      }) : () -> ()
      %dma_wait3A_212 = arith.constant 0 : i32
      %dma_wait3A_213 = arith.constant 0 : i32
      %dma_wait3A_214 = arith.constant 0 : i32
      %dma_wait3A_215 = arith.constant 0 : i32
      %dma_wait3A_216 = arith.constant 0 : i32
      %dma_wait3A_217 = arith.constant 0 : i32
      %dma_wait3A_218 = tpu.memref_slice %arg9[%dma_wait3A_215, %dma_wait3A_216, %dma_wait3A_217] : memref<2x128x32xf32, #tpu.memory_space<vmem>> -> memref<1x128x32xf32, #tpu.memory_space<vmem>>
      %dma_wait3A_219 = tpu.memref_squeeze %dma_wait3A_218 : memref<1x128x32xf32, #tpu.memory_space<vmem>> -> memref<128x32xf32, #tpu.memory_space<vmem>>
      %dma_wait3A_220 = arith.constant 0 : i32
      %dma_wait3A_221 = tpu.memref_slice %arg7[%dma_wait3A_213, %dma_wait3A_214, %dma_wait3A_220] : memref<2x2x128xi32, #tpu.memory_space<vmem>> -> memref<1x1x128xi32, #tpu.memory_space<vmem>>
      %dma_wait3A_222 = tpu.memref_squeeze %dma_wait3A_221 : memref<1x1x128xi32, #tpu.memory_space<vmem>> -> memref<128xi32, #tpu.memory_space<vmem>>
      %dma_wait3A_223 = arith.constant 0 : i32
      %dma_wait3A_224 = arith.constant 0 : i32
      %dma_wait3A_225 = tpu.memref_slice %arg2[%dma_wait3A_212, %dma_wait3A_223, %dma_wait3A_224] : memref<4x50000x32xf32, #tpu.memory_space<hbm>> -> memref<1x50000x32xf32, #tpu.memory_space<hbm>>
      %dma_wait3A_226 = tpu.memref_squeeze %dma_wait3A_225 : memref<1x50000x32xf32, #tpu.memory_space<hbm>> -> memref<50000x32xf32, #tpu.memory_space<hbm>>
      %dma_wait3A_227 = arith.constant 0 : i32
      %dma_wait3A_228 = arith.constant 0 : i32
      %dma_wait3A_229 = tpu.memref_slice %dma_wait3A_226[%dma_wait3A_227, %dma_wait3A_228] : memref<50000x32xf32, #tpu.memory_space<hbm>> -> memref<50000x32xf32, #tpu.memory_space<hbm>>
      tpu.wait_indirect_dma semaphore(%arg13 : memref<!tpu.dma_semaphore, #tpu.memory_space<semaphore_mem>>) src(%dma_wait3A_229 : memref<50000x32xf32, #tpu.memory_space<hbm>>) dst(%dma_wait3A_219 : memref<128x32xf32, #tpu.memory_space<vmem>>)
      %dma_wait3A_230 = arith.constant 0 : i32
      %dma_wait3A_231 = arith.constant 1 : i32
      %dma_wait3A_232 = arith.constant 0 : i32
      %dma_wait3A_233 = arith.constant 1 : i32
      %dma_wait3A_234 = arith.constant 0 : i32
      %dma_wait3A_235 = arith.constant 0 : i32
      %dma_wait3A_236 = tpu.memref_slice %arg9[%dma_wait3A_233, %dma_wait3A_234, %dma_wait3A_235] : memref<2x128x32xf32, #tpu.memory_space<vmem>> -> memref<1x128x32xf32, #tpu.memory_space<vmem>>
      %dma_wait3A_237 = tpu.memref_squeeze %dma_wait3A_236 : memref<1x128x32xf32, #tpu.memory_space<vmem>> -> memref<128x32xf32, #tpu.memory_space<vmem>>
      %dma_wait3A_238 = arith.constant 0 : i32
      %dma_wait3A_239 = tpu.memref_slice %arg7[%dma_wait3A_231, %dma_wait3A_232, %dma_wait3A_238] : memref<2x2x128xi32, #tpu.memory_space<vmem>> -> memref<1x1x128xi32, #tpu.memory_space<vmem>>
      %dma_wait3A_240 = tpu.memref_squeeze %dma_wait3A_239 : memref<1x1x128xi32, #tpu.memory_space<vmem>> -> memref<128xi32, #tpu.memory_space<vmem>>
      %dma_wait3A_241 = arith.constant 0 : i32
      %dma_wait3A_242 = arith.constant 0 : i32
      %dma_wait3A_243 = tpu.memref_slice %arg2[%dma_wait3A_230, %dma_wait3A_241, %dma_wait3A_242] : memref<4x50000x32xf32, #tpu.memory_space<hbm>> -> memref<1x50000x32xf32, #tpu.memory_space<hbm>>
      %dma_wait3A_244 = tpu.memref_squeeze %dma_wait3A_243 : memref<1x50000x32xf32, #tpu.memory_space<hbm>> -> memref<50000x32xf32, #tpu.memory_space<hbm>>
      %dma_wait3A_245 = arith.constant 0 : i32
      %dma_wait3A_246 = arith.constant 0 : i32
      %dma_wait3A_247 = tpu.memref_slice %dma_wait3A_244[%dma_wait3A_245, %dma_wait3A_246] : memref<50000x32xf32, #tpu.memory_space<hbm>> -> memref<50000x32xf32, #tpu.memory_space<hbm>>
      tpu.wait_indirect_dma semaphore(%arg13 : memref<!tpu.dma_semaphore, #tpu.memory_space<semaphore_mem>>) src(%dma_wait3A_247 : memref<50000x32xf32, #tpu.memory_space<hbm>>) dst(%dma_wait3A_237 : memref<128x32xf32, #tpu.memory_space<vmem>>)
      %run_scoped3A_248 = arith.constant 0 : i32
      %run_scoped3A_249 = arith.constant 0 : i32
      %run_scoped3A_250 = arith.constant 1 : i32
      "tpu.region"() ({
        %run_scoped3A_254 = tpu.sem_alloc : memref<!tpu.dma_semaphore, #tpu.memory_space<semaphore_mem>>
        %dma_start3A_255 = arith.constant 0 : i32
        %dma_start3A_256 = arith.constant 0 : i32
        %dma_start3A_257 = tpu.memref_slice %arg9[%run_scoped3A_248, %dma_start3A_255, %dma_start3A_256] : memref<2x128x32xf32, #tpu.memory_space<vmem>> -> memref<1x128x32xf32, #tpu.memory_space<vmem>>
        %dma_start3A_258 = tpu.memref_squeeze %dma_start3A_257 : memref<1x128x32xf32, #tpu.memory_space<vmem>> -> memref<128x32xf32, #tpu.memory_space<vmem>>
        %dma_start3A_259 = arith.constant 0 : i32
        %dma_start3A_260 = tpu.memref_slice %arg7[%run_scoped3A_249, %run_scoped3A_250, %dma_start3A_259] : memref<2x2x128xi32, #tpu.memory_space<vmem>> -> memref<1x1x128xi32, #tpu.memory_space<vmem>>
        %dma_start3A_261 = tpu.memref_squeeze %dma_start3A_260 : memref<1x1x128xi32, #tpu.memory_space<vmem>> -> memref<128xi32, #tpu.memory_space<vmem>>
        %dma_start3A_262 = arith.constant 0 : i32
        %dma_start3A_263 = arith.constant 0 : i32
        %dma_start3A_264 = tpu.memref_slice %arg5[%dma_start3A_262, %dma_start3A_263] : memref<50048x32xf32, #tpu.memory_space<vmem_shared>> -> memref<50048x32xf32, #tpu.memory_space<vmem_shared>>
        tpu.enqueue_indirect_dma source(%dma_start3A_258 : memref<128x32xf32, #tpu.memory_space<vmem>>) target(%dma_start3A_264 : memref<50048x32xf32, #tpu.memory_space<vmem_shared>>) offsets(%dma_start3A_261 : memref<128xi32, #tpu.memory_space<vmem>>) semaphore(%run_scoped3A_254 : memref<!tpu.dma_semaphore, #tpu.memory_space<semaphore_mem>>) {add = true}
        %dma_wait3A_265 = arith.constant 0 : i32
        %dma_wait3A_266 = arith.constant 0 : i32
        %dma_wait3A_267 = tpu.memref_slice %arg9[%run_scoped3A_248, %dma_wait3A_265, %dma_wait3A_266] : memref<2x128x32xf32, #tpu.memory_space<vmem>> -> memref<1x128x32xf32, #tpu.memory_space<vmem>>
        %dma_wait3A_268 = tpu.memref_squeeze %dma_wait3A_267 : memref<1x128x32xf32, #tpu.memory_space<vmem>> -> memref<128x32xf32, #tpu.memory_space<vmem>>
        %dma_wait3A_269 = arith.constant 0 : i32
        %dma_wait3A_270 = tpu.memref_slice %arg7[%run_scoped3A_249, %run_scoped3A_250, %dma_wait3A_269] : memref<2x2x128xi32, #tpu.memory_space<vmem>> -> memref<1x1x128xi32, #tpu.memory_space<vmem>>
        %dma_wait3A_271 = tpu.memref_squeeze %dma_wait3A_270 : memref<1x1x128xi32, #tpu.memory_space<vmem>> -> memref<128xi32, #tpu.memory_space<vmem>>
        %dma_wait3A_272 = arith.constant 0 : i32
        %dma_wait3A_273 = arith.constant 0 : i32
        %dma_wait3A_274 = tpu.memref_slice %arg5[%dma_wait3A_272, %dma_wait3A_273] : memref<50048x32xf32, #tpu.memory_space<vmem_shared>> -> memref<50048x32xf32, #tpu.memory_space<vmem_shared>>
        tpu.wait_indirect_dma semaphore(%run_scoped3A_254 : memref<!tpu.dma_semaphore, #tpu.memory_space<semaphore_mem>>) src(%dma_wait3A_268 : memref<128x32xf32, #tpu.memory_space<vmem>>) dst(%dma_wait3A_274 : memref<50048x32xf32, #tpu.memory_space<vmem_shared>>)
        tpu.yield
      }) : () -> ()
      %run_scoped3A_251 = arith.constant 1 : i32
      %run_scoped3A_252 = arith.constant 1 : i32
      %run_scoped3A_253 = arith.constant 1 : i32
      "tpu.region"() ({
        %run_scoped3A_254 = tpu.sem_alloc : memref<!tpu.dma_semaphore, #tpu.memory_space<semaphore_mem>>
        %dma_start3A_255 = arith.constant 0 : i32
        %dma_start3A_256 = arith.constant 0 : i32
        %dma_start3A_257 = tpu.memref_slice %arg9[%run_scoped3A_251, %dma_start3A_255, %dma_start3A_256] : memref<2x128x32xf32, #tpu.memory_space<vmem>> -> memref<1x128x32xf32, #tpu.memory_space<vmem>>
        %dma_start3A_258 = tpu.memref_squeeze %dma_start3A_257 : memref<1x128x32xf32, #tpu.memory_space<vmem>> -> memref<128x32xf32, #tpu.memory_space<vmem>>
        %dma_start3A_259 = arith.constant 0 : i32
        %dma_start3A_260 = tpu.memref_slice %arg7[%run_scoped3A_252, %run_scoped3A_253, %dma_start3A_259] : memref<2x2x128xi32, #tpu.memory_space<vmem>> -> memref<1x1x128xi32, #tpu.memory_space<vmem>>
        %dma_start3A_261 = tpu.memref_squeeze %dma_start3A_260 : memref<1x1x128xi32, #tpu.memory_space<vmem>> -> memref<128xi32, #tpu.memory_space<vmem>>
        %dma_start3A_262 = arith.constant 0 : i32
        %dma_start3A_263 = arith.constant 0 : i32
        %dma_start3A_264 = tpu.memref_slice %arg5[%dma_start3A_262, %dma_start3A_263] : memref<50048x32xf32, #tpu.memory_space<vmem_shared>> -> memref<50048x32xf32, #tpu.memory_space<vmem_shared>>
        tpu.enqueue_indirect_dma source(%dma_start3A_258 : memref<128x32xf32, #tpu.memory_space<vmem>>) target(%dma_start3A_264 : memref<50048x32xf32, #tpu.memory_space<vmem_shared>>) offsets(%dma_start3A_261 : memref<128xi32, #tpu.memory_space<vmem>>) semaphore(%run_scoped3A_254 : memref<!tpu.dma_semaphore, #tpu.memory_space<semaphore_mem>>) {add = true}
        %dma_wait3A_265 = arith.constant 0 : i32
        %dma_wait3A_266 = arith.constant 0 : i32
        %dma_wait3A_267 = tpu.memref_slice %arg9[%run_scoped3A_251, %dma_wait3A_265, %dma_wait3A_266] : memref<2x128x32xf32, #tpu.memory_space<vmem>> -> memref<1x128x32xf32, #tpu.memory_space<vmem>>
        %dma_wait3A_268 = tpu.memref_squeeze %dma_wait3A_267 : memref<1x128x32xf32, #tpu.memory_space<vmem>> -> memref<128x32xf32, #tpu.memory_space<vmem>>
        %dma_wait3A_269 = arith.constant 0 : i32
        %dma_wait3A_270 = tpu.memref_slice %arg7[%run_scoped3A_252, %run_scoped3A_253, %dma_wait3A_269] : memref<2x2x128xi32, #tpu.memory_space<vmem>> -> memref<1x1x128xi32, #tpu.memory_space<vmem>>
        %dma_wait3A_271 = tpu.memref_squeeze %dma_wait3A_270 : memref<1x1x128xi32, #tpu.memory_space<vmem>> -> memref<128xi32, #tpu.memory_space<vmem>>
        %dma_wait3A_272 = arith.constant 0 : i32
        %dma_wait3A_273 = arith.constant 0 : i32
        %dma_wait3A_274 = tpu.memref_slice %arg5[%dma_wait3A_272, %dma_wait3A_273] : memref<50048x32xf32, #tpu.memory_space<vmem_shared>> -> memref<50048x32xf32, #tpu.memory_space<vmem_shared>>
        tpu.wait_indirect_dma semaphore(%run_scoped3A_254 : memref<!tpu.dma_semaphore, #tpu.memory_space<semaphore_mem>>) src(%dma_wait3A_268 : memref<128x32xf32, #tpu.memory_space<vmem>>) dst(%dma_wait3A_274 : memref<50048x32xf32, #tpu.memory_space<vmem_shared>>)
        tpu.yield
      }) : () -> ()
    } else {
    }
    %eq3A_12 = arith.constant 1 : i32
    %eq3A_13 = arith.cmpi eq, %arg0, %eq3A_12 : i32
    %convert_element_type3A_14 = arith.extui %eq3A_13 : i1 to i32
    %cond3A_15 = arith.constant 0 : i32
    %cond3A_16 = arith.cmpi ne, %convert_element_type3A_14, %cond3A_15 : i32
    scf.if %cond3A_16 {
      %mul3A = arith.constant 392 : i32
      %mul3A_62 = arith.muli %arg1, %mul3A : i32
      %multiple_of3A = tpu.assume_multiple %mul3A_62, 392 : i32
      %multiple_of3A_63 = tpu.assume_multiple %multiple_of3A, 2 : i32
      %dma_start3A = arith.constant 0 : i32
      %dma_start3A_64 = arith.constant 0 : i32
      %dma_start3A_65 = tpu.memref_slice %arg3[%multiple_of3A_63, %dma_start3A, %dma_start3A_64] : memref<6272x2x128xi32, #tpu.memory_space<hbm>> -> memref<2x2x128xi32, #tpu.memory_space<hbm>>
      %dma_start3A_66 = arith.constant 0 : i32
      %dma_start3A_67 = arith.constant 0 : i32
      %dma_start3A_68 = tpu.memref_slice %arg3[%multiple_of3A_63, %dma_start3A_66, %dma_start3A_67] : memref<6272x2x128xi32, #tpu.memory_space<hbm>> -> memref<2x2x128xi32, #tpu.memory_space<hbm>>
      tpu.enqueue_dma source(%dma_start3A_68 : memref<2x2x128xi32, #tpu.memory_space<hbm>>) target(%arg6 : memref<2x2x128xi32, #tpu.memory_space<vmem>>) target_semaphore(%arg10 : memref<!tpu.dma_semaphore, #tpu.memory_space<semaphore_mem>>)
      %add3A = arith.constant 2 : i32
      %add3A_69 = arith.addi %multiple_of3A, %add3A : i32
      %multiple_of3A_70 = tpu.assume_multiple %add3A_69, 2 : i32
      %dma_start3A_71 = arith.constant 0 : i32
      %dma_start3A_72 = arith.constant 0 : i32
      %dma_start3A_73 = tpu.memref_slice %arg3[%multiple_of3A_70, %dma_start3A_71, %dma_start3A_72] : memref<6272x2x128xi32, #tpu.memory_space<hbm>> -> memref<2x2x128xi32, #tpu.memory_space<hbm>>
      %dma_start3A_74 = arith.constant 0 : i32
      %dma_start3A_75 = arith.constant 0 : i32
      %dma_start3A_76 = tpu.memref_slice %arg3[%multiple_of3A_70, %dma_start3A_74, %dma_start3A_75] : memref<6272x2x128xi32, #tpu.memory_space<hbm>> -> memref<2x2x128xi32, #tpu.memory_space<hbm>>
      tpu.enqueue_dma source(%dma_start3A_76 : memref<2x2x128xi32, #tpu.memory_space<hbm>>) target(%arg7 : memref<2x2x128xi32, #tpu.memory_space<vmem>>) target_semaphore(%arg11 : memref<!tpu.dma_semaphore, #tpu.memory_space<semaphore_mem>>)
      %multiple_of3A_77 = tpu.assume_multiple %multiple_of3A, 2 : i32
      %dma_wait3A = arith.constant 0 : i32
      %dma_wait3A_78 = arith.constant 0 : i32
      %dma_wait3A_79 = tpu.memref_slice %arg3[%multiple_of3A_77, %dma_wait3A, %dma_wait3A_78] : memref<6272x2x128xi32, #tpu.memory_space<hbm>> -> memref<2x2x128xi32, #tpu.memory_space<hbm>>
      %dma_wait3A_80 = arith.constant 0 : i32
      %dma_wait3A_81 = arith.constant 0 : i32
      %dma_wait3A_82 = tpu.memref_slice %arg3[%multiple_of3A_77, %dma_wait3A_80, %dma_wait3A_81] : memref<6272x2x128xi32, #tpu.memory_space<hbm>> -> memref<2x2x128xi32, #tpu.memory_space<hbm>>
      tpu.wait_dma2 semaphore(%arg10 : memref<!tpu.dma_semaphore, #tpu.memory_space<semaphore_mem>>) src(%dma_wait3A_82 : memref<2x2x128xi32, #tpu.memory_space<hbm>>) dst(%arg6 : memref<2x2x128xi32, #tpu.memory_space<vmem>>)
      %dma_start3A_83 = arith.constant 2 : i32
      %dma_start3A_84 = arith.constant 0 : i32
      %dma_start3A_85 = arith.constant 0 : i32
      %dma_start3A_86 = arith.constant 0 : i32
      %dma_start3A_87 = arith.constant 0 : i32
      %dma_start3A_88 = arith.constant 0 : i32
      %dma_start3A_89 = tpu.memref_slice %arg8[%dma_start3A_86, %dma_start3A_87, %dma_start3A_88] : memref<2x128x32xf32, #tpu.memory_space<vmem>> -> memref<1x128x32xf32, #tpu.memory_space<vmem>>
      %dma_start3A_90 = tpu.memref_squeeze %dma_start3A_89 : memref<1x128x32xf32, #tpu.memory_space<vmem>> -> memref<128x32xf32, #tpu.memory_space<vmem>>
      %dma_start3A_91 = arith.constant 0 : i32
      %dma_start3A_92 = tpu.memref_slice %arg6[%dma_start3A_84, %dma_start3A_85, %dma_start3A_91] : memref<2x2x128xi32, #tpu.memory_space<vmem>> -> memref<1x1x128xi32, #tpu.memory_space<vmem>>
      %dma_start3A_93 = tpu.memref_squeeze %dma_start3A_92 : memref<1x1x128xi32, #tpu.memory_space<vmem>> -> memref<128xi32, #tpu.memory_space<vmem>>
      %dma_start3A_94 = arith.constant 0 : i32
      %dma_start3A_95 = arith.constant 0 : i32
      %dma_start3A_96 = tpu.memref_slice %arg2[%dma_start3A_83, %dma_start3A_94, %dma_start3A_95] : memref<4x50000x32xf32, #tpu.memory_space<hbm>> -> memref<1x50000x32xf32, #tpu.memory_space<hbm>>
      %dma_start3A_97 = tpu.memref_squeeze %dma_start3A_96 : memref<1x50000x32xf32, #tpu.memory_space<hbm>> -> memref<50000x32xf32, #tpu.memory_space<hbm>>
      %dma_start3A_98 = arith.constant 0 : i32
      %dma_start3A_99 = arith.constant 0 : i32
      %dma_start3A_100 = tpu.memref_slice %dma_start3A_97[%dma_start3A_98, %dma_start3A_99] : memref<50000x32xf32, #tpu.memory_space<hbm>> -> memref<50000x32xf32, #tpu.memory_space<hbm>>
      tpu.enqueue_indirect_dma source(%dma_start3A_100 : memref<50000x32xf32, #tpu.memory_space<hbm>>) target(%dma_start3A_90 : memref<128x32xf32, #tpu.memory_space<vmem>>) offsets(%dma_start3A_93 : memref<128xi32, #tpu.memory_space<vmem>>) semaphore(%arg12 : memref<!tpu.dma_semaphore, #tpu.memory_space<semaphore_mem>>)
      %dma_start3A_101 = arith.constant 2 : i32
      %dma_start3A_102 = arith.constant 1 : i32
      %dma_start3A_103 = arith.constant 0 : i32
      %dma_start3A_104 = arith.constant 1 : i32
      %dma_start3A_105 = arith.constant 0 : i32
      %dma_start3A_106 = arith.constant 0 : i32
      %dma_start3A_107 = tpu.memref_slice %arg8[%dma_start3A_104, %dma_start3A_105, %dma_start3A_106] : memref<2x128x32xf32, #tpu.memory_space<vmem>> -> memref<1x128x32xf32, #tpu.memory_space<vmem>>
      %dma_start3A_108 = tpu.memref_squeeze %dma_start3A_107 : memref<1x128x32xf32, #tpu.memory_space<vmem>> -> memref<128x32xf32, #tpu.memory_space<vmem>>
      %dma_start3A_109 = arith.constant 0 : i32
      %dma_start3A_110 = tpu.memref_slice %arg6[%dma_start3A_102, %dma_start3A_103, %dma_start3A_109] : memref<2x2x128xi32, #tpu.memory_space<vmem>> -> memref<1x1x128xi32, #tpu.memory_space<vmem>>
      %dma_start3A_111 = tpu.memref_squeeze %dma_start3A_110 : memref<1x1x128xi32, #tpu.memory_space<vmem>> -> memref<128xi32, #tpu.memory_space<vmem>>
      %dma_start3A_112 = arith.constant 0 : i32
      %dma_start3A_113 = arith.constant 0 : i32
      %dma_start3A_114 = tpu.memref_slice %arg2[%dma_start3A_101, %dma_start3A_112, %dma_start3A_113] : memref<4x50000x32xf32, #tpu.memory_space<hbm>> -> memref<1x50000x32xf32, #tpu.memory_space<hbm>>
      %dma_start3A_115 = tpu.memref_squeeze %dma_start3A_114 : memref<1x50000x32xf32, #tpu.memory_space<hbm>> -> memref<50000x32xf32, #tpu.memory_space<hbm>>
      %dma_start3A_116 = arith.constant 0 : i32
      %dma_start3A_117 = arith.constant 0 : i32
      %dma_start3A_118 = tpu.memref_slice %dma_start3A_115[%dma_start3A_116, %dma_start3A_117] : memref<50000x32xf32, #tpu.memory_space<hbm>> -> memref<50000x32xf32, #tpu.memory_space<hbm>>
      tpu.enqueue_indirect_dma source(%dma_start3A_118 : memref<50000x32xf32, #tpu.memory_space<hbm>>) target(%dma_start3A_108 : memref<128x32xf32, #tpu.memory_space<vmem>>) offsets(%dma_start3A_111 : memref<128xi32, #tpu.memory_space<vmem>>) semaphore(%arg12 : memref<!tpu.dma_semaphore, #tpu.memory_space<semaphore_mem>>)
      %scan3A = arith.constant 0 : i32
      %scan3A_119 = arith.constant 2 : i32
      %scan3A_120 = arith.constant 0 : i32
      %scan3A_121 = arith.constant 97 : i32
      %scan3A_122 = arith.addi %scan3A_120, %scan3A_121 : i32
      %scan3A_123 = arith.constant 1 : i32
      scf.for %scan3A_254 = %scan3A_120 to %scan3A_122 step %scan3A_123  : i32 {
        %mul3A_255 = arith.constant 4 : i32
        %mul3A_256 = arith.muli %mul3A_255, %scan3A_254 : i32
        %add3A_257 = arith.addi %multiple_of3A, %mul3A_256 : i32
        %multiple_of3A_258 = tpu.assume_multiple %add3A_257, 2 : i32
        %dma_wait3A_259 = arith.constant 0 : i32
        %dma_wait3A_260 = arith.constant 0 : i32
        %dma_wait3A_261 = arith.constant 0 : i32
        %dma_wait3A_262 = arith.constant 0 : i32
        %dma_wait3A_263 = arith.constant 0 : i32
        %dma_wait3A_264 = tpu.memref_slice %arg8[%dma_wait3A_261, %dma_wait3A_262, %dma_wait3A_263] : memref<2x128x32xf32, #tpu.memory_space<vmem>> -> memref<1x128x32xf32, #tpu.memory_space<vmem>>
        %dma_wait3A_265 = tpu.memref_squeeze %dma_wait3A_264 : memref<1x128x32xf32, #tpu.memory_space<vmem>> -> memref<128x32xf32, #tpu.memory_space<vmem>>
        %dma_wait3A_266 = arith.constant 0 : i32
        %dma_wait3A_267 = tpu.memref_slice %arg6[%dma_wait3A_259, %dma_wait3A_260, %dma_wait3A_266] : memref<2x2x128xi32, #tpu.memory_space<vmem>> -> memref<1x1x128xi32, #tpu.memory_space<vmem>>
        %dma_wait3A_268 = tpu.memref_squeeze %dma_wait3A_267 : memref<1x1x128xi32, #tpu.memory_space<vmem>> -> memref<128xi32, #tpu.memory_space<vmem>>
        %dma_wait3A_269 = arith.constant 0 : i32
        %dma_wait3A_270 = arith.constant 0 : i32
        %dma_wait3A_271 = tpu.memref_slice %arg2[%scan3A_119, %dma_wait3A_269, %dma_wait3A_270] : memref<4x50000x32xf32, #tpu.memory_space<hbm>> -> memref<1x50000x32xf32, #tpu.memory_space<hbm>>
        %dma_wait3A_272 = tpu.memref_squeeze %dma_wait3A_271 : memref<1x50000x32xf32, #tpu.memory_space<hbm>> -> memref<50000x32xf32, #tpu.memory_space<hbm>>
        %dma_wait3A_273 = arith.constant 0 : i32
        %dma_wait3A_274 = arith.constant 0 : i32
        %dma_wait3A_275 = tpu.memref_slice %dma_wait3A_272[%dma_wait3A_273, %dma_wait3A_274] : memref<50000x32xf32, #tpu.memory_space<hbm>> -> memref<50000x32xf32, #tpu.memory_space<hbm>>
        tpu.wait_indirect_dma semaphore(%arg12 : memref<!tpu.dma_semaphore, #tpu.memory_space<semaphore_mem>>) src(%dma_wait3A_275 : memref<50000x32xf32, #tpu.memory_space<hbm>>) dst(%dma_wait3A_265 : memref<128x32xf32, #tpu.memory_space<vmem>>)
        %dma_wait3A_276 = arith.constant 1 : i32
        %dma_wait3A_277 = arith.constant 0 : i32
        %dma_wait3A_278 = arith.constant 1 : i32
        %dma_wait3A_279 = arith.constant 0 : i32
        %dma_wait3A_280 = arith.constant 0 : i32
        %dma_wait3A_281 = tpu.memref_slice %arg8[%dma_wait3A_278, %dma_wait3A_279, %dma_wait3A_280] : memref<2x128x32xf32, #tpu.memory_space<vmem>> -> memref<1x128x32xf32, #tpu.memory_space<vmem>>
        %dma_wait3A_282 = tpu.memref_squeeze %dma_wait3A_281 : memref<1x128x32xf32, #tpu.memory_space<vmem>> -> memref<128x32xf32, #tpu.memory_space<vmem>>
        %dma_wait3A_283 = arith.constant 0 : i32
        %dma_wait3A_284 = tpu.memref_slice %arg6[%dma_wait3A_276, %dma_wait3A_277, %dma_wait3A_283] : memref<2x2x128xi32, #tpu.memory_space<vmem>> -> memref<1x1x128xi32, #tpu.memory_space<vmem>>
        %dma_wait3A_285 = tpu.memref_squeeze %dma_wait3A_284 : memref<1x1x128xi32, #tpu.memory_space<vmem>> -> memref<128xi32, #tpu.memory_space<vmem>>
        %dma_wait3A_286 = arith.constant 0 : i32
        %dma_wait3A_287 = arith.constant 0 : i32
        %dma_wait3A_288 = tpu.memref_slice %arg2[%scan3A_119, %dma_wait3A_286, %dma_wait3A_287] : memref<4x50000x32xf32, #tpu.memory_space<hbm>> -> memref<1x50000x32xf32, #tpu.memory_space<hbm>>
        %dma_wait3A_289 = tpu.memref_squeeze %dma_wait3A_288 : memref<1x50000x32xf32, #tpu.memory_space<hbm>> -> memref<50000x32xf32, #tpu.memory_space<hbm>>
        %dma_wait3A_290 = arith.constant 0 : i32
        %dma_wait3A_291 = arith.constant 0 : i32
        %dma_wait3A_292 = tpu.memref_slice %dma_wait3A_289[%dma_wait3A_290, %dma_wait3A_291] : memref<50000x32xf32, #tpu.memory_space<hbm>> -> memref<50000x32xf32, #tpu.memory_space<hbm>>
        tpu.wait_indirect_dma semaphore(%arg12 : memref<!tpu.dma_semaphore, #tpu.memory_space<semaphore_mem>>) src(%dma_wait3A_292 : memref<50000x32xf32, #tpu.memory_space<hbm>>) dst(%dma_wait3A_282 : memref<128x32xf32, #tpu.memory_space<vmem>>)
        %add3A_293 = arith.constant 2 : i32
        %add3A_294 = arith.addi %multiple_of3A_258, %add3A_293 : i32
        %multiple_of3A_295 = tpu.assume_multiple %add3A_294, 2 : i32
        %dma_wait3A_296 = arith.constant 0 : i32
        %dma_wait3A_297 = arith.constant 0 : i32
        %dma_wait3A_298 = tpu.memref_slice %arg3[%multiple_of3A_295, %dma_wait3A_296, %dma_wait3A_297] : memref<6272x2x128xi32, #tpu.memory_space<hbm>> -> memref<2x2x128xi32, #tpu.memory_space<hbm>>
        %dma_wait3A_299 = arith.constant 0 : i32
        %dma_wait3A_300 = arith.constant 0 : i32
        %dma_wait3A_301 = tpu.memref_slice %arg3[%multiple_of3A_295, %dma_wait3A_299, %dma_wait3A_300] : memref<6272x2x128xi32, #tpu.memory_space<hbm>> -> memref<2x2x128xi32, #tpu.memory_space<hbm>>
        tpu.wait_dma2 semaphore(%arg11 : memref<!tpu.dma_semaphore, #tpu.memory_space<semaphore_mem>>) src(%dma_wait3A_301 : memref<2x2x128xi32, #tpu.memory_space<hbm>>) dst(%arg7 : memref<2x2x128xi32, #tpu.memory_space<vmem>>)
        %dma_start3A_302 = arith.constant 0 : i32
        %dma_start3A_303 = arith.constant 0 : i32
        %dma_start3A_304 = arith.constant 0 : i32
        %dma_start3A_305 = arith.constant 0 : i32
        %dma_start3A_306 = arith.constant 0 : i32
        %dma_start3A_307 = tpu.memref_slice %arg9[%dma_start3A_304, %dma_start3A_305, %dma_start3A_306] : memref<2x128x32xf32, #tpu.memory_space<vmem>> -> memref<1x128x32xf32, #tpu.memory_space<vmem>>
        %dma_start3A_308 = tpu.memref_squeeze %dma_start3A_307 : memref<1x128x32xf32, #tpu.memory_space<vmem>> -> memref<128x32xf32, #tpu.memory_space<vmem>>
        %dma_start3A_309 = arith.constant 0 : i32
        %dma_start3A_310 = tpu.memref_slice %arg7[%dma_start3A_302, %dma_start3A_303, %dma_start3A_309] : memref<2x2x128xi32, #tpu.memory_space<vmem>> -> memref<1x1x128xi32, #tpu.memory_space<vmem>>
        %dma_start3A_311 = tpu.memref_squeeze %dma_start3A_310 : memref<1x1x128xi32, #tpu.memory_space<vmem>> -> memref<128xi32, #tpu.memory_space<vmem>>
        %dma_start3A_312 = arith.constant 0 : i32
        %dma_start3A_313 = arith.constant 0 : i32
        %dma_start3A_314 = tpu.memref_slice %arg2[%scan3A_119, %dma_start3A_312, %dma_start3A_313] : memref<4x50000x32xf32, #tpu.memory_space<hbm>> -> memref<1x50000x32xf32, #tpu.memory_space<hbm>>
        %dma_start3A_315 = tpu.memref_squeeze %dma_start3A_314 : memref<1x50000x32xf32, #tpu.memory_space<hbm>> -> memref<50000x32xf32, #tpu.memory_space<hbm>>
        %dma_start3A_316 = arith.constant 0 : i32
        %dma_start3A_317 = arith.constant 0 : i32
        %dma_start3A_318 = tpu.memref_slice %dma_start3A_315[%dma_start3A_316, %dma_start3A_317] : memref<50000x32xf32, #tpu.memory_space<hbm>> -> memref<50000x32xf32, #tpu.memory_space<hbm>>
        tpu.enqueue_indirect_dma source(%dma_start3A_318 : memref<50000x32xf32, #tpu.memory_space<hbm>>) target(%dma_start3A_308 : memref<128x32xf32, #tpu.memory_space<vmem>>) offsets(%dma_start3A_311 : memref<128xi32, #tpu.memory_space<vmem>>) semaphore(%arg13 : memref<!tpu.dma_semaphore, #tpu.memory_space<semaphore_mem>>)
        %dma_start3A_319 = arith.constant 1 : i32
        %dma_start3A_320 = arith.constant 0 : i32
        %dma_start3A_321 = arith.constant 1 : i32
        %dma_start3A_322 = arith.constant 0 : i32
        %dma_start3A_323 = arith.constant 0 : i32
        %dma_start3A_324 = tpu.memref_slice %arg9[%dma_start3A_321, %dma_start3A_322, %dma_start3A_323] : memref<2x128x32xf32, #tpu.memory_space<vmem>> -> memref<1x128x32xf32, #tpu.memory_space<vmem>>
        %dma_start3A_325 = tpu.memref_squeeze %dma_start3A_324 : memref<1x128x32xf32, #tpu.memory_space<vmem>> -> memref<128x32xf32, #tpu.memory_space<vmem>>
        %dma_start3A_326 = arith.constant 0 : i32
        %dma_start3A_327 = tpu.memref_slice %arg7[%dma_start3A_319, %dma_start3A_320, %dma_start3A_326] : memref<2x2x128xi32, #tpu.memory_space<vmem>> -> memref<1x1x128xi32, #tpu.memory_space<vmem>>
        %dma_start3A_328 = tpu.memref_squeeze %dma_start3A_327 : memref<1x1x128xi32, #tpu.memory_space<vmem>> -> memref<128xi32, #tpu.memory_space<vmem>>
        %dma_start3A_329 = arith.constant 0 : i32
        %dma_start3A_330 = arith.constant 0 : i32
        %dma_start3A_331 = tpu.memref_slice %arg2[%scan3A_119, %dma_start3A_329, %dma_start3A_330] : memref<4x50000x32xf32, #tpu.memory_space<hbm>> -> memref<1x50000x32xf32, #tpu.memory_space<hbm>>
        %dma_start3A_332 = tpu.memref_squeeze %dma_start3A_331 : memref<1x50000x32xf32, #tpu.memory_space<hbm>> -> memref<50000x32xf32, #tpu.memory_space<hbm>>
        %dma_start3A_333 = arith.constant 0 : i32
        %dma_start3A_334 = arith.constant 0 : i32
        %dma_start3A_335 = tpu.memref_slice %dma_start3A_332[%dma_start3A_333, %dma_start3A_334] : memref<50000x32xf32, #tpu.memory_space<hbm>> -> memref<50000x32xf32, #tpu.memory_space<hbm>>
        tpu.enqueue_indirect_dma source(%dma_start3A_335 : memref<50000x32xf32, #tpu.memory_space<hbm>>) target(%dma_start3A_325 : memref<128x32xf32, #tpu.memory_space<vmem>>) offsets(%dma_start3A_328 : memref<128xi32, #tpu.memory_space<vmem>>) semaphore(%arg13 : memref<!tpu.dma_semaphore, #tpu.memory_space<semaphore_mem>>)
        %run_scoped3A_336 = arith.constant 0 : i32
        %run_scoped3A_337 = arith.constant 0 : i32
        %run_scoped3A_338 = arith.constant 1 : i32
        "tpu.region"() ({
          %run_scoped3A_440 = tpu.sem_alloc : memref<!tpu.dma_semaphore, #tpu.memory_space<semaphore_mem>>
          %dma_start3A_441 = arith.constant 0 : i32
          %dma_start3A_442 = arith.constant 0 : i32
          %dma_start3A_443 = tpu.memref_slice %arg8[%run_scoped3A_336, %dma_start3A_441, %dma_start3A_442] : memref<2x128x32xf32, #tpu.memory_space<vmem>> -> memref<1x128x32xf32, #tpu.memory_space<vmem>>
          %dma_start3A_444 = tpu.memref_squeeze %dma_start3A_443 : memref<1x128x32xf32, #tpu.memory_space<vmem>> -> memref<128x32xf32, #tpu.memory_space<vmem>>
          %dma_start3A_445 = arith.constant 0 : i32
          %dma_start3A_446 = tpu.memref_slice %arg6[%run_scoped3A_337, %run_scoped3A_338, %dma_start3A_445] : memref<2x2x128xi32, #tpu.memory_space<vmem>> -> memref<1x1x128xi32, #tpu.memory_space<vmem>>
          %dma_start3A_447 = tpu.memref_squeeze %dma_start3A_446 : memref<1x1x128xi32, #tpu.memory_space<vmem>> -> memref<128xi32, #tpu.memory_space<vmem>>
          %dma_start3A_448 = arith.constant 0 : i32
          %dma_start3A_449 = arith.constant 0 : i32
          %dma_start3A_450 = tpu.memref_slice %arg5[%dma_start3A_448, %dma_start3A_449] : memref<50048x32xf32, #tpu.memory_space<vmem_shared>> -> memref<50048x32xf32, #tpu.memory_space<vmem_shared>>
          tpu.enqueue_indirect_dma source(%dma_start3A_444 : memref<128x32xf32, #tpu.memory_space<vmem>>) target(%dma_start3A_450 : memref<50048x32xf32, #tpu.memory_space<vmem_shared>>) offsets(%dma_start3A_447 : memref<128xi32, #tpu.memory_space<vmem>>) semaphore(%run_scoped3A_440 : memref<!tpu.dma_semaphore, #tpu.memory_space<semaphore_mem>>) {add = true}
          %dma_wait3A_451 = arith.constant 0 : i32
          %dma_wait3A_452 = arith.constant 0 : i32
          %dma_wait3A_453 = tpu.memref_slice %arg8[%run_scoped3A_336, %dma_wait3A_451, %dma_wait3A_452] : memref<2x128x32xf32, #tpu.memory_space<vmem>> -> memref<1x128x32xf32, #tpu.memory_space<vmem>>
          %dma_wait3A_454 = tpu.memref_squeeze %dma_wait3A_453 : memref<1x128x32xf32, #tpu.memory_space<vmem>> -> memref<128x32xf32, #tpu.memory_space<vmem>>
          %dma_wait3A_455 = arith.constant 0 : i32
          %dma_wait3A_456 = tpu.memref_slice %arg6[%run_scoped3A_337, %run_scoped3A_338, %dma_wait3A_455] : memref<2x2x128xi32, #tpu.memory_space<vmem>> -> memref<1x1x128xi32, #tpu.memory_space<vmem>>
          %dma_wait3A_457 = tpu.memref_squeeze %dma_wait3A_456 : memref<1x1x128xi32, #tpu.memory_space<vmem>> -> memref<128xi32, #tpu.memory_space<vmem>>
          %dma_wait3A_458 = arith.constant 0 : i32
          %dma_wait3A_459 = arith.constant 0 : i32
          %dma_wait3A_460 = tpu.memref_slice %arg5[%dma_wait3A_458, %dma_wait3A_459] : memref<50048x32xf32, #tpu.memory_space<vmem_shared>> -> memref<50048x32xf32, #tpu.memory_space<vmem_shared>>
          tpu.wait_indirect_dma semaphore(%run_scoped3A_440 : memref<!tpu.dma_semaphore, #tpu.memory_space<semaphore_mem>>) src(%dma_wait3A_454 : memref<128x32xf32, #tpu.memory_space<vmem>>) dst(%dma_wait3A_460 : memref<50048x32xf32, #tpu.memory_space<vmem_shared>>)
          tpu.yield
        }) : () -> ()
        %run_scoped3A_339 = arith.constant 1 : i32
        %run_scoped3A_340 = arith.constant 1 : i32
        %run_scoped3A_341 = arith.constant 1 : i32
        "tpu.region"() ({
          %run_scoped3A_440 = tpu.sem_alloc : memref<!tpu.dma_semaphore, #tpu.memory_space<semaphore_mem>>
          %dma_start3A_441 = arith.constant 0 : i32
          %dma_start3A_442 = arith.constant 0 : i32
          %dma_start3A_443 = tpu.memref_slice %arg8[%run_scoped3A_339, %dma_start3A_441, %dma_start3A_442] : memref<2x128x32xf32, #tpu.memory_space<vmem>> -> memref<1x128x32xf32, #tpu.memory_space<vmem>>
          %dma_start3A_444 = tpu.memref_squeeze %dma_start3A_443 : memref<1x128x32xf32, #tpu.memory_space<vmem>> -> memref<128x32xf32, #tpu.memory_space<vmem>>
          %dma_start3A_445 = arith.constant 0 : i32
          %dma_start3A_446 = tpu.memref_slice %arg6[%run_scoped3A_340, %run_scoped3A_341, %dma_start3A_445] : memref<2x2x128xi32, #tpu.memory_space<vmem>> -> memref<1x1x128xi32, #tpu.memory_space<vmem>>
          %dma_start3A_447 = tpu.memref_squeeze %dma_start3A_446 : memref<1x1x128xi32, #tpu.memory_space<vmem>> -> memref<128xi32, #tpu.memory_space<vmem>>
          %dma_start3A_448 = arith.constant 0 : i32
          %dma_start3A_449 = arith.constant 0 : i32
          %dma_start3A_450 = tpu.memref_slice %arg5[%dma_start3A_448, %dma_start3A_449] : memref<50048x32xf32, #tpu.memory_space<vmem_shared>> -> memref<50048x32xf32, #tpu.memory_space<vmem_shared>>
          tpu.enqueue_indirect_dma source(%dma_start3A_444 : memref<128x32xf32, #tpu.memory_space<vmem>>) target(%dma_start3A_450 : memref<50048x32xf32, #tpu.memory_space<vmem_shared>>) offsets(%dma_start3A_447 : memref<128xi32, #tpu.memory_space<vmem>>) semaphore(%run_scoped3A_440 : memref<!tpu.dma_semaphore, #tpu.memory_space<semaphore_mem>>) {add = true}
          %dma_wait3A_451 = arith.constant 0 : i32
          %dma_wait3A_452 = arith.constant 0 : i32
          %dma_wait3A_453 = tpu.memref_slice %arg8[%run_scoped3A_339, %dma_wait3A_451, %dma_wait3A_452] : memref<2x128x32xf32, #tpu.memory_space<vmem>> -> memref<1x128x32xf32, #tpu.memory_space<vmem>>
          %dma_wait3A_454 = tpu.memref_squeeze %dma_wait3A_453 : memref<1x128x32xf32, #tpu.memory_space<vmem>> -> memref<128x32xf32, #tpu.memory_space<vmem>>
          %dma_wait3A_455 = arith.constant 0 : i32
          %dma_wait3A_456 = tpu.memref_slice %arg6[%run_scoped3A_340, %run_scoped3A_341, %dma_wait3A_455] : memref<2x2x128xi32, #tpu.memory_space<vmem>> -> memref<1x1x128xi32, #tpu.memory_space<vmem>>
          %dma_wait3A_457 = tpu.memref_squeeze %dma_wait3A_456 : memref<1x1x128xi32, #tpu.memory_space<vmem>> -> memref<128xi32, #tpu.memory_space<vmem>>
          %dma_wait3A_458 = arith.constant 0 : i32
          %dma_wait3A_459 = arith.constant 0 : i32
          %dma_wait3A_460 = tpu.memref_slice %arg5[%dma_wait3A_458, %dma_wait3A_459] : memref<50048x32xf32, #tpu.memory_space<vmem_shared>> -> memref<50048x32xf32, #tpu.memory_space<vmem_shared>>
          tpu.wait_indirect_dma semaphore(%run_scoped3A_440 : memref<!tpu.dma_semaphore, #tpu.memory_space<semaphore_mem>>) src(%dma_wait3A_454 : memref<128x32xf32, #tpu.memory_space<vmem>>) dst(%dma_wait3A_460 : memref<50048x32xf32, #tpu.memory_space<vmem_shared>>)
          tpu.yield
        }) : () -> ()
        %add3A_342 = arith.constant 4 : i32
        %add3A_343 = arith.addi %multiple_of3A_258, %add3A_342 : i32
        %multiple_of3A_344 = tpu.assume_multiple %add3A_343, 2 : i32
        %dma_start3A_345 = arith.constant 0 : i32
        %dma_start3A_346 = arith.constant 0 : i32
        %dma_start3A_347 = tpu.memref_slice %arg3[%multiple_of3A_344, %dma_start3A_345, %dma_start3A_346] : memref<6272x2x128xi32, #tpu.memory_space<hbm>> -> memref<2x2x128xi32, #tpu.memory_space<hbm>>
        %dma_start3A_348 = arith.constant 0 : i32
        %dma_start3A_349 = arith.constant 0 : i32
        %dma_start3A_350 = tpu.memref_slice %arg3[%multiple_of3A_344, %dma_start3A_348, %dma_start3A_349] : memref<6272x2x128xi32, #tpu.memory_space<hbm>> -> memref<2x2x128xi32, #tpu.memory_space<hbm>>
        tpu.enqueue_dma source(%dma_start3A_350 : memref<2x2x128xi32, #tpu.memory_space<hbm>>) target(%arg6 : memref<2x2x128xi32, #tpu.memory_space<vmem>>) target_semaphore(%arg10 : memref<!tpu.dma_semaphore, #tpu.memory_space<semaphore_mem>>)
        %dma_wait3A_351 = arith.constant 0 : i32
        %dma_wait3A_352 = arith.constant 0 : i32
        %dma_wait3A_353 = arith.constant 0 : i32
        %dma_wait3A_354 = arith.constant 0 : i32
        %dma_wait3A_355 = arith.constant 0 : i32
        %dma_wait3A_356 = tpu.memref_slice %arg9[%dma_wait3A_353, %dma_wait3A_354, %dma_wait3A_355] : memref<2x128x32xf32, #tpu.memory_space<vmem>> -> memref<1x128x32xf32, #tpu.memory_space<vmem>>
        %dma_wait3A_357 = tpu.memref_squeeze %dma_wait3A_356 : memref<1x128x32xf32, #tpu.memory_space<vmem>> -> memref<128x32xf32, #tpu.memory_space<vmem>>
        %dma_wait3A_358 = arith.constant 0 : i32
        %dma_wait3A_359 = tpu.memref_slice %arg7[%dma_wait3A_351, %dma_wait3A_352, %dma_wait3A_358] : memref<2x2x128xi32, #tpu.memory_space<vmem>> -> memref<1x1x128xi32, #tpu.memory_space<vmem>>
        %dma_wait3A_360 = tpu.memref_squeeze %dma_wait3A_359 : memref<1x1x128xi32, #tpu.memory_space<vmem>> -> memref<128xi32, #tpu.memory_space<vmem>>
        %dma_wait3A_361 = arith.constant 0 : i32
        %dma_wait3A_362 = arith.constant 0 : i32
        %dma_wait3A_363 = tpu.memref_slice %arg2[%scan3A_119, %dma_wait3A_361, %dma_wait3A_362] : memref<4x50000x32xf32, #tpu.memory_space<hbm>> -> memref<1x50000x32xf32, #tpu.memory_space<hbm>>
        %dma_wait3A_364 = tpu.memref_squeeze %dma_wait3A_363 : memref<1x50000x32xf32, #tpu.memory_space<hbm>> -> memref<50000x32xf32, #tpu.memory_space<hbm>>
        %dma_wait3A_365 = arith.constant 0 : i32
        %dma_wait3A_366 = arith.constant 0 : i32
        %dma_wait3A_367 = tpu.memref_slice %dma_wait3A_364[%dma_wait3A_365, %dma_wait3A_366] : memref<50000x32xf32, #tpu.memory_space<hbm>> -> memref<50000x32xf32, #tpu.memory_space<hbm>>
        tpu.wait_indirect_dma semaphore(%arg13 : memref<!tpu.dma_semaphore, #tpu.memory_space<semaphore_mem>>) src(%dma_wait3A_367 : memref<50000x32xf32, #tpu.memory_space<hbm>>) dst(%dma_wait3A_357 : memref<128x32xf32, #tpu.memory_space<vmem>>)
        %dma_wait3A_368 = arith.constant 1 : i32
        %dma_wait3A_369 = arith.constant 0 : i32
        %dma_wait3A_370 = arith.constant 1 : i32
        %dma_wait3A_371 = arith.constant 0 : i32
        %dma_wait3A_372 = arith.constant 0 : i32
        %dma_wait3A_373 = tpu.memref_slice %arg9[%dma_wait3A_370, %dma_wait3A_371, %dma_wait3A_372] : memref<2x128x32xf32, #tpu.memory_space<vmem>> -> memref<1x128x32xf32, #tpu.memory_space<vmem>>
        %dma_wait3A_374 = tpu.memref_squeeze %dma_wait3A_373 : memref<1x128x32xf32, #tpu.memory_space<vmem>> -> memref<128x32xf32, #tpu.memory_space<vmem>>
        %dma_wait3A_375 = arith.constant 0 : i32
        %dma_wait3A_376 = tpu.memref_slice %arg7[%dma_wait3A_368, %dma_wait3A_369, %dma_wait3A_375] : memref<2x2x128xi32, #tpu.memory_space<vmem>> -> memref<1x1x128xi32, #tpu.memory_space<vmem>>
        %dma_wait3A_377 = tpu.memref_squeeze %dma_wait3A_376 : memref<1x1x128xi32, #tpu.memory_space<vmem>> -> memref<128xi32, #tpu.memory_space<vmem>>
        %dma_wait3A_378 = arith.constant 0 : i32
        %dma_wait3A_379 = arith.constant 0 : i32
        %dma_wait3A_380 = tpu.memref_slice %arg2[%scan3A_119, %dma_wait3A_378, %dma_wait3A_379] : memref<4x50000x32xf32, #tpu.memory_space<hbm>> -> memref<1x50000x32xf32, #tpu.memory_space<hbm>>
        %dma_wait3A_381 = tpu.memref_squeeze %dma_wait3A_380 : memref<1x50000x32xf32, #tpu.memory_space<hbm>> -> memref<50000x32xf32, #tpu.memory_space<hbm>>
        %dma_wait3A_382 = arith.constant 0 : i32
        %dma_wait3A_383 = arith.constant 0 : i32
        %dma_wait3A_384 = tpu.memref_slice %dma_wait3A_381[%dma_wait3A_382, %dma_wait3A_383] : memref<50000x32xf32, #tpu.memory_space<hbm>> -> memref<50000x32xf32, #tpu.memory_space<hbm>>
        tpu.wait_indirect_dma semaphore(%arg13 : memref<!tpu.dma_semaphore, #tpu.memory_space<semaphore_mem>>) src(%dma_wait3A_384 : memref<50000x32xf32, #tpu.memory_space<hbm>>) dst(%dma_wait3A_374 : memref<128x32xf32, #tpu.memory_space<vmem>>)
        %dma_wait3A_385 = arith.constant 0 : i32
        %dma_wait3A_386 = arith.constant 0 : i32
        %dma_wait3A_387 = tpu.memref_slice %arg3[%multiple_of3A_344, %dma_wait3A_385, %dma_wait3A_386] : memref<6272x2x128xi32, #tpu.memory_space<hbm>> -> memref<2x2x128xi32, #tpu.memory_space<hbm>>
        %dma_wait3A_388 = arith.constant 0 : i32
        %dma_wait3A_389 = arith.constant 0 : i32
        %dma_wait3A_390 = tpu.memref_slice %arg3[%multiple_of3A_344, %dma_wait3A_388, %dma_wait3A_389] : memref<6272x2x128xi32, #tpu.memory_space<hbm>> -> memref<2x2x128xi32, #tpu.memory_space<hbm>>
        tpu.wait_dma2 semaphore(%arg10 : memref<!tpu.dma_semaphore, #tpu.memory_space<semaphore_mem>>) src(%dma_wait3A_390 : memref<2x2x128xi32, #tpu.memory_space<hbm>>) dst(%arg6 : memref<2x2x128xi32, #tpu.memory_space<vmem>>)
        %dma_start3A_391 = arith.constant 0 : i32
        %dma_start3A_392 = arith.constant 0 : i32
        %dma_start3A_393 = arith.constant 0 : i32
        %dma_start3A_394 = arith.constant 0 : i32
        %dma_start3A_395 = arith.constant 0 : i32
        %dma_start3A_396 = tpu.memref_slice %arg8[%dma_start3A_393, %dma_start3A_394, %dma_start3A_395] : memref<2x128x32xf32, #tpu.memory_space<vmem>> -> memref<1x128x32xf32, #tpu.memory_space<vmem>>
        %dma_start3A_397 = tpu.memref_squeeze %dma_start3A_396 : memref<1x128x32xf32, #tpu.memory_space<vmem>> -> memref<128x32xf32, #tpu.memory_space<vmem>>
        %dma_start3A_398 = arith.constant 0 : i32
        %dma_start3A_399 = tpu.memref_slice %arg6[%dma_start3A_391, %dma_start3A_392, %dma_start3A_398] : memref<2x2x128xi32, #tpu.memory_space<vmem>> -> memref<1x1x128xi32, #tpu.memory_space<vmem>>
        %dma_start3A_400 = tpu.memref_squeeze %dma_start3A_399 : memref<1x1x128xi32, #tpu.memory_space<vmem>> -> memref<128xi32, #tpu.memory_space<vmem>>
        %dma_start3A_401 = arith.constant 0 : i32
        %dma_start3A_402 = arith.constant 0 : i32
        %dma_start3A_403 = tpu.memref_slice %arg2[%scan3A_119, %dma_start3A_401, %dma_start3A_402] : memref<4x50000x32xf32, #tpu.memory_space<hbm>> -> memref<1x50000x32xf32, #tpu.memory_space<hbm>>
        %dma_start3A_404 = tpu.memref_squeeze %dma_start3A_403 : memref<1x50000x32xf32, #tpu.memory_space<hbm>> -> memref<50000x32xf32, #tpu.memory_space<hbm>>
        %dma_start3A_405 = arith.constant 0 : i32
        %dma_start3A_406 = arith.constant 0 : i32
        %dma_start3A_407 = tpu.memref_slice %dma_start3A_404[%dma_start3A_405, %dma_start3A_406] : memref<50000x32xf32, #tpu.memory_space<hbm>> -> memref<50000x32xf32, #tpu.memory_space<hbm>>
        tpu.enqueue_indirect_dma source(%dma_start3A_407 : memref<50000x32xf32, #tpu.memory_space<hbm>>) target(%dma_start3A_397 : memref<128x32xf32, #tpu.memory_space<vmem>>) offsets(%dma_start3A_400 : memref<128xi32, #tpu.memory_space<vmem>>) semaphore(%arg12 : memref<!tpu.dma_semaphore, #tpu.memory_space<semaphore_mem>>)
        %dma_start3A_408 = arith.constant 1 : i32
        %dma_start3A_409 = arith.constant 0 : i32
        %dma_start3A_410 = arith.constant 1 : i32
        %dma_start3A_411 = arith.constant 0 : i32
        %dma_start3A_412 = arith.constant 0 : i32
        %dma_start3A_413 = tpu.memref_slice %arg8[%dma_start3A_410, %dma_start3A_411, %dma_start3A_412] : memref<2x128x32xf32, #tpu.memory_space<vmem>> -> memref<1x128x32xf32, #tpu.memory_space<vmem>>
        %dma_start3A_414 = tpu.memref_squeeze %dma_start3A_413 : memref<1x128x32xf32, #tpu.memory_space<vmem>> -> memref<128x32xf32, #tpu.memory_space<vmem>>
        %dma_start3A_415 = arith.constant 0 : i32
        %dma_start3A_416 = tpu.memref_slice %arg6[%dma_start3A_408, %dma_start3A_409, %dma_start3A_415] : memref<2x2x128xi32, #tpu.memory_space<vmem>> -> memref<1x1x128xi32, #tpu.memory_space<vmem>>
        %dma_start3A_417 = tpu.memref_squeeze %dma_start3A_416 : memref<1x1x128xi32, #tpu.memory_space<vmem>> -> memref<128xi32, #tpu.memory_space<vmem>>
        %dma_start3A_418 = arith.constant 0 : i32
        %dma_start3A_419 = arith.constant 0 : i32
        %dma_start3A_420 = tpu.memref_slice %arg2[%scan3A_119, %dma_start3A_418, %dma_start3A_419] : memref<4x50000x32xf32, #tpu.memory_space<hbm>> -> memref<1x50000x32xf32, #tpu.memory_space<hbm>>
        %dma_start3A_421 = tpu.memref_squeeze %dma_start3A_420 : memref<1x50000x32xf32, #tpu.memory_space<hbm>> -> memref<50000x32xf32, #tpu.memory_space<hbm>>
        %dma_start3A_422 = arith.constant 0 : i32
        %dma_start3A_423 = arith.constant 0 : i32
        %dma_start3A_424 = tpu.memref_slice %dma_start3A_421[%dma_start3A_422, %dma_start3A_423] : memref<50000x32xf32, #tpu.memory_space<hbm>> -> memref<50000x32xf32, #tpu.memory_space<hbm>>
        tpu.enqueue_indirect_dma source(%dma_start3A_424 : memref<50000x32xf32, #tpu.memory_space<hbm>>) target(%dma_start3A_414 : memref<128x32xf32, #tpu.memory_space<vmem>>) offsets(%dma_start3A_417 : memref<128xi32, #tpu.memory_space<vmem>>) semaphore(%arg12 : memref<!tpu.dma_semaphore, #tpu.memory_space<semaphore_mem>>)
        %run_scoped3A_425 = arith.constant 0 : i32
        %run_scoped3A_426 = arith.constant 0 : i32
        %run_scoped3A_427 = arith.constant 1 : i32
        "tpu.region"() ({
          %run_scoped3A_440 = tpu.sem_alloc : memref<!tpu.dma_semaphore, #tpu.memory_space<semaphore_mem>>
          %dma_start3A_441 = arith.constant 0 : i32
          %dma_start3A_442 = arith.constant 0 : i32
          %dma_start3A_443 = tpu.memref_slice %arg9[%run_scoped3A_425, %dma_start3A_441, %dma_start3A_442] : memref<2x128x32xf32, #tpu.memory_space<vmem>> -> memref<1x128x32xf32, #tpu.memory_space<vmem>>
          %dma_start3A_444 = tpu.memref_squeeze %dma_start3A_443 : memref<1x128x32xf32, #tpu.memory_space<vmem>> -> memref<128x32xf32, #tpu.memory_space<vmem>>
          %dma_start3A_445 = arith.constant 0 : i32
          %dma_start3A_446 = tpu.memref_slice %arg7[%run_scoped3A_426, %run_scoped3A_427, %dma_start3A_445] : memref<2x2x128xi32, #tpu.memory_space<vmem>> -> memref<1x1x128xi32, #tpu.memory_space<vmem>>
          %dma_start3A_447 = tpu.memref_squeeze %dma_start3A_446 : memref<1x1x128xi32, #tpu.memory_space<vmem>> -> memref<128xi32, #tpu.memory_space<vmem>>
          %dma_start3A_448 = arith.constant 0 : i32
          %dma_start3A_449 = arith.constant 0 : i32
          %dma_start3A_450 = tpu.memref_slice %arg5[%dma_start3A_448, %dma_start3A_449] : memref<50048x32xf32, #tpu.memory_space<vmem_shared>> -> memref<50048x32xf32, #tpu.memory_space<vmem_shared>>
          tpu.enqueue_indirect_dma source(%dma_start3A_444 : memref<128x32xf32, #tpu.memory_space<vmem>>) target(%dma_start3A_450 : memref<50048x32xf32, #tpu.memory_space<vmem_shared>>) offsets(%dma_start3A_447 : memref<128xi32, #tpu.memory_space<vmem>>) semaphore(%run_scoped3A_440 : memref<!tpu.dma_semaphore, #tpu.memory_space<semaphore_mem>>) {add = true}
          %dma_wait3A_451 = arith.constant 0 : i32
          %dma_wait3A_452 = arith.constant 0 : i32
          %dma_wait3A_453 = tpu.memref_slice %arg9[%run_scoped3A_425, %dma_wait3A_451, %dma_wait3A_452] : memref<2x128x32xf32, #tpu.memory_space<vmem>> -> memref<1x128x32xf32, #tpu.memory_space<vmem>>
          %dma_wait3A_454 = tpu.memref_squeeze %dma_wait3A_453 : memref<1x128x32xf32, #tpu.memory_space<vmem>> -> memref<128x32xf32, #tpu.memory_space<vmem>>
          %dma_wait3A_455 = arith.constant 0 : i32
          %dma_wait3A_456 = tpu.memref_slice %arg7[%run_scoped3A_426, %run_scoped3A_427, %dma_wait3A_455] : memref<2x2x128xi32, #tpu.memory_space<vmem>> -> memref<1x1x128xi32, #tpu.memory_space<vmem>>
          %dma_wait3A_457 = tpu.memref_squeeze %dma_wait3A_456 : memref<1x1x128xi32, #tpu.memory_space<vmem>> -> memref<128xi32, #tpu.memory_space<vmem>>
          %dma_wait3A_458 = arith.constant 0 : i32
          %dma_wait3A_459 = arith.constant 0 : i32
          %dma_wait3A_460 = tpu.memref_slice %arg5[%dma_wait3A_458, %dma_wait3A_459] : memref<50048x32xf32, #tpu.memory_space<vmem_shared>> -> memref<50048x32xf32, #tpu.memory_space<vmem_shared>>
          tpu.wait_indirect_dma semaphore(%run_scoped3A_440 : memref<!tpu.dma_semaphore, #tpu.memory_space<semaphore_mem>>) src(%dma_wait3A_454 : memref<128x32xf32, #tpu.memory_space<vmem>>) dst(%dma_wait3A_460 : memref<50048x32xf32, #tpu.memory_space<vmem_shared>>)
          tpu.yield
        }) : () -> ()
        %run_scoped3A_428 = arith.constant 1 : i32
        %run_scoped3A_429 = arith.constant 1 : i32
        %run_scoped3A_430 = arith.constant 1 : i32
        "tpu.region"() ({
          %run_scoped3A_440 = tpu.sem_alloc : memref<!tpu.dma_semaphore, #tpu.memory_space<semaphore_mem>>
          %dma_start3A_441 = arith.constant 0 : i32
          %dma_start3A_442 = arith.constant 0 : i32
          %dma_start3A_443 = tpu.memref_slice %arg9[%run_scoped3A_428, %dma_start3A_441, %dma_start3A_442] : memref<2x128x32xf32, #tpu.memory_space<vmem>> -> memref<1x128x32xf32, #tpu.memory_space<vmem>>
          %dma_start3A_444 = tpu.memref_squeeze %dma_start3A_443 : memref<1x128x32xf32, #tpu.memory_space<vmem>> -> memref<128x32xf32, #tpu.memory_space<vmem>>
          %dma_start3A_445 = arith.constant 0 : i32
          %dma_start3A_446 = tpu.memref_slice %arg7[%run_scoped3A_429, %run_scoped3A_430, %dma_start3A_445] : memref<2x2x128xi32, #tpu.memory_space<vmem>> -> memref<1x1x128xi32, #tpu.memory_space<vmem>>
          %dma_start3A_447 = tpu.memref_squeeze %dma_start3A_446 : memref<1x1x128xi32, #tpu.memory_space<vmem>> -> memref<128xi32, #tpu.memory_space<vmem>>
          %dma_start3A_448 = arith.constant 0 : i32
          %dma_start3A_449 = arith.constant 0 : i32
          %dma_start3A_450 = tpu.memref_slice %arg5[%dma_start3A_448, %dma_start3A_449] : memref<50048x32xf32, #tpu.memory_space<vmem_shared>> -> memref<50048x32xf32, #tpu.memory_space<vmem_shared>>
          tpu.enqueue_indirect_dma source(%dma_start3A_444 : memref<128x32xf32, #tpu.memory_space<vmem>>) target(%dma_start3A_450 : memref<50048x32xf32, #tpu.memory_space<vmem_shared>>) offsets(%dma_start3A_447 : memref<128xi32, #tpu.memory_space<vmem>>) semaphore(%run_scoped3A_440 : memref<!tpu.dma_semaphore, #tpu.memory_space<semaphore_mem>>) {add = true}
          %dma_wait3A_451 = arith.constant 0 : i32
          %dma_wait3A_452 = arith.constant 0 : i32
          %dma_wait3A_453 = tpu.memref_slice %arg9[%run_scoped3A_428, %dma_wait3A_451, %dma_wait3A_452] : memref<2x128x32xf32, #tpu.memory_space<vmem>> -> memref<1x128x32xf32, #tpu.memory_space<vmem>>
          %dma_wait3A_454 = tpu.memref_squeeze %dma_wait3A_453 : memref<1x128x32xf32, #tpu.memory_space<vmem>> -> memref<128x32xf32, #tpu.memory_space<vmem>>
          %dma_wait3A_455 = arith.constant 0 : i32
          %dma_wait3A_456 = tpu.memref_slice %arg7[%run_scoped3A_429, %run_scoped3A_430, %dma_wait3A_455] : memref<2x2x128xi32, #tpu.memory_space<vmem>> -> memref<1x1x128xi32, #tpu.memory_space<vmem>>
          %dma_wait3A_457 = tpu.memref_squeeze %dma_wait3A_456 : memref<1x1x128xi32, #tpu.memory_space<vmem>> -> memref<128xi32, #tpu.memory_space<vmem>>
          %dma_wait3A_458 = arith.constant 0 : i32
          %dma_wait3A_459 = arith.constant 0 : i32
          %dma_wait3A_460 = tpu.memref_slice %arg5[%dma_wait3A_458, %dma_wait3A_459] : memref<50048x32xf32, #tpu.memory_space<vmem_shared>> -> memref<50048x32xf32, #tpu.memory_space<vmem_shared>>
          tpu.wait_indirect_dma semaphore(%run_scoped3A_440 : memref<!tpu.dma_semaphore, #tpu.memory_space<semaphore_mem>>) src(%dma_wait3A_454 : memref<128x32xf32, #tpu.memory_space<vmem>>) dst(%dma_wait3A_460 : memref<50048x32xf32, #tpu.memory_space<vmem_shared>>)
          tpu.yield
        }) : () -> ()
        %add3A_431 = arith.constant 6 : i32
        %add3A_432 = arith.addi %multiple_of3A_258, %add3A_431 : i32
        %multiple_of3A_433 = tpu.assume_multiple %add3A_432, 2 : i32
        %dma_start3A_434 = arith.constant 0 : i32
        %dma_start3A_435 = arith.constant 0 : i32
        %dma_start3A_436 = tpu.memref_slice %arg3[%multiple_of3A_433, %dma_start3A_434, %dma_start3A_435] : memref<6272x2x128xi32, #tpu.memory_space<hbm>> -> memref<2x2x128xi32, #tpu.memory_space<hbm>>
        %dma_start3A_437 = arith.constant 0 : i32
        %dma_start3A_438 = arith.constant 0 : i32
        %dma_start3A_439 = tpu.memref_slice %arg3[%multiple_of3A_433, %dma_start3A_437, %dma_start3A_438] : memref<6272x2x128xi32, #tpu.memory_space<hbm>> -> memref<2x2x128xi32, #tpu.memory_space<hbm>>
        tpu.enqueue_dma source(%dma_start3A_439 : memref<2x2x128xi32, #tpu.memory_space<hbm>>) target(%arg7 : memref<2x2x128xi32, #tpu.memory_space<vmem>>) target_semaphore(%arg11 : memref<!tpu.dma_semaphore, #tpu.memory_space<semaphore_mem>>)
      }
      %scan3A_124 = arith.constant 97 : i32
      %dma_wait3A_125 = arith.constant 2 : i32
      %dma_wait3A_126 = arith.constant 0 : i32
      %dma_wait3A_127 = arith.constant 0 : i32
      %dma_wait3A_128 = arith.constant 0 : i32
      %dma_wait3A_129 = arith.constant 0 : i32
      %dma_wait3A_130 = arith.constant 0 : i32
      %dma_wait3A_131 = tpu.memref_slice %arg8[%dma_wait3A_128, %dma_wait3A_129, %dma_wait3A_130] : memref<2x128x32xf32, #tpu.memory_space<vmem>> -> memref<1x128x32xf32, #tpu.memory_space<vmem>>
      %dma_wait3A_132 = tpu.memref_squeeze %dma_wait3A_131 : memref<1x128x32xf32, #tpu.memory_space<vmem>> -> memref<128x32xf32, #tpu.memory_space<vmem>>
      %dma_wait3A_133 = arith.constant 0 : i32
      %dma_wait3A_134 = tpu.memref_slice %arg6[%dma_wait3A_126, %dma_wait3A_127, %dma_wait3A_133] : memref<2x2x128xi32, #tpu.memory_space<vmem>> -> memref<1x1x128xi32, #tpu.memory_space<vmem>>
      %dma_wait3A_135 = tpu.memref_squeeze %dma_wait3A_134 : memref<1x1x128xi32, #tpu.memory_space<vmem>> -> memref<128xi32, #tpu.memory_space<vmem>>
      %dma_wait3A_136 = arith.constant 0 : i32
      %dma_wait3A_137 = arith.constant 0 : i32
      %dma_wait3A_138 = tpu.memref_slice %arg2[%dma_wait3A_125, %dma_wait3A_136, %dma_wait3A_137] : memref<4x50000x32xf32, #tpu.memory_space<hbm>> -> memref<1x50000x32xf32, #tpu.memory_space<hbm>>
      %dma_wait3A_139 = tpu.memref_squeeze %dma_wait3A_138 : memref<1x50000x32xf32, #tpu.memory_space<hbm>> -> memref<50000x32xf32, #tpu.memory_space<hbm>>
      %dma_wait3A_140 = arith.constant 0 : i32
      %dma_wait3A_141 = arith.constant 0 : i32
      %dma_wait3A_142 = tpu.memref_slice %dma_wait3A_139[%dma_wait3A_140, %dma_wait3A_141] : memref<50000x32xf32, #tpu.memory_space<hbm>> -> memref<50000x32xf32, #tpu.memory_space<hbm>>
      tpu.wait_indirect_dma semaphore(%arg12 : memref<!tpu.dma_semaphore, #tpu.memory_space<semaphore_mem>>) src(%dma_wait3A_142 : memref<50000x32xf32, #tpu.memory_space<hbm>>) dst(%dma_wait3A_132 : memref<128x32xf32, #tpu.memory_space<vmem>>)
      %dma_wait3A_143 = arith.constant 2 : i32
      %dma_wait3A_144 = arith.constant 1 : i32
      %dma_wait3A_145 = arith.constant 0 : i32
      %dma_wait3A_146 = arith.constant 1 : i32
      %dma_wait3A_147 = arith.constant 0 : i32
      %dma_wait3A_148 = arith.constant 0 : i32
      %dma_wait3A_149 = tpu.memref_slice %arg8[%dma_wait3A_146, %dma_wait3A_147, %dma_wait3A_148] : memref<2x128x32xf32, #tpu.memory_space<vmem>> -> memref<1x128x32xf32, #tpu.memory_space<vmem>>
      %dma_wait3A_150 = tpu.memref_squeeze %dma_wait3A_149 : memref<1x128x32xf32, #tpu.memory_space<vmem>> -> memref<128x32xf32, #tpu.memory_space<vmem>>
      %dma_wait3A_151 = arith.constant 0 : i32
      %dma_wait3A_152 = tpu.memref_slice %arg6[%dma_wait3A_144, %dma_wait3A_145, %dma_wait3A_151] : memref<2x2x128xi32, #tpu.memory_space<vmem>> -> memref<1x1x128xi32, #tpu.memory_space<vmem>>
      %dma_wait3A_153 = tpu.memref_squeeze %dma_wait3A_152 : memref<1x1x128xi32, #tpu.memory_space<vmem>> -> memref<128xi32, #tpu.memory_space<vmem>>
      %dma_wait3A_154 = arith.constant 0 : i32
      %dma_wait3A_155 = arith.constant 0 : i32
      %dma_wait3A_156 = tpu.memref_slice %arg2[%dma_wait3A_143, %dma_wait3A_154, %dma_wait3A_155] : memref<4x50000x32xf32, #tpu.memory_space<hbm>> -> memref<1x50000x32xf32, #tpu.memory_space<hbm>>
      %dma_wait3A_157 = tpu.memref_squeeze %dma_wait3A_156 : memref<1x50000x32xf32, #tpu.memory_space<hbm>> -> memref<50000x32xf32, #tpu.memory_space<hbm>>
      %dma_wait3A_158 = arith.constant 0 : i32
      %dma_wait3A_159 = arith.constant 0 : i32
      %dma_wait3A_160 = tpu.memref_slice %dma_wait3A_157[%dma_wait3A_158, %dma_wait3A_159] : memref<50000x32xf32, #tpu.memory_space<hbm>> -> memref<50000x32xf32, #tpu.memory_space<hbm>>
      tpu.wait_indirect_dma semaphore(%arg12 : memref<!tpu.dma_semaphore, #tpu.memory_space<semaphore_mem>>) src(%dma_wait3A_160 : memref<50000x32xf32, #tpu.memory_space<hbm>>) dst(%dma_wait3A_150 : memref<128x32xf32, #tpu.memory_space<vmem>>)
      %add3A_161 = arith.constant 392 : i32
      %add3A_162 = arith.addi %multiple_of3A, %add3A_161 : i32
      %sub3A = arith.constant 2 : i32
      %sub3A_163 = arith.subi %add3A_162, %sub3A : i32
      %multiple_of3A_164 = tpu.assume_multiple %sub3A_163, 2 : i32
      %dma_wait3A_165 = arith.constant 0 : i32
      %dma_wait3A_166 = arith.constant 0 : i32
      %dma_wait3A_167 = tpu.memref_slice %arg3[%multiple_of3A_164, %dma_wait3A_165, %dma_wait3A_166] : memref<6272x2x128xi32, #tpu.memory_space<hbm>> -> memref<2x2x128xi32, #tpu.memory_space<hbm>>
      %dma_wait3A_168 = arith.constant 0 : i32
      %dma_wait3A_169 = arith.constant 0 : i32
      %dma_wait3A_170 = tpu.memref_slice %arg3[%multiple_of3A_164, %dma_wait3A_168, %dma_wait3A_169] : memref<6272x2x128xi32, #tpu.memory_space<hbm>> -> memref<2x2x128xi32, #tpu.memory_space<hbm>>
      tpu.wait_dma2 semaphore(%arg11 : memref<!tpu.dma_semaphore, #tpu.memory_space<semaphore_mem>>) src(%dma_wait3A_170 : memref<2x2x128xi32, #tpu.memory_space<hbm>>) dst(%arg7 : memref<2x2x128xi32, #tpu.memory_space<vmem>>)
      %dma_start3A_171 = arith.constant 2 : i32
      %dma_start3A_172 = arith.constant 0 : i32
      %dma_start3A_173 = arith.constant 0 : i32
      %dma_start3A_174 = arith.constant 0 : i32
      %dma_start3A_175 = arith.constant 0 : i32
      %dma_start3A_176 = arith.constant 0 : i32
      %dma_start3A_177 = tpu.memref_slice %arg9[%dma_start3A_174, %dma_start3A_175, %dma_start3A_176] : memref<2x128x32xf32, #tpu.memory_space<vmem>> -> memref<1x128x32xf32, #tpu.memory_space<vmem>>
      %dma_start3A_178 = tpu.memref_squeeze %dma_start3A_177 : memref<1x128x32xf32, #tpu.memory_space<vmem>> -> memref<128x32xf32, #tpu.memory_space<vmem>>
      %dma_start3A_179 = arith.constant 0 : i32
      %dma_start3A_180 = tpu.memref_slice %arg7[%dma_start3A_172, %dma_start3A_173, %dma_start3A_179] : memref<2x2x128xi32, #tpu.memory_space<vmem>> -> memref<1x1x128xi32, #tpu.memory_space<vmem>>
      %dma_start3A_181 = tpu.memref_squeeze %dma_start3A_180 : memref<1x1x128xi32, #tpu.memory_space<vmem>> -> memref<128xi32, #tpu.memory_space<vmem>>
      %dma_start3A_182 = arith.constant 0 : i32
      %dma_start3A_183 = arith.constant 0 : i32
      %dma_start3A_184 = tpu.memref_slice %arg2[%dma_start3A_171, %dma_start3A_182, %dma_start3A_183] : memref<4x50000x32xf32, #tpu.memory_space<hbm>> -> memref<1x50000x32xf32, #tpu.memory_space<hbm>>
      %dma_start3A_185 = tpu.memref_squeeze %dma_start3A_184 : memref<1x50000x32xf32, #tpu.memory_space<hbm>> -> memref<50000x32xf32, #tpu.memory_space<hbm>>
      %dma_start3A_186 = arith.constant 0 : i32
      %dma_start3A_187 = arith.constant 0 : i32
      %dma_start3A_188 = tpu.memref_slice %dma_start3A_185[%dma_start3A_186, %dma_start3A_187] : memref<50000x32xf32, #tpu.memory_space<hbm>> -> memref<50000x32xf32, #tpu.memory_space<hbm>>
      tpu.enqueue_indirect_dma source(%dma_start3A_188 : memref<50000x32xf32, #tpu.memory_space<hbm>>) target(%dma_start3A_178 : memref<128x32xf32, #tpu.memory_space<vmem>>) offsets(%dma_start3A_181 : memref<128xi32, #tpu.memory_space<vmem>>) semaphore(%arg13 : memref<!tpu.dma_semaphore, #tpu.memory_space<semaphore_mem>>)
      %dma_start3A_189 = arith.constant 2 : i32
      %dma_start3A_190 = arith.constant 1 : i32
      %dma_start3A_191 = arith.constant 0 : i32
      %dma_start3A_192 = arith.constant 1 : i32
      %dma_start3A_193 = arith.constant 0 : i32
      %dma_start3A_194 = arith.constant 0 : i32
      %dma_start3A_195 = tpu.memref_slice %arg9[%dma_start3A_192, %dma_start3A_193, %dma_start3A_194] : memref<2x128x32xf32, #tpu.memory_space<vmem>> -> memref<1x128x32xf32, #tpu.memory_space<vmem>>
      %dma_start3A_196 = tpu.memref_squeeze %dma_start3A_195 : memref<1x128x32xf32, #tpu.memory_space<vmem>> -> memref<128x32xf32, #tpu.memory_space<vmem>>
      %dma_start3A_197 = arith.constant 0 : i32
      %dma_start3A_198 = tpu.memref_slice %arg7[%dma_start3A_190, %dma_start3A_191, %dma_start3A_197] : memref<2x2x128xi32, #tpu.memory_space<vmem>> -> memref<1x1x128xi32, #tpu.memory_space<vmem>>
      %dma_start3A_199 = tpu.memref_squeeze %dma_start3A_198 : memref<1x1x128xi32, #tpu.memory_space<vmem>> -> memref<128xi32, #tpu.memory_space<vmem>>
      %dma_start3A_200 = arith.constant 0 : i32
      %dma_start3A_201 = arith.constant 0 : i32
      %dma_start3A_202 = tpu.memref_slice %arg2[%dma_start3A_189, %dma_start3A_200, %dma_start3A_201] : memref<4x50000x32xf32, #tpu.memory_space<hbm>> -> memref<1x50000x32xf32, #tpu.memory_space<hbm>>
      %dma_start3A_203 = tpu.memref_squeeze %dma_start3A_202 : memref<1x50000x32xf32, #tpu.memory_space<hbm>> -> memref<50000x32xf32, #tpu.memory_space<hbm>>
      %dma_start3A_204 = arith.constant 0 : i32
      %dma_start3A_205 = arith.constant 0 : i32
      %dma_start3A_206 = tpu.memref_slice %dma_start3A_203[%dma_start3A_204, %dma_start3A_205] : memref<50000x32xf32, #tpu.memory_space<hbm>> -> memref<50000x32xf32, #tpu.memory_space<hbm>>
      tpu.enqueue_indirect_dma source(%dma_start3A_206 : memref<50000x32xf32, #tpu.memory_space<hbm>>) target(%dma_start3A_196 : memref<128x32xf32, #tpu.memory_space<vmem>>) offsets(%dma_start3A_199 : memref<128xi32, #tpu.memory_space<vmem>>) semaphore(%arg13 : memref<!tpu.dma_semaphore, #tpu.memory_space<semaphore_mem>>)
      %run_scoped3A = arith.constant 0 : i32
      %run_scoped3A_207 = arith.constant 0 : i32
      %run_scoped3A_208 = arith.constant 1 : i32
      "tpu.region"() ({
        %run_scoped3A_254 = tpu.sem_alloc : memref<!tpu.dma_semaphore, #tpu.memory_space<semaphore_mem>>
        %dma_start3A_255 = arith.constant 0 : i32
        %dma_start3A_256 = arith.constant 0 : i32
        %dma_start3A_257 = tpu.memref_slice %arg8[%run_scoped3A, %dma_start3A_255, %dma_start3A_256] : memref<2x128x32xf32, #tpu.memory_space<vmem>> -> memref<1x128x32xf32, #tpu.memory_space<vmem>>
        %dma_start3A_258 = tpu.memref_squeeze %dma_start3A_257 : memref<1x128x32xf32, #tpu.memory_space<vmem>> -> memref<128x32xf32, #tpu.memory_space<vmem>>
        %dma_start3A_259 = arith.constant 0 : i32
        %dma_start3A_260 = tpu.memref_slice %arg6[%run_scoped3A_207, %run_scoped3A_208, %dma_start3A_259] : memref<2x2x128xi32, #tpu.memory_space<vmem>> -> memref<1x1x128xi32, #tpu.memory_space<vmem>>
        %dma_start3A_261 = tpu.memref_squeeze %dma_start3A_260 : memref<1x1x128xi32, #tpu.memory_space<vmem>> -> memref<128xi32, #tpu.memory_space<vmem>>
        %dma_start3A_262 = arith.constant 0 : i32
        %dma_start3A_263 = arith.constant 0 : i32
        %dma_start3A_264 = tpu.memref_slice %arg5[%dma_start3A_262, %dma_start3A_263] : memref<50048x32xf32, #tpu.memory_space<vmem_shared>> -> memref<50048x32xf32, #tpu.memory_space<vmem_shared>>
        tpu.enqueue_indirect_dma source(%dma_start3A_258 : memref<128x32xf32, #tpu.memory_space<vmem>>) target(%dma_start3A_264 : memref<50048x32xf32, #tpu.memory_space<vmem_shared>>) offsets(%dma_start3A_261 : memref<128xi32, #tpu.memory_space<vmem>>) semaphore(%run_scoped3A_254 : memref<!tpu.dma_semaphore, #tpu.memory_space<semaphore_mem>>) {add = true}
        %dma_wait3A_265 = arith.constant 0 : i32
        %dma_wait3A_266 = arith.constant 0 : i32
        %dma_wait3A_267 = tpu.memref_slice %arg8[%run_scoped3A, %dma_wait3A_265, %dma_wait3A_266] : memref<2x128x32xf32, #tpu.memory_space<vmem>> -> memref<1x128x32xf32, #tpu.memory_space<vmem>>
        %dma_wait3A_268 = tpu.memref_squeeze %dma_wait3A_267 : memref<1x128x32xf32, #tpu.memory_space<vmem>> -> memref<128x32xf32, #tpu.memory_space<vmem>>
        %dma_wait3A_269 = arith.constant 0 : i32
        %dma_wait3A_270 = tpu.memref_slice %arg6[%run_scoped3A_207, %run_scoped3A_208, %dma_wait3A_269] : memref<2x2x128xi32, #tpu.memory_space<vmem>> -> memref<1x1x128xi32, #tpu.memory_space<vmem>>
        %dma_wait3A_271 = tpu.memref_squeeze %dma_wait3A_270 : memref<1x1x128xi32, #tpu.memory_space<vmem>> -> memref<128xi32, #tpu.memory_space<vmem>>
        %dma_wait3A_272 = arith.constant 0 : i32
        %dma_wait3A_273 = arith.constant 0 : i32
        %dma_wait3A_274 = tpu.memref_slice %arg5[%dma_wait3A_272, %dma_wait3A_273] : memref<50048x32xf32, #tpu.memory_space<vmem_shared>> -> memref<50048x32xf32, #tpu.memory_space<vmem_shared>>
        tpu.wait_indirect_dma semaphore(%run_scoped3A_254 : memref<!tpu.dma_semaphore, #tpu.memory_space<semaphore_mem>>) src(%dma_wait3A_268 : memref<128x32xf32, #tpu.memory_space<vmem>>) dst(%dma_wait3A_274 : memref<50048x32xf32, #tpu.memory_space<vmem_shared>>)
        tpu.yield
      }) : () -> ()
      %run_scoped3A_209 = arith.constant 1 : i32
      %run_scoped3A_210 = arith.constant 1 : i32
      %run_scoped3A_211 = arith.constant 1 : i32
      "tpu.region"() ({
        %run_scoped3A_254 = tpu.sem_alloc : memref<!tpu.dma_semaphore, #tpu.memory_space<semaphore_mem>>
        %dma_start3A_255 = arith.constant 0 : i32
        %dma_start3A_256 = arith.constant 0 : i32
        %dma_start3A_257 = tpu.memref_slice %arg8[%run_scoped3A_209, %dma_start3A_255, %dma_start3A_256] : memref<2x128x32xf32, #tpu.memory_space<vmem>> -> memref<1x128x32xf32, #tpu.memory_space<vmem>>
        %dma_start3A_258 = tpu.memref_squeeze %dma_start3A_257 : memref<1x128x32xf32, #tpu.memory_space<vmem>> -> memref<128x32xf32, #tpu.memory_space<vmem>>
        %dma_start3A_259 = arith.constant 0 : i32
        %dma_start3A_260 = tpu.memref_slice %arg6[%run_scoped3A_210, %run_scoped3A_211, %dma_start3A_259] : memref<2x2x128xi32, #tpu.memory_space<vmem>> -> memref<1x1x128xi32, #tpu.memory_space<vmem>>
        %dma_start3A_261 = tpu.memref_squeeze %dma_start3A_260 : memref<1x1x128xi32, #tpu.memory_space<vmem>> -> memref<128xi32, #tpu.memory_space<vmem>>
        %dma_start3A_262 = arith.constant 0 : i32
        %dma_start3A_263 = arith.constant 0 : i32
        %dma_start3A_264 = tpu.memref_slice %arg5[%dma_start3A_262, %dma_start3A_263] : memref<50048x32xf32, #tpu.memory_space<vmem_shared>> -> memref<50048x32xf32, #tpu.memory_space<vmem_shared>>
        tpu.enqueue_indirect_dma source(%dma_start3A_258 : memref<128x32xf32, #tpu.memory_space<vmem>>) target(%dma_start3A_264 : memref<50048x32xf32, #tpu.memory_space<vmem_shared>>) offsets(%dma_start3A_261 : memref<128xi32, #tpu.memory_space<vmem>>) semaphore(%run_scoped3A_254 : memref<!tpu.dma_semaphore, #tpu.memory_space<semaphore_mem>>) {add = true}
        %dma_wait3A_265 = arith.constant 0 : i32
        %dma_wait3A_266 = arith.constant 0 : i32
        %dma_wait3A_267 = tpu.memref_slice %arg8[%run_scoped3A_209, %dma_wait3A_265, %dma_wait3A_266] : memref<2x128x32xf32, #tpu.memory_space<vmem>> -> memref<1x128x32xf32, #tpu.memory_space<vmem>>
        %dma_wait3A_268 = tpu.memref_squeeze %dma_wait3A_267 : memref<1x128x32xf32, #tpu.memory_space<vmem>> -> memref<128x32xf32, #tpu.memory_space<vmem>>
        %dma_wait3A_269 = arith.constant 0 : i32
        %dma_wait3A_270 = tpu.memref_slice %arg6[%run_scoped3A_210, %run_scoped3A_211, %dma_wait3A_269] : memref<2x2x128xi32, #tpu.memory_space<vmem>> -> memref<1x1x128xi32, #tpu.memory_space<vmem>>
        %dma_wait3A_271 = tpu.memref_squeeze %dma_wait3A_270 : memref<1x1x128xi32, #tpu.memory_space<vmem>> -> memref<128xi32, #tpu.memory_space<vmem>>
        %dma_wait3A_272 = arith.constant 0 : i32
        %dma_wait3A_273 = arith.constant 0 : i32
        %dma_wait3A_274 = tpu.memref_slice %arg5[%dma_wait3A_272, %dma_wait3A_273] : memref<50048x32xf32, #tpu.memory_space<vmem_shared>> -> memref<50048x32xf32, #tpu.memory_space<vmem_shared>>
        tpu.wait_indirect_dma semaphore(%run_scoped3A_254 : memref<!tpu.dma_semaphore, #tpu.memory_space<semaphore_mem>>) src(%dma_wait3A_268 : memref<128x32xf32, #tpu.memory_space<vmem>>) dst(%dma_wait3A_274 : memref<50048x32xf32, #tpu.memory_space<vmem_shared>>)
        tpu.yield
      }) : () -> ()
      %dma_wait3A_212 = arith.constant 2 : i32
      %dma_wait3A_213 = arith.constant 0 : i32
      %dma_wait3A_214 = arith.constant 0 : i32
      %dma_wait3A_215 = arith.constant 0 : i32
      %dma_wait3A_216 = arith.constant 0 : i32
      %dma_wait3A_217 = arith.constant 0 : i32
      %dma_wait3A_218 = tpu.memref_slice %arg9[%dma_wait3A_215, %dma_wait3A_216, %dma_wait3A_217] : memref<2x128x32xf32, #tpu.memory_space<vmem>> -> memref<1x128x32xf32, #tpu.memory_space<vmem>>
      %dma_wait3A_219 = tpu.memref_squeeze %dma_wait3A_218 : memref<1x128x32xf32, #tpu.memory_space<vmem>> -> memref<128x32xf32, #tpu.memory_space<vmem>>
      %dma_wait3A_220 = arith.constant 0 : i32
      %dma_wait3A_221 = tpu.memref_slice %arg7[%dma_wait3A_213, %dma_wait3A_214, %dma_wait3A_220] : memref<2x2x128xi32, #tpu.memory_space<vmem>> -> memref<1x1x128xi32, #tpu.memory_space<vmem>>
      %dma_wait3A_222 = tpu.memref_squeeze %dma_wait3A_221 : memref<1x1x128xi32, #tpu.memory_space<vmem>> -> memref<128xi32, #tpu.memory_space<vmem>>
      %dma_wait3A_223 = arith.constant 0 : i32
      %dma_wait3A_224 = arith.constant 0 : i32
      %dma_wait3A_225 = tpu.memref_slice %arg2[%dma_wait3A_212, %dma_wait3A_223, %dma_wait3A_224] : memref<4x50000x32xf32, #tpu.memory_space<hbm>> -> memref<1x50000x32xf32, #tpu.memory_space<hbm>>
      %dma_wait3A_226 = tpu.memref_squeeze %dma_wait3A_225 : memref<1x50000x32xf32, #tpu.memory_space<hbm>> -> memref<50000x32xf32, #tpu.memory_space<hbm>>
      %dma_wait3A_227 = arith.constant 0 : i32
      %dma_wait3A_228 = arith.constant 0 : i32
      %dma_wait3A_229 = tpu.memref_slice %dma_wait3A_226[%dma_wait3A_227, %dma_wait3A_228] : memref<50000x32xf32, #tpu.memory_space<hbm>> -> memref<50000x32xf32, #tpu.memory_space<hbm>>
      tpu.wait_indirect_dma semaphore(%arg13 : memref<!tpu.dma_semaphore, #tpu.memory_space<semaphore_mem>>) src(%dma_wait3A_229 : memref<50000x32xf32, #tpu.memory_space<hbm>>) dst(%dma_wait3A_219 : memref<128x32xf32, #tpu.memory_space<vmem>>)
      %dma_wait3A_230 = arith.constant 2 : i32
      %dma_wait3A_231 = arith.constant 1 : i32
      %dma_wait3A_232 = arith.constant 0 : i32
      %dma_wait3A_233 = arith.constant 1 : i32
      %dma_wait3A_234 = arith.constant 0 : i32
      %dma_wait3A_235 = arith.constant 0 : i32
      %dma_wait3A_236 = tpu.memref_slice %arg9[%dma_wait3A_233, %dma_wait3A_234, %dma_wait3A_235] : memref<2x128x32xf32, #tpu.memory_space<vmem>> -> memref<1x128x32xf32, #tpu.memory_space<vmem>>
      %dma_wait3A_237 = tpu.memref_squeeze %dma_wait3A_236 : memref<1x128x32xf32, #tpu.memory_space<vmem>> -> memref<128x32xf32, #tpu.memory_space<vmem>>
      %dma_wait3A_238 = arith.constant 0 : i32
      %dma_wait3A_239 = tpu.memref_slice %arg7[%dma_wait3A_231, %dma_wait3A_232, %dma_wait3A_238] : memref<2x2x128xi32, #tpu.memory_space<vmem>> -> memref<1x1x128xi32, #tpu.memory_space<vmem>>
      %dma_wait3A_240 = tpu.memref_squeeze %dma_wait3A_239 : memref<1x1x128xi32, #tpu.memory_space<vmem>> -> memref<128xi32, #tpu.memory_space<vmem>>
      %dma_wait3A_241 = arith.constant 0 : i32
      %dma_wait3A_242 = arith.constant 0 : i32
      %dma_wait3A_243 = tpu.memref_slice %arg2[%dma_wait3A_230, %dma_wait3A_241, %dma_wait3A_242] : memref<4x50000x32xf32, #tpu.memory_space<hbm>> -> memref<1x50000x32xf32, #tpu.memory_space<hbm>>
      %dma_wait3A_244 = tpu.memref_squeeze %dma_wait3A_243 : memref<1x50000x32xf32, #tpu.memory_space<hbm>> -> memref<50000x32xf32, #tpu.memory_space<hbm>>
      %dma_wait3A_245 = arith.constant 0 : i32
      %dma_wait3A_246 = arith.constant 0 : i32
      %dma_wait3A_247 = tpu.memref_slice %dma_wait3A_244[%dma_wait3A_245, %dma_wait3A_246] : memref<50000x32xf32, #tpu.memory_space<hbm>> -> memref<50000x32xf32, #tpu.memory_space<hbm>>
      tpu.wait_indirect_dma semaphore(%arg13 : memref<!tpu.dma_semaphore, #tpu.memory_space<semaphore_mem>>) src(%dma_wait3A_247 : memref<50000x32xf32, #tpu.memory_space<hbm>>) dst(%dma_wait3A_237 : memref<128x32xf32, #tpu.memory_space<vmem>>)
      %run_scoped3A_248 = arith.constant 0 : i32
      %run_scoped3A_249 = arith.constant 0 : i32
      %run_scoped3A_250 = arith.constant 1 : i32
      "tpu.region"() ({
        %run_scoped3A_254 = tpu.sem_alloc : memref<!tpu.dma_semaphore, #tpu.memory_space<semaphore_mem>>
        %dma_start3A_255 = arith.constant 0 : i32
        %dma_start3A_256 = arith.constant 0 : i32
        %dma_start3A_257 = tpu.memref_slice %arg9[%run_scoped3A_248, %dma_start3A_255, %dma_start3A_256] : memref<2x128x32xf32, #tpu.memory_space<vmem>> -> memref<1x128x32xf32, #tpu.memory_space<vmem>>
        %dma_start3A_258 = tpu.memref_squeeze %dma_start3A_257 : memref<1x128x32xf32, #tpu.memory_space<vmem>> -> memref<128x32xf32, #tpu.memory_space<vmem>>
        %dma_start3A_259 = arith.constant 0 : i32
        %dma_start3A_260 = tpu.memref_slice %arg7[%run_scoped3A_249, %run_scoped3A_250, %dma_start3A_259] : memref<2x2x128xi32, #tpu.memory_space<vmem>> -> memref<1x1x128xi32, #tpu.memory_space<vmem>>
        %dma_start3A_261 = tpu.memref_squeeze %dma_start3A_260 : memref<1x1x128xi32, #tpu.memory_space<vmem>> -> memref<128xi32, #tpu.memory_space<vmem>>
        %dma_start3A_262 = arith.constant 0 : i32
        %dma_start3A_263 = arith.constant 0 : i32
        %dma_start3A_264 = tpu.memref_slice %arg5[%dma_start3A_262, %dma_start3A_263] : memref<50048x32xf32, #tpu.memory_space<vmem_shared>> -> memref<50048x32xf32, #tpu.memory_space<vmem_shared>>
        tpu.enqueue_indirect_dma source(%dma_start3A_258 : memref<128x32xf32, #tpu.memory_space<vmem>>) target(%dma_start3A_264 : memref<50048x32xf32, #tpu.memory_space<vmem_shared>>) offsets(%dma_start3A_261 : memref<128xi32, #tpu.memory_space<vmem>>) semaphore(%run_scoped3A_254 : memref<!tpu.dma_semaphore, #tpu.memory_space<semaphore_mem>>) {add = true}
        %dma_wait3A_265 = arith.constant 0 : i32
        %dma_wait3A_266 = arith.constant 0 : i32
        %dma_wait3A_267 = tpu.memref_slice %arg9[%run_scoped3A_248, %dma_wait3A_265, %dma_wait3A_266] : memref<2x128x32xf32, #tpu.memory_space<vmem>> -> memref<1x128x32xf32, #tpu.memory_space<vmem>>
        %dma_wait3A_268 = tpu.memref_squeeze %dma_wait3A_267 : memref<1x128x32xf32, #tpu.memory_space<vmem>> -> memref<128x32xf32, #tpu.memory_space<vmem>>
        %dma_wait3A_269 = arith.constant 0 : i32
        %dma_wait3A_270 = tpu.memref_slice %arg7[%run_scoped3A_249, %run_scoped3A_250, %dma_wait3A_269] : memref<2x2x128xi32, #tpu.memory_space<vmem>> -> memref<1x1x128xi32, #tpu.memory_space<vmem>>
        %dma_wait3A_271 = tpu.memref_squeeze %dma_wait3A_270 : memref<1x1x128xi32, #tpu.memory_space<vmem>> -> memref<128xi32, #tpu.memory_space<vmem>>
        %dma_wait3A_272 = arith.constant 0 : i32
        %dma_wait3A_273 = arith.constant 0 : i32
        %dma_wait3A_274 = tpu.memref_slice %arg5[%dma_wait3A_272, %dma_wait3A_273] : memref<50048x32xf32, #tpu.memory_space<vmem_shared>> -> memref<50048x32xf32, #tpu.memory_space<vmem_shared>>
        tpu.wait_indirect_dma semaphore(%run_scoped3A_254 : memref<!tpu.dma_semaphore, #tpu.memory_space<semaphore_mem>>) src(%dma_wait3A_268 : memref<128x32xf32, #tpu.memory_space<vmem>>) dst(%dma_wait3A_274 : memref<50048x32xf32, #tpu.memory_space<vmem_shared>>)
        tpu.yield
      }) : () -> ()
      %run_scoped3A_251 = arith.constant 1 : i32
      %run_scoped3A_252 = arith.constant 1 : i32
      %run_scoped3A_253 = arith.constant 1 : i32
      "tpu.region"() ({
        %run_scoped3A_254 = tpu.sem_alloc : memref<!tpu.dma_semaphore, #tpu.memory_space<semaphore_mem>>
        %dma_start3A_255 = arith.constant 0 : i32
        %dma_start3A_256 = arith.constant 0 : i32
        %dma_start3A_257 = tpu.memref_slice %arg9[%run_scoped3A_251, %dma_start3A_255, %dma_start3A_256] : memref<2x128x32xf32, #tpu.memory_space<vmem>> -> memref<1x128x32xf32, #tpu.memory_space<vmem>>
        %dma_start3A_258 = tpu.memref_squeeze %dma_start3A_257 : memref<1x128x32xf32, #tpu.memory_space<vmem>> -> memref<128x32xf32, #tpu.memory_space<vmem>>
        %dma_start3A_259 = arith.constant 0 : i32
        %dma_start3A_260 = tpu.memref_slice %arg7[%run_scoped3A_252, %run_scoped3A_253, %dma_start3A_259] : memref<2x2x128xi32, #tpu.memory_space<vmem>> -> memref<1x1x128xi32, #tpu.memory_space<vmem>>
        %dma_start3A_261 = tpu.memref_squeeze %dma_start3A_260 : memref<1x1x128xi32, #tpu.memory_space<vmem>> -> memref<128xi32, #tpu.memory_space<vmem>>
        %dma_start3A_262 = arith.constant 0 : i32
        %dma_start3A_263 = arith.constant 0 : i32
        %dma_start3A_264 = tpu.memref_slice %arg5[%dma_start3A_262, %dma_start3A_263] : memref<50048x32xf32, #tpu.memory_space<vmem_shared>> -> memref<50048x32xf32, #tpu.memory_space<vmem_shared>>
        tpu.enqueue_indirect_dma source(%dma_start3A_258 : memref<128x32xf32, #tpu.memory_space<vmem>>) target(%dma_start3A_264 : memref<50048x32xf32, #tpu.memory_space<vmem_shared>>) offsets(%dma_start3A_261 : memref<128xi32, #tpu.memory_space<vmem>>) semaphore(%run_scoped3A_254 : memref<!tpu.dma_semaphore, #tpu.memory_space<semaphore_mem>>) {add = true}
        %dma_wait3A_265 = arith.constant 0 : i32
        %dma_wait3A_266 = arith.constant 0 : i32
        %dma_wait3A_267 = tpu.memref_slice %arg9[%run_scoped3A_251, %dma_wait3A_265, %dma_wait3A_266] : memref<2x128x32xf32, #tpu.memory_space<vmem>> -> memref<1x128x32xf32, #tpu.memory_space<vmem>>
        %dma_wait3A_268 = tpu.memref_squeeze %dma_wait3A_267 : memref<1x128x32xf32, #tpu.memory_space<vmem>> -> memref<128x32xf32, #tpu.memory_space<vmem>>
        %dma_wait3A_269 = arith.constant 0 : i32
        %dma_wait3A_270 = tpu.memref_slice %arg7[%run_scoped3A_252, %run_scoped3A_253, %dma_wait3A_269] : memref<2x2x128xi32, #tpu.memory_space<vmem>> -> memref<1x1x128xi32, #tpu.memory_space<vmem>>
        %dma_wait3A_271 = tpu.memref_squeeze %dma_wait3A_270 : memref<1x1x128xi32, #tpu.memory_space<vmem>> -> memref<128xi32, #tpu.memory_space<vmem>>
        %dma_wait3A_272 = arith.constant 0 : i32
        %dma_wait3A_273 = arith.constant 0 : i32
        %dma_wait3A_274 = tpu.memref_slice %arg5[%dma_wait3A_272, %dma_wait3A_273] : memref<50048x32xf32, #tpu.memory_space<vmem_shared>> -> memref<50048x32xf32, #tpu.memory_space<vmem_shared>>
        tpu.wait_indirect_dma semaphore(%run_scoped3A_254 : memref<!tpu.dma_semaphore, #tpu.memory_space<semaphore_mem>>) src(%dma_wait3A_268 : memref<128x32xf32, #tpu.memory_space<vmem>>) dst(%dma_wait3A_274 : memref<50048x32xf32, #tpu.memory_space<vmem_shared>>)
        tpu.yield
      }) : () -> ()
    } else {
    }
    %barrier3A_17 = arith.constant 0 : index
    tpu.barrier barrier_id(%barrier3A_17)
    %eq3A_18 = arith.constant 0 : i32
    %eq3A_19 = arith.cmpi eq, %arg0, %eq3A_18 : i32
    %convert_element_type3A_20 = arith.extui %eq3A_19 : i1 to i32
    %cond3A_21 = arith.constant 0 : i32
    %cond3A_22 = arith.cmpi ne, %convert_element_type3A_20, %cond3A_21 : i32
    scf.if %cond3A_22 {
      %mul3A = arith.constant 3200 : i32
      %mul3A_62 = arith.muli %arg1, %mul3A : i32
      %multiple_of3A = tpu.assume_multiple %mul3A_62, 3200 : i32
      %lt3A = arith.constant 15 : i32
      %lt3A_63 = arith.cmpi slt, %arg1, %lt3A : i32
      %convert_element_type3A_64 = arith.extui %lt3A_63 : i1 to i32
      %cond3A_65 = arith.constant 0 : i32
      %cond3A_66 = arith.cmpi ne, %convert_element_type3A_64, %cond3A_65 : i32
      scf.if %cond3A_66 {
        %run_scoped3A = arith.constant 0 : i32
        "tpu.region"() ({
          %run_scoped3A_72 = tpu.sem_alloc : memref<!tpu.dma_semaphore, #tpu.memory_space<semaphore_mem>>
          %dma_start3A = arith.constant 0 : i32
          %dma_start3A_73 = tpu.memref_slice %arg4[%run_scoped3A, %multiple_of3A, %dma_start3A] : memref<4x50000x32xf32, #tpu.memory_space<hbm>> -> memref<1x3200x32xf32, #tpu.memory_space<hbm>>
          %dma_start3A_74 = tpu.memref_squeeze %dma_start3A_73 : memref<1x3200x32xf32, #tpu.memory_space<hbm>> -> memref<3200x32xf32, #tpu.memory_space<hbm>>
          %dma_start3A_75 = arith.constant 0 : i32
          %dma_start3A_76 = tpu.memref_slice %arg5[%multiple_of3A, %dma_start3A_75] : memref<50048x32xf32, #tpu.memory_space<vmem_shared>> -> memref<3200x32xf32, #tpu.memory_space<vmem_shared>>
          tpu.enqueue_dma source(%dma_start3A_76 : memref<3200x32xf32, #tpu.memory_space<vmem_shared>>) target(%dma_start3A_74 : memref<3200x32xf32, #tpu.memory_space<hbm>>) target_semaphore(%run_scoped3A_72 : memref<!tpu.dma_semaphore, #tpu.memory_space<semaphore_mem>>)
          %dma_wait3A = arith.constant 0 : i32
          %dma_wait3A_77 = tpu.memref_slice %arg4[%run_scoped3A, %multiple_of3A, %dma_wait3A] : memref<4x50000x32xf32, #tpu.memory_space<hbm>> -> memref<1x3200x32xf32, #tpu.memory_space<hbm>>
          %dma_wait3A_78 = tpu.memref_squeeze %dma_wait3A_77 : memref<1x3200x32xf32, #tpu.memory_space<hbm>> -> memref<3200x32xf32, #tpu.memory_space<hbm>>
          %dma_wait3A_79 = arith.constant 0 : i32
          %dma_wait3A_80 = tpu.memref_slice %arg5[%multiple_of3A, %dma_wait3A_79] : memref<50048x32xf32, #tpu.memory_space<vmem_shared>> -> memref<3200x32xf32, #tpu.memory_space<vmem_shared>>
          tpu.wait_dma2 semaphore(%run_scoped3A_72 : memref<!tpu.dma_semaphore, #tpu.memory_space<semaphore_mem>>) src(%dma_wait3A_80 : memref<3200x32xf32, #tpu.memory_space<vmem_shared>>) dst(%dma_wait3A_78 : memref<3200x32xf32, #tpu.memory_space<hbm>>)
          tpu.yield
        }) : () -> ()
      } else {
      }
      %eq3A_67 = arith.constant 15 : i32
      %eq3A_68 = arith.cmpi eq, %arg1, %eq3A_67 : i32
      %convert_element_type3A_69 = arith.extui %eq3A_68 : i1 to i32
      %cond3A_70 = arith.constant 0 : i32
      %cond3A_71 = arith.cmpi ne, %convert_element_type3A_69, %cond3A_70 : i32
      scf.if %cond3A_71 {
        %run_scoped3A = arith.constant 0 : i32
        "tpu.region"() ({
          %run_scoped3A_72 = tpu.sem_alloc : memref<!tpu.dma_semaphore, #tpu.memory_space<semaphore_mem>>
          %dma_start3A = arith.constant 48000 : i32
          %dma_start3A_73 = arith.constant 0 : i32
          %dma_start3A_74 = tpu.memref_slice %arg4[%run_scoped3A, %dma_start3A, %dma_start3A_73] : memref<4x50000x32xf32, #tpu.memory_space<hbm>> -> memref<1x2000x32xf32, #tpu.memory_space<hbm>>
          %dma_start3A_75 = tpu.memref_squeeze %dma_start3A_74 : memref<1x2000x32xf32, #tpu.memory_space<hbm>> -> memref<2000x32xf32, #tpu.memory_space<hbm>>
          %dma_start3A_76 = arith.constant 48000 : i32
          %dma_start3A_77 = arith.constant 0 : i32
          %dma_start3A_78 = tpu.memref_slice %arg5[%dma_start3A_76, %dma_start3A_77] : memref<50048x32xf32, #tpu.memory_space<vmem_shared>> -> memref<2000x32xf32, #tpu.memory_space<vmem_shared>>
          tpu.enqueue_dma source(%dma_start3A_78 : memref<2000x32xf32, #tpu.memory_space<vmem_shared>>) target(%dma_start3A_75 : memref<2000x32xf32, #tpu.memory_space<hbm>>) target_semaphore(%run_scoped3A_72 : memref<!tpu.dma_semaphore, #tpu.memory_space<semaphore_mem>>)
          %dma_wait3A = arith.constant 48000 : i32
          %dma_wait3A_79 = arith.constant 0 : i32
          %dma_wait3A_80 = tpu.memref_slice %arg4[%run_scoped3A, %dma_wait3A, %dma_wait3A_79] : memref<4x50000x32xf32, #tpu.memory_space<hbm>> -> memref<1x2000x32xf32, #tpu.memory_space<hbm>>
          %dma_wait3A_81 = tpu.memref_squeeze %dma_wait3A_80 : memref<1x2000x32xf32, #tpu.memory_space<hbm>> -> memref<2000x32xf32, #tpu.memory_space<hbm>>
          %dma_wait3A_82 = arith.constant 48000 : i32
          %dma_wait3A_83 = arith.constant 0 : i32
          %dma_wait3A_84 = tpu.memref_slice %arg5[%dma_wait3A_82, %dma_wait3A_83] : memref<50048x32xf32, #tpu.memory_space<vmem_shared>> -> memref<2000x32xf32, #tpu.memory_space<vmem_shared>>
          tpu.wait_dma2 semaphore(%run_scoped3A_72 : memref<!tpu.dma_semaphore, #tpu.memory_space<semaphore_mem>>) src(%dma_wait3A_84 : memref<2000x32xf32, #tpu.memory_space<vmem_shared>>) dst(%dma_wait3A_81 : memref<2000x32xf32, #tpu.memory_space<hbm>>)
          tpu.yield
        }) : () -> ()
      } else {
      }
    } else {
    }
    %eq3A_23 = arith.constant 1 : i32
    %eq3A_24 = arith.cmpi eq, %arg0, %eq3A_23 : i32
    %convert_element_type3A_25 = arith.extui %eq3A_24 : i1 to i32
    %cond3A_26 = arith.constant 0 : i32
    %cond3A_27 = arith.cmpi ne, %convert_element_type3A_25, %cond3A_26 : i32
    scf.if %cond3A_27 {
      %mul3A = arith.constant 3200 : i32
      %mul3A_62 = arith.muli %arg1, %mul3A : i32
      %multiple_of3A = tpu.assume_multiple %mul3A_62, 3200 : i32
      %lt3A = arith.constant 15 : i32
      %lt3A_63 = arith.cmpi slt, %arg1, %lt3A : i32
      %convert_element_type3A_64 = arith.extui %lt3A_63 : i1 to i32
      %cond3A_65 = arith.constant 0 : i32
      %cond3A_66 = arith.cmpi ne, %convert_element_type3A_64, %cond3A_65 : i32
      scf.if %cond3A_66 {
        %run_scoped3A = arith.constant 2 : i32
        "tpu.region"() ({
          %run_scoped3A_72 = tpu.sem_alloc : memref<!tpu.dma_semaphore, #tpu.memory_space<semaphore_mem>>
          %dma_start3A = arith.constant 0 : i32
          %dma_start3A_73 = tpu.memref_slice %arg4[%run_scoped3A, %multiple_of3A, %dma_start3A] : memref<4x50000x32xf32, #tpu.memory_space<hbm>> -> memref<1x3200x32xf32, #tpu.memory_space<hbm>>
          %dma_start3A_74 = tpu.memref_squeeze %dma_start3A_73 : memref<1x3200x32xf32, #tpu.memory_space<hbm>> -> memref<3200x32xf32, #tpu.memory_space<hbm>>
          %dma_start3A_75 = arith.constant 0 : i32
          %dma_start3A_76 = tpu.memref_slice %arg5[%multiple_of3A, %dma_start3A_75] : memref<50048x32xf32, #tpu.memory_space<vmem_shared>> -> memref<3200x32xf32, #tpu.memory_space<vmem_shared>>
          tpu.enqueue_dma source(%dma_start3A_76 : memref<3200x32xf32, #tpu.memory_space<vmem_shared>>) target(%dma_start3A_74 : memref<3200x32xf32, #tpu.memory_space<hbm>>) target_semaphore(%run_scoped3A_72 : memref<!tpu.dma_semaphore, #tpu.memory_space<semaphore_mem>>)
          %dma_wait3A = arith.constant 0 : i32
          %dma_wait3A_77 = tpu.memref_slice %arg4[%run_scoped3A, %multiple_of3A, %dma_wait3A] : memref<4x50000x32xf32, #tpu.memory_space<hbm>> -> memref<1x3200x32xf32, #tpu.memory_space<hbm>>
          %dma_wait3A_78 = tpu.memref_squeeze %dma_wait3A_77 : memref<1x3200x32xf32, #tpu.memory_space<hbm>> -> memref<3200x32xf32, #tpu.memory_space<hbm>>
          %dma_wait3A_79 = arith.constant 0 : i32
          %dma_wait3A_80 = tpu.memref_slice %arg5[%multiple_of3A, %dma_wait3A_79] : memref<50048x32xf32, #tpu.memory_space<vmem_shared>> -> memref<3200x32xf32, #tpu.memory_space<vmem_shared>>
          tpu.wait_dma2 semaphore(%run_scoped3A_72 : memref<!tpu.dma_semaphore, #tpu.memory_space<semaphore_mem>>) src(%dma_wait3A_80 : memref<3200x32xf32, #tpu.memory_space<vmem_shared>>) dst(%dma_wait3A_78 : memref<3200x32xf32, #tpu.memory_space<hbm>>)
          tpu.yield
        }) : () -> ()
      } else {
      }
      %eq3A_67 = arith.constant 15 : i32
      %eq3A_68 = arith.cmpi eq, %arg1, %eq3A_67 : i32
      %convert_element_type3A_69 = arith.extui %eq3A_68 : i1 to i32
      %cond3A_70 = arith.constant 0 : i32
      %cond3A_71 = arith.cmpi ne, %convert_element_type3A_69, %cond3A_70 : i32
      scf.if %cond3A_71 {
        %run_scoped3A = arith.constant 2 : i32
        "tpu.region"() ({
          %run_scoped3A_72 = tpu.sem_alloc : memref<!tpu.dma_semaphore, #tpu.memory_space<semaphore_mem>>
          %dma_start3A = arith.constant 48000 : i32
          %dma_start3A_73 = arith.constant 0 : i32
          %dma_start3A_74 = tpu.memref_slice %arg4[%run_scoped3A, %dma_start3A, %dma_start3A_73] : memref<4x50000x32xf32, #tpu.memory_space<hbm>> -> memref<1x2000x32xf32, #tpu.memory_space<hbm>>
          %dma_start3A_75 = tpu.memref_squeeze %dma_start3A_74 : memref<1x2000x32xf32, #tpu.memory_space<hbm>> -> memref<2000x32xf32, #tpu.memory_space<hbm>>
          %dma_start3A_76 = arith.constant 48000 : i32
          %dma_start3A_77 = arith.constant 0 : i32
          %dma_start3A_78 = tpu.memref_slice %arg5[%dma_start3A_76, %dma_start3A_77] : memref<50048x32xf32, #tpu.memory_space<vmem_shared>> -> memref<2000x32xf32, #tpu.memory_space<vmem_shared>>
          tpu.enqueue_dma source(%dma_start3A_78 : memref<2000x32xf32, #tpu.memory_space<vmem_shared>>) target(%dma_start3A_75 : memref<2000x32xf32, #tpu.memory_space<hbm>>) target_semaphore(%run_scoped3A_72 : memref<!tpu.dma_semaphore, #tpu.memory_space<semaphore_mem>>)
          %dma_wait3A = arith.constant 48000 : i32
          %dma_wait3A_79 = arith.constant 0 : i32
          %dma_wait3A_80 = tpu.memref_slice %arg4[%run_scoped3A, %dma_wait3A, %dma_wait3A_79] : memref<4x50000x32xf32, #tpu.memory_space<hbm>> -> memref<1x2000x32xf32, #tpu.memory_space<hbm>>
          %dma_wait3A_81 = tpu.memref_squeeze %dma_wait3A_80 : memref<1x2000x32xf32, #tpu.memory_space<hbm>> -> memref<2000x32xf32, #tpu.memory_space<hbm>>
          %dma_wait3A_82 = arith.constant 48000 : i32
          %dma_wait3A_83 = arith.constant 0 : i32
          %dma_wait3A_84 = tpu.memref_slice %arg5[%dma_wait3A_82, %dma_wait3A_83] : memref<50048x32xf32, #tpu.memory_space<vmem_shared>> -> memref<2000x32xf32, #tpu.memory_space<vmem_shared>>
          tpu.wait_dma2 semaphore(%run_scoped3A_72 : memref<!tpu.dma_semaphore, #tpu.memory_space<semaphore_mem>>) src(%dma_wait3A_84 : memref<2000x32xf32, #tpu.memory_space<vmem_shared>>) dst(%dma_wait3A_81 : memref<2000x32xf32, #tpu.memory_space<hbm>>)
          tpu.yield
        }) : () -> ()
      } else {
      }
    } else {
    }
    %barrier3A_28 = arith.constant 0 : index
    tpu.barrier barrier_id(%barrier3A_28)
    %eq3A_29 = arith.constant 0 : i32
    %eq3A_30 = arith.cmpi eq, %arg0, %eq3A_29 : i32
    %convert_element_type3A_31 = arith.extui %eq3A_30 : i1 to i32
    %cond3A_32 = arith.constant 0 : i32
    %cond3A_33 = arith.cmpi ne, %convert_element_type3A_31, %cond3A_32 : i32
    scf.if %cond3A_33 {
      %mul3A = arith.constant 3200 : i32
      %mul3A_62 = arith.muli %arg1, %mul3A : i32
      %multiple_of3A = tpu.assume_multiple %mul3A_62, 3200 : i32
      %lt3A = arith.constant 15 : i32
      %lt3A_63 = arith.cmpi slt, %arg1, %lt3A : i32
      %convert_element_type3A_64 = arith.extui %lt3A_63 : i1 to i32
      %cond3A_65 = arith.constant 0 : i32
      %cond3A_66 = arith.cmpi ne, %convert_element_type3A_64, %cond3A_65 : i32
      scf.if %cond3A_66 {
        %run_scoped3A = arith.constant 1 : i32
        "tpu.region"() ({
          %run_scoped3A_72 = tpu.sem_alloc : memref<!tpu.dma_semaphore, #tpu.memory_space<semaphore_mem>>
          %dma_start3A = arith.constant 0 : i32
          %dma_start3A_73 = tpu.memref_slice %arg5[%multiple_of3A, %dma_start3A] : memref<50048x32xf32, #tpu.memory_space<vmem_shared>> -> memref<3200x32xf32, #tpu.memory_space<vmem_shared>>
          %dma_start3A_74 = arith.constant 0 : i32
          %dma_start3A_75 = tpu.memref_slice %arg2[%run_scoped3A, %multiple_of3A, %dma_start3A_74] : memref<4x50000x32xf32, #tpu.memory_space<hbm>> -> memref<1x3200x32xf32, #tpu.memory_space<hbm>>
          %dma_start3A_76 = tpu.memref_squeeze %dma_start3A_75 : memref<1x3200x32xf32, #tpu.memory_space<hbm>> -> memref<3200x32xf32, #tpu.memory_space<hbm>>
          tpu.enqueue_dma source(%dma_start3A_76 : memref<3200x32xf32, #tpu.memory_space<hbm>>) target(%dma_start3A_73 : memref<3200x32xf32, #tpu.memory_space<vmem_shared>>) target_semaphore(%run_scoped3A_72 : memref<!tpu.dma_semaphore, #tpu.memory_space<semaphore_mem>>)
          %dma_wait3A = arith.constant 0 : i32
          %dma_wait3A_77 = tpu.memref_slice %arg5[%multiple_of3A, %dma_wait3A] : memref<50048x32xf32, #tpu.memory_space<vmem_shared>> -> memref<3200x32xf32, #tpu.memory_space<vmem_shared>>
          %dma_wait3A_78 = arith.constant 0 : i32
          %dma_wait3A_79 = tpu.memref_slice %arg2[%run_scoped3A, %multiple_of3A, %dma_wait3A_78] : memref<4x50000x32xf32, #tpu.memory_space<hbm>> -> memref<1x3200x32xf32, #tpu.memory_space<hbm>>
          %dma_wait3A_80 = tpu.memref_squeeze %dma_wait3A_79 : memref<1x3200x32xf32, #tpu.memory_space<hbm>> -> memref<3200x32xf32, #tpu.memory_space<hbm>>
          tpu.wait_dma2 semaphore(%run_scoped3A_72 : memref<!tpu.dma_semaphore, #tpu.memory_space<semaphore_mem>>) src(%dma_wait3A_80 : memref<3200x32xf32, #tpu.memory_space<hbm>>) dst(%dma_wait3A_77 : memref<3200x32xf32, #tpu.memory_space<vmem_shared>>)
          tpu.yield
        }) : () -> ()
      } else {
      }
      %eq3A_67 = arith.constant 15 : i32
      %eq3A_68 = arith.cmpi eq, %arg1, %eq3A_67 : i32
      %convert_element_type3A_69 = arith.extui %eq3A_68 : i1 to i32
      %cond3A_70 = arith.constant 0 : i32
      %cond3A_71 = arith.cmpi ne, %convert_element_type3A_69, %cond3A_70 : i32
      scf.if %cond3A_71 {
        %run_scoped3A = arith.constant 1 : i32
        "tpu.region"() ({
          %run_scoped3A_72 = tpu.sem_alloc : memref<!tpu.dma_semaphore, #tpu.memory_space<semaphore_mem>>
          %dma_start3A = arith.constant 48000 : i32
          %dma_start3A_73 = arith.constant 0 : i32
          %dma_start3A_74 = tpu.memref_slice %arg5[%dma_start3A, %dma_start3A_73] : memref<50048x32xf32, #tpu.memory_space<vmem_shared>> -> memref<2000x32xf32, #tpu.memory_space<vmem_shared>>
          %dma_start3A_75 = arith.constant 48000 : i32
          %dma_start3A_76 = arith.constant 0 : i32
          %dma_start3A_77 = tpu.memref_slice %arg2[%run_scoped3A, %dma_start3A_75, %dma_start3A_76] : memref<4x50000x32xf32, #tpu.memory_space<hbm>> -> memref<1x2000x32xf32, #tpu.memory_space<hbm>>
          %dma_start3A_78 = tpu.memref_squeeze %dma_start3A_77 : memref<1x2000x32xf32, #tpu.memory_space<hbm>> -> memref<2000x32xf32, #tpu.memory_space<hbm>>
          tpu.enqueue_dma source(%dma_start3A_78 : memref<2000x32xf32, #tpu.memory_space<hbm>>) target(%dma_start3A_74 : memref<2000x32xf32, #tpu.memory_space<vmem_shared>>) target_semaphore(%run_scoped3A_72 : memref<!tpu.dma_semaphore, #tpu.memory_space<semaphore_mem>>)
          %dma_wait3A = arith.constant 48000 : i32
          %dma_wait3A_79 = arith.constant 0 : i32
          %dma_wait3A_80 = tpu.memref_slice %arg5[%dma_wait3A, %dma_wait3A_79] : memref<50048x32xf32, #tpu.memory_space<vmem_shared>> -> memref<2000x32xf32, #tpu.memory_space<vmem_shared>>
          %dma_wait3A_81 = arith.constant 48000 : i32
          %dma_wait3A_82 = arith.constant 0 : i32
          %dma_wait3A_83 = tpu.memref_slice %arg2[%run_scoped3A, %dma_wait3A_81, %dma_wait3A_82] : memref<4x50000x32xf32, #tpu.memory_space<hbm>> -> memref<1x2000x32xf32, #tpu.memory_space<hbm>>
          %dma_wait3A_84 = tpu.memref_squeeze %dma_wait3A_83 : memref<1x2000x32xf32, #tpu.memory_space<hbm>> -> memref<2000x32xf32, #tpu.memory_space<hbm>>
          tpu.wait_dma2 semaphore(%run_scoped3A_72 : memref<!tpu.dma_semaphore, #tpu.memory_space<semaphore_mem>>) src(%dma_wait3A_84 : memref<2000x32xf32, #tpu.memory_space<hbm>>) dst(%dma_wait3A_80 : memref<2000x32xf32, #tpu.memory_space<vmem_shared>>)
          tpu.yield
        }) : () -> ()
      } else {
      }
    } else {
    }
    %eq3A_34 = arith.constant 1 : i32
    %eq3A_35 = arith.cmpi eq, %arg0, %eq3A_34 : i32
    %convert_element_type3A_36 = arith.extui %eq3A_35 : i1 to i32
    %cond3A_37 = arith.constant 0 : i32
    %cond3A_38 = arith.cmpi ne, %convert_element_type3A_36, %cond3A_37 : i32
    scf.if %cond3A_38 {
      %mul3A = arith.constant 3200 : i32
      %mul3A_62 = arith.muli %arg1, %mul3A : i32
      %multiple_of3A = tpu.assume_multiple %mul3A_62, 3200 : i32
      %lt3A = arith.constant 15 : i32
      %lt3A_63 = arith.cmpi slt, %arg1, %lt3A : i32
      %convert_element_type3A_64 = arith.extui %lt3A_63 : i1 to i32
      %cond3A_65 = arith.constant 0 : i32
      %cond3A_66 = arith.cmpi ne, %convert_element_type3A_64, %cond3A_65 : i32
      scf.if %cond3A_66 {
        %run_scoped3A = arith.constant 3 : i32
        "tpu.region"() ({
          %run_scoped3A_72 = tpu.sem_alloc : memref<!tpu.dma_semaphore, #tpu.memory_space<semaphore_mem>>
          %dma_start3A = arith.constant 0 : i32
          %dma_start3A_73 = tpu.memref_slice %arg5[%multiple_of3A, %dma_start3A] : memref<50048x32xf32, #tpu.memory_space<vmem_shared>> -> memref<3200x32xf32, #tpu.memory_space<vmem_shared>>
          %dma_start3A_74 = arith.constant 0 : i32
          %dma_start3A_75 = tpu.memref_slice %arg2[%run_scoped3A, %multiple_of3A, %dma_start3A_74] : memref<4x50000x32xf32, #tpu.memory_space<hbm>> -> memref<1x3200x32xf32, #tpu.memory_space<hbm>>
          %dma_start3A_76 = tpu.memref_squeeze %dma_start3A_75 : memref<1x3200x32xf32, #tpu.memory_space<hbm>> -> memref<3200x32xf32, #tpu.memory_space<hbm>>
          tpu.enqueue_dma source(%dma_start3A_76 : memref<3200x32xf32, #tpu.memory_space<hbm>>) target(%dma_start3A_73 : memref<3200x32xf32, #tpu.memory_space<vmem_shared>>) target_semaphore(%run_scoped3A_72 : memref<!tpu.dma_semaphore, #tpu.memory_space<semaphore_mem>>)
          %dma_wait3A = arith.constant 0 : i32
          %dma_wait3A_77 = tpu.memref_slice %arg5[%multiple_of3A, %dma_wait3A] : memref<50048x32xf32, #tpu.memory_space<vmem_shared>> -> memref<3200x32xf32, #tpu.memory_space<vmem_shared>>
          %dma_wait3A_78 = arith.constant 0 : i32
          %dma_wait3A_79 = tpu.memref_slice %arg2[%run_scoped3A, %multiple_of3A, %dma_wait3A_78] : memref<4x50000x32xf32, #tpu.memory_space<hbm>> -> memref<1x3200x32xf32, #tpu.memory_space<hbm>>
          %dma_wait3A_80 = tpu.memref_squeeze %dma_wait3A_79 : memref<1x3200x32xf32, #tpu.memory_space<hbm>> -> memref<3200x32xf32, #tpu.memory_space<hbm>>
          tpu.wait_dma2 semaphore(%run_scoped3A_72 : memref<!tpu.dma_semaphore, #tpu.memory_space<semaphore_mem>>) src(%dma_wait3A_80 : memref<3200x32xf32, #tpu.memory_space<hbm>>) dst(%dma_wait3A_77 : memref<3200x32xf32, #tpu.memory_space<vmem_shared>>)
          tpu.yield
        }) : () -> ()
      } else {
      }
      %eq3A_67 = arith.constant 15 : i32
      %eq3A_68 = arith.cmpi eq, %arg1, %eq3A_67 : i32
      %convert_element_type3A_69 = arith.extui %eq3A_68 : i1 to i32
      %cond3A_70 = arith.constant 0 : i32
      %cond3A_71 = arith.cmpi ne, %convert_element_type3A_69, %cond3A_70 : i32
      scf.if %cond3A_71 {
        %run_scoped3A = arith.constant 3 : i32
        "tpu.region"() ({
          %run_scoped3A_72 = tpu.sem_alloc : memref<!tpu.dma_semaphore, #tpu.memory_space<semaphore_mem>>
          %dma_start3A = arith.constant 48000 : i32
          %dma_start3A_73 = arith.constant 0 : i32
          %dma_start3A_74 = tpu.memref_slice %arg5[%dma_start3A, %dma_start3A_73] : memref<50048x32xf32, #tpu.memory_space<vmem_shared>> -> memref<2000x32xf32, #tpu.memory_space<vmem_shared>>
          %dma_start3A_75 = arith.constant 48000 : i32
          %dma_start3A_76 = arith.constant 0 : i32
          %dma_start3A_77 = tpu.memref_slice %arg2[%run_scoped3A, %dma_start3A_75, %dma_start3A_76] : memref<4x50000x32xf32, #tpu.memory_space<hbm>> -> memref<1x2000x32xf32, #tpu.memory_space<hbm>>
          %dma_start3A_78 = tpu.memref_squeeze %dma_start3A_77 : memref<1x2000x32xf32, #tpu.memory_space<hbm>> -> memref<2000x32xf32, #tpu.memory_space<hbm>>
          tpu.enqueue_dma source(%dma_start3A_78 : memref<2000x32xf32, #tpu.memory_space<hbm>>) target(%dma_start3A_74 : memref<2000x32xf32, #tpu.memory_space<vmem_shared>>) target_semaphore(%run_scoped3A_72 : memref<!tpu.dma_semaphore, #tpu.memory_space<semaphore_mem>>)
          %dma_wait3A = arith.constant 48000 : i32
          %dma_wait3A_79 = arith.constant 0 : i32
          %dma_wait3A_80 = tpu.memref_slice %arg5[%dma_wait3A, %dma_wait3A_79] : memref<50048x32xf32, #tpu.memory_space<vmem_shared>> -> memref<2000x32xf32, #tpu.memory_space<vmem_shared>>
          %dma_wait3A_81 = arith.constant 48000 : i32
          %dma_wait3A_82 = arith.constant 0 : i32
          %dma_wait3A_83 = tpu.memref_slice %arg2[%run_scoped3A, %dma_wait3A_81, %dma_wait3A_82] : memref<4x50000x32xf32, #tpu.memory_space<hbm>> -> memref<1x2000x32xf32, #tpu.memory_space<hbm>>
          %dma_wait3A_84 = tpu.memref_squeeze %dma_wait3A_83 : memref<1x2000x32xf32, #tpu.memory_space<hbm>> -> memref<2000x32xf32, #tpu.memory_space<hbm>>
          tpu.wait_dma2 semaphore(%run_scoped3A_72 : memref<!tpu.dma_semaphore, #tpu.memory_space<semaphore_mem>>) src(%dma_wait3A_84 : memref<2000x32xf32, #tpu.memory_space<hbm>>) dst(%dma_wait3A_80 : memref<2000x32xf32, #tpu.memory_space<vmem_shared>>)
          tpu.yield
        }) : () -> ()
      } else {
      }
    } else {
    }
    %barrier3A_39 = arith.constant 0 : index
    tpu.barrier barrier_id(%barrier3A_39)
    %eq3A_40 = arith.constant 0 : i32
    %eq3A_41 = arith.cmpi eq, %arg0, %eq3A_40 : i32
    %convert_element_type3A_42 = arith.extui %eq3A_41 : i1 to i32
    %cond3A_43 = arith.constant 0 : i32
    %cond3A_44 = arith.cmpi ne, %convert_element_type3A_42, %cond3A_43 : i32
    scf.if %cond3A_44 {
      %mul3A = arith.constant 392 : i32
      %mul3A_62 = arith.muli %arg1, %mul3A : i32
      %multiple_of3A = tpu.assume_multiple %mul3A_62, 392 : i32
      %multiple_of3A_63 = tpu.assume_multiple %multiple_of3A, 2 : i32
      %dma_start3A = arith.constant 0 : i32
      %dma_start3A_64 = arith.constant 0 : i32
      %dma_start3A_65 = tpu.memref_slice %arg3[%multiple_of3A_63, %dma_start3A, %dma_start3A_64] : memref<6272x2x128xi32, #tpu.memory_space<hbm>> -> memref<2x2x128xi32, #tpu.memory_space<hbm>>
      %dma_start3A_66 = arith.constant 0 : i32
      %dma_start3A_67 = arith.constant 0 : i32
      %dma_start3A_68 = tpu.memref_slice %arg3[%multiple_of3A_63, %dma_start3A_66, %dma_start3A_67] : memref<6272x2x128xi32, #tpu.memory_space<hbm>> -> memref<2x2x128xi32, #tpu.memory_space<hbm>>
      tpu.enqueue_dma source(%dma_start3A_68 : memref<2x2x128xi32, #tpu.memory_space<hbm>>) target(%arg6 : memref<2x2x128xi32, #tpu.memory_space<vmem>>) target_semaphore(%arg10 : memref<!tpu.dma_semaphore, #tpu.memory_space<semaphore_mem>>)
      %add3A = arith.constant 2 : i32
      %add3A_69 = arith.addi %multiple_of3A, %add3A : i32
      %multiple_of3A_70 = tpu.assume_multiple %add3A_69, 2 : i32
      %dma_start3A_71 = arith.constant 0 : i32
      %dma_start3A_72 = arith.constant 0 : i32
      %dma_start3A_73 = tpu.memref_slice %arg3[%multiple_of3A_70, %dma_start3A_71, %dma_start3A_72] : memref<6272x2x128xi32, #tpu.memory_space<hbm>> -> memref<2x2x128xi32, #tpu.memory_space<hbm>>
      %dma_start3A_74 = arith.constant 0 : i32
      %dma_start3A_75 = arith.constant 0 : i32
      %dma_start3A_76 = tpu.memref_slice %arg3[%multiple_of3A_70, %dma_start3A_74, %dma_start3A_75] : memref<6272x2x128xi32, #tpu.memory_space<hbm>> -> memref<2x2x128xi32, #tpu.memory_space<hbm>>
      tpu.enqueue_dma source(%dma_start3A_76 : memref<2x2x128xi32, #tpu.memory_space<hbm>>) target(%arg7 : memref<2x2x128xi32, #tpu.memory_space<vmem>>) target_semaphore(%arg11 : memref<!tpu.dma_semaphore, #tpu.memory_space<semaphore_mem>>)
      %multiple_of3A_77 = tpu.assume_multiple %multiple_of3A, 2 : i32
      %dma_wait3A = arith.constant 0 : i32
      %dma_wait3A_78 = arith.constant 0 : i32
      %dma_wait3A_79 = tpu.memref_slice %arg3[%multiple_of3A_77, %dma_wait3A, %dma_wait3A_78] : memref<6272x2x128xi32, #tpu.memory_space<hbm>> -> memref<2x2x128xi32, #tpu.memory_space<hbm>>
      %dma_wait3A_80 = arith.constant 0 : i32
      %dma_wait3A_81 = arith.constant 0 : i32
      %dma_wait3A_82 = tpu.memref_slice %arg3[%multiple_of3A_77, %dma_wait3A_80, %dma_wait3A_81] : memref<6272x2x128xi32, #tpu.memory_space<hbm>> -> memref<2x2x128xi32, #tpu.memory_space<hbm>>
      tpu.wait_dma2 semaphore(%arg10 : memref<!tpu.dma_semaphore, #tpu.memory_space<semaphore_mem>>) src(%dma_wait3A_82 : memref<2x2x128xi32, #tpu.memory_space<hbm>>) dst(%arg6 : memref<2x2x128xi32, #tpu.memory_space<vmem>>)
      %dma_start3A_83 = arith.constant 1 : i32
      %dma_start3A_84 = arith.constant 0 : i32
      %dma_start3A_85 = arith.constant 0 : i32
      %dma_start3A_86 = arith.constant 0 : i32
      %dma_start3A_87 = arith.constant 0 : i32
      %dma_start3A_88 = arith.constant 0 : i32
      %dma_start3A_89 = tpu.memref_slice %arg8[%dma_start3A_86, %dma_start3A_87, %dma_start3A_88] : memref<2x128x32xf32, #tpu.memory_space<vmem>> -> memref<1x128x32xf32, #tpu.memory_space<vmem>>
      %dma_start3A_90 = tpu.memref_squeeze %dma_start3A_89 : memref<1x128x32xf32, #tpu.memory_space<vmem>> -> memref<128x32xf32, #tpu.memory_space<vmem>>
      %dma_start3A_91 = arith.constant 0 : i32
      %dma_start3A_92 = tpu.memref_slice %arg6[%dma_start3A_84, %dma_start3A_85, %dma_start3A_91] : memref<2x2x128xi32, #tpu.memory_space<vmem>> -> memref<1x1x128xi32, #tpu.memory_space<vmem>>
      %dma_start3A_93 = tpu.memref_squeeze %dma_start3A_92 : memref<1x1x128xi32, #tpu.memory_space<vmem>> -> memref<128xi32, #tpu.memory_space<vmem>>
      %dma_start3A_94 = arith.constant 0 : i32
      %dma_start3A_95 = arith.constant 0 : i32
      %dma_start3A_96 = tpu.memref_slice %arg2[%dma_start3A_83, %dma_start3A_94, %dma_start3A_95] : memref<4x50000x32xf32, #tpu.memory_space<hbm>> -> memref<1x50000x32xf32, #tpu.memory_space<hbm>>
      %dma_start3A_97 = tpu.memref_squeeze %dma_start3A_96 : memref<1x50000x32xf32, #tpu.memory_space<hbm>> -> memref<50000x32xf32, #tpu.memory_space<hbm>>
      %dma_start3A_98 = arith.constant 0 : i32
      %dma_start3A_99 = arith.constant 0 : i32
      %dma_start3A_100 = tpu.memref_slice %dma_start3A_97[%dma_start3A_98, %dma_start3A_99] : memref<50000x32xf32, #tpu.memory_space<hbm>> -> memref<50000x32xf32, #tpu.memory_space<hbm>>
      tpu.enqueue_indirect_dma source(%dma_start3A_100 : memref<50000x32xf32, #tpu.memory_space<hbm>>) target(%dma_start3A_90 : memref<128x32xf32, #tpu.memory_space<vmem>>) offsets(%dma_start3A_93 : memref<128xi32, #tpu.memory_space<vmem>>) semaphore(%arg12 : memref<!tpu.dma_semaphore, #tpu.memory_space<semaphore_mem>>)
      %dma_start3A_101 = arith.constant 1 : i32
      %dma_start3A_102 = arith.constant 1 : i32
      %dma_start3A_103 = arith.constant 0 : i32
      %dma_start3A_104 = arith.constant 1 : i32
      %dma_start3A_105 = arith.constant 0 : i32
      %dma_start3A_106 = arith.constant 0 : i32
      %dma_start3A_107 = tpu.memref_slice %arg8[%dma_start3A_104, %dma_start3A_105, %dma_start3A_106] : memref<2x128x32xf32, #tpu.memory_space<vmem>> -> memref<1x128x32xf32, #tpu.memory_space<vmem>>
      %dma_start3A_108 = tpu.memref_squeeze %dma_start3A_107 : memref<1x128x32xf32, #tpu.memory_space<vmem>> -> memref<128x32xf32, #tpu.memory_space<vmem>>
      %dma_start3A_109 = arith.constant 0 : i32
      %dma_start3A_110 = tpu.memref_slice %arg6[%dma_start3A_102, %dma_start3A_103, %dma_start3A_109] : memref<2x2x128xi32, #tpu.memory_space<vmem>> -> memref<1x1x128xi32, #tpu.memory_space<vmem>>
      %dma_start3A_111 = tpu.memref_squeeze %dma_start3A_110 : memref<1x1x128xi32, #tpu.memory_space<vmem>> -> memref<128xi32, #tpu.memory_space<vmem>>
      %dma_start3A_112 = arith.constant 0 : i32
      %dma_start3A_113 = arith.constant 0 : i32
      %dma_start3A_114 = tpu.memref_slice %arg2[%dma_start3A_101, %dma_start3A_112, %dma_start3A_113] : memref<4x50000x32xf32, #tpu.memory_space<hbm>> -> memref<1x50000x32xf32, #tpu.memory_space<hbm>>
      %dma_start3A_115 = tpu.memref_squeeze %dma_start3A_114 : memref<1x50000x32xf32, #tpu.memory_space<hbm>> -> memref<50000x32xf32, #tpu.memory_space<hbm>>
      %dma_start3A_116 = arith.constant 0 : i32
      %dma_start3A_117 = arith.constant 0 : i32
      %dma_start3A_118 = tpu.memref_slice %dma_start3A_115[%dma_start3A_116, %dma_start3A_117] : memref<50000x32xf32, #tpu.memory_space<hbm>> -> memref<50000x32xf32, #tpu.memory_space<hbm>>
      tpu.enqueue_indirect_dma source(%dma_start3A_118 : memref<50000x32xf32, #tpu.memory_space<hbm>>) target(%dma_start3A_108 : memref<128x32xf32, #tpu.memory_space<vmem>>) offsets(%dma_start3A_111 : memref<128xi32, #tpu.memory_space<vmem>>) semaphore(%arg12 : memref<!tpu.dma_semaphore, #tpu.memory_space<semaphore_mem>>)
      %scan3A = arith.constant 0 : i32
      %scan3A_119 = arith.constant 1 : i32
      %scan3A_120 = arith.constant 0 : i32
      %scan3A_121 = arith.constant 97 : i32
      %scan3A_122 = arith.addi %scan3A_120, %scan3A_121 : i32
      %scan3A_123 = arith.constant 1 : i32
      scf.for %scan3A_254 = %scan3A_120 to %scan3A_122 step %scan3A_123  : i32 {
        %mul3A_255 = arith.constant 4 : i32
        %mul3A_256 = arith.muli %mul3A_255, %scan3A_254 : i32
        %add3A_257 = arith.addi %multiple_of3A, %mul3A_256 : i32
        %multiple_of3A_258 = tpu.assume_multiple %add3A_257, 2 : i32
        %dma_wait3A_259 = arith.constant 0 : i32
        %dma_wait3A_260 = arith.constant 0 : i32
        %dma_wait3A_261 = arith.constant 0 : i32
        %dma_wait3A_262 = arith.constant 0 : i32
        %dma_wait3A_263 = arith.constant 0 : i32
        %dma_wait3A_264 = tpu.memref_slice %arg8[%dma_wait3A_261, %dma_wait3A_262, %dma_wait3A_263] : memref<2x128x32xf32, #tpu.memory_space<vmem>> -> memref<1x128x32xf32, #tpu.memory_space<vmem>>
        %dma_wait3A_265 = tpu.memref_squeeze %dma_wait3A_264 : memref<1x128x32xf32, #tpu.memory_space<vmem>> -> memref<128x32xf32, #tpu.memory_space<vmem>>
        %dma_wait3A_266 = arith.constant 0 : i32
        %dma_wait3A_267 = tpu.memref_slice %arg6[%dma_wait3A_259, %dma_wait3A_260, %dma_wait3A_266] : memref<2x2x128xi32, #tpu.memory_space<vmem>> -> memref<1x1x128xi32, #tpu.memory_space<vmem>>
        %dma_wait3A_268 = tpu.memref_squeeze %dma_wait3A_267 : memref<1x1x128xi32, #tpu.memory_space<vmem>> -> memref<128xi32, #tpu.memory_space<vmem>>
        %dma_wait3A_269 = arith.constant 0 : i32
        %dma_wait3A_270 = arith.constant 0 : i32
        %dma_wait3A_271 = tpu.memref_slice %arg2[%scan3A_119, %dma_wait3A_269, %dma_wait3A_270] : memref<4x50000x32xf32, #tpu.memory_space<hbm>> -> memref<1x50000x32xf32, #tpu.memory_space<hbm>>
        %dma_wait3A_272 = tpu.memref_squeeze %dma_wait3A_271 : memref<1x50000x32xf32, #tpu.memory_space<hbm>> -> memref<50000x32xf32, #tpu.memory_space<hbm>>
        %dma_wait3A_273 = arith.constant 0 : i32
        %dma_wait3A_274 = arith.constant 0 : i32
        %dma_wait3A_275 = tpu.memref_slice %dma_wait3A_272[%dma_wait3A_273, %dma_wait3A_274] : memref<50000x32xf32, #tpu.memory_space<hbm>> -> memref<50000x32xf32, #tpu.memory_space<hbm>>
        tpu.wait_indirect_dma semaphore(%arg12 : memref<!tpu.dma_semaphore, #tpu.memory_space<semaphore_mem>>) src(%dma_wait3A_275 : memref<50000x32xf32, #tpu.memory_space<hbm>>) dst(%dma_wait3A_265 : memref<128x32xf32, #tpu.memory_space<vmem>>)
        %dma_wait3A_276 = arith.constant 1 : i32
        %dma_wait3A_277 = arith.constant 0 : i32
        %dma_wait3A_278 = arith.constant 1 : i32
        %dma_wait3A_279 = arith.constant 0 : i32
        %dma_wait3A_280 = arith.constant 0 : i32
        %dma_wait3A_281 = tpu.memref_slice %arg8[%dma_wait3A_278, %dma_wait3A_279, %dma_wait3A_280] : memref<2x128x32xf32, #tpu.memory_space<vmem>> -> memref<1x128x32xf32, #tpu.memory_space<vmem>>
        %dma_wait3A_282 = tpu.memref_squeeze %dma_wait3A_281 : memref<1x128x32xf32, #tpu.memory_space<vmem>> -> memref<128x32xf32, #tpu.memory_space<vmem>>
        %dma_wait3A_283 = arith.constant 0 : i32
        %dma_wait3A_284 = tpu.memref_slice %arg6[%dma_wait3A_276, %dma_wait3A_277, %dma_wait3A_283] : memref<2x2x128xi32, #tpu.memory_space<vmem>> -> memref<1x1x128xi32, #tpu.memory_space<vmem>>
        %dma_wait3A_285 = tpu.memref_squeeze %dma_wait3A_284 : memref<1x1x128xi32, #tpu.memory_space<vmem>> -> memref<128xi32, #tpu.memory_space<vmem>>
        %dma_wait3A_286 = arith.constant 0 : i32
        %dma_wait3A_287 = arith.constant 0 : i32
        %dma_wait3A_288 = tpu.memref_slice %arg2[%scan3A_119, %dma_wait3A_286, %dma_wait3A_287] : memref<4x50000x32xf32, #tpu.memory_space<hbm>> -> memref<1x50000x32xf32, #tpu.memory_space<hbm>>
        %dma_wait3A_289 = tpu.memref_squeeze %dma_wait3A_288 : memref<1x50000x32xf32, #tpu.memory_space<hbm>> -> memref<50000x32xf32, #tpu.memory_space<hbm>>
        %dma_wait3A_290 = arith.constant 0 : i32
        %dma_wait3A_291 = arith.constant 0 : i32
        %dma_wait3A_292 = tpu.memref_slice %dma_wait3A_289[%dma_wait3A_290, %dma_wait3A_291] : memref<50000x32xf32, #tpu.memory_space<hbm>> -> memref<50000x32xf32, #tpu.memory_space<hbm>>
        tpu.wait_indirect_dma semaphore(%arg12 : memref<!tpu.dma_semaphore, #tpu.memory_space<semaphore_mem>>) src(%dma_wait3A_292 : memref<50000x32xf32, #tpu.memory_space<hbm>>) dst(%dma_wait3A_282 : memref<128x32xf32, #tpu.memory_space<vmem>>)
        %add3A_293 = arith.constant 2 : i32
        %add3A_294 = arith.addi %multiple_of3A_258, %add3A_293 : i32
        %multiple_of3A_295 = tpu.assume_multiple %add3A_294, 2 : i32
        %dma_wait3A_296 = arith.constant 0 : i32
        %dma_wait3A_297 = arith.constant 0 : i32
        %dma_wait3A_298 = tpu.memref_slice %arg3[%multiple_of3A_295, %dma_wait3A_296, %dma_wait3A_297] : memref<6272x2x128xi32, #tpu.memory_space<hbm>> -> memref<2x2x128xi32, #tpu.memory_space<hbm>>
        %dma_wait3A_299 = arith.constant 0 : i32
        %dma_wait3A_300 = arith.constant 0 : i32
        %dma_wait3A_301 = tpu.memref_slice %arg3[%multiple_of3A_295, %dma_wait3A_299, %dma_wait3A_300] : memref<6272x2x128xi32, #tpu.memory_space<hbm>> -> memref<2x2x128xi32, #tpu.memory_space<hbm>>
        tpu.wait_dma2 semaphore(%arg11 : memref<!tpu.dma_semaphore, #tpu.memory_space<semaphore_mem>>) src(%dma_wait3A_301 : memref<2x2x128xi32, #tpu.memory_space<hbm>>) dst(%arg7 : memref<2x2x128xi32, #tpu.memory_space<vmem>>)
        %dma_start3A_302 = arith.constant 0 : i32
        %dma_start3A_303 = arith.constant 0 : i32
        %dma_start3A_304 = arith.constant 0 : i32
        %dma_start3A_305 = arith.constant 0 : i32
        %dma_start3A_306 = arith.constant 0 : i32
        %dma_start3A_307 = tpu.memref_slice %arg9[%dma_start3A_304, %dma_start3A_305, %dma_start3A_306] : memref<2x128x32xf32, #tpu.memory_space<vmem>> -> memref<1x128x32xf32, #tpu.memory_space<vmem>>
        %dma_start3A_308 = tpu.memref_squeeze %dma_start3A_307 : memref<1x128x32xf32, #tpu.memory_space<vmem>> -> memref<128x32xf32, #tpu.memory_space<vmem>>
        %dma_start3A_309 = arith.constant 0 : i32
        %dma_start3A_310 = tpu.memref_slice %arg7[%dma_start3A_302, %dma_start3A_303, %dma_start3A_309] : memref<2x2x128xi32, #tpu.memory_space<vmem>> -> memref<1x1x128xi32, #tpu.memory_space<vmem>>
        %dma_start3A_311 = tpu.memref_squeeze %dma_start3A_310 : memref<1x1x128xi32, #tpu.memory_space<vmem>> -> memref<128xi32, #tpu.memory_space<vmem>>
        %dma_start3A_312 = arith.constant 0 : i32
        %dma_start3A_313 = arith.constant 0 : i32
        %dma_start3A_314 = tpu.memref_slice %arg2[%scan3A_119, %dma_start3A_312, %dma_start3A_313] : memref<4x50000x32xf32, #tpu.memory_space<hbm>> -> memref<1x50000x32xf32, #tpu.memory_space<hbm>>
        %dma_start3A_315 = tpu.memref_squeeze %dma_start3A_314 : memref<1x50000x32xf32, #tpu.memory_space<hbm>> -> memref<50000x32xf32, #tpu.memory_space<hbm>>
        %dma_start3A_316 = arith.constant 0 : i32
        %dma_start3A_317 = arith.constant 0 : i32
        %dma_start3A_318 = tpu.memref_slice %dma_start3A_315[%dma_start3A_316, %dma_start3A_317] : memref<50000x32xf32, #tpu.memory_space<hbm>> -> memref<50000x32xf32, #tpu.memory_space<hbm>>
        tpu.enqueue_indirect_dma source(%dma_start3A_318 : memref<50000x32xf32, #tpu.memory_space<hbm>>) target(%dma_start3A_308 : memref<128x32xf32, #tpu.memory_space<vmem>>) offsets(%dma_start3A_311 : memref<128xi32, #tpu.memory_space<vmem>>) semaphore(%arg13 : memref<!tpu.dma_semaphore, #tpu.memory_space<semaphore_mem>>)
        %dma_start3A_319 = arith.constant 1 : i32
        %dma_start3A_320 = arith.constant 0 : i32
        %dma_start3A_321 = arith.constant 1 : i32
        %dma_start3A_322 = arith.constant 0 : i32
        %dma_start3A_323 = arith.constant 0 : i32
        %dma_start3A_324 = tpu.memref_slice %arg9[%dma_start3A_321, %dma_start3A_322, %dma_start3A_323] : memref<2x128x32xf32, #tpu.memory_space<vmem>> -> memref<1x128x32xf32, #tpu.memory_space<vmem>>
        %dma_start3A_325 = tpu.memref_squeeze %dma_start3A_324 : memref<1x128x32xf32, #tpu.memory_space<vmem>> -> memref<128x32xf32, #tpu.memory_space<vmem>>
        %dma_start3A_326 = arith.constant 0 : i32
        %dma_start3A_327 = tpu.memref_slice %arg7[%dma_start3A_319, %dma_start3A_320, %dma_start3A_326] : memref<2x2x128xi32, #tpu.memory_space<vmem>> -> memref<1x1x128xi32, #tpu.memory_space<vmem>>
        %dma_start3A_328 = tpu.memref_squeeze %dma_start3A_327 : memref<1x1x128xi32, #tpu.memory_space<vmem>> -> memref<128xi32, #tpu.memory_space<vmem>>
        %dma_start3A_329 = arith.constant 0 : i32
        %dma_start3A_330 = arith.constant 0 : i32
        %dma_start3A_331 = tpu.memref_slice %arg2[%scan3A_119, %dma_start3A_329, %dma_start3A_330] : memref<4x50000x32xf32, #tpu.memory_space<hbm>> -> memref<1x50000x32xf32, #tpu.memory_space<hbm>>
        %dma_start3A_332 = tpu.memref_squeeze %dma_start3A_331 : memref<1x50000x32xf32, #tpu.memory_space<hbm>> -> memref<50000x32xf32, #tpu.memory_space<hbm>>
        %dma_start3A_333 = arith.constant 0 : i32
        %dma_start3A_334 = arith.constant 0 : i32
        %dma_start3A_335 = tpu.memref_slice %dma_start3A_332[%dma_start3A_333, %dma_start3A_334] : memref<50000x32xf32, #tpu.memory_space<hbm>> -> memref<50000x32xf32, #tpu.memory_space<hbm>>
        tpu.enqueue_indirect_dma source(%dma_start3A_335 : memref<50000x32xf32, #tpu.memory_space<hbm>>) target(%dma_start3A_325 : memref<128x32xf32, #tpu.memory_space<vmem>>) offsets(%dma_start3A_328 : memref<128xi32, #tpu.memory_space<vmem>>) semaphore(%arg13 : memref<!tpu.dma_semaphore, #tpu.memory_space<semaphore_mem>>)
        %run_scoped3A_336 = arith.constant 0 : i32
        %run_scoped3A_337 = arith.constant 0 : i32
        %run_scoped3A_338 = arith.constant 1 : i32
        "tpu.region"() ({
          %run_scoped3A_440 = tpu.sem_alloc : memref<!tpu.dma_semaphore, #tpu.memory_space<semaphore_mem>>
          %dma_start3A_441 = arith.constant 0 : i32
          %dma_start3A_442 = arith.constant 0 : i32
          %dma_start3A_443 = tpu.memref_slice %arg8[%run_scoped3A_336, %dma_start3A_441, %dma_start3A_442] : memref<2x128x32xf32, #tpu.memory_space<vmem>> -> memref<1x128x32xf32, #tpu.memory_space<vmem>>
          %dma_start3A_444 = tpu.memref_squeeze %dma_start3A_443 : memref<1x128x32xf32, #tpu.memory_space<vmem>> -> memref<128x32xf32, #tpu.memory_space<vmem>>
          %dma_start3A_445 = arith.constant 0 : i32
          %dma_start3A_446 = tpu.memref_slice %arg6[%run_scoped3A_337, %run_scoped3A_338, %dma_start3A_445] : memref<2x2x128xi32, #tpu.memory_space<vmem>> -> memref<1x1x128xi32, #tpu.memory_space<vmem>>
          %dma_start3A_447 = tpu.memref_squeeze %dma_start3A_446 : memref<1x1x128xi32, #tpu.memory_space<vmem>> -> memref<128xi32, #tpu.memory_space<vmem>>
          %dma_start3A_448 = arith.constant 0 : i32
          %dma_start3A_449 = arith.constant 0 : i32
          %dma_start3A_450 = tpu.memref_slice %arg5[%dma_start3A_448, %dma_start3A_449] : memref<50048x32xf32, #tpu.memory_space<vmem_shared>> -> memref<50048x32xf32, #tpu.memory_space<vmem_shared>>
          tpu.enqueue_indirect_dma source(%dma_start3A_444 : memref<128x32xf32, #tpu.memory_space<vmem>>) target(%dma_start3A_450 : memref<50048x32xf32, #tpu.memory_space<vmem_shared>>) offsets(%dma_start3A_447 : memref<128xi32, #tpu.memory_space<vmem>>) semaphore(%run_scoped3A_440 : memref<!tpu.dma_semaphore, #tpu.memory_space<semaphore_mem>>) {add = true}
          %dma_wait3A_451 = arith.constant 0 : i32
          %dma_wait3A_452 = arith.constant 0 : i32
          %dma_wait3A_453 = tpu.memref_slice %arg8[%run_scoped3A_336, %dma_wait3A_451, %dma_wait3A_452] : memref<2x128x32xf32, #tpu.memory_space<vmem>> -> memref<1x128x32xf32, #tpu.memory_space<vmem>>
          %dma_wait3A_454 = tpu.memref_squeeze %dma_wait3A_453 : memref<1x128x32xf32, #tpu.memory_space<vmem>> -> memref<128x32xf32, #tpu.memory_space<vmem>>
          %dma_wait3A_455 = arith.constant 0 : i32
          %dma_wait3A_456 = tpu.memref_slice %arg6[%run_scoped3A_337, %run_scoped3A_338, %dma_wait3A_455] : memref<2x2x128xi32, #tpu.memory_space<vmem>> -> memref<1x1x128xi32, #tpu.memory_space<vmem>>
          %dma_wait3A_457 = tpu.memref_squeeze %dma_wait3A_456 : memref<1x1x128xi32, #tpu.memory_space<vmem>> -> memref<128xi32, #tpu.memory_space<vmem>>
          %dma_wait3A_458 = arith.constant 0 : i32
          %dma_wait3A_459 = arith.constant 0 : i32
          %dma_wait3A_460 = tpu.memref_slice %arg5[%dma_wait3A_458, %dma_wait3A_459] : memref<50048x32xf32, #tpu.memory_space<vmem_shared>> -> memref<50048x32xf32, #tpu.memory_space<vmem_shared>>
          tpu.wait_indirect_dma semaphore(%run_scoped3A_440 : memref<!tpu.dma_semaphore, #tpu.memory_space<semaphore_mem>>) src(%dma_wait3A_454 : memref<128x32xf32, #tpu.memory_space<vmem>>) dst(%dma_wait3A_460 : memref<50048x32xf32, #tpu.memory_space<vmem_shared>>)
          tpu.yield
        }) : () -> ()
        %run_scoped3A_339 = arith.constant 1 : i32
        %run_scoped3A_340 = arith.constant 1 : i32
        %run_scoped3A_341 = arith.constant 1 : i32
        "tpu.region"() ({
          %run_scoped3A_440 = tpu.sem_alloc : memref<!tpu.dma_semaphore, #tpu.memory_space<semaphore_mem>>
          %dma_start3A_441 = arith.constant 0 : i32
          %dma_start3A_442 = arith.constant 0 : i32
          %dma_start3A_443 = tpu.memref_slice %arg8[%run_scoped3A_339, %dma_start3A_441, %dma_start3A_442] : memref<2x128x32xf32, #tpu.memory_space<vmem>> -> memref<1x128x32xf32, #tpu.memory_space<vmem>>
          %dma_start3A_444 = tpu.memref_squeeze %dma_start3A_443 : memref<1x128x32xf32, #tpu.memory_space<vmem>> -> memref<128x32xf32, #tpu.memory_space<vmem>>
          %dma_start3A_445 = arith.constant 0 : i32
          %dma_start3A_446 = tpu.memref_slice %arg6[%run_scoped3A_340, %run_scoped3A_341, %dma_start3A_445] : memref<2x2x128xi32, #tpu.memory_space<vmem>> -> memref<1x1x128xi32, #tpu.memory_space<vmem>>
          %dma_start3A_447 = tpu.memref_squeeze %dma_start3A_446 : memref<1x1x128xi32, #tpu.memory_space<vmem>> -> memref<128xi32, #tpu.memory_space<vmem>>
          %dma_start3A_448 = arith.constant 0 : i32
          %dma_start3A_449 = arith.constant 0 : i32
          %dma_start3A_450 = tpu.memref_slice %arg5[%dma_start3A_448, %dma_start3A_449] : memref<50048x32xf32, #tpu.memory_space<vmem_shared>> -> memref<50048x32xf32, #tpu.memory_space<vmem_shared>>
          tpu.enqueue_indirect_dma source(%dma_start3A_444 : memref<128x32xf32, #tpu.memory_space<vmem>>) target(%dma_start3A_450 : memref<50048x32xf32, #tpu.memory_space<vmem_shared>>) offsets(%dma_start3A_447 : memref<128xi32, #tpu.memory_space<vmem>>) semaphore(%run_scoped3A_440 : memref<!tpu.dma_semaphore, #tpu.memory_space<semaphore_mem>>) {add = true}
          %dma_wait3A_451 = arith.constant 0 : i32
          %dma_wait3A_452 = arith.constant 0 : i32
          %dma_wait3A_453 = tpu.memref_slice %arg8[%run_scoped3A_339, %dma_wait3A_451, %dma_wait3A_452] : memref<2x128x32xf32, #tpu.memory_space<vmem>> -> memref<1x128x32xf32, #tpu.memory_space<vmem>>
          %dma_wait3A_454 = tpu.memref_squeeze %dma_wait3A_453 : memref<1x128x32xf32, #tpu.memory_space<vmem>> -> memref<128x32xf32, #tpu.memory_space<vmem>>
          %dma_wait3A_455 = arith.constant 0 : i32
          %dma_wait3A_456 = tpu.memref_slice %arg6[%run_scoped3A_340, %run_scoped3A_341, %dma_wait3A_455] : memref<2x2x128xi32, #tpu.memory_space<vmem>> -> memref<1x1x128xi32, #tpu.memory_space<vmem>>
          %dma_wait3A_457 = tpu.memref_squeeze %dma_wait3A_456 : memref<1x1x128xi32, #tpu.memory_space<vmem>> -> memref<128xi32, #tpu.memory_space<vmem>>
          %dma_wait3A_458 = arith.constant 0 : i32
          %dma_wait3A_459 = arith.constant 0 : i32
          %dma_wait3A_460 = tpu.memref_slice %arg5[%dma_wait3A_458, %dma_wait3A_459] : memref<50048x32xf32, #tpu.memory_space<vmem_shared>> -> memref<50048x32xf32, #tpu.memory_space<vmem_shared>>
          tpu.wait_indirect_dma semaphore(%run_scoped3A_440 : memref<!tpu.dma_semaphore, #tpu.memory_space<semaphore_mem>>) src(%dma_wait3A_454 : memref<128x32xf32, #tpu.memory_space<vmem>>) dst(%dma_wait3A_460 : memref<50048x32xf32, #tpu.memory_space<vmem_shared>>)
          tpu.yield
        }) : () -> ()
        %add3A_342 = arith.constant 4 : i32
        %add3A_343 = arith.addi %multiple_of3A_258, %add3A_342 : i32
        %multiple_of3A_344 = tpu.assume_multiple %add3A_343, 2 : i32
        %dma_start3A_345 = arith.constant 0 : i32
        %dma_start3A_346 = arith.constant 0 : i32
        %dma_start3A_347 = tpu.memref_slice %arg3[%multiple_of3A_344, %dma_start3A_345, %dma_start3A_346] : memref<6272x2x128xi32, #tpu.memory_space<hbm>> -> memref<2x2x128xi32, #tpu.memory_space<hbm>>
        %dma_start3A_348 = arith.constant 0 : i32
        %dma_start3A_349 = arith.constant 0 : i32
        %dma_start3A_350 = tpu.memref_slice %arg3[%multiple_of3A_344, %dma_start3A_348, %dma_start3A_349] : memref<6272x2x128xi32, #tpu.memory_space<hbm>> -> memref<2x2x128xi32, #tpu.memory_space<hbm>>
        tpu.enqueue_dma source(%dma_start3A_350 : memref<2x2x128xi32, #tpu.memory_space<hbm>>) target(%arg6 : memref<2x2x128xi32, #tpu.memory_space<vmem>>) target_semaphore(%arg10 : memref<!tpu.dma_semaphore, #tpu.memory_space<semaphore_mem>>)
        %dma_wait3A_351 = arith.constant 0 : i32
        %dma_wait3A_352 = arith.constant 0 : i32
        %dma_wait3A_353 = arith.constant 0 : i32
        %dma_wait3A_354 = arith.constant 0 : i32
        %dma_wait3A_355 = arith.constant 0 : i32
        %dma_wait3A_356 = tpu.memref_slice %arg9[%dma_wait3A_353, %dma_wait3A_354, %dma_wait3A_355] : memref<2x128x32xf32, #tpu.memory_space<vmem>> -> memref<1x128x32xf32, #tpu.memory_space<vmem>>
        %dma_wait3A_357 = tpu.memref_squeeze %dma_wait3A_356 : memref<1x128x32xf32, #tpu.memory_space<vmem>> -> memref<128x32xf32, #tpu.memory_space<vmem>>
        %dma_wait3A_358 = arith.constant 0 : i32
        %dma_wait3A_359 = tpu.memref_slice %arg7[%dma_wait3A_351, %dma_wait3A_352, %dma_wait3A_358] : memref<2x2x128xi32, #tpu.memory_space<vmem>> -> memref<1x1x128xi32, #tpu.memory_space<vmem>>
        %dma_wait3A_360 = tpu.memref_squeeze %dma_wait3A_359 : memref<1x1x128xi32, #tpu.memory_space<vmem>> -> memref<128xi32, #tpu.memory_space<vmem>>
        %dma_wait3A_361 = arith.constant 0 : i32
        %dma_wait3A_362 = arith.constant 0 : i32
        %dma_wait3A_363 = tpu.memref_slice %arg2[%scan3A_119, %dma_wait3A_361, %dma_wait3A_362] : memref<4x50000x32xf32, #tpu.memory_space<hbm>> -> memref<1x50000x32xf32, #tpu.memory_space<hbm>>
        %dma_wait3A_364 = tpu.memref_squeeze %dma_wait3A_363 : memref<1x50000x32xf32, #tpu.memory_space<hbm>> -> memref<50000x32xf32, #tpu.memory_space<hbm>>
        %dma_wait3A_365 = arith.constant 0 : i32
        %dma_wait3A_366 = arith.constant 0 : i32
        %dma_wait3A_367 = tpu.memref_slice %dma_wait3A_364[%dma_wait3A_365, %dma_wait3A_366] : memref<50000x32xf32, #tpu.memory_space<hbm>> -> memref<50000x32xf32, #tpu.memory_space<hbm>>
        tpu.wait_indirect_dma semaphore(%arg13 : memref<!tpu.dma_semaphore, #tpu.memory_space<semaphore_mem>>) src(%dma_wait3A_367 : memref<50000x32xf32, #tpu.memory_space<hbm>>) dst(%dma_wait3A_357 : memref<128x32xf32, #tpu.memory_space<vmem>>)
        %dma_wait3A_368 = arith.constant 1 : i32
        %dma_wait3A_369 = arith.constant 0 : i32
        %dma_wait3A_370 = arith.constant 1 : i32
        %dma_wait3A_371 = arith.constant 0 : i32
        %dma_wait3A_372 = arith.constant 0 : i32
        %dma_wait3A_373 = tpu.memref_slice %arg9[%dma_wait3A_370, %dma_wait3A_371, %dma_wait3A_372] : memref<2x128x32xf32, #tpu.memory_space<vmem>> -> memref<1x128x32xf32, #tpu.memory_space<vmem>>
        %dma_wait3A_374 = tpu.memref_squeeze %dma_wait3A_373 : memref<1x128x32xf32, #tpu.memory_space<vmem>> -> memref<128x32xf32, #tpu.memory_space<vmem>>
        %dma_wait3A_375 = arith.constant 0 : i32
        %dma_wait3A_376 = tpu.memref_slice %arg7[%dma_wait3A_368, %dma_wait3A_369, %dma_wait3A_375] : memref<2x2x128xi32, #tpu.memory_space<vmem>> -> memref<1x1x128xi32, #tpu.memory_space<vmem>>
        %dma_wait3A_377 = tpu.memref_squeeze %dma_wait3A_376 : memref<1x1x128xi32, #tpu.memory_space<vmem>> -> memref<128xi32, #tpu.memory_space<vmem>>
        %dma_wait3A_378 = arith.constant 0 : i32
        %dma_wait3A_379 = arith.constant 0 : i32
        %dma_wait3A_380 = tpu.memref_slice %arg2[%scan3A_119, %dma_wait3A_378, %dma_wait3A_379] : memref<4x50000x32xf32, #tpu.memory_space<hbm>> -> memref<1x50000x32xf32, #tpu.memory_space<hbm>>
        %dma_wait3A_381 = tpu.memref_squeeze %dma_wait3A_380 : memref<1x50000x32xf32, #tpu.memory_space<hbm>> -> memref<50000x32xf32, #tpu.memory_space<hbm>>
        %dma_wait3A_382 = arith.constant 0 : i32
        %dma_wait3A_383 = arith.constant 0 : i32
        %dma_wait3A_384 = tpu.memref_slice %dma_wait3A_381[%dma_wait3A_382, %dma_wait3A_383] : memref<50000x32xf32, #tpu.memory_space<hbm>> -> memref<50000x32xf32, #tpu.memory_space<hbm>>
        tpu.wait_indirect_dma semaphore(%arg13 : memref<!tpu.dma_semaphore, #tpu.memory_space<semaphore_mem>>) src(%dma_wait3A_384 : memref<50000x32xf32, #tpu.memory_space<hbm>>) dst(%dma_wait3A_374 : memref<128x32xf32, #tpu.memory_space<vmem>>)
        %dma_wait3A_385 = arith.constant 0 : i32
        %dma_wait3A_386 = arith.constant 0 : i32
        %dma_wait3A_387 = tpu.memref_slice %arg3[%multiple_of3A_344, %dma_wait3A_385, %dma_wait3A_386] : memref<6272x2x128xi32, #tpu.memory_space<hbm>> -> memref<2x2x128xi32, #tpu.memory_space<hbm>>
        %dma_wait3A_388 = arith.constant 0 : i32
        %dma_wait3A_389 = arith.constant 0 : i32
        %dma_wait3A_390 = tpu.memref_slice %arg3[%multiple_of3A_344, %dma_wait3A_388, %dma_wait3A_389] : memref<6272x2x128xi32, #tpu.memory_space<hbm>> -> memref<2x2x128xi32, #tpu.memory_space<hbm>>
        tpu.wait_dma2 semaphore(%arg10 : memref<!tpu.dma_semaphore, #tpu.memory_space<semaphore_mem>>) src(%dma_wait3A_390 : memref<2x2x128xi32, #tpu.memory_space<hbm>>) dst(%arg6 : memref<2x2x128xi32, #tpu.memory_space<vmem>>)
        %dma_start3A_391 = arith.constant 0 : i32
        %dma_start3A_392 = arith.constant 0 : i32
        %dma_start3A_393 = arith.constant 0 : i32
        %dma_start3A_394 = arith.constant 0 : i32
        %dma_start3A_395 = arith.constant 0 : i32
        %dma_start3A_396 = tpu.memref_slice %arg8[%dma_start3A_393, %dma_start3A_394, %dma_start3A_395] : memref<2x128x32xf32, #tpu.memory_space<vmem>> -> memref<1x128x32xf32, #tpu.memory_space<vmem>>
        %dma_start3A_397 = tpu.memref_squeeze %dma_start3A_396 : memref<1x128x32xf32, #tpu.memory_space<vmem>> -> memref<128x32xf32, #tpu.memory_space<vmem>>
        %dma_start3A_398 = arith.constant 0 : i32
        %dma_start3A_399 = tpu.memref_slice %arg6[%dma_start3A_391, %dma_start3A_392, %dma_start3A_398] : memref<2x2x128xi32, #tpu.memory_space<vmem>> -> memref<1x1x128xi32, #tpu.memory_space<vmem>>
        %dma_start3A_400 = tpu.memref_squeeze %dma_start3A_399 : memref<1x1x128xi32, #tpu.memory_space<vmem>> -> memref<128xi32, #tpu.memory_space<vmem>>
        %dma_start3A_401 = arith.constant 0 : i32
        %dma_start3A_402 = arith.constant 0 : i32
        %dma_start3A_403 = tpu.memref_slice %arg2[%scan3A_119, %dma_start3A_401, %dma_start3A_402] : memref<4x50000x32xf32, #tpu.memory_space<hbm>> -> memref<1x50000x32xf32, #tpu.memory_space<hbm>>
        %dma_start3A_404 = tpu.memref_squeeze %dma_start3A_403 : memref<1x50000x32xf32, #tpu.memory_space<hbm>> -> memref<50000x32xf32, #tpu.memory_space<hbm>>
        %dma_start3A_405 = arith.constant 0 : i32
        %dma_start3A_406 = arith.constant 0 : i32
        %dma_start3A_407 = tpu.memref_slice %dma_start3A_404[%dma_start3A_405, %dma_start3A_406] : memref<50000x32xf32, #tpu.memory_space<hbm>> -> memref<50000x32xf32, #tpu.memory_space<hbm>>
        tpu.enqueue_indirect_dma source(%dma_start3A_407 : memref<50000x32xf32, #tpu.memory_space<hbm>>) target(%dma_start3A_397 : memref<128x32xf32, #tpu.memory_space<vmem>>) offsets(%dma_start3A_400 : memref<128xi32, #tpu.memory_space<vmem>>) semaphore(%arg12 : memref<!tpu.dma_semaphore, #tpu.memory_space<semaphore_mem>>)
        %dma_start3A_408 = arith.constant 1 : i32
        %dma_start3A_409 = arith.constant 0 : i32
        %dma_start3A_410 = arith.constant 1 : i32
        %dma_start3A_411 = arith.constant 0 : i32
        %dma_start3A_412 = arith.constant 0 : i32
        %dma_start3A_413 = tpu.memref_slice %arg8[%dma_start3A_410, %dma_start3A_411, %dma_start3A_412] : memref<2x128x32xf32, #tpu.memory_space<vmem>> -> memref<1x128x32xf32, #tpu.memory_space<vmem>>
        %dma_start3A_414 = tpu.memref_squeeze %dma_start3A_413 : memref<1x128x32xf32, #tpu.memory_space<vmem>> -> memref<128x32xf32, #tpu.memory_space<vmem>>
        %dma_start3A_415 = arith.constant 0 : i32
        %dma_start3A_416 = tpu.memref_slice %arg6[%dma_start3A_408, %dma_start3A_409, %dma_start3A_415] : memref<2x2x128xi32, #tpu.memory_space<vmem>> -> memref<1x1x128xi32, #tpu.memory_space<vmem>>
        %dma_start3A_417 = tpu.memref_squeeze %dma_start3A_416 : memref<1x1x128xi32, #tpu.memory_space<vmem>> -> memref<128xi32, #tpu.memory_space<vmem>>
        %dma_start3A_418 = arith.constant 0 : i32
        %dma_start3A_419 = arith.constant 0 : i32
        %dma_start3A_420 = tpu.memref_slice %arg2[%scan3A_119, %dma_start3A_418, %dma_start3A_419] : memref<4x50000x32xf32, #tpu.memory_space<hbm>> -> memref<1x50000x32xf32, #tpu.memory_space<hbm>>
        %dma_start3A_421 = tpu.memref_squeeze %dma_start3A_420 : memref<1x50000x32xf32, #tpu.memory_space<hbm>> -> memref<50000x32xf32, #tpu.memory_space<hbm>>
        %dma_start3A_422 = arith.constant 0 : i32
        %dma_start3A_423 = arith.constant 0 : i32
        %dma_start3A_424 = tpu.memref_slice %dma_start3A_421[%dma_start3A_422, %dma_start3A_423] : memref<50000x32xf32, #tpu.memory_space<hbm>> -> memref<50000x32xf32, #tpu.memory_space<hbm>>
        tpu.enqueue_indirect_dma source(%dma_start3A_424 : memref<50000x32xf32, #tpu.memory_space<hbm>>) target(%dma_start3A_414 : memref<128x32xf32, #tpu.memory_space<vmem>>) offsets(%dma_start3A_417 : memref<128xi32, #tpu.memory_space<vmem>>) semaphore(%arg12 : memref<!tpu.dma_semaphore, #tpu.memory_space<semaphore_mem>>)
        %run_scoped3A_425 = arith.constant 0 : i32
        %run_scoped3A_426 = arith.constant 0 : i32
        %run_scoped3A_427 = arith.constant 1 : i32
        "tpu.region"() ({
          %run_scoped3A_440 = tpu.sem_alloc : memref<!tpu.dma_semaphore, #tpu.memory_space<semaphore_mem>>
          %dma_start3A_441 = arith.constant 0 : i32
          %dma_start3A_442 = arith.constant 0 : i32
          %dma_start3A_443 = tpu.memref_slice %arg9[%run_scoped3A_425, %dma_start3A_441, %dma_start3A_442] : memref<2x128x32xf32, #tpu.memory_space<vmem>> -> memref<1x128x32xf32, #tpu.memory_space<vmem>>
          %dma_start3A_444 = tpu.memref_squeeze %dma_start3A_443 : memref<1x128x32xf32, #tpu.memory_space<vmem>> -> memref<128x32xf32, #tpu.memory_space<vmem>>
          %dma_start3A_445 = arith.constant 0 : i32
          %dma_start3A_446 = tpu.memref_slice %arg7[%run_scoped3A_426, %run_scoped3A_427, %dma_start3A_445] : memref<2x2x128xi32, #tpu.memory_space<vmem>> -> memref<1x1x128xi32, #tpu.memory_space<vmem>>
          %dma_start3A_447 = tpu.memref_squeeze %dma_start3A_446 : memref<1x1x128xi32, #tpu.memory_space<vmem>> -> memref<128xi32, #tpu.memory_space<vmem>>
          %dma_start3A_448 = arith.constant 0 : i32
          %dma_start3A_449 = arith.constant 0 : i32
          %dma_start3A_450 = tpu.memref_slice %arg5[%dma_start3A_448, %dma_start3A_449] : memref<50048x32xf32, #tpu.memory_space<vmem_shared>> -> memref<50048x32xf32, #tpu.memory_space<vmem_shared>>
          tpu.enqueue_indirect_dma source(%dma_start3A_444 : memref<128x32xf32, #tpu.memory_space<vmem>>) target(%dma_start3A_450 : memref<50048x32xf32, #tpu.memory_space<vmem_shared>>) offsets(%dma_start3A_447 : memref<128xi32, #tpu.memory_space<vmem>>) semaphore(%run_scoped3A_440 : memref<!tpu.dma_semaphore, #tpu.memory_space<semaphore_mem>>) {add = true}
          %dma_wait3A_451 = arith.constant 0 : i32
          %dma_wait3A_452 = arith.constant 0 : i32
          %dma_wait3A_453 = tpu.memref_slice %arg9[%run_scoped3A_425, %dma_wait3A_451, %dma_wait3A_452] : memref<2x128x32xf32, #tpu.memory_space<vmem>> -> memref<1x128x32xf32, #tpu.memory_space<vmem>>
          %dma_wait3A_454 = tpu.memref_squeeze %dma_wait3A_453 : memref<1x128x32xf32, #tpu.memory_space<vmem>> -> memref<128x32xf32, #tpu.memory_space<vmem>>
          %dma_wait3A_455 = arith.constant 0 : i32
          %dma_wait3A_456 = tpu.memref_slice %arg7[%run_scoped3A_426, %run_scoped3A_427, %dma_wait3A_455] : memref<2x2x128xi32, #tpu.memory_space<vmem>> -> memref<1x1x128xi32, #tpu.memory_space<vmem>>
          %dma_wait3A_457 = tpu.memref_squeeze %dma_wait3A_456 : memref<1x1x128xi32, #tpu.memory_space<vmem>> -> memref<128xi32, #tpu.memory_space<vmem>>
          %dma_wait3A_458 = arith.constant 0 : i32
          %dma_wait3A_459 = arith.constant 0 : i32
          %dma_wait3A_460 = tpu.memref_slice %arg5[%dma_wait3A_458, %dma_wait3A_459] : memref<50048x32xf32, #tpu.memory_space<vmem_shared>> -> memref<50048x32xf32, #tpu.memory_space<vmem_shared>>
          tpu.wait_indirect_dma semaphore(%run_scoped3A_440 : memref<!tpu.dma_semaphore, #tpu.memory_space<semaphore_mem>>) src(%dma_wait3A_454 : memref<128x32xf32, #tpu.memory_space<vmem>>) dst(%dma_wait3A_460 : memref<50048x32xf32, #tpu.memory_space<vmem_shared>>)
          tpu.yield
        }) : () -> ()
        %run_scoped3A_428 = arith.constant 1 : i32
        %run_scoped3A_429 = arith.constant 1 : i32
        %run_scoped3A_430 = arith.constant 1 : i32
        "tpu.region"() ({
          %run_scoped3A_440 = tpu.sem_alloc : memref<!tpu.dma_semaphore, #tpu.memory_space<semaphore_mem>>
          %dma_start3A_441 = arith.constant 0 : i32
          %dma_start3A_442 = arith.constant 0 : i32
          %dma_start3A_443 = tpu.memref_slice %arg9[%run_scoped3A_428, %dma_start3A_441, %dma_start3A_442] : memref<2x128x32xf32, #tpu.memory_space<vmem>> -> memref<1x128x32xf32, #tpu.memory_space<vmem>>
          %dma_start3A_444 = tpu.memref_squeeze %dma_start3A_443 : memref<1x128x32xf32, #tpu.memory_space<vmem>> -> memref<128x32xf32, #tpu.memory_space<vmem>>
          %dma_start3A_445 = arith.constant 0 : i32
          %dma_start3A_446 = tpu.memref_slice %arg7[%run_scoped3A_429, %run_scoped3A_430, %dma_start3A_445] : memref<2x2x128xi32, #tpu.memory_space<vmem>> -> memref<1x1x128xi32, #tpu.memory_space<vmem>>
          %dma_start3A_447 = tpu.memref_squeeze %dma_start3A_446 : memref<1x1x128xi32, #tpu.memory_space<vmem>> -> memref<128xi32, #tpu.memory_space<vmem>>
          %dma_start3A_448 = arith.constant 0 : i32
          %dma_start3A_449 = arith.constant 0 : i32
          %dma_start3A_450 = tpu.memref_slice %arg5[%dma_start3A_448, %dma_start3A_449] : memref<50048x32xf32, #tpu.memory_space<vmem_shared>> -> memref<50048x32xf32, #tpu.memory_space<vmem_shared>>
          tpu.enqueue_indirect_dma source(%dma_start3A_444 : memref<128x32xf32, #tpu.memory_space<vmem>>) target(%dma_start3A_450 : memref<50048x32xf32, #tpu.memory_space<vmem_shared>>) offsets(%dma_start3A_447 : memref<128xi32, #tpu.memory_space<vmem>>) semaphore(%run_scoped3A_440 : memref<!tpu.dma_semaphore, #tpu.memory_space<semaphore_mem>>) {add = true}
          %dma_wait3A_451 = arith.constant 0 : i32
          %dma_wait3A_452 = arith.constant 0 : i32
          %dma_wait3A_453 = tpu.memref_slice %arg9[%run_scoped3A_428, %dma_wait3A_451, %dma_wait3A_452] : memref<2x128x32xf32, #tpu.memory_space<vmem>> -> memref<1x128x32xf32, #tpu.memory_space<vmem>>
          %dma_wait3A_454 = tpu.memref_squeeze %dma_wait3A_453 : memref<1x128x32xf32, #tpu.memory_space<vmem>> -> memref<128x32xf32, #tpu.memory_space<vmem>>
          %dma_wait3A_455 = arith.constant 0 : i32
          %dma_wait3A_456 = tpu.memref_slice %arg7[%run_scoped3A_429, %run_scoped3A_430, %dma_wait3A_455] : memref<2x2x128xi32, #tpu.memory_space<vmem>> -> memref<1x1x128xi32, #tpu.memory_space<vmem>>
          %dma_wait3A_457 = tpu.memref_squeeze %dma_wait3A_456 : memref<1x1x128xi32, #tpu.memory_space<vmem>> -> memref<128xi32, #tpu.memory_space<vmem>>
          %dma_wait3A_458 = arith.constant 0 : i32
          %dma_wait3A_459 = arith.constant 0 : i32
          %dma_wait3A_460 = tpu.memref_slice %arg5[%dma_wait3A_458, %dma_wait3A_459] : memref<50048x32xf32, #tpu.memory_space<vmem_shared>> -> memref<50048x32xf32, #tpu.memory_space<vmem_shared>>
          tpu.wait_indirect_dma semaphore(%run_scoped3A_440 : memref<!tpu.dma_semaphore, #tpu.memory_space<semaphore_mem>>) src(%dma_wait3A_454 : memref<128x32xf32, #tpu.memory_space<vmem>>) dst(%dma_wait3A_460 : memref<50048x32xf32, #tpu.memory_space<vmem_shared>>)
          tpu.yield
        }) : () -> ()
        %add3A_431 = arith.constant 6 : i32
        %add3A_432 = arith.addi %multiple_of3A_258, %add3A_431 : i32
        %multiple_of3A_433 = tpu.assume_multiple %add3A_432, 2 : i32
        %dma_start3A_434 = arith.constant 0 : i32
        %dma_start3A_435 = arith.constant 0 : i32
        %dma_start3A_436 = tpu.memref_slice %arg3[%multiple_of3A_433, %dma_start3A_434, %dma_start3A_435] : memref<6272x2x128xi32, #tpu.memory_space<hbm>> -> memref<2x2x128xi32, #tpu.memory_space<hbm>>
        %dma_start3A_437 = arith.constant 0 : i32
        %dma_start3A_438 = arith.constant 0 : i32
        %dma_start3A_439 = tpu.memref_slice %arg3[%multiple_of3A_433, %dma_start3A_437, %dma_start3A_438] : memref<6272x2x128xi32, #tpu.memory_space<hbm>> -> memref<2x2x128xi32, #tpu.memory_space<hbm>>
        tpu.enqueue_dma source(%dma_start3A_439 : memref<2x2x128xi32, #tpu.memory_space<hbm>>) target(%arg7 : memref<2x2x128xi32, #tpu.memory_space<vmem>>) target_semaphore(%arg11 : memref<!tpu.dma_semaphore, #tpu.memory_space<semaphore_mem>>)
      }
      %scan3A_124 = arith.constant 97 : i32
      %dma_wait3A_125 = arith.constant 1 : i32
      %dma_wait3A_126 = arith.constant 0 : i32
      %dma_wait3A_127 = arith.constant 0 : i32
      %dma_wait3A_128 = arith.constant 0 : i32
      %dma_wait3A_129 = arith.constant 0 : i32
      %dma_wait3A_130 = arith.constant 0 : i32
      %dma_wait3A_131 = tpu.memref_slice %arg8[%dma_wait3A_128, %dma_wait3A_129, %dma_wait3A_130] : memref<2x128x32xf32, #tpu.memory_space<vmem>> -> memref<1x128x32xf32, #tpu.memory_space<vmem>>
      %dma_wait3A_132 = tpu.memref_squeeze %dma_wait3A_131 : memref<1x128x32xf32, #tpu.memory_space<vmem>> -> memref<128x32xf32, #tpu.memory_space<vmem>>
      %dma_wait3A_133 = arith.constant 0 : i32
      %dma_wait3A_134 = tpu.memref_slice %arg6[%dma_wait3A_126, %dma_wait3A_127, %dma_wait3A_133] : memref<2x2x128xi32, #tpu.memory_space<vmem>> -> memref<1x1x128xi32, #tpu.memory_space<vmem>>
      %dma_wait3A_135 = tpu.memref_squeeze %dma_wait3A_134 : memref<1x1x128xi32, #tpu.memory_space<vmem>> -> memref<128xi32, #tpu.memory_space<vmem>>
      %dma_wait3A_136 = arith.constant 0 : i32
      %dma_wait3A_137 = arith.constant 0 : i32
      %dma_wait3A_138 = tpu.memref_slice %arg2[%dma_wait3A_125, %dma_wait3A_136, %dma_wait3A_137] : memref<4x50000x32xf32, #tpu.memory_space<hbm>> -> memref<1x50000x32xf32, #tpu.memory_space<hbm>>
      %dma_wait3A_139 = tpu.memref_squeeze %dma_wait3A_138 : memref<1x50000x32xf32, #tpu.memory_space<hbm>> -> memref<50000x32xf32, #tpu.memory_space<hbm>>
      %dma_wait3A_140 = arith.constant 0 : i32
      %dma_wait3A_141 = arith.constant 0 : i32
      %dma_wait3A_142 = tpu.memref_slice %dma_wait3A_139[%dma_wait3A_140, %dma_wait3A_141] : memref<50000x32xf32, #tpu.memory_space<hbm>> -> memref<50000x32xf32, #tpu.memory_space<hbm>>
      tpu.wait_indirect_dma semaphore(%arg12 : memref<!tpu.dma_semaphore, #tpu.memory_space<semaphore_mem>>) src(%dma_wait3A_142 : memref<50000x32xf32, #tpu.memory_space<hbm>>) dst(%dma_wait3A_132 : memref<128x32xf32, #tpu.memory_space<vmem>>)
      %dma_wait3A_143 = arith.constant 1 : i32
      %dma_wait3A_144 = arith.constant 1 : i32
      %dma_wait3A_145 = arith.constant 0 : i32
      %dma_wait3A_146 = arith.constant 1 : i32
      %dma_wait3A_147 = arith.constant 0 : i32
      %dma_wait3A_148 = arith.constant 0 : i32
      %dma_wait3A_149 = tpu.memref_slice %arg8[%dma_wait3A_146, %dma_wait3A_147, %dma_wait3A_148] : memref<2x128x32xf32, #tpu.memory_space<vmem>> -> memref<1x128x32xf32, #tpu.memory_space<vmem>>
      %dma_wait3A_150 = tpu.memref_squeeze %dma_wait3A_149 : memref<1x128x32xf32, #tpu.memory_space<vmem>> -> memref<128x32xf32, #tpu.memory_space<vmem>>
      %dma_wait3A_151 = arith.constant 0 : i32
      %dma_wait3A_152 = tpu.memref_slice %arg6[%dma_wait3A_144, %dma_wait3A_145, %dma_wait3A_151] : memref<2x2x128xi32, #tpu.memory_space<vmem>> -> memref<1x1x128xi32, #tpu.memory_space<vmem>>
      %dma_wait3A_153 = tpu.memref_squeeze %dma_wait3A_152 : memref<1x1x128xi32, #tpu.memory_space<vmem>> -> memref<128xi32, #tpu.memory_space<vmem>>
      %dma_wait3A_154 = arith.constant 0 : i32
      %dma_wait3A_155 = arith.constant 0 : i32
      %dma_wait3A_156 = tpu.memref_slice %arg2[%dma_wait3A_143, %dma_wait3A_154, %dma_wait3A_155] : memref<4x50000x32xf32, #tpu.memory_space<hbm>> -> memref<1x50000x32xf32, #tpu.memory_space<hbm>>
      %dma_wait3A_157 = tpu.memref_squeeze %dma_wait3A_156 : memref<1x50000x32xf32, #tpu.memory_space<hbm>> -> memref<50000x32xf32, #tpu.memory_space<hbm>>
      %dma_wait3A_158 = arith.constant 0 : i32
      %dma_wait3A_159 = arith.constant 0 : i32
      %dma_wait3A_160 = tpu.memref_slice %dma_wait3A_157[%dma_wait3A_158, %dma_wait3A_159] : memref<50000x32xf32, #tpu.memory_space<hbm>> -> memref<50000x32xf32, #tpu.memory_space<hbm>>
      tpu.wait_indirect_dma semaphore(%arg12 : memref<!tpu.dma_semaphore, #tpu.memory_space<semaphore_mem>>) src(%dma_wait3A_160 : memref<50000x32xf32, #tpu.memory_space<hbm>>) dst(%dma_wait3A_150 : memref<128x32xf32, #tpu.memory_space<vmem>>)
      %add3A_161 = arith.constant 392 : i32
      %add3A_162 = arith.addi %multiple_of3A, %add3A_161 : i32
      %sub3A = arith.constant 2 : i32
      %sub3A_163 = arith.subi %add3A_162, %sub3A : i32
      %multiple_of3A_164 = tpu.assume_multiple %sub3A_163, 2 : i32
      %dma_wait3A_165 = arith.constant 0 : i32
      %dma_wait3A_166 = arith.constant 0 : i32
      %dma_wait3A_167 = tpu.memref_slice %arg3[%multiple_of3A_164, %dma_wait3A_165, %dma_wait3A_166] : memref<6272x2x128xi32, #tpu.memory_space<hbm>> -> memref<2x2x128xi32, #tpu.memory_space<hbm>>
      %dma_wait3A_168 = arith.constant 0 : i32
      %dma_wait3A_169 = arith.constant 0 : i32
      %dma_wait3A_170 = tpu.memref_slice %arg3[%multiple_of3A_164, %dma_wait3A_168, %dma_wait3A_169] : memref<6272x2x128xi32, #tpu.memory_space<hbm>> -> memref<2x2x128xi32, #tpu.memory_space<hbm>>
      tpu.wait_dma2 semaphore(%arg11 : memref<!tpu.dma_semaphore, #tpu.memory_space<semaphore_mem>>) src(%dma_wait3A_170 : memref<2x2x128xi32, #tpu.memory_space<hbm>>) dst(%arg7 : memref<2x2x128xi32, #tpu.memory_space<vmem>>)
      %dma_start3A_171 = arith.constant 1 : i32
      %dma_start3A_172 = arith.constant 0 : i32
      %dma_start3A_173 = arith.constant 0 : i32
      %dma_start3A_174 = arith.constant 0 : i32
      %dma_start3A_175 = arith.constant 0 : i32
      %dma_start3A_176 = arith.constant 0 : i32
      %dma_start3A_177 = tpu.memref_slice %arg9[%dma_start3A_174, %dma_start3A_175, %dma_start3A_176] : memref<2x128x32xf32, #tpu.memory_space<vmem>> -> memref<1x128x32xf32, #tpu.memory_space<vmem>>
      %dma_start3A_178 = tpu.memref_squeeze %dma_start3A_177 : memref<1x128x32xf32, #tpu.memory_space<vmem>> -> memref<128x32xf32, #tpu.memory_space<vmem>>
      %dma_start3A_179 = arith.constant 0 : i32
      %dma_start3A_180 = tpu.memref_slice %arg7[%dma_start3A_172, %dma_start3A_173, %dma_start3A_179] : memref<2x2x128xi32, #tpu.memory_space<vmem>> -> memref<1x1x128xi32, #tpu.memory_space<vmem>>
      %dma_start3A_181 = tpu.memref_squeeze %dma_start3A_180 : memref<1x1x128xi32, #tpu.memory_space<vmem>> -> memref<128xi32, #tpu.memory_space<vmem>>
      %dma_start3A_182 = arith.constant 0 : i32
      %dma_start3A_183 = arith.constant 0 : i32
      %dma_start3A_184 = tpu.memref_slice %arg2[%dma_start3A_171, %dma_start3A_182, %dma_start3A_183] : memref<4x50000x32xf32, #tpu.memory_space<hbm>> -> memref<1x50000x32xf32, #tpu.memory_space<hbm>>
      %dma_start3A_185 = tpu.memref_squeeze %dma_start3A_184 : memref<1x50000x32xf32, #tpu.memory_space<hbm>> -> memref<50000x32xf32, #tpu.memory_space<hbm>>
      %dma_start3A_186 = arith.constant 0 : i32
      %dma_start3A_187 = arith.constant 0 : i32
      %dma_start3A_188 = tpu.memref_slice %dma_start3A_185[%dma_start3A_186, %dma_start3A_187] : memref<50000x32xf32, #tpu.memory_space<hbm>> -> memref<50000x32xf32, #tpu.memory_space<hbm>>
      tpu.enqueue_indirect_dma source(%dma_start3A_188 : memref<50000x32xf32, #tpu.memory_space<hbm>>) target(%dma_start3A_178 : memref<128x32xf32, #tpu.memory_space<vmem>>) offsets(%dma_start3A_181 : memref<128xi32, #tpu.memory_space<vmem>>) semaphore(%arg13 : memref<!tpu.dma_semaphore, #tpu.memory_space<semaphore_mem>>)
      %dma_start3A_189 = arith.constant 1 : i32
      %dma_start3A_190 = arith.constant 1 : i32
      %dma_start3A_191 = arith.constant 0 : i32
      %dma_start3A_192 = arith.constant 1 : i32
      %dma_start3A_193 = arith.constant 0 : i32
      %dma_start3A_194 = arith.constant 0 : i32
      %dma_start3A_195 = tpu.memref_slice %arg9[%dma_start3A_192, %dma_start3A_193, %dma_start3A_194] : memref<2x128x32xf32, #tpu.memory_space<vmem>> -> memref<1x128x32xf32, #tpu.memory_space<vmem>>
      %dma_start3A_196 = tpu.memref_squeeze %dma_start3A_195 : memref<1x128x32xf32, #tpu.memory_space<vmem>> -> memref<128x32xf32, #tpu.memory_space<vmem>>
      %dma_start3A_197 = arith.constant 0 : i32
      %dma_start3A_198 = tpu.memref_slice %arg7[%dma_start3A_190, %dma_start3A_191, %dma_start3A_197] : memref<2x2x128xi32, #tpu.memory_space<vmem>> -> memref<1x1x128xi32, #tpu.memory_space<vmem>>
      %dma_start3A_199 = tpu.memref_squeeze %dma_start3A_198 : memref<1x1x128xi32, #tpu.memory_space<vmem>> -> memref<128xi32, #tpu.memory_space<vmem>>
      %dma_start3A_200 = arith.constant 0 : i32
      %dma_start3A_201 = arith.constant 0 : i32
      %dma_start3A_202 = tpu.memref_slice %arg2[%dma_start3A_189, %dma_start3A_200, %dma_start3A_201] : memref<4x50000x32xf32, #tpu.memory_space<hbm>> -> memref<1x50000x32xf32, #tpu.memory_space<hbm>>
      %dma_start3A_203 = tpu.memref_squeeze %dma_start3A_202 : memref<1x50000x32xf32, #tpu.memory_space<hbm>> -> memref<50000x32xf32, #tpu.memory_space<hbm>>
      %dma_start3A_204 = arith.constant 0 : i32
      %dma_start3A_205 = arith.constant 0 : i32
      %dma_start3A_206 = tpu.memref_slice %dma_start3A_203[%dma_start3A_204, %dma_start3A_205] : memref<50000x32xf32, #tpu.memory_space<hbm>> -> memref<50000x32xf32, #tpu.memory_space<hbm>>
      tpu.enqueue_indirect_dma source(%dma_start3A_206 : memref<50000x32xf32, #tpu.memory_space<hbm>>) target(%dma_start3A_196 : memref<128x32xf32, #tpu.memory_space<vmem>>) offsets(%dma_start3A_199 : memref<128xi32, #tpu.memory_space<vmem>>) semaphore(%arg13 : memref<!tpu.dma_semaphore, #tpu.memory_space<semaphore_mem>>)
      %run_scoped3A = arith.constant 0 : i32
      %run_scoped3A_207 = arith.constant 0 : i32
      %run_scoped3A_208 = arith.constant 1 : i32
      "tpu.region"() ({
        %run_scoped3A_254 = tpu.sem_alloc : memref<!tpu.dma_semaphore, #tpu.memory_space<semaphore_mem>>
        %dma_start3A_255 = arith.constant 0 : i32
        %dma_start3A_256 = arith.constant 0 : i32
        %dma_start3A_257 = tpu.memref_slice %arg8[%run_scoped3A, %dma_start3A_255, %dma_start3A_256] : memref<2x128x32xf32, #tpu.memory_space<vmem>> -> memref<1x128x32xf32, #tpu.memory_space<vmem>>
        %dma_start3A_258 = tpu.memref_squeeze %dma_start3A_257 : memref<1x128x32xf32, #tpu.memory_space<vmem>> -> memref<128x32xf32, #tpu.memory_space<vmem>>
        %dma_start3A_259 = arith.constant 0 : i32
        %dma_start3A_260 = tpu.memref_slice %arg6[%run_scoped3A_207, %run_scoped3A_208, %dma_start3A_259] : memref<2x2x128xi32, #tpu.memory_space<vmem>> -> memref<1x1x128xi32, #tpu.memory_space<vmem>>
        %dma_start3A_261 = tpu.memref_squeeze %dma_start3A_260 : memref<1x1x128xi32, #tpu.memory_space<vmem>> -> memref<128xi32, #tpu.memory_space<vmem>>
        %dma_start3A_262 = arith.constant 0 : i32
        %dma_start3A_263 = arith.constant 0 : i32
        %dma_start3A_264 = tpu.memref_slice %arg5[%dma_start3A_262, %dma_start3A_263] : memref<50048x32xf32, #tpu.memory_space<vmem_shared>> -> memref<50048x32xf32, #tpu.memory_space<vmem_shared>>
        tpu.enqueue_indirect_dma source(%dma_start3A_258 : memref<128x32xf32, #tpu.memory_space<vmem>>) target(%dma_start3A_264 : memref<50048x32xf32, #tpu.memory_space<vmem_shared>>) offsets(%dma_start3A_261 : memref<128xi32, #tpu.memory_space<vmem>>) semaphore(%run_scoped3A_254 : memref<!tpu.dma_semaphore, #tpu.memory_space<semaphore_mem>>) {add = true}
        %dma_wait3A_265 = arith.constant 0 : i32
        %dma_wait3A_266 = arith.constant 0 : i32
        %dma_wait3A_267 = tpu.memref_slice %arg8[%run_scoped3A, %dma_wait3A_265, %dma_wait3A_266] : memref<2x128x32xf32, #tpu.memory_space<vmem>> -> memref<1x128x32xf32, #tpu.memory_space<vmem>>
        %dma_wait3A_268 = tpu.memref_squeeze %dma_wait3A_267 : memref<1x128x32xf32, #tpu.memory_space<vmem>> -> memref<128x32xf32, #tpu.memory_space<vmem>>
        %dma_wait3A_269 = arith.constant 0 : i32
        %dma_wait3A_270 = tpu.memref_slice %arg6[%run_scoped3A_207, %run_scoped3A_208, %dma_wait3A_269] : memref<2x2x128xi32, #tpu.memory_space<vmem>> -> memref<1x1x128xi32, #tpu.memory_space<vmem>>
        %dma_wait3A_271 = tpu.memref_squeeze %dma_wait3A_270 : memref<1x1x128xi32, #tpu.memory_space<vmem>> -> memref<128xi32, #tpu.memory_space<vmem>>
        %dma_wait3A_272 = arith.constant 0 : i32
        %dma_wait3A_273 = arith.constant 0 : i32
        %dma_wait3A_274 = tpu.memref_slice %arg5[%dma_wait3A_272, %dma_wait3A_273] : memref<50048x32xf32, #tpu.memory_space<vmem_shared>> -> memref<50048x32xf32, #tpu.memory_space<vmem_shared>>
        tpu.wait_indirect_dma semaphore(%run_scoped3A_254 : memref<!tpu.dma_semaphore, #tpu.memory_space<semaphore_mem>>) src(%dma_wait3A_268 : memref<128x32xf32, #tpu.memory_space<vmem>>) dst(%dma_wait3A_274 : memref<50048x32xf32, #tpu.memory_space<vmem_shared>>)
        tpu.yield
      }) : () -> ()
      %run_scoped3A_209 = arith.constant 1 : i32
      %run_scoped3A_210 = arith.constant 1 : i32
      %run_scoped3A_211 = arith.constant 1 : i32
      "tpu.region"() ({
        %run_scoped3A_254 = tpu.sem_alloc : memref<!tpu.dma_semaphore, #tpu.memory_space<semaphore_mem>>
        %dma_start3A_255 = arith.constant 0 : i32
        %dma_start3A_256 = arith.constant 0 : i32
        %dma_start3A_257 = tpu.memref_slice %arg8[%run_scoped3A_209, %dma_start3A_255, %dma_start3A_256] : memref<2x128x32xf32, #tpu.memory_space<vmem>> -> memref<1x128x32xf32, #tpu.memory_space<vmem>>
        %dma_start3A_258 = tpu.memref_squeeze %dma_start3A_257 : memref<1x128x32xf32, #tpu.memory_space<vmem>> -> memref<128x32xf32, #tpu.memory_space<vmem>>
        %dma_start3A_259 = arith.constant 0 : i32
        %dma_start3A_260 = tpu.memref_slice %arg6[%run_scoped3A_210, %run_scoped3A_211, %dma_start3A_259] : memref<2x2x128xi32, #tpu.memory_space<vmem>> -> memref<1x1x128xi32, #tpu.memory_space<vmem>>
        %dma_start3A_261 = tpu.memref_squeeze %dma_start3A_260 : memref<1x1x128xi32, #tpu.memory_space<vmem>> -> memref<128xi32, #tpu.memory_space<vmem>>
        %dma_start3A_262 = arith.constant 0 : i32
        %dma_start3A_263 = arith.constant 0 : i32
        %dma_start3A_264 = tpu.memref_slice %arg5[%dma_start3A_262, %dma_start3A_263] : memref<50048x32xf32, #tpu.memory_space<vmem_shared>> -> memref<50048x32xf32, #tpu.memory_space<vmem_shared>>
        tpu.enqueue_indirect_dma source(%dma_start3A_258 : memref<128x32xf32, #tpu.memory_space<vmem>>) target(%dma_start3A_264 : memref<50048x32xf32, #tpu.memory_space<vmem_shared>>) offsets(%dma_start3A_261 : memref<128xi32, #tpu.memory_space<vmem>>) semaphore(%run_scoped3A_254 : memref<!tpu.dma_semaphore, #tpu.memory_space<semaphore_mem>>) {add = true}
        %dma_wait3A_265 = arith.constant 0 : i32
        %dma_wait3A_266 = arith.constant 0 : i32
        %dma_wait3A_267 = tpu.memref_slice %arg8[%run_scoped3A_209, %dma_wait3A_265, %dma_wait3A_266] : memref<2x128x32xf32, #tpu.memory_space<vmem>> -> memref<1x128x32xf32, #tpu.memory_space<vmem>>
        %dma_wait3A_268 = tpu.memref_squeeze %dma_wait3A_267 : memref<1x128x32xf32, #tpu.memory_space<vmem>> -> memref<128x32xf32, #tpu.memory_space<vmem>>
        %dma_wait3A_269 = arith.constant 0 : i32
        %dma_wait3A_270 = tpu.memref_slice %arg6[%run_scoped3A_210, %run_scoped3A_211, %dma_wait3A_269] : memref<2x2x128xi32, #tpu.memory_space<vmem>> -> memref<1x1x128xi32, #tpu.memory_space<vmem>>
        %dma_wait3A_271 = tpu.memref_squeeze %dma_wait3A_270 : memref<1x1x128xi32, #tpu.memory_space<vmem>> -> memref<128xi32, #tpu.memory_space<vmem>>
        %dma_wait3A_272 = arith.constant 0 : i32
        %dma_wait3A_273 = arith.constant 0 : i32
        %dma_wait3A_274 = tpu.memref_slice %arg5[%dma_wait3A_272, %dma_wait3A_273] : memref<50048x32xf32, #tpu.memory_space<vmem_shared>> -> memref<50048x32xf32, #tpu.memory_space<vmem_shared>>
        tpu.wait_indirect_dma semaphore(%run_scoped3A_254 : memref<!tpu.dma_semaphore, #tpu.memory_space<semaphore_mem>>) src(%dma_wait3A_268 : memref<128x32xf32, #tpu.memory_space<vmem>>) dst(%dma_wait3A_274 : memref<50048x32xf32, #tpu.memory_space<vmem_shared>>)
        tpu.yield
      }) : () -> ()
      %dma_wait3A_212 = arith.constant 1 : i32
      %dma_wait3A_213 = arith.constant 0 : i32
      %dma_wait3A_214 = arith.constant 0 : i32
      %dma_wait3A_215 = arith.constant 0 : i32
      %dma_wait3A_216 = arith.constant 0 : i32
      %dma_wait3A_217 = arith.constant 0 : i32
      %dma_wait3A_218 = tpu.memref_slice %arg9[%dma_wait3A_215, %dma_wait3A_216, %dma_wait3A_217] : memref<2x128x32xf32, #tpu.memory_space<vmem>> -> memref<1x128x32xf32, #tpu.memory_space<vmem>>
      %dma_wait3A_219 = tpu.memref_squeeze %dma_wait3A_218 : memref<1x128x32xf32, #tpu.memory_space<vmem>> -> memref<128x32xf32, #tpu.memory_space<vmem>>
      %dma_wait3A_220 = arith.constant 0 : i32
      %dma_wait3A_221 = tpu.memref_slice %arg7[%dma_wait3A_213, %dma_wait3A_214, %dma_wait3A_220] : memref<2x2x128xi32, #tpu.memory_space<vmem>> -> memref<1x1x128xi32, #tpu.memory_space<vmem>>
      %dma_wait3A_222 = tpu.memref_squeeze %dma_wait3A_221 : memref<1x1x128xi32, #tpu.memory_space<vmem>> -> memref<128xi32, #tpu.memory_space<vmem>>
      %dma_wait3A_223 = arith.constant 0 : i32
      %dma_wait3A_224 = arith.constant 0 : i32
      %dma_wait3A_225 = tpu.memref_slice %arg2[%dma_wait3A_212, %dma_wait3A_223, %dma_wait3A_224] : memref<4x50000x32xf32, #tpu.memory_space<hbm>> -> memref<1x50000x32xf32, #tpu.memory_space<hbm>>
      %dma_wait3A_226 = tpu.memref_squeeze %dma_wait3A_225 : memref<1x50000x32xf32, #tpu.memory_space<hbm>> -> memref<50000x32xf32, #tpu.memory_space<hbm>>
      %dma_wait3A_227 = arith.constant 0 : i32
      %dma_wait3A_228 = arith.constant 0 : i32
      %dma_wait3A_229 = tpu.memref_slice %dma_wait3A_226[%dma_wait3A_227, %dma_wait3A_228] : memref<50000x32xf32, #tpu.memory_space<hbm>> -> memref<50000x32xf32, #tpu.memory_space<hbm>>
      tpu.wait_indirect_dma semaphore(%arg13 : memref<!tpu.dma_semaphore, #tpu.memory_space<semaphore_mem>>) src(%dma_wait3A_229 : memref<50000x32xf32, #tpu.memory_space<hbm>>) dst(%dma_wait3A_219 : memref<128x32xf32, #tpu.memory_space<vmem>>)
      %dma_wait3A_230 = arith.constant 1 : i32
      %dma_wait3A_231 = arith.constant 1 : i32
      %dma_wait3A_232 = arith.constant 0 : i32
      %dma_wait3A_233 = arith.constant 1 : i32
      %dma_wait3A_234 = arith.constant 0 : i32
      %dma_wait3A_235 = arith.constant 0 : i32
      %dma_wait3A_236 = tpu.memref_slice %arg9[%dma_wait3A_233, %dma_wait3A_234, %dma_wait3A_235] : memref<2x128x32xf32, #tpu.memory_space<vmem>> -> memref<1x128x32xf32, #tpu.memory_space<vmem>>
      %dma_wait3A_237 = tpu.memref_squeeze %dma_wait3A_236 : memref<1x128x32xf32, #tpu.memory_space<vmem>> -> memref<128x32xf32, #tpu.memory_space<vmem>>
      %dma_wait3A_238 = arith.constant 0 : i32
      %dma_wait3A_239 = tpu.memref_slice %arg7[%dma_wait3A_231, %dma_wait3A_232, %dma_wait3A_238] : memref<2x2x128xi32, #tpu.memory_space<vmem>> -> memref<1x1x128xi32, #tpu.memory_space<vmem>>
      %dma_wait3A_240 = tpu.memref_squeeze %dma_wait3A_239 : memref<1x1x128xi32, #tpu.memory_space<vmem>> -> memref<128xi32, #tpu.memory_space<vmem>>
      %dma_wait3A_241 = arith.constant 0 : i32
      %dma_wait3A_242 = arith.constant 0 : i32
      %dma_wait3A_243 = tpu.memref_slice %arg2[%dma_wait3A_230, %dma_wait3A_241, %dma_wait3A_242] : memref<4x50000x32xf32, #tpu.memory_space<hbm>> -> memref<1x50000x32xf32, #tpu.memory_space<hbm>>
      %dma_wait3A_244 = tpu.memref_squeeze %dma_wait3A_243 : memref<1x50000x32xf32, #tpu.memory_space<hbm>> -> memref<50000x32xf32, #tpu.memory_space<hbm>>
      %dma_wait3A_245 = arith.constant 0 : i32
      %dma_wait3A_246 = arith.constant 0 : i32
      %dma_wait3A_247 = tpu.memref_slice %dma_wait3A_244[%dma_wait3A_245, %dma_wait3A_246] : memref<50000x32xf32, #tpu.memory_space<hbm>> -> memref<50000x32xf32, #tpu.memory_space<hbm>>
      tpu.wait_indirect_dma semaphore(%arg13 : memref<!tpu.dma_semaphore, #tpu.memory_space<semaphore_mem>>) src(%dma_wait3A_247 : memref<50000x32xf32, #tpu.memory_space<hbm>>) dst(%dma_wait3A_237 : memref<128x32xf32, #tpu.memory_space<vmem>>)
      %run_scoped3A_248 = arith.constant 0 : i32
      %run_scoped3A_249 = arith.constant 0 : i32
      %run_scoped3A_250 = arith.constant 1 : i32
      "tpu.region"() ({
        %run_scoped3A_254 = tpu.sem_alloc : memref<!tpu.dma_semaphore, #tpu.memory_space<semaphore_mem>>
        %dma_start3A_255 = arith.constant 0 : i32
        %dma_start3A_256 = arith.constant 0 : i32
        %dma_start3A_257 = tpu.memref_slice %arg9[%run_scoped3A_248, %dma_start3A_255, %dma_start3A_256] : memref<2x128x32xf32, #tpu.memory_space<vmem>> -> memref<1x128x32xf32, #tpu.memory_space<vmem>>
        %dma_start3A_258 = tpu.memref_squeeze %dma_start3A_257 : memref<1x128x32xf32, #tpu.memory_space<vmem>> -> memref<128x32xf32, #tpu.memory_space<vmem>>
        %dma_start3A_259 = arith.constant 0 : i32
        %dma_start3A_260 = tpu.memref_slice %arg7[%run_scoped3A_249, %run_scoped3A_250, %dma_start3A_259] : memref<2x2x128xi32, #tpu.memory_space<vmem>> -> memref<1x1x128xi32, #tpu.memory_space<vmem>>
        %dma_start3A_261 = tpu.memref_squeeze %dma_start3A_260 : memref<1x1x128xi32, #tpu.memory_space<vmem>> -> memref<128xi32, #tpu.memory_space<vmem>>
        %dma_start3A_262 = arith.constant 0 : i32
        %dma_start3A_263 = arith.constant 0 : i32
        %dma_start3A_264 = tpu.memref_slice %arg5[%dma_start3A_262, %dma_start3A_263] : memref<50048x32xf32, #tpu.memory_space<vmem_shared>> -> memref<50048x32xf32, #tpu.memory_space<vmem_shared>>
        tpu.enqueue_indirect_dma source(%dma_start3A_258 : memref<128x32xf32, #tpu.memory_space<vmem>>) target(%dma_start3A_264 : memref<50048x32xf32, #tpu.memory_space<vmem_shared>>) offsets(%dma_start3A_261 : memref<128xi32, #tpu.memory_space<vmem>>) semaphore(%run_scoped3A_254 : memref<!tpu.dma_semaphore, #tpu.memory_space<semaphore_mem>>) {add = true}
        %dma_wait3A_265 = arith.constant 0 : i32
        %dma_wait3A_266 = arith.constant 0 : i32
        %dma_wait3A_267 = tpu.memref_slice %arg9[%run_scoped3A_248, %dma_wait3A_265, %dma_wait3A_266] : memref<2x128x32xf32, #tpu.memory_space<vmem>> -> memref<1x128x32xf32, #tpu.memory_space<vmem>>
        %dma_wait3A_268 = tpu.memref_squeeze %dma_wait3A_267 : memref<1x128x32xf32, #tpu.memory_space<vmem>> -> memref<128x32xf32, #tpu.memory_space<vmem>>
        %dma_wait3A_269 = arith.constant 0 : i32
        %dma_wait3A_270 = tpu.memref_slice %arg7[%run_scoped3A_249, %run_scoped3A_250, %dma_wait3A_269] : memref<2x2x128xi32, #tpu.memory_space<vmem>> -> memref<1x1x128xi32, #tpu.memory_space<vmem>>
        %dma_wait3A_271 = tpu.memref_squeeze %dma_wait3A_270 : memref<1x1x128xi32, #tpu.memory_space<vmem>> -> memref<128xi32, #tpu.memory_space<vmem>>
        %dma_wait3A_272 = arith.constant 0 : i32
        %dma_wait3A_273 = arith.constant 0 : i32
        %dma_wait3A_274 = tpu.memref_slice %arg5[%dma_wait3A_272, %dma_wait3A_273] : memref<50048x32xf32, #tpu.memory_space<vmem_shared>> -> memref<50048x32xf32, #tpu.memory_space<vmem_shared>>
        tpu.wait_indirect_dma semaphore(%run_scoped3A_254 : memref<!tpu.dma_semaphore, #tpu.memory_space<semaphore_mem>>) src(%dma_wait3A_268 : memref<128x32xf32, #tpu.memory_space<vmem>>) dst(%dma_wait3A_274 : memref<50048x32xf32, #tpu.memory_space<vmem_shared>>)
        tpu.yield
      }) : () -> ()
      %run_scoped3A_251 = arith.constant 1 : i32
      %run_scoped3A_252 = arith.constant 1 : i32
      %run_scoped3A_253 = arith.constant 1 : i32
      "tpu.region"() ({
        %run_scoped3A_254 = tpu.sem_alloc : memref<!tpu.dma_semaphore, #tpu.memory_space<semaphore_mem>>
        %dma_start3A_255 = arith.constant 0 : i32
        %dma_start3A_256 = arith.constant 0 : i32
        %dma_start3A_257 = tpu.memref_slice %arg9[%run_scoped3A_251, %dma_start3A_255, %dma_start3A_256] : memref<2x128x32xf32, #tpu.memory_space<vmem>> -> memref<1x128x32xf32, #tpu.memory_space<vmem>>
        %dma_start3A_258 = tpu.memref_squeeze %dma_start3A_257 : memref<1x128x32xf32, #tpu.memory_space<vmem>> -> memref<128x32xf32, #tpu.memory_space<vmem>>
        %dma_start3A_259 = arith.constant 0 : i32
        %dma_start3A_260 = tpu.memref_slice %arg7[%run_scoped3A_252, %run_scoped3A_253, %dma_start3A_259] : memref<2x2x128xi32, #tpu.memory_space<vmem>> -> memref<1x1x128xi32, #tpu.memory_space<vmem>>
        %dma_start3A_261 = tpu.memref_squeeze %dma_start3A_260 : memref<1x1x128xi32, #tpu.memory_space<vmem>> -> memref<128xi32, #tpu.memory_space<vmem>>
        %dma_start3A_262 = arith.constant 0 : i32
        %dma_start3A_263 = arith.constant 0 : i32
        %dma_start3A_264 = tpu.memref_slice %arg5[%dma_start3A_262, %dma_start3A_263] : memref<50048x32xf32, #tpu.memory_space<vmem_shared>> -> memref<50048x32xf32, #tpu.memory_space<vmem_shared>>
        tpu.enqueue_indirect_dma source(%dma_start3A_258 : memref<128x32xf32, #tpu.memory_space<vmem>>) target(%dma_start3A_264 : memref<50048x32xf32, #tpu.memory_space<vmem_shared>>) offsets(%dma_start3A_261 : memref<128xi32, #tpu.memory_space<vmem>>) semaphore(%run_scoped3A_254 : memref<!tpu.dma_semaphore, #tpu.memory_space<semaphore_mem>>) {add = true}
        %dma_wait3A_265 = arith.constant 0 : i32
        %dma_wait3A_266 = arith.constant 0 : i32
        %dma_wait3A_267 = tpu.memref_slice %arg9[%run_scoped3A_251, %dma_wait3A_265, %dma_wait3A_266] : memref<2x128x32xf32, #tpu.memory_space<vmem>> -> memref<1x128x32xf32, #tpu.memory_space<vmem>>
        %dma_wait3A_268 = tpu.memref_squeeze %dma_wait3A_267 : memref<1x128x32xf32, #tpu.memory_space<vmem>> -> memref<128x32xf32, #tpu.memory_space<vmem>>
        %dma_wait3A_269 = arith.constant 0 : i32
        %dma_wait3A_270 = tpu.memref_slice %arg7[%run_scoped3A_252, %run_scoped3A_253, %dma_wait3A_269] : memref<2x2x128xi32, #tpu.memory_space<vmem>> -> memref<1x1x128xi32, #tpu.memory_space<vmem>>
        %dma_wait3A_271 = tpu.memref_squeeze %dma_wait3A_270 : memref<1x1x128xi32, #tpu.memory_space<vmem>> -> memref<128xi32, #tpu.memory_space<vmem>>
        %dma_wait3A_272 = arith.constant 0 : i32
        %dma_wait3A_273 = arith.constant 0 : i32
        %dma_wait3A_274 = tpu.memref_slice %arg5[%dma_wait3A_272, %dma_wait3A_273] : memref<50048x32xf32, #tpu.memory_space<vmem_shared>> -> memref<50048x32xf32, #tpu.memory_space<vmem_shared>>
        tpu.wait_indirect_dma semaphore(%run_scoped3A_254 : memref<!tpu.dma_semaphore, #tpu.memory_space<semaphore_mem>>) src(%dma_wait3A_268 : memref<128x32xf32, #tpu.memory_space<vmem>>) dst(%dma_wait3A_274 : memref<50048x32xf32, #tpu.memory_space<vmem_shared>>)
        tpu.yield
      }) : () -> ()
    } else {
    }
    %eq3A_45 = arith.constant 1 : i32
    %eq3A_46 = arith.cmpi eq, %arg0, %eq3A_45 : i32
    %convert_element_type3A_47 = arith.extui %eq3A_46 : i1 to i32
    %cond3A_48 = arith.constant 0 : i32
    %cond3A_49 = arith.cmpi ne, %convert_element_type3A_47, %cond3A_48 : i32
    scf.if %cond3A_49 {
      %mul3A = arith.constant 392 : i32
      %mul3A_62 = arith.muli %arg1, %mul3A : i32
      %multiple_of3A = tpu.assume_multiple %mul3A_62, 392 : i32
      %multiple_of3A_63 = tpu.assume_multiple %multiple_of3A, 2 : i32
      %dma_start3A = arith.constant 0 : i32
      %dma_start3A_64 = arith.constant 0 : i32
      %dma_start3A_65 = tpu.memref_slice %arg3[%multiple_of3A_63, %dma_start3A, %dma_start3A_64] : memref<6272x2x128xi32, #tpu.memory_space<hbm>> -> memref<2x2x128xi32, #tpu.memory_space<hbm>>
      %dma_start3A_66 = arith.constant 0 : i32
      %dma_start3A_67 = arith.constant 0 : i32
      %dma_start3A_68 = tpu.memref_slice %arg3[%multiple_of3A_63, %dma_start3A_66, %dma_start3A_67] : memref<6272x2x128xi32, #tpu.memory_space<hbm>> -> memref<2x2x128xi32, #tpu.memory_space<hbm>>
      tpu.enqueue_dma source(%dma_start3A_68 : memref<2x2x128xi32, #tpu.memory_space<hbm>>) target(%arg6 : memref<2x2x128xi32, #tpu.memory_space<vmem>>) target_semaphore(%arg10 : memref<!tpu.dma_semaphore, #tpu.memory_space<semaphore_mem>>)
      %add3A = arith.constant 2 : i32
      %add3A_69 = arith.addi %multiple_of3A, %add3A : i32
      %multiple_of3A_70 = tpu.assume_multiple %add3A_69, 2 : i32
      %dma_start3A_71 = arith.constant 0 : i32
      %dma_start3A_72 = arith.constant 0 : i32
      %dma_start3A_73 = tpu.memref_slice %arg3[%multiple_of3A_70, %dma_start3A_71, %dma_start3A_72] : memref<6272x2x128xi32, #tpu.memory_space<hbm>> -> memref<2x2x128xi32, #tpu.memory_space<hbm>>
      %dma_start3A_74 = arith.constant 0 : i32
      %dma_start3A_75 = arith.constant 0 : i32
      %dma_start3A_76 = tpu.memref_slice %arg3[%multiple_of3A_70, %dma_start3A_74, %dma_start3A_75] : memref<6272x2x128xi32, #tpu.memory_space<hbm>> -> memref<2x2x128xi32, #tpu.memory_space<hbm>>
      tpu.enqueue_dma source(%dma_start3A_76 : memref<2x2x128xi32, #tpu.memory_space<hbm>>) target(%arg7 : memref<2x2x128xi32, #tpu.memory_space<vmem>>) target_semaphore(%arg11 : memref<!tpu.dma_semaphore, #tpu.memory_space<semaphore_mem>>)
      %multiple_of3A_77 = tpu.assume_multiple %multiple_of3A, 2 : i32
      %dma_wait3A = arith.constant 0 : i32
      %dma_wait3A_78 = arith.constant 0 : i32
      %dma_wait3A_79 = tpu.memref_slice %arg3[%multiple_of3A_77, %dma_wait3A, %dma_wait3A_78] : memref<6272x2x128xi32, #tpu.memory_space<hbm>> -> memref<2x2x128xi32, #tpu.memory_space<hbm>>
      %dma_wait3A_80 = arith.constant 0 : i32
      %dma_wait3A_81 = arith.constant 0 : i32
      %dma_wait3A_82 = tpu.memref_slice %arg3[%multiple_of3A_77, %dma_wait3A_80, %dma_wait3A_81] : memref<6272x2x128xi32, #tpu.memory_space<hbm>> -> memref<2x2x128xi32, #tpu.memory_space<hbm>>
      tpu.wait_dma2 semaphore(%arg10 : memref<!tpu.dma_semaphore, #tpu.memory_space<semaphore_mem>>) src(%dma_wait3A_82 : memref<2x2x128xi32, #tpu.memory_space<hbm>>) dst(%arg6 : memref<2x2x128xi32, #tpu.memory_space<vmem>>)
      %dma_start3A_83 = arith.constant 3 : i32
      %dma_start3A_84 = arith.constant 0 : i32
      %dma_start3A_85 = arith.constant 0 : i32
      %dma_start3A_86 = arith.constant 0 : i32
      %dma_start3A_87 = arith.constant 0 : i32
      %dma_start3A_88 = arith.constant 0 : i32
      %dma_start3A_89 = tpu.memref_slice %arg8[%dma_start3A_86, %dma_start3A_87, %dma_start3A_88] : memref<2x128x32xf32, #tpu.memory_space<vmem>> -> memref<1x128x32xf32, #tpu.memory_space<vmem>>
      %dma_start3A_90 = tpu.memref_squeeze %dma_start3A_89 : memref<1x128x32xf32, #tpu.memory_space<vmem>> -> memref<128x32xf32, #tpu.memory_space<vmem>>
      %dma_start3A_91 = arith.constant 0 : i32
      %dma_start3A_92 = tpu.memref_slice %arg6[%dma_start3A_84, %dma_start3A_85, %dma_start3A_91] : memref<2x2x128xi32, #tpu.memory_space<vmem>> -> memref<1x1x128xi32, #tpu.memory_space<vmem>>
      %dma_start3A_93 = tpu.memref_squeeze %dma_start3A_92 : memref<1x1x128xi32, #tpu.memory_space<vmem>> -> memref<128xi32, #tpu.memory_space<vmem>>
      %dma_start3A_94 = arith.constant 0 : i32
      %dma_start3A_95 = arith.constant 0 : i32
      %dma_start3A_96 = tpu.memref_slice %arg2[%dma_start3A_83, %dma_start3A_94, %dma_start3A_95] : memref<4x50000x32xf32, #tpu.memory_space<hbm>> -> memref<1x50000x32xf32, #tpu.memory_space<hbm>>
      %dma_start3A_97 = tpu.memref_squeeze %dma_start3A_96 : memref<1x50000x32xf32, #tpu.memory_space<hbm>> -> memref<50000x32xf32, #tpu.memory_space<hbm>>
      %dma_start3A_98 = arith.constant 0 : i32
      %dma_start3A_99 = arith.constant 0 : i32
      %dma_start3A_100 = tpu.memref_slice %dma_start3A_97[%dma_start3A_98, %dma_start3A_99] : memref<50000x32xf32, #tpu.memory_space<hbm>> -> memref<50000x32xf32, #tpu.memory_space<hbm>>
      tpu.enqueue_indirect_dma source(%dma_start3A_100 : memref<50000x32xf32, #tpu.memory_space<hbm>>) target(%dma_start3A_90 : memref<128x32xf32, #tpu.memory_space<vmem>>) offsets(%dma_start3A_93 : memref<128xi32, #tpu.memory_space<vmem>>) semaphore(%arg12 : memref<!tpu.dma_semaphore, #tpu.memory_space<semaphore_mem>>)
      %dma_start3A_101 = arith.constant 3 : i32
      %dma_start3A_102 = arith.constant 1 : i32
      %dma_start3A_103 = arith.constant 0 : i32
      %dma_start3A_104 = arith.constant 1 : i32
      %dma_start3A_105 = arith.constant 0 : i32
      %dma_start3A_106 = arith.constant 0 : i32
      %dma_start3A_107 = tpu.memref_slice %arg8[%dma_start3A_104, %dma_start3A_105, %dma_start3A_106] : memref<2x128x32xf32, #tpu.memory_space<vmem>> -> memref<1x128x32xf32, #tpu.memory_space<vmem>>
      %dma_start3A_108 = tpu.memref_squeeze %dma_start3A_107 : memref<1x128x32xf32, #tpu.memory_space<vmem>> -> memref<128x32xf32, #tpu.memory_space<vmem>>
      %dma_start3A_109 = arith.constant 0 : i32
      %dma_start3A_110 = tpu.memref_slice %arg6[%dma_start3A_102, %dma_start3A_103, %dma_start3A_109] : memref<2x2x128xi32, #tpu.memory_space<vmem>> -> memref<1x1x128xi32, #tpu.memory_space<vmem>>
      %dma_start3A_111 = tpu.memref_squeeze %dma_start3A_110 : memref<1x1x128xi32, #tpu.memory_space<vmem>> -> memref<128xi32, #tpu.memory_space<vmem>>
      %dma_start3A_112 = arith.constant 0 : i32
      %dma_start3A_113 = arith.constant 0 : i32
      %dma_start3A_114 = tpu.memref_slice %arg2[%dma_start3A_101, %dma_start3A_112, %dma_start3A_113] : memref<4x50000x32xf32, #tpu.memory_space<hbm>> -> memref<1x50000x32xf32, #tpu.memory_space<hbm>>
      %dma_start3A_115 = tpu.memref_squeeze %dma_start3A_114 : memref<1x50000x32xf32, #tpu.memory_space<hbm>> -> memref<50000x32xf32, #tpu.memory_space<hbm>>
      %dma_start3A_116 = arith.constant 0 : i32
      %dma_start3A_117 = arith.constant 0 : i32
      %dma_start3A_118 = tpu.memref_slice %dma_start3A_115[%dma_start3A_116, %dma_start3A_117] : memref<50000x32xf32, #tpu.memory_space<hbm>> -> memref<50000x32xf32, #tpu.memory_space<hbm>>
      tpu.enqueue_indirect_dma source(%dma_start3A_118 : memref<50000x32xf32, #tpu.memory_space<hbm>>) target(%dma_start3A_108 : memref<128x32xf32, #tpu.memory_space<vmem>>) offsets(%dma_start3A_111 : memref<128xi32, #tpu.memory_space<vmem>>) semaphore(%arg12 : memref<!tpu.dma_semaphore, #tpu.memory_space<semaphore_mem>>)
      %scan3A = arith.constant 0 : i32
      %scan3A_119 = arith.constant 3 : i32
      %scan3A_120 = arith.constant 0 : i32
      %scan3A_121 = arith.constant 97 : i32
      %scan3A_122 = arith.addi %scan3A_120, %scan3A_121 : i32
      %scan3A_123 = arith.constant 1 : i32
      scf.for %scan3A_254 = %scan3A_120 to %scan3A_122 step %scan3A_123  : i32 {
        %mul3A_255 = arith.constant 4 : i32
        %mul3A_256 = arith.muli %mul3A_255, %scan3A_254 : i32
        %add3A_257 = arith.addi %multiple_of3A, %mul3A_256 : i32
        %multiple_of3A_258 = tpu.assume_multiple %add3A_257, 2 : i32
        %dma_wait3A_259 = arith.constant 0 : i32
        %dma_wait3A_260 = arith.constant 0 : i32
        %dma_wait3A_261 = arith.constant 0 : i32
        %dma_wait3A_262 = arith.constant 0 : i32
        %dma_wait3A_263 = arith.constant 0 : i32
        %dma_wait3A_264 = tpu.memref_slice %arg8[%dma_wait3A_261, %dma_wait3A_262, %dma_wait3A_263] : memref<2x128x32xf32, #tpu.memory_space<vmem>> -> memref<1x128x32xf32, #tpu.memory_space<vmem>>
        %dma_wait3A_265 = tpu.memref_squeeze %dma_wait3A_264 : memref<1x128x32xf32, #tpu.memory_space<vmem>> -> memref<128x32xf32, #tpu.memory_space<vmem>>
        %dma_wait3A_266 = arith.constant 0 : i32
        %dma_wait3A_267 = tpu.memref_slice %arg6[%dma_wait3A_259, %dma_wait3A_260, %dma_wait3A_266] : memref<2x2x128xi32, #tpu.memory_space<vmem>> -> memref<1x1x128xi32, #tpu.memory_space<vmem>>
        %dma_wait3A_268 = tpu.memref_squeeze %dma_wait3A_267 : memref<1x1x128xi32, #tpu.memory_space<vmem>> -> memref<128xi32, #tpu.memory_space<vmem>>
        %dma_wait3A_269 = arith.constant 0 : i32
        %dma_wait3A_270 = arith.constant 0 : i32
        %dma_wait3A_271 = tpu.memref_slice %arg2[%scan3A_119, %dma_wait3A_269, %dma_wait3A_270] : memref<4x50000x32xf32, #tpu.memory_space<hbm>> -> memref<1x50000x32xf32, #tpu.memory_space<hbm>>
        %dma_wait3A_272 = tpu.memref_squeeze %dma_wait3A_271 : memref<1x50000x32xf32, #tpu.memory_space<hbm>> -> memref<50000x32xf32, #tpu.memory_space<hbm>>
        %dma_wait3A_273 = arith.constant 0 : i32
        %dma_wait3A_274 = arith.constant 0 : i32
        %dma_wait3A_275 = tpu.memref_slice %dma_wait3A_272[%dma_wait3A_273, %dma_wait3A_274] : memref<50000x32xf32, #tpu.memory_space<hbm>> -> memref<50000x32xf32, #tpu.memory_space<hbm>>
        tpu.wait_indirect_dma semaphore(%arg12 : memref<!tpu.dma_semaphore, #tpu.memory_space<semaphore_mem>>) src(%dma_wait3A_275 : memref<50000x32xf32, #tpu.memory_space<hbm>>) dst(%dma_wait3A_265 : memref<128x32xf32, #tpu.memory_space<vmem>>)
        %dma_wait3A_276 = arith.constant 1 : i32
        %dma_wait3A_277 = arith.constant 0 : i32
        %dma_wait3A_278 = arith.constant 1 : i32
        %dma_wait3A_279 = arith.constant 0 : i32
        %dma_wait3A_280 = arith.constant 0 : i32
        %dma_wait3A_281 = tpu.memref_slice %arg8[%dma_wait3A_278, %dma_wait3A_279, %dma_wait3A_280] : memref<2x128x32xf32, #tpu.memory_space<vmem>> -> memref<1x128x32xf32, #tpu.memory_space<vmem>>
        %dma_wait3A_282 = tpu.memref_squeeze %dma_wait3A_281 : memref<1x128x32xf32, #tpu.memory_space<vmem>> -> memref<128x32xf32, #tpu.memory_space<vmem>>
        %dma_wait3A_283 = arith.constant 0 : i32
        %dma_wait3A_284 = tpu.memref_slice %arg6[%dma_wait3A_276, %dma_wait3A_277, %dma_wait3A_283] : memref<2x2x128xi32, #tpu.memory_space<vmem>> -> memref<1x1x128xi32, #tpu.memory_space<vmem>>
        %dma_wait3A_285 = tpu.memref_squeeze %dma_wait3A_284 : memref<1x1x128xi32, #tpu.memory_space<vmem>> -> memref<128xi32, #tpu.memory_space<vmem>>
        %dma_wait3A_286 = arith.constant 0 : i32
        %dma_wait3A_287 = arith.constant 0 : i32
        %dma_wait3A_288 = tpu.memref_slice %arg2[%scan3A_119, %dma_wait3A_286, %dma_wait3A_287] : memref<4x50000x32xf32, #tpu.memory_space<hbm>> -> memref<1x50000x32xf32, #tpu.memory_space<hbm>>
        %dma_wait3A_289 = tpu.memref_squeeze %dma_wait3A_288 : memref<1x50000x32xf32, #tpu.memory_space<hbm>> -> memref<50000x32xf32, #tpu.memory_space<hbm>>
        %dma_wait3A_290 = arith.constant 0 : i32
        %dma_wait3A_291 = arith.constant 0 : i32
        %dma_wait3A_292 = tpu.memref_slice %dma_wait3A_289[%dma_wait3A_290, %dma_wait3A_291] : memref<50000x32xf32, #tpu.memory_space<hbm>> -> memref<50000x32xf32, #tpu.memory_space<hbm>>
        tpu.wait_indirect_dma semaphore(%arg12 : memref<!tpu.dma_semaphore, #tpu.memory_space<semaphore_mem>>) src(%dma_wait3A_292 : memref<50000x32xf32, #tpu.memory_space<hbm>>) dst(%dma_wait3A_282 : memref<128x32xf32, #tpu.memory_space<vmem>>)
        %add3A_293 = arith.constant 2 : i32
        %add3A_294 = arith.addi %multiple_of3A_258, %add3A_293 : i32
        %multiple_of3A_295 = tpu.assume_multiple %add3A_294, 2 : i32
        %dma_wait3A_296 = arith.constant 0 : i32
        %dma_wait3A_297 = arith.constant 0 : i32
        %dma_wait3A_298 = tpu.memref_slice %arg3[%multiple_of3A_295, %dma_wait3A_296, %dma_wait3A_297] : memref<6272x2x128xi32, #tpu.memory_space<hbm>> -> memref<2x2x128xi32, #tpu.memory_space<hbm>>
        %dma_wait3A_299 = arith.constant 0 : i32
        %dma_wait3A_300 = arith.constant 0 : i32
        %dma_wait3A_301 = tpu.memref_slice %arg3[%multiple_of3A_295, %dma_wait3A_299, %dma_wait3A_300] : memref<6272x2x128xi32, #tpu.memory_space<hbm>> -> memref<2x2x128xi32, #tpu.memory_space<hbm>>
        tpu.wait_dma2 semaphore(%arg11 : memref<!tpu.dma_semaphore, #tpu.memory_space<semaphore_mem>>) src(%dma_wait3A_301 : memref<2x2x128xi32, #tpu.memory_space<hbm>>) dst(%arg7 : memref<2x2x128xi32, #tpu.memory_space<vmem>>)
        %dma_start3A_302 = arith.constant 0 : i32
        %dma_start3A_303 = arith.constant 0 : i32
        %dma_start3A_304 = arith.constant 0 : i32
        %dma_start3A_305 = arith.constant 0 : i32
        %dma_start3A_306 = arith.constant 0 : i32
        %dma_start3A_307 = tpu.memref_slice %arg9[%dma_start3A_304, %dma_start3A_305, %dma_start3A_306] : memref<2x128x32xf32, #tpu.memory_space<vmem>> -> memref<1x128x32xf32, #tpu.memory_space<vmem>>
        %dma_start3A_308 = tpu.memref_squeeze %dma_start3A_307 : memref<1x128x32xf32, #tpu.memory_space<vmem>> -> memref<128x32xf32, #tpu.memory_space<vmem>>
        %dma_start3A_309 = arith.constant 0 : i32
        %dma_start3A_310 = tpu.memref_slice %arg7[%dma_start3A_302, %dma_start3A_303, %dma_start3A_309] : memref<2x2x128xi32, #tpu.memory_space<vmem>> -> memref<1x1x128xi32, #tpu.memory_space<vmem>>
        %dma_start3A_311 = tpu.memref_squeeze %dma_start3A_310 : memref<1x1x128xi32, #tpu.memory_space<vmem>> -> memref<128xi32, #tpu.memory_space<vmem>>
        %dma_start3A_312 = arith.constant 0 : i32
        %dma_start3A_313 = arith.constant 0 : i32
        %dma_start3A_314 = tpu.memref_slice %arg2[%scan3A_119, %dma_start3A_312, %dma_start3A_313] : memref<4x50000x32xf32, #tpu.memory_space<hbm>> -> memref<1x50000x32xf32, #tpu.memory_space<hbm>>
        %dma_start3A_315 = tpu.memref_squeeze %dma_start3A_314 : memref<1x50000x32xf32, #tpu.memory_space<hbm>> -> memref<50000x32xf32, #tpu.memory_space<hbm>>
        %dma_start3A_316 = arith.constant 0 : i32
        %dma_start3A_317 = arith.constant 0 : i32
        %dma_start3A_318 = tpu.memref_slice %dma_start3A_315[%dma_start3A_316, %dma_start3A_317] : memref<50000x32xf32, #tpu.memory_space<hbm>> -> memref<50000x32xf32, #tpu.memory_space<hbm>>
        tpu.enqueue_indirect_dma source(%dma_start3A_318 : memref<50000x32xf32, #tpu.memory_space<hbm>>) target(%dma_start3A_308 : memref<128x32xf32, #tpu.memory_space<vmem>>) offsets(%dma_start3A_311 : memref<128xi32, #tpu.memory_space<vmem>>) semaphore(%arg13 : memref<!tpu.dma_semaphore, #tpu.memory_space<semaphore_mem>>)
        %dma_start3A_319 = arith.constant 1 : i32
        %dma_start3A_320 = arith.constant 0 : i32
        %dma_start3A_321 = arith.constant 1 : i32
        %dma_start3A_322 = arith.constant 0 : i32
        %dma_start3A_323 = arith.constant 0 : i32
        %dma_start3A_324 = tpu.memref_slice %arg9[%dma_start3A_321, %dma_start3A_322, %dma_start3A_323] : memref<2x128x32xf32, #tpu.memory_space<vmem>> -> memref<1x128x32xf32, #tpu.memory_space<vmem>>
        %dma_start3A_325 = tpu.memref_squeeze %dma_start3A_324 : memref<1x128x32xf32, #tpu.memory_space<vmem>> -> memref<128x32xf32, #tpu.memory_space<vmem>>
        %dma_start3A_326 = arith.constant 0 : i32
        %dma_start3A_327 = tpu.memref_slice %arg7[%dma_start3A_319, %dma_start3A_320, %dma_start3A_326] : memref<2x2x128xi32, #tpu.memory_space<vmem>> -> memref<1x1x128xi32, #tpu.memory_space<vmem>>
        %dma_start3A_328 = tpu.memref_squeeze %dma_start3A_327 : memref<1x1x128xi32, #tpu.memory_space<vmem>> -> memref<128xi32, #tpu.memory_space<vmem>>
        %dma_start3A_329 = arith.constant 0 : i32
        %dma_start3A_330 = arith.constant 0 : i32
        %dma_start3A_331 = tpu.memref_slice %arg2[%scan3A_119, %dma_start3A_329, %dma_start3A_330] : memref<4x50000x32xf32, #tpu.memory_space<hbm>> -> memref<1x50000x32xf32, #tpu.memory_space<hbm>>
        %dma_start3A_332 = tpu.memref_squeeze %dma_start3A_331 : memref<1x50000x32xf32, #tpu.memory_space<hbm>> -> memref<50000x32xf32, #tpu.memory_space<hbm>>
        %dma_start3A_333 = arith.constant 0 : i32
        %dma_start3A_334 = arith.constant 0 : i32
        %dma_start3A_335 = tpu.memref_slice %dma_start3A_332[%dma_start3A_333, %dma_start3A_334] : memref<50000x32xf32, #tpu.memory_space<hbm>> -> memref<50000x32xf32, #tpu.memory_space<hbm>>
        tpu.enqueue_indirect_dma source(%dma_start3A_335 : memref<50000x32xf32, #tpu.memory_space<hbm>>) target(%dma_start3A_325 : memref<128x32xf32, #tpu.memory_space<vmem>>) offsets(%dma_start3A_328 : memref<128xi32, #tpu.memory_space<vmem>>) semaphore(%arg13 : memref<!tpu.dma_semaphore, #tpu.memory_space<semaphore_mem>>)
        %run_scoped3A_336 = arith.constant 0 : i32
        %run_scoped3A_337 = arith.constant 0 : i32
        %run_scoped3A_338 = arith.constant 1 : i32
        "tpu.region"() ({
          %run_scoped3A_440 = tpu.sem_alloc : memref<!tpu.dma_semaphore, #tpu.memory_space<semaphore_mem>>
          %dma_start3A_441 = arith.constant 0 : i32
          %dma_start3A_442 = arith.constant 0 : i32
          %dma_start3A_443 = tpu.memref_slice %arg8[%run_scoped3A_336, %dma_start3A_441, %dma_start3A_442] : memref<2x128x32xf32, #tpu.memory_space<vmem>> -> memref<1x128x32xf32, #tpu.memory_space<vmem>>
          %dma_start3A_444 = tpu.memref_squeeze %dma_start3A_443 : memref<1x128x32xf32, #tpu.memory_space<vmem>> -> memref<128x32xf32, #tpu.memory_space<vmem>>
          %dma_start3A_445 = arith.constant 0 : i32
          %dma_start3A_446 = tpu.memref_slice %arg6[%run_scoped3A_337, %run_scoped3A_338, %dma_start3A_445] : memref<2x2x128xi32, #tpu.memory_space<vmem>> -> memref<1x1x128xi32, #tpu.memory_space<vmem>>
          %dma_start3A_447 = tpu.memref_squeeze %dma_start3A_446 : memref<1x1x128xi32, #tpu.memory_space<vmem>> -> memref<128xi32, #tpu.memory_space<vmem>>
          %dma_start3A_448 = arith.constant 0 : i32
          %dma_start3A_449 = arith.constant 0 : i32
          %dma_start3A_450 = tpu.memref_slice %arg5[%dma_start3A_448, %dma_start3A_449] : memref<50048x32xf32, #tpu.memory_space<vmem_shared>> -> memref<50048x32xf32, #tpu.memory_space<vmem_shared>>
          tpu.enqueue_indirect_dma source(%dma_start3A_444 : memref<128x32xf32, #tpu.memory_space<vmem>>) target(%dma_start3A_450 : memref<50048x32xf32, #tpu.memory_space<vmem_shared>>) offsets(%dma_start3A_447 : memref<128xi32, #tpu.memory_space<vmem>>) semaphore(%run_scoped3A_440 : memref<!tpu.dma_semaphore, #tpu.memory_space<semaphore_mem>>) {add = true}
          %dma_wait3A_451 = arith.constant 0 : i32
          %dma_wait3A_452 = arith.constant 0 : i32
          %dma_wait3A_453 = tpu.memref_slice %arg8[%run_scoped3A_336, %dma_wait3A_451, %dma_wait3A_452] : memref<2x128x32xf32, #tpu.memory_space<vmem>> -> memref<1x128x32xf32, #tpu.memory_space<vmem>>
          %dma_wait3A_454 = tpu.memref_squeeze %dma_wait3A_453 : memref<1x128x32xf32, #tpu.memory_space<vmem>> -> memref<128x32xf32, #tpu.memory_space<vmem>>
          %dma_wait3A_455 = arith.constant 0 : i32
          %dma_wait3A_456 = tpu.memref_slice %arg6[%run_scoped3A_337, %run_scoped3A_338, %dma_wait3A_455] : memref<2x2x128xi32, #tpu.memory_space<vmem>> -> memref<1x1x128xi32, #tpu.memory_space<vmem>>
          %dma_wait3A_457 = tpu.memref_squeeze %dma_wait3A_456 : memref<1x1x128xi32, #tpu.memory_space<vmem>> -> memref<128xi32, #tpu.memory_space<vmem>>
          %dma_wait3A_458 = arith.constant 0 : i32
          %dma_wait3A_459 = arith.constant 0 : i32
          %dma_wait3A_460 = tpu.memref_slice %arg5[%dma_wait3A_458, %dma_wait3A_459] : memref<50048x32xf32, #tpu.memory_space<vmem_shared>> -> memref<50048x32xf32, #tpu.memory_space<vmem_shared>>
          tpu.wait_indirect_dma semaphore(%run_scoped3A_440 : memref<!tpu.dma_semaphore, #tpu.memory_space<semaphore_mem>>) src(%dma_wait3A_454 : memref<128x32xf32, #tpu.memory_space<vmem>>) dst(%dma_wait3A_460 : memref<50048x32xf32, #tpu.memory_space<vmem_shared>>)
          tpu.yield
        }) : () -> ()
        %run_scoped3A_339 = arith.constant 1 : i32
        %run_scoped3A_340 = arith.constant 1 : i32
        %run_scoped3A_341 = arith.constant 1 : i32
        "tpu.region"() ({
          %run_scoped3A_440 = tpu.sem_alloc : memref<!tpu.dma_semaphore, #tpu.memory_space<semaphore_mem>>
          %dma_start3A_441 = arith.constant 0 : i32
          %dma_start3A_442 = arith.constant 0 : i32
          %dma_start3A_443 = tpu.memref_slice %arg8[%run_scoped3A_339, %dma_start3A_441, %dma_start3A_442] : memref<2x128x32xf32, #tpu.memory_space<vmem>> -> memref<1x128x32xf32, #tpu.memory_space<vmem>>
          %dma_start3A_444 = tpu.memref_squeeze %dma_start3A_443 : memref<1x128x32xf32, #tpu.memory_space<vmem>> -> memref<128x32xf32, #tpu.memory_space<vmem>>
          %dma_start3A_445 = arith.constant 0 : i32
          %dma_start3A_446 = tpu.memref_slice %arg6[%run_scoped3A_340, %run_scoped3A_341, %dma_start3A_445] : memref<2x2x128xi32, #tpu.memory_space<vmem>> -> memref<1x1x128xi32, #tpu.memory_space<vmem>>
          %dma_start3A_447 = tpu.memref_squeeze %dma_start3A_446 : memref<1x1x128xi32, #tpu.memory_space<vmem>> -> memref<128xi32, #tpu.memory_space<vmem>>
          %dma_start3A_448 = arith.constant 0 : i32
          %dma_start3A_449 = arith.constant 0 : i32
          %dma_start3A_450 = tpu.memref_slice %arg5[%dma_start3A_448, %dma_start3A_449] : memref<50048x32xf32, #tpu.memory_space<vmem_shared>> -> memref<50048x32xf32, #tpu.memory_space<vmem_shared>>
          tpu.enqueue_indirect_dma source(%dma_start3A_444 : memref<128x32xf32, #tpu.memory_space<vmem>>) target(%dma_start3A_450 : memref<50048x32xf32, #tpu.memory_space<vmem_shared>>) offsets(%dma_start3A_447 : memref<128xi32, #tpu.memory_space<vmem>>) semaphore(%run_scoped3A_440 : memref<!tpu.dma_semaphore, #tpu.memory_space<semaphore_mem>>) {add = true}
          %dma_wait3A_451 = arith.constant 0 : i32
          %dma_wait3A_452 = arith.constant 0 : i32
          %dma_wait3A_453 = tpu.memref_slice %arg8[%run_scoped3A_339, %dma_wait3A_451, %dma_wait3A_452] : memref<2x128x32xf32, #tpu.memory_space<vmem>> -> memref<1x128x32xf32, #tpu.memory_space<vmem>>
          %dma_wait3A_454 = tpu.memref_squeeze %dma_wait3A_453 : memref<1x128x32xf32, #tpu.memory_space<vmem>> -> memref<128x32xf32, #tpu.memory_space<vmem>>
          %dma_wait3A_455 = arith.constant 0 : i32
          %dma_wait3A_456 = tpu.memref_slice %arg6[%run_scoped3A_340, %run_scoped3A_341, %dma_wait3A_455] : memref<2x2x128xi32, #tpu.memory_space<vmem>> -> memref<1x1x128xi32, #tpu.memory_space<vmem>>
          %dma_wait3A_457 = tpu.memref_squeeze %dma_wait3A_456 : memref<1x1x128xi32, #tpu.memory_space<vmem>> -> memref<128xi32, #tpu.memory_space<vmem>>
          %dma_wait3A_458 = arith.constant 0 : i32
          %dma_wait3A_459 = arith.constant 0 : i32
          %dma_wait3A_460 = tpu.memref_slice %arg5[%dma_wait3A_458, %dma_wait3A_459] : memref<50048x32xf32, #tpu.memory_space<vmem_shared>> -> memref<50048x32xf32, #tpu.memory_space<vmem_shared>>
          tpu.wait_indirect_dma semaphore(%run_scoped3A_440 : memref<!tpu.dma_semaphore, #tpu.memory_space<semaphore_mem>>) src(%dma_wait3A_454 : memref<128x32xf32, #tpu.memory_space<vmem>>) dst(%dma_wait3A_460 : memref<50048x32xf32, #tpu.memory_space<vmem_shared>>)
          tpu.yield
        }) : () -> ()
        %add3A_342 = arith.constant 4 : i32
        %add3A_343 = arith.addi %multiple_of3A_258, %add3A_342 : i32
        %multiple_of3A_344 = tpu.assume_multiple %add3A_343, 2 : i32
        %dma_start3A_345 = arith.constant 0 : i32
        %dma_start3A_346 = arith.constant 0 : i32
        %dma_start3A_347 = tpu.memref_slice %arg3[%multiple_of3A_344, %dma_start3A_345, %dma_start3A_346] : memref<6272x2x128xi32, #tpu.memory_space<hbm>> -> memref<2x2x128xi32, #tpu.memory_space<hbm>>
        %dma_start3A_348 = arith.constant 0 : i32
        %dma_start3A_349 = arith.constant 0 : i32
        %dma_start3A_350 = tpu.memref_slice %arg3[%multiple_of3A_344, %dma_start3A_348, %dma_start3A_349] : memref<6272x2x128xi32, #tpu.memory_space<hbm>> -> memref<2x2x128xi32, #tpu.memory_space<hbm>>
        tpu.enqueue_dma source(%dma_start3A_350 : memref<2x2x128xi32, #tpu.memory_space<hbm>>) target(%arg6 : memref<2x2x128xi32, #tpu.memory_space<vmem>>) target_semaphore(%arg10 : memref<!tpu.dma_semaphore, #tpu.memory_space<semaphore_mem>>)
        %dma_wait3A_351 = arith.constant 0 : i32
        %dma_wait3A_352 = arith.constant 0 : i32
        %dma_wait3A_353 = arith.constant 0 : i32
        %dma_wait3A_354 = arith.constant 0 : i32
        %dma_wait3A_355 = arith.constant 0 : i32
        %dma_wait3A_356 = tpu.memref_slice %arg9[%dma_wait3A_353, %dma_wait3A_354, %dma_wait3A_355] : memref<2x128x32xf32, #tpu.memory_space<vmem>> -> memref<1x128x32xf32, #tpu.memory_space<vmem>>
        %dma_wait3A_357 = tpu.memref_squeeze %dma_wait3A_356 : memref<1x128x32xf32, #tpu.memory_space<vmem>> -> memref<128x32xf32, #tpu.memory_space<vmem>>
        %dma_wait3A_358 = arith.constant 0 : i32
        %dma_wait3A_359 = tpu.memref_slice %arg7[%dma_wait3A_351, %dma_wait3A_352, %dma_wait3A_358] : memref<2x2x128xi32, #tpu.memory_space<vmem>> -> memref<1x1x128xi32, #tpu.memory_space<vmem>>
        %dma_wait3A_360 = tpu.memref_squeeze %dma_wait3A_359 : memref<1x1x128xi32, #tpu.memory_space<vmem>> -> memref<128xi32, #tpu.memory_space<vmem>>
        %dma_wait3A_361 = arith.constant 0 : i32
        %dma_wait3A_362 = arith.constant 0 : i32
        %dma_wait3A_363 = tpu.memref_slice %arg2[%scan3A_119, %dma_wait3A_361, %dma_wait3A_362] : memref<4x50000x32xf32, #tpu.memory_space<hbm>> -> memref<1x50000x32xf32, #tpu.memory_space<hbm>>
        %dma_wait3A_364 = tpu.memref_squeeze %dma_wait3A_363 : memref<1x50000x32xf32, #tpu.memory_space<hbm>> -> memref<50000x32xf32, #tpu.memory_space<hbm>>
        %dma_wait3A_365 = arith.constant 0 : i32
        %dma_wait3A_366 = arith.constant 0 : i32
        %dma_wait3A_367 = tpu.memref_slice %dma_wait3A_364[%dma_wait3A_365, %dma_wait3A_366] : memref<50000x32xf32, #tpu.memory_space<hbm>> -> memref<50000x32xf32, #tpu.memory_space<hbm>>
        tpu.wait_indirect_dma semaphore(%arg13 : memref<!tpu.dma_semaphore, #tpu.memory_space<semaphore_mem>>) src(%dma_wait3A_367 : memref<50000x32xf32, #tpu.memory_space<hbm>>) dst(%dma_wait3A_357 : memref<128x32xf32, #tpu.memory_space<vmem>>)
        %dma_wait3A_368 = arith.constant 1 : i32
        %dma_wait3A_369 = arith.constant 0 : i32
        %dma_wait3A_370 = arith.constant 1 : i32
        %dma_wait3A_371 = arith.constant 0 : i32
        %dma_wait3A_372 = arith.constant 0 : i32
        %dma_wait3A_373 = tpu.memref_slice %arg9[%dma_wait3A_370, %dma_wait3A_371, %dma_wait3A_372] : memref<2x128x32xf32, #tpu.memory_space<vmem>> -> memref<1x128x32xf32, #tpu.memory_space<vmem>>
        %dma_wait3A_374 = tpu.memref_squeeze %dma_wait3A_373 : memref<1x128x32xf32, #tpu.memory_space<vmem>> -> memref<128x32xf32, #tpu.memory_space<vmem>>
        %dma_wait3A_375 = arith.constant 0 : i32
        %dma_wait3A_376 = tpu.memref_slice %arg7[%dma_wait3A_368, %dma_wait3A_369, %dma_wait3A_375] : memref<2x2x128xi32, #tpu.memory_space<vmem>> -> memref<1x1x128xi32, #tpu.memory_space<vmem>>
        %dma_wait3A_377 = tpu.memref_squeeze %dma_wait3A_376 : memref<1x1x128xi32, #tpu.memory_space<vmem>> -> memref<128xi32, #tpu.memory_space<vmem>>
        %dma_wait3A_378 = arith.constant 0 : i32
        %dma_wait3A_379 = arith.constant 0 : i32
        %dma_wait3A_380 = tpu.memref_slice %arg2[%scan3A_119, %dma_wait3A_378, %dma_wait3A_379] : memref<4x50000x32xf32, #tpu.memory_space<hbm>> -> memref<1x50000x32xf32, #tpu.memory_space<hbm>>
        %dma_wait3A_381 = tpu.memref_squeeze %dma_wait3A_380 : memref<1x50000x32xf32, #tpu.memory_space<hbm>> -> memref<50000x32xf32, #tpu.memory_space<hbm>>
        %dma_wait3A_382 = arith.constant 0 : i32
        %dma_wait3A_383 = arith.constant 0 : i32
        %dma_wait3A_384 = tpu.memref_slice %dma_wait3A_381[%dma_wait3A_382, %dma_wait3A_383] : memref<50000x32xf32, #tpu.memory_space<hbm>> -> memref<50000x32xf32, #tpu.memory_space<hbm>>
        tpu.wait_indirect_dma semaphore(%arg13 : memref<!tpu.dma_semaphore, #tpu.memory_space<semaphore_mem>>) src(%dma_wait3A_384 : memref<50000x32xf32, #tpu.memory_space<hbm>>) dst(%dma_wait3A_374 : memref<128x32xf32, #tpu.memory_space<vmem>>)
        %dma_wait3A_385 = arith.constant 0 : i32
        %dma_wait3A_386 = arith.constant 0 : i32
        %dma_wait3A_387 = tpu.memref_slice %arg3[%multiple_of3A_344, %dma_wait3A_385, %dma_wait3A_386] : memref<6272x2x128xi32, #tpu.memory_space<hbm>> -> memref<2x2x128xi32, #tpu.memory_space<hbm>>
        %dma_wait3A_388 = arith.constant 0 : i32
        %dma_wait3A_389 = arith.constant 0 : i32
        %dma_wait3A_390 = tpu.memref_slice %arg3[%multiple_of3A_344, %dma_wait3A_388, %dma_wait3A_389] : memref<6272x2x128xi32, #tpu.memory_space<hbm>> -> memref<2x2x128xi32, #tpu.memory_space<hbm>>
        tpu.wait_dma2 semaphore(%arg10 : memref<!tpu.dma_semaphore, #tpu.memory_space<semaphore_mem>>) src(%dma_wait3A_390 : memref<2x2x128xi32, #tpu.memory_space<hbm>>) dst(%arg6 : memref<2x2x128xi32, #tpu.memory_space<vmem>>)
        %dma_start3A_391 = arith.constant 0 : i32
        %dma_start3A_392 = arith.constant 0 : i32
        %dma_start3A_393 = arith.constant 0 : i32
        %dma_start3A_394 = arith.constant 0 : i32
        %dma_start3A_395 = arith.constant 0 : i32
        %dma_start3A_396 = tpu.memref_slice %arg8[%dma_start3A_393, %dma_start3A_394, %dma_start3A_395] : memref<2x128x32xf32, #tpu.memory_space<vmem>> -> memref<1x128x32xf32, #tpu.memory_space<vmem>>
        %dma_start3A_397 = tpu.memref_squeeze %dma_start3A_396 : memref<1x128x32xf32, #tpu.memory_space<vmem>> -> memref<128x32xf32, #tpu.memory_space<vmem>>
        %dma_start3A_398 = arith.constant 0 : i32
        %dma_start3A_399 = tpu.memref_slice %arg6[%dma_start3A_391, %dma_start3A_392, %dma_start3A_398] : memref<2x2x128xi32, #tpu.memory_space<vmem>> -> memref<1x1x128xi32, #tpu.memory_space<vmem>>
        %dma_start3A_400 = tpu.memref_squeeze %dma_start3A_399 : memref<1x1x128xi32, #tpu.memory_space<vmem>> -> memref<128xi32, #tpu.memory_space<vmem>>
        %dma_start3A_401 = arith.constant 0 : i32
        %dma_start3A_402 = arith.constant 0 : i32
        %dma_start3A_403 = tpu.memref_slice %arg2[%scan3A_119, %dma_start3A_401, %dma_start3A_402] : memref<4x50000x32xf32, #tpu.memory_space<hbm>> -> memref<1x50000x32xf32, #tpu.memory_space<hbm>>
        %dma_start3A_404 = tpu.memref_squeeze %dma_start3A_403 : memref<1x50000x32xf32, #tpu.memory_space<hbm>> -> memref<50000x32xf32, #tpu.memory_space<hbm>>
        %dma_start3A_405 = arith.constant 0 : i32
        %dma_start3A_406 = arith.constant 0 : i32
        %dma_start3A_407 = tpu.memref_slice %dma_start3A_404[%dma_start3A_405, %dma_start3A_406] : memref<50000x32xf32, #tpu.memory_space<hbm>> -> memref<50000x32xf32, #tpu.memory_space<hbm>>
        tpu.enqueue_indirect_dma source(%dma_start3A_407 : memref<50000x32xf32, #tpu.memory_space<hbm>>) target(%dma_start3A_397 : memref<128x32xf32, #tpu.memory_space<vmem>>) offsets(%dma_start3A_400 : memref<128xi32, #tpu.memory_space<vmem>>) semaphore(%arg12 : memref<!tpu.dma_semaphore, #tpu.memory_space<semaphore_mem>>)
        %dma_start3A_408 = arith.constant 1 : i32
        %dma_start3A_409 = arith.constant 0 : i32
        %dma_start3A_410 = arith.constant 1 : i32
        %dma_start3A_411 = arith.constant 0 : i32
        %dma_start3A_412 = arith.constant 0 : i32
        %dma_start3A_413 = tpu.memref_slice %arg8[%dma_start3A_410, %dma_start3A_411, %dma_start3A_412] : memref<2x128x32xf32, #tpu.memory_space<vmem>> -> memref<1x128x32xf32, #tpu.memory_space<vmem>>
        %dma_start3A_414 = tpu.memref_squeeze %dma_start3A_413 : memref<1x128x32xf32, #tpu.memory_space<vmem>> -> memref<128x32xf32, #tpu.memory_space<vmem>>
        %dma_start3A_415 = arith.constant 0 : i32
        %dma_start3A_416 = tpu.memref_slice %arg6[%dma_start3A_408, %dma_start3A_409, %dma_start3A_415] : memref<2x2x128xi32, #tpu.memory_space<vmem>> -> memref<1x1x128xi32, #tpu.memory_space<vmem>>
        %dma_start3A_417 = tpu.memref_squeeze %dma_start3A_416 : memref<1x1x128xi32, #tpu.memory_space<vmem>> -> memref<128xi32, #tpu.memory_space<vmem>>
        %dma_start3A_418 = arith.constant 0 : i32
        %dma_start3A_419 = arith.constant 0 : i32
        %dma_start3A_420 = tpu.memref_slice %arg2[%scan3A_119, %dma_start3A_418, %dma_start3A_419] : memref<4x50000x32xf32, #tpu.memory_space<hbm>> -> memref<1x50000x32xf32, #tpu.memory_space<hbm>>
        %dma_start3A_421 = tpu.memref_squeeze %dma_start3A_420 : memref<1x50000x32xf32, #tpu.memory_space<hbm>> -> memref<50000x32xf32, #tpu.memory_space<hbm>>
        %dma_start3A_422 = arith.constant 0 : i32
        %dma_start3A_423 = arith.constant 0 : i32
        %dma_start3A_424 = tpu.memref_slice %dma_start3A_421[%dma_start3A_422, %dma_start3A_423] : memref<50000x32xf32, #tpu.memory_space<hbm>> -> memref<50000x32xf32, #tpu.memory_space<hbm>>
        tpu.enqueue_indirect_dma source(%dma_start3A_424 : memref<50000x32xf32, #tpu.memory_space<hbm>>) target(%dma_start3A_414 : memref<128x32xf32, #tpu.memory_space<vmem>>) offsets(%dma_start3A_417 : memref<128xi32, #tpu.memory_space<vmem>>) semaphore(%arg12 : memref<!tpu.dma_semaphore, #tpu.memory_space<semaphore_mem>>)
        %run_scoped3A_425 = arith.constant 0 : i32
        %run_scoped3A_426 = arith.constant 0 : i32
        %run_scoped3A_427 = arith.constant 1 : i32
        "tpu.region"() ({
          %run_scoped3A_440 = tpu.sem_alloc : memref<!tpu.dma_semaphore, #tpu.memory_space<semaphore_mem>>
          %dma_start3A_441 = arith.constant 0 : i32
          %dma_start3A_442 = arith.constant 0 : i32
          %dma_start3A_443 = tpu.memref_slice %arg9[%run_scoped3A_425, %dma_start3A_441, %dma_start3A_442] : memref<2x128x32xf32, #tpu.memory_space<vmem>> -> memref<1x128x32xf32, #tpu.memory_space<vmem>>
          %dma_start3A_444 = tpu.memref_squeeze %dma_start3A_443 : memref<1x128x32xf32, #tpu.memory_space<vmem>> -> memref<128x32xf32, #tpu.memory_space<vmem>>
          %dma_start3A_445 = arith.constant 0 : i32
          %dma_start3A_446 = tpu.memref_slice %arg7[%run_scoped3A_426, %run_scoped3A_427, %dma_start3A_445] : memref<2x2x128xi32, #tpu.memory_space<vmem>> -> memref<1x1x128xi32, #tpu.memory_space<vmem>>
          %dma_start3A_447 = tpu.memref_squeeze %dma_start3A_446 : memref<1x1x128xi32, #tpu.memory_space<vmem>> -> memref<128xi32, #tpu.memory_space<vmem>>
          %dma_start3A_448 = arith.constant 0 : i32
          %dma_start3A_449 = arith.constant 0 : i32
          %dma_start3A_450 = tpu.memref_slice %arg5[%dma_start3A_448, %dma_start3A_449] : memref<50048x32xf32, #tpu.memory_space<vmem_shared>> -> memref<50048x32xf32, #tpu.memory_space<vmem_shared>>
          tpu.enqueue_indirect_dma source(%dma_start3A_444 : memref<128x32xf32, #tpu.memory_space<vmem>>) target(%dma_start3A_450 : memref<50048x32xf32, #tpu.memory_space<vmem_shared>>) offsets(%dma_start3A_447 : memref<128xi32, #tpu.memory_space<vmem>>) semaphore(%run_scoped3A_440 : memref<!tpu.dma_semaphore, #tpu.memory_space<semaphore_mem>>) {add = true}
          %dma_wait3A_451 = arith.constant 0 : i32
          %dma_wait3A_452 = arith.constant 0 : i32
          %dma_wait3A_453 = tpu.memref_slice %arg9[%run_scoped3A_425, %dma_wait3A_451, %dma_wait3A_452] : memref<2x128x32xf32, #tpu.memory_space<vmem>> -> memref<1x128x32xf32, #tpu.memory_space<vmem>>
          %dma_wait3A_454 = tpu.memref_squeeze %dma_wait3A_453 : memref<1x128x32xf32, #tpu.memory_space<vmem>> -> memref<128x32xf32, #tpu.memory_space<vmem>>
          %dma_wait3A_455 = arith.constant 0 : i32
          %dma_wait3A_456 = tpu.memref_slice %arg7[%run_scoped3A_426, %run_scoped3A_427, %dma_wait3A_455] : memref<2x2x128xi32, #tpu.memory_space<vmem>> -> memref<1x1x128xi32, #tpu.memory_space<vmem>>
          %dma_wait3A_457 = tpu.memref_squeeze %dma_wait3A_456 : memref<1x1x128xi32, #tpu.memory_space<vmem>> -> memref<128xi32, #tpu.memory_space<vmem>>
          %dma_wait3A_458 = arith.constant 0 : i32
          %dma_wait3A_459 = arith.constant 0 : i32
          %dma_wait3A_460 = tpu.memref_slice %arg5[%dma_wait3A_458, %dma_wait3A_459] : memref<50048x32xf32, #tpu.memory_space<vmem_shared>> -> memref<50048x32xf32, #tpu.memory_space<vmem_shared>>
          tpu.wait_indirect_dma semaphore(%run_scoped3A_440 : memref<!tpu.dma_semaphore, #tpu.memory_space<semaphore_mem>>) src(%dma_wait3A_454 : memref<128x32xf32, #tpu.memory_space<vmem>>) dst(%dma_wait3A_460 : memref<50048x32xf32, #tpu.memory_space<vmem_shared>>)
          tpu.yield
        }) : () -> ()
        %run_scoped3A_428 = arith.constant 1 : i32
        %run_scoped3A_429 = arith.constant 1 : i32
        %run_scoped3A_430 = arith.constant 1 : i32
        "tpu.region"() ({
          %run_scoped3A_440 = tpu.sem_alloc : memref<!tpu.dma_semaphore, #tpu.memory_space<semaphore_mem>>
          %dma_start3A_441 = arith.constant 0 : i32
          %dma_start3A_442 = arith.constant 0 : i32
          %dma_start3A_443 = tpu.memref_slice %arg9[%run_scoped3A_428, %dma_start3A_441, %dma_start3A_442] : memref<2x128x32xf32, #tpu.memory_space<vmem>> -> memref<1x128x32xf32, #tpu.memory_space<vmem>>
          %dma_start3A_444 = tpu.memref_squeeze %dma_start3A_443 : memref<1x128x32xf32, #tpu.memory_space<vmem>> -> memref<128x32xf32, #tpu.memory_space<vmem>>
          %dma_start3A_445 = arith.constant 0 : i32
          %dma_start3A_446 = tpu.memref_slice %arg7[%run_scoped3A_429, %run_scoped3A_430, %dma_start3A_445] : memref<2x2x128xi32, #tpu.memory_space<vmem>> -> memref<1x1x128xi32, #tpu.memory_space<vmem>>
          %dma_start3A_447 = tpu.memref_squeeze %dma_start3A_446 : memref<1x1x128xi32, #tpu.memory_space<vmem>> -> memref<128xi32, #tpu.memory_space<vmem>>
          %dma_start3A_448 = arith.constant 0 : i32
          %dma_start3A_449 = arith.constant 0 : i32
          %dma_start3A_450 = tpu.memref_slice %arg5[%dma_start3A_448, %dma_start3A_449] : memref<50048x32xf32, #tpu.memory_space<vmem_shared>> -> memref<50048x32xf32, #tpu.memory_space<vmem_shared>>
          tpu.enqueue_indirect_dma source(%dma_start3A_444 : memref<128x32xf32, #tpu.memory_space<vmem>>) target(%dma_start3A_450 : memref<50048x32xf32, #tpu.memory_space<vmem_shared>>) offsets(%dma_start3A_447 : memref<128xi32, #tpu.memory_space<vmem>>) semaphore(%run_scoped3A_440 : memref<!tpu.dma_semaphore, #tpu.memory_space<semaphore_mem>>) {add = true}
          %dma_wait3A_451 = arith.constant 0 : i32
          %dma_wait3A_452 = arith.constant 0 : i32
          %dma_wait3A_453 = tpu.memref_slice %arg9[%run_scoped3A_428, %dma_wait3A_451, %dma_wait3A_452] : memref<2x128x32xf32, #tpu.memory_space<vmem>> -> memref<1x128x32xf32, #tpu.memory_space<vmem>>
          %dma_wait3A_454 = tpu.memref_squeeze %dma_wait3A_453 : memref<1x128x32xf32, #tpu.memory_space<vmem>> -> memref<128x32xf32, #tpu.memory_space<vmem>>
          %dma_wait3A_455 = arith.constant 0 : i32
          %dma_wait3A_456 = tpu.memref_slice %arg7[%run_scoped3A_429, %run_scoped3A_430, %dma_wait3A_455] : memref<2x2x128xi32, #tpu.memory_space<vmem>> -> memref<1x1x128xi32, #tpu.memory_space<vmem>>
          %dma_wait3A_457 = tpu.memref_squeeze %dma_wait3A_456 : memref<1x1x128xi32, #tpu.memory_space<vmem>> -> memref<128xi32, #tpu.memory_space<vmem>>
          %dma_wait3A_458 = arith.constant 0 : i32
          %dma_wait3A_459 = arith.constant 0 : i32
          %dma_wait3A_460 = tpu.memref_slice %arg5[%dma_wait3A_458, %dma_wait3A_459] : memref<50048x32xf32, #tpu.memory_space<vmem_shared>> -> memref<50048x32xf32, #tpu.memory_space<vmem_shared>>
          tpu.wait_indirect_dma semaphore(%run_scoped3A_440 : memref<!tpu.dma_semaphore, #tpu.memory_space<semaphore_mem>>) src(%dma_wait3A_454 : memref<128x32xf32, #tpu.memory_space<vmem>>) dst(%dma_wait3A_460 : memref<50048x32xf32, #tpu.memory_space<vmem_shared>>)
          tpu.yield
        }) : () -> ()
        %add3A_431 = arith.constant 6 : i32
        %add3A_432 = arith.addi %multiple_of3A_258, %add3A_431 : i32
        %multiple_of3A_433 = tpu.assume_multiple %add3A_432, 2 : i32
        %dma_start3A_434 = arith.constant 0 : i32
        %dma_start3A_435 = arith.constant 0 : i32
        %dma_start3A_436 = tpu.memref_slice %arg3[%multiple_of3A_433, %dma_start3A_434, %dma_start3A_435] : memref<6272x2x128xi32, #tpu.memory_space<hbm>> -> memref<2x2x128xi32, #tpu.memory_space<hbm>>
        %dma_start3A_437 = arith.constant 0 : i32
        %dma_start3A_438 = arith.constant 0 : i32
        %dma_start3A_439 = tpu.memref_slice %arg3[%multiple_of3A_433, %dma_start3A_437, %dma_start3A_438] : memref<6272x2x128xi32, #tpu.memory_space<hbm>> -> memref<2x2x128xi32, #tpu.memory_space<hbm>>
        tpu.enqueue_dma source(%dma_start3A_439 : memref<2x2x128xi32, #tpu.memory_space<hbm>>) target(%arg7 : memref<2x2x128xi32, #tpu.memory_space<vmem>>) target_semaphore(%arg11 : memref<!tpu.dma_semaphore, #tpu.memory_space<semaphore_mem>>)
      }
      %scan3A_124 = arith.constant 97 : i32
      %dma_wait3A_125 = arith.constant 3 : i32
      %dma_wait3A_126 = arith.constant 0 : i32
      %dma_wait3A_127 = arith.constant 0 : i32
      %dma_wait3A_128 = arith.constant 0 : i32
      %dma_wait3A_129 = arith.constant 0 : i32
      %dma_wait3A_130 = arith.constant 0 : i32
      %dma_wait3A_131 = tpu.memref_slice %arg8[%dma_wait3A_128, %dma_wait3A_129, %dma_wait3A_130] : memref<2x128x32xf32, #tpu.memory_space<vmem>> -> memref<1x128x32xf32, #tpu.memory_space<vmem>>
      %dma_wait3A_132 = tpu.memref_squeeze %dma_wait3A_131 : memref<1x128x32xf32, #tpu.memory_space<vmem>> -> memref<128x32xf32, #tpu.memory_space<vmem>>
      %dma_wait3A_133 = arith.constant 0 : i32
      %dma_wait3A_134 = tpu.memref_slice %arg6[%dma_wait3A_126, %dma_wait3A_127, %dma_wait3A_133] : memref<2x2x128xi32, #tpu.memory_space<vmem>> -> memref<1x1x128xi32, #tpu.memory_space<vmem>>
      %dma_wait3A_135 = tpu.memref_squeeze %dma_wait3A_134 : memref<1x1x128xi32, #tpu.memory_space<vmem>> -> memref<128xi32, #tpu.memory_space<vmem>>
      %dma_wait3A_136 = arith.constant 0 : i32
      %dma_wait3A_137 = arith.constant 0 : i32
      %dma_wait3A_138 = tpu.memref_slice %arg2[%dma_wait3A_125, %dma_wait3A_136, %dma_wait3A_137] : memref<4x50000x32xf32, #tpu.memory_space<hbm>> -> memref<1x50000x32xf32, #tpu.memory_space<hbm>>
      %dma_wait3A_139 = tpu.memref_squeeze %dma_wait3A_138 : memref<1x50000x32xf32, #tpu.memory_space<hbm>> -> memref<50000x32xf32, #tpu.memory_space<hbm>>
      %dma_wait3A_140 = arith.constant 0 : i32
      %dma_wait3A_141 = arith.constant 0 : i32
      %dma_wait3A_142 = tpu.memref_slice %dma_wait3A_139[%dma_wait3A_140, %dma_wait3A_141] : memref<50000x32xf32, #tpu.memory_space<hbm>> -> memref<50000x32xf32, #tpu.memory_space<hbm>>
      tpu.wait_indirect_dma semaphore(%arg12 : memref<!tpu.dma_semaphore, #tpu.memory_space<semaphore_mem>>) src(%dma_wait3A_142 : memref<50000x32xf32, #tpu.memory_space<hbm>>) dst(%dma_wait3A_132 : memref<128x32xf32, #tpu.memory_space<vmem>>)
      %dma_wait3A_143 = arith.constant 3 : i32
      %dma_wait3A_144 = arith.constant 1 : i32
      %dma_wait3A_145 = arith.constant 0 : i32
      %dma_wait3A_146 = arith.constant 1 : i32
      %dma_wait3A_147 = arith.constant 0 : i32
      %dma_wait3A_148 = arith.constant 0 : i32
      %dma_wait3A_149 = tpu.memref_slice %arg8[%dma_wait3A_146, %dma_wait3A_147, %dma_wait3A_148] : memref<2x128x32xf32, #tpu.memory_space<vmem>> -> memref<1x128x32xf32, #tpu.memory_space<vmem>>
      %dma_wait3A_150 = tpu.memref_squeeze %dma_wait3A_149 : memref<1x128x32xf32, #tpu.memory_space<vmem>> -> memref<128x32xf32, #tpu.memory_space<vmem>>
      %dma_wait3A_151 = arith.constant 0 : i32
      %dma_wait3A_152 = tpu.memref_slice %arg6[%dma_wait3A_144, %dma_wait3A_145, %dma_wait3A_151] : memref<2x2x128xi32, #tpu.memory_space<vmem>> -> memref<1x1x128xi32, #tpu.memory_space<vmem>>
      %dma_wait3A_153 = tpu.memref_squeeze %dma_wait3A_152 : memref<1x1x128xi32, #tpu.memory_space<vmem>> -> memref<128xi32, #tpu.memory_space<vmem>>
      %dma_wait3A_154 = arith.constant 0 : i32
      %dma_wait3A_155 = arith.constant 0 : i32
      %dma_wait3A_156 = tpu.memref_slice %arg2[%dma_wait3A_143, %dma_wait3A_154, %dma_wait3A_155] : memref<4x50000x32xf32, #tpu.memory_space<hbm>> -> memref<1x50000x32xf32, #tpu.memory_space<hbm>>
      %dma_wait3A_157 = tpu.memref_squeeze %dma_wait3A_156 : memref<1x50000x32xf32, #tpu.memory_space<hbm>> -> memref<50000x32xf32, #tpu.memory_space<hbm>>
      %dma_wait3A_158 = arith.constant 0 : i32
      %dma_wait3A_159 = arith.constant 0 : i32
      %dma_wait3A_160 = tpu.memref_slice %dma_wait3A_157[%dma_wait3A_158, %dma_wait3A_159] : memref<50000x32xf32, #tpu.memory_space<hbm>> -> memref<50000x32xf32, #tpu.memory_space<hbm>>
      tpu.wait_indirect_dma semaphore(%arg12 : memref<!tpu.dma_semaphore, #tpu.memory_space<semaphore_mem>>) src(%dma_wait3A_160 : memref<50000x32xf32, #tpu.memory_space<hbm>>) dst(%dma_wait3A_150 : memref<128x32xf32, #tpu.memory_space<vmem>>)
      %add3A_161 = arith.constant 392 : i32
      %add3A_162 = arith.addi %multiple_of3A, %add3A_161 : i32
      %sub3A = arith.constant 2 : i32
      %sub3A_163 = arith.subi %add3A_162, %sub3A : i32
      %multiple_of3A_164 = tpu.assume_multiple %sub3A_163, 2 : i32
      %dma_wait3A_165 = arith.constant 0 : i32
      %dma_wait3A_166 = arith.constant 0 : i32
      %dma_wait3A_167 = tpu.memref_slice %arg3[%multiple_of3A_164, %dma_wait3A_165, %dma_wait3A_166] : memref<6272x2x128xi32, #tpu.memory_space<hbm>> -> memref<2x2x128xi32, #tpu.memory_space<hbm>>
      %dma_wait3A_168 = arith.constant 0 : i32
      %dma_wait3A_169 = arith.constant 0 : i32
      %dma_wait3A_170 = tpu.memref_slice %arg3[%multiple_of3A_164, %dma_wait3A_168, %dma_wait3A_169] : memref<6272x2x128xi32, #tpu.memory_space<hbm>> -> memref<2x2x128xi32, #tpu.memory_space<hbm>>
      tpu.wait_dma2 semaphore(%arg11 : memref<!tpu.dma_semaphore, #tpu.memory_space<semaphore_mem>>) src(%dma_wait3A_170 : memref<2x2x128xi32, #tpu.memory_space<hbm>>) dst(%arg7 : memref<2x2x128xi32, #tpu.memory_space<vmem>>)
      %dma_start3A_171 = arith.constant 3 : i32
      %dma_start3A_172 = arith.constant 0 : i32
      %dma_start3A_173 = arith.constant 0 : i32
      %dma_start3A_174 = arith.constant 0 : i32
      %dma_start3A_175 = arith.constant 0 : i32
      %dma_start3A_176 = arith.constant 0 : i32
      %dma_start3A_177 = tpu.memref_slice %arg9[%dma_start3A_174, %dma_start3A_175, %dma_start3A_176] : memref<2x128x32xf32, #tpu.memory_space<vmem>> -> memref<1x128x32xf32, #tpu.memory_space<vmem>>
      %dma_start3A_178 = tpu.memref_squeeze %dma_start3A_177 : memref<1x128x32xf32, #tpu.memory_space<vmem>> -> memref<128x32xf32, #tpu.memory_space<vmem>>
      %dma_start3A_179 = arith.constant 0 : i32
      %dma_start3A_180 = tpu.memref_slice %arg7[%dma_start3A_172, %dma_start3A_173, %dma_start3A_179] : memref<2x2x128xi32, #tpu.memory_space<vmem>> -> memref<1x1x128xi32, #tpu.memory_space<vmem>>
      %dma_start3A_181 = tpu.memref_squeeze %dma_start3A_180 : memref<1x1x128xi32, #tpu.memory_space<vmem>> -> memref<128xi32, #tpu.memory_space<vmem>>
      %dma_start3A_182 = arith.constant 0 : i32
      %dma_start3A_183 = arith.constant 0 : i32
      %dma_start3A_184 = tpu.memref_slice %arg2[%dma_start3A_171, %dma_start3A_182, %dma_start3A_183] : memref<4x50000x32xf32, #tpu.memory_space<hbm>> -> memref<1x50000x32xf32, #tpu.memory_space<hbm>>
      %dma_start3A_185 = tpu.memref_squeeze %dma_start3A_184 : memref<1x50000x32xf32, #tpu.memory_space<hbm>> -> memref<50000x32xf32, #tpu.memory_space<hbm>>
      %dma_start3A_186 = arith.constant 0 : i32
      %dma_start3A_187 = arith.constant 0 : i32
      %dma_start3A_188 = tpu.memref_slice %dma_start3A_185[%dma_start3A_186, %dma_start3A_187] : memref<50000x32xf32, #tpu.memory_space<hbm>> -> memref<50000x32xf32, #tpu.memory_space<hbm>>
      tpu.enqueue_indirect_dma source(%dma_start3A_188 : memref<50000x32xf32, #tpu.memory_space<hbm>>) target(%dma_start3A_178 : memref<128x32xf32, #tpu.memory_space<vmem>>) offsets(%dma_start3A_181 : memref<128xi32, #tpu.memory_space<vmem>>) semaphore(%arg13 : memref<!tpu.dma_semaphore, #tpu.memory_space<semaphore_mem>>)
      %dma_start3A_189 = arith.constant 3 : i32
      %dma_start3A_190 = arith.constant 1 : i32
      %dma_start3A_191 = arith.constant 0 : i32
      %dma_start3A_192 = arith.constant 1 : i32
      %dma_start3A_193 = arith.constant 0 : i32
      %dma_start3A_194 = arith.constant 0 : i32
      %dma_start3A_195 = tpu.memref_slice %arg9[%dma_start3A_192, %dma_start3A_193, %dma_start3A_194] : memref<2x128x32xf32, #tpu.memory_space<vmem>> -> memref<1x128x32xf32, #tpu.memory_space<vmem>>
      %dma_start3A_196 = tpu.memref_squeeze %dma_start3A_195 : memref<1x128x32xf32, #tpu.memory_space<vmem>> -> memref<128x32xf32, #tpu.memory_space<vmem>>
      %dma_start3A_197 = arith.constant 0 : i32
      %dma_start3A_198 = tpu.memref_slice %arg7[%dma_start3A_190, %dma_start3A_191, %dma_start3A_197] : memref<2x2x128xi32, #tpu.memory_space<vmem>> -> memref<1x1x128xi32, #tpu.memory_space<vmem>>
      %dma_start3A_199 = tpu.memref_squeeze %dma_start3A_198 : memref<1x1x128xi32, #tpu.memory_space<vmem>> -> memref<128xi32, #tpu.memory_space<vmem>>
      %dma_start3A_200 = arith.constant 0 : i32
      %dma_start3A_201 = arith.constant 0 : i32
      %dma_start3A_202 = tpu.memref_slice %arg2[%dma_start3A_189, %dma_start3A_200, %dma_start3A_201] : memref<4x50000x32xf32, #tpu.memory_space<hbm>> -> memref<1x50000x32xf32, #tpu.memory_space<hbm>>
      %dma_start3A_203 = tpu.memref_squeeze %dma_start3A_202 : memref<1x50000x32xf32, #tpu.memory_space<hbm>> -> memref<50000x32xf32, #tpu.memory_space<hbm>>
      %dma_start3A_204 = arith.constant 0 : i32
      %dma_start3A_205 = arith.constant 0 : i32
      %dma_start3A_206 = tpu.memref_slice %dma_start3A_203[%dma_start3A_204, %dma_start3A_205] : memref<50000x32xf32, #tpu.memory_space<hbm>> -> memref<50000x32xf32, #tpu.memory_space<hbm>>
      tpu.enqueue_indirect_dma source(%dma_start3A_206 : memref<50000x32xf32, #tpu.memory_space<hbm>>) target(%dma_start3A_196 : memref<128x32xf32, #tpu.memory_space<vmem>>) offsets(%dma_start3A_199 : memref<128xi32, #tpu.memory_space<vmem>>) semaphore(%arg13 : memref<!tpu.dma_semaphore, #tpu.memory_space<semaphore_mem>>)
      %run_scoped3A = arith.constant 0 : i32
      %run_scoped3A_207 = arith.constant 0 : i32
      %run_scoped3A_208 = arith.constant 1 : i32
      "tpu.region"() ({
        %run_scoped3A_254 = tpu.sem_alloc : memref<!tpu.dma_semaphore, #tpu.memory_space<semaphore_mem>>
        %dma_start3A_255 = arith.constant 0 : i32
        %dma_start3A_256 = arith.constant 0 : i32
        %dma_start3A_257 = tpu.memref_slice %arg8[%run_scoped3A, %dma_start3A_255, %dma_start3A_256] : memref<2x128x32xf32, #tpu.memory_space<vmem>> -> memref<1x128x32xf32, #tpu.memory_space<vmem>>
        %dma_start3A_258 = tpu.memref_squeeze %dma_start3A_257 : memref<1x128x32xf32, #tpu.memory_space<vmem>> -> memref<128x32xf32, #tpu.memory_space<vmem>>
        %dma_start3A_259 = arith.constant 0 : i32
        %dma_start3A_260 = tpu.memref_slice %arg6[%run_scoped3A_207, %run_scoped3A_208, %dma_start3A_259] : memref<2x2x128xi32, #tpu.memory_space<vmem>> -> memref<1x1x128xi32, #tpu.memory_space<vmem>>
        %dma_start3A_261 = tpu.memref_squeeze %dma_start3A_260 : memref<1x1x128xi32, #tpu.memory_space<vmem>> -> memref<128xi32, #tpu.memory_space<vmem>>
        %dma_start3A_262 = arith.constant 0 : i32
        %dma_start3A_263 = arith.constant 0 : i32
        %dma_start3A_264 = tpu.memref_slice %arg5[%dma_start3A_262, %dma_start3A_263] : memref<50048x32xf32, #tpu.memory_space<vmem_shared>> -> memref<50048x32xf32, #tpu.memory_space<vmem_shared>>
        tpu.enqueue_indirect_dma source(%dma_start3A_258 : memref<128x32xf32, #tpu.memory_space<vmem>>) target(%dma_start3A_264 : memref<50048x32xf32, #tpu.memory_space<vmem_shared>>) offsets(%dma_start3A_261 : memref<128xi32, #tpu.memory_space<vmem>>) semaphore(%run_scoped3A_254 : memref<!tpu.dma_semaphore, #tpu.memory_space<semaphore_mem>>) {add = true}
        %dma_wait3A_265 = arith.constant 0 : i32
        %dma_wait3A_266 = arith.constant 0 : i32
        %dma_wait3A_267 = tpu.memref_slice %arg8[%run_scoped3A, %dma_wait3A_265, %dma_wait3A_266] : memref<2x128x32xf32, #tpu.memory_space<vmem>> -> memref<1x128x32xf32, #tpu.memory_space<vmem>>
        %dma_wait3A_268 = tpu.memref_squeeze %dma_wait3A_267 : memref<1x128x32xf32, #tpu.memory_space<vmem>> -> memref<128x32xf32, #tpu.memory_space<vmem>>
        %dma_wait3A_269 = arith.constant 0 : i32
        %dma_wait3A_270 = tpu.memref_slice %arg6[%run_scoped3A_207, %run_scoped3A_208, %dma_wait3A_269] : memref<2x2x128xi32, #tpu.memory_space<vmem>> -> memref<1x1x128xi32, #tpu.memory_space<vmem>>
        %dma_wait3A_271 = tpu.memref_squeeze %dma_wait3A_270 : memref<1x1x128xi32, #tpu.memory_space<vmem>> -> memref<128xi32, #tpu.memory_space<vmem>>
        %dma_wait3A_272 = arith.constant 0 : i32
        %dma_wait3A_273 = arith.constant 0 : i32
        %dma_wait3A_274 = tpu.memref_slice %arg5[%dma_wait3A_272, %dma_wait3A_273] : memref<50048x32xf32, #tpu.memory_space<vmem_shared>> -> memref<50048x32xf32, #tpu.memory_space<vmem_shared>>
        tpu.wait_indirect_dma semaphore(%run_scoped3A_254 : memref<!tpu.dma_semaphore, #tpu.memory_space<semaphore_mem>>) src(%dma_wait3A_268 : memref<128x32xf32, #tpu.memory_space<vmem>>) dst(%dma_wait3A_274 : memref<50048x32xf32, #tpu.memory_space<vmem_shared>>)
        tpu.yield
      }) : () -> ()
      %run_scoped3A_209 = arith.constant 1 : i32
      %run_scoped3A_210 = arith.constant 1 : i32
      %run_scoped3A_211 = arith.constant 1 : i32
      "tpu.region"() ({
        %run_scoped3A_254 = tpu.sem_alloc : memref<!tpu.dma_semaphore, #tpu.memory_space<semaphore_mem>>
        %dma_start3A_255 = arith.constant 0 : i32
        %dma_start3A_256 = arith.constant 0 : i32
        %dma_start3A_257 = tpu.memref_slice %arg8[%run_scoped3A_209, %dma_start3A_255, %dma_start3A_256] : memref<2x128x32xf32, #tpu.memory_space<vmem>> -> memref<1x128x32xf32, #tpu.memory_space<vmem>>
        %dma_start3A_258 = tpu.memref_squeeze %dma_start3A_257 : memref<1x128x32xf32, #tpu.memory_space<vmem>> -> memref<128x32xf32, #tpu.memory_space<vmem>>
        %dma_start3A_259 = arith.constant 0 : i32
        %dma_start3A_260 = tpu.memref_slice %arg6[%run_scoped3A_210, %run_scoped3A_211, %dma_start3A_259] : memref<2x2x128xi32, #tpu.memory_space<vmem>> -> memref<1x1x128xi32, #tpu.memory_space<vmem>>
        %dma_start3A_261 = tpu.memref_squeeze %dma_start3A_260 : memref<1x1x128xi32, #tpu.memory_space<vmem>> -> memref<128xi32, #tpu.memory_space<vmem>>
        %dma_start3A_262 = arith.constant 0 : i32
        %dma_start3A_263 = arith.constant 0 : i32
        %dma_start3A_264 = tpu.memref_slice %arg5[%dma_start3A_262, %dma_start3A_263] : memref<50048x32xf32, #tpu.memory_space<vmem_shared>> -> memref<50048x32xf32, #tpu.memory_space<vmem_shared>>
        tpu.enqueue_indirect_dma source(%dma_start3A_258 : memref<128x32xf32, #tpu.memory_space<vmem>>) target(%dma_start3A_264 : memref<50048x32xf32, #tpu.memory_space<vmem_shared>>) offsets(%dma_start3A_261 : memref<128xi32, #tpu.memory_space<vmem>>) semaphore(%run_scoped3A_254 : memref<!tpu.dma_semaphore, #tpu.memory_space<semaphore_mem>>) {add = true}
        %dma_wait3A_265 = arith.constant 0 : i32
        %dma_wait3A_266 = arith.constant 0 : i32
        %dma_wait3A_267 = tpu.memref_slice %arg8[%run_scoped3A_209, %dma_wait3A_265, %dma_wait3A_266] : memref<2x128x32xf32, #tpu.memory_space<vmem>> -> memref<1x128x32xf32, #tpu.memory_space<vmem>>
        %dma_wait3A_268 = tpu.memref_squeeze %dma_wait3A_267 : memref<1x128x32xf32, #tpu.memory_space<vmem>> -> memref<128x32xf32, #tpu.memory_space<vmem>>
        %dma_wait3A_269 = arith.constant 0 : i32
        %dma_wait3A_270 = tpu.memref_slice %arg6[%run_scoped3A_210, %run_scoped3A_211, %dma_wait3A_269] : memref<2x2x128xi32, #tpu.memory_space<vmem>> -> memref<1x1x128xi32, #tpu.memory_space<vmem>>
        %dma_wait3A_271 = tpu.memref_squeeze %dma_wait3A_270 : memref<1x1x128xi32, #tpu.memory_space<vmem>> -> memref<128xi32, #tpu.memory_space<vmem>>
        %dma_wait3A_272 = arith.constant 0 : i32
        %dma_wait3A_273 = arith.constant 0 : i32
        %dma_wait3A_274 = tpu.memref_slice %arg5[%dma_wait3A_272, %dma_wait3A_273] : memref<50048x32xf32, #tpu.memory_space<vmem_shared>> -> memref<50048x32xf32, #tpu.memory_space<vmem_shared>>
        tpu.wait_indirect_dma semaphore(%run_scoped3A_254 : memref<!tpu.dma_semaphore, #tpu.memory_space<semaphore_mem>>) src(%dma_wait3A_268 : memref<128x32xf32, #tpu.memory_space<vmem>>) dst(%dma_wait3A_274 : memref<50048x32xf32, #tpu.memory_space<vmem_shared>>)
        tpu.yield
      }) : () -> ()
      %dma_wait3A_212 = arith.constant 3 : i32
      %dma_wait3A_213 = arith.constant 0 : i32
      %dma_wait3A_214 = arith.constant 0 : i32
      %dma_wait3A_215 = arith.constant 0 : i32
      %dma_wait3A_216 = arith.constant 0 : i32
      %dma_wait3A_217 = arith.constant 0 : i32
      %dma_wait3A_218 = tpu.memref_slice %arg9[%dma_wait3A_215, %dma_wait3A_216, %dma_wait3A_217] : memref<2x128x32xf32, #tpu.memory_space<vmem>> -> memref<1x128x32xf32, #tpu.memory_space<vmem>>
      %dma_wait3A_219 = tpu.memref_squeeze %dma_wait3A_218 : memref<1x128x32xf32, #tpu.memory_space<vmem>> -> memref<128x32xf32, #tpu.memory_space<vmem>>
      %dma_wait3A_220 = arith.constant 0 : i32
      %dma_wait3A_221 = tpu.memref_slice %arg7[%dma_wait3A_213, %dma_wait3A_214, %dma_wait3A_220] : memref<2x2x128xi32, #tpu.memory_space<vmem>> -> memref<1x1x128xi32, #tpu.memory_space<vmem>>
      %dma_wait3A_222 = tpu.memref_squeeze %dma_wait3A_221 : memref<1x1x128xi32, #tpu.memory_space<vmem>> -> memref<128xi32, #tpu.memory_space<vmem>>
      %dma_wait3A_223 = arith.constant 0 : i32
      %dma_wait3A_224 = arith.constant 0 : i32
      %dma_wait3A_225 = tpu.memref_slice %arg2[%dma_wait3A_212, %dma_wait3A_223, %dma_wait3A_224] : memref<4x50000x32xf32, #tpu.memory_space<hbm>> -> memref<1x50000x32xf32, #tpu.memory_space<hbm>>
      %dma_wait3A_226 = tpu.memref_squeeze %dma_wait3A_225 : memref<1x50000x32xf32, #tpu.memory_space<hbm>> -> memref<50000x32xf32, #tpu.memory_space<hbm>>
      %dma_wait3A_227 = arith.constant 0 : i32
      %dma_wait3A_228 = arith.constant 0 : i32
      %dma_wait3A_229 = tpu.memref_slice %dma_wait3A_226[%dma_wait3A_227, %dma_wait3A_228] : memref<50000x32xf32, #tpu.memory_space<hbm>> -> memref<50000x32xf32, #tpu.memory_space<hbm>>
      tpu.wait_indirect_dma semaphore(%arg13 : memref<!tpu.dma_semaphore, #tpu.memory_space<semaphore_mem>>) src(%dma_wait3A_229 : memref<50000x32xf32, #tpu.memory_space<hbm>>) dst(%dma_wait3A_219 : memref<128x32xf32, #tpu.memory_space<vmem>>)
      %dma_wait3A_230 = arith.constant 3 : i32
      %dma_wait3A_231 = arith.constant 1 : i32
      %dma_wait3A_232 = arith.constant 0 : i32
      %dma_wait3A_233 = arith.constant 1 : i32
      %dma_wait3A_234 = arith.constant 0 : i32
      %dma_wait3A_235 = arith.constant 0 : i32
      %dma_wait3A_236 = tpu.memref_slice %arg9[%dma_wait3A_233, %dma_wait3A_234, %dma_wait3A_235] : memref<2x128x32xf32, #tpu.memory_space<vmem>> -> memref<1x128x32xf32, #tpu.memory_space<vmem>>
      %dma_wait3A_237 = tpu.memref_squeeze %dma_wait3A_236 : memref<1x128x32xf32, #tpu.memory_space<vmem>> -> memref<128x32xf32, #tpu.memory_space<vmem>>
      %dma_wait3A_238 = arith.constant 0 : i32
      %dma_wait3A_239 = tpu.memref_slice %arg7[%dma_wait3A_231, %dma_wait3A_232, %dma_wait3A_238] : memref<2x2x128xi32, #tpu.memory_space<vmem>> -> memref<1x1x128xi32, #tpu.memory_space<vmem>>
      %dma_wait3A_240 = tpu.memref_squeeze %dma_wait3A_239 : memref<1x1x128xi32, #tpu.memory_space<vmem>> -> memref<128xi32, #tpu.memory_space<vmem>>
      %dma_wait3A_241 = arith.constant 0 : i32
      %dma_wait3A_242 = arith.constant 0 : i32
      %dma_wait3A_243 = tpu.memref_slice %arg2[%dma_wait3A_230, %dma_wait3A_241, %dma_wait3A_242] : memref<4x50000x32xf32, #tpu.memory_space<hbm>> -> memref<1x50000x32xf32, #tpu.memory_space<hbm>>
      %dma_wait3A_244 = tpu.memref_squeeze %dma_wait3A_243 : memref<1x50000x32xf32, #tpu.memory_space<hbm>> -> memref<50000x32xf32, #tpu.memory_space<hbm>>
      %dma_wait3A_245 = arith.constant 0 : i32
      %dma_wait3A_246 = arith.constant 0 : i32
      %dma_wait3A_247 = tpu.memref_slice %dma_wait3A_244[%dma_wait3A_245, %dma_wait3A_246] : memref<50000x32xf32, #tpu.memory_space<hbm>> -> memref<50000x32xf32, #tpu.memory_space<hbm>>
      tpu.wait_indirect_dma semaphore(%arg13 : memref<!tpu.dma_semaphore, #tpu.memory_space<semaphore_mem>>) src(%dma_wait3A_247 : memref<50000x32xf32, #tpu.memory_space<hbm>>) dst(%dma_wait3A_237 : memref<128x32xf32, #tpu.memory_space<vmem>>)
      %run_scoped3A_248 = arith.constant 0 : i32
      %run_scoped3A_249 = arith.constant 0 : i32
      %run_scoped3A_250 = arith.constant 1 : i32
      "tpu.region"() ({
        %run_scoped3A_254 = tpu.sem_alloc : memref<!tpu.dma_semaphore, #tpu.memory_space<semaphore_mem>>
        %dma_start3A_255 = arith.constant 0 : i32
        %dma_start3A_256 = arith.constant 0 : i32
        %dma_start3A_257 = tpu.memref_slice %arg9[%run_scoped3A_248, %dma_start3A_255, %dma_start3A_256] : memref<2x128x32xf32, #tpu.memory_space<vmem>> -> memref<1x128x32xf32, #tpu.memory_space<vmem>>
        %dma_start3A_258 = tpu.memref_squeeze %dma_start3A_257 : memref<1x128x32xf32, #tpu.memory_space<vmem>> -> memref<128x32xf32, #tpu.memory_space<vmem>>
        %dma_start3A_259 = arith.constant 0 : i32
        %dma_start3A_260 = tpu.memref_slice %arg7[%run_scoped3A_249, %run_scoped3A_250, %dma_start3A_259] : memref<2x2x128xi32, #tpu.memory_space<vmem>> -> memref<1x1x128xi32, #tpu.memory_space<vmem>>
        %dma_start3A_261 = tpu.memref_squeeze %dma_start3A_260 : memref<1x1x128xi32, #tpu.memory_space<vmem>> -> memref<128xi32, #tpu.memory_space<vmem>>
        %dma_start3A_262 = arith.constant 0 : i32
        %dma_start3A_263 = arith.constant 0 : i32
        %dma_start3A_264 = tpu.memref_slice %arg5[%dma_start3A_262, %dma_start3A_263] : memref<50048x32xf32, #tpu.memory_space<vmem_shared>> -> memref<50048x32xf32, #tpu.memory_space<vmem_shared>>
        tpu.enqueue_indirect_dma source(%dma_start3A_258 : memref<128x32xf32, #tpu.memory_space<vmem>>) target(%dma_start3A_264 : memref<50048x32xf32, #tpu.memory_space<vmem_shared>>) offsets(%dma_start3A_261 : memref<128xi32, #tpu.memory_space<vmem>>) semaphore(%run_scoped3A_254 : memref<!tpu.dma_semaphore, #tpu.memory_space<semaphore_mem>>) {add = true}
        %dma_wait3A_265 = arith.constant 0 : i32
        %dma_wait3A_266 = arith.constant 0 : i32
        %dma_wait3A_267 = tpu.memref_slice %arg9[%run_scoped3A_248, %dma_wait3A_265, %dma_wait3A_266] : memref<2x128x32xf32, #tpu.memory_space<vmem>> -> memref<1x128x32xf32, #tpu.memory_space<vmem>>
        %dma_wait3A_268 = tpu.memref_squeeze %dma_wait3A_267 : memref<1x128x32xf32, #tpu.memory_space<vmem>> -> memref<128x32xf32, #tpu.memory_space<vmem>>
        %dma_wait3A_269 = arith.constant 0 : i32
        %dma_wait3A_270 = tpu.memref_slice %arg7[%run_scoped3A_249, %run_scoped3A_250, %dma_wait3A_269] : memref<2x2x128xi32, #tpu.memory_space<vmem>> -> memref<1x1x128xi32, #tpu.memory_space<vmem>>
        %dma_wait3A_271 = tpu.memref_squeeze %dma_wait3A_270 : memref<1x1x128xi32, #tpu.memory_space<vmem>> -> memref<128xi32, #tpu.memory_space<vmem>>
        %dma_wait3A_272 = arith.constant 0 : i32
        %dma_wait3A_273 = arith.constant 0 : i32
        %dma_wait3A_274 = tpu.memref_slice %arg5[%dma_wait3A_272, %dma_wait3A_273] : memref<50048x32xf32, #tpu.memory_space<vmem_shared>> -> memref<50048x32xf32, #tpu.memory_space<vmem_shared>>
        tpu.wait_indirect_dma semaphore(%run_scoped3A_254 : memref<!tpu.dma_semaphore, #tpu.memory_space<semaphore_mem>>) src(%dma_wait3A_268 : memref<128x32xf32, #tpu.memory_space<vmem>>) dst(%dma_wait3A_274 : memref<50048x32xf32, #tpu.memory_space<vmem_shared>>)
        tpu.yield
      }) : () -> ()
      %run_scoped3A_251 = arith.constant 1 : i32
      %run_scoped3A_252 = arith.constant 1 : i32
      %run_scoped3A_253 = arith.constant 1 : i32
      "tpu.region"() ({
        %run_scoped3A_254 = tpu.sem_alloc : memref<!tpu.dma_semaphore, #tpu.memory_space<semaphore_mem>>
        %dma_start3A_255 = arith.constant 0 : i32
        %dma_start3A_256 = arith.constant 0 : i32
        %dma_start3A_257 = tpu.memref_slice %arg9[%run_scoped3A_251, %dma_start3A_255, %dma_start3A_256] : memref<2x128x32xf32, #tpu.memory_space<vmem>> -> memref<1x128x32xf32, #tpu.memory_space<vmem>>
        %dma_start3A_258 = tpu.memref_squeeze %dma_start3A_257 : memref<1x128x32xf32, #tpu.memory_space<vmem>> -> memref<128x32xf32, #tpu.memory_space<vmem>>
        %dma_start3A_259 = arith.constant 0 : i32
        %dma_start3A_260 = tpu.memref_slice %arg7[%run_scoped3A_252, %run_scoped3A_253, %dma_start3A_259] : memref<2x2x128xi32, #tpu.memory_space<vmem>> -> memref<1x1x128xi32, #tpu.memory_space<vmem>>
        %dma_start3A_261 = tpu.memref_squeeze %dma_start3A_260 : memref<1x1x128xi32, #tpu.memory_space<vmem>> -> memref<128xi32, #tpu.memory_space<vmem>>
        %dma_start3A_262 = arith.constant 0 : i32
        %dma_start3A_263 = arith.constant 0 : i32
        %dma_start3A_264 = tpu.memref_slice %arg5[%dma_start3A_262, %dma_start3A_263] : memref<50048x32xf32, #tpu.memory_space<vmem_shared>> -> memref<50048x32xf32, #tpu.memory_space<vmem_shared>>
        tpu.enqueue_indirect_dma source(%dma_start3A_258 : memref<128x32xf32, #tpu.memory_space<vmem>>) target(%dma_start3A_264 : memref<50048x32xf32, #tpu.memory_space<vmem_shared>>) offsets(%dma_start3A_261 : memref<128xi32, #tpu.memory_space<vmem>>) semaphore(%run_scoped3A_254 : memref<!tpu.dma_semaphore, #tpu.memory_space<semaphore_mem>>) {add = true}
        %dma_wait3A_265 = arith.constant 0 : i32
        %dma_wait3A_266 = arith.constant 0 : i32
        %dma_wait3A_267 = tpu.memref_slice %arg9[%run_scoped3A_251, %dma_wait3A_265, %dma_wait3A_266] : memref<2x128x32xf32, #tpu.memory_space<vmem>> -> memref<1x128x32xf32, #tpu.memory_space<vmem>>
        %dma_wait3A_268 = tpu.memref_squeeze %dma_wait3A_267 : memref<1x128x32xf32, #tpu.memory_space<vmem>> -> memref<128x32xf32, #tpu.memory_space<vmem>>
        %dma_wait3A_269 = arith.constant 0 : i32
        %dma_wait3A_270 = tpu.memref_slice %arg7[%run_scoped3A_252, %run_scoped3A_253, %dma_wait3A_269] : memref<2x2x128xi32, #tpu.memory_space<vmem>> -> memref<1x1x128xi32, #tpu.memory_space<vmem>>
        %dma_wait3A_271 = tpu.memref_squeeze %dma_wait3A_270 : memref<1x1x128xi32, #tpu.memory_space<vmem>> -> memref<128xi32, #tpu.memory_space<vmem>>
        %dma_wait3A_272 = arith.constant 0 : i32
        %dma_wait3A_273 = arith.constant 0 : i32
        %dma_wait3A_274 = tpu.memref_slice %arg5[%dma_wait3A_272, %dma_wait3A_273] : memref<50048x32xf32, #tpu.memory_space<vmem_shared>> -> memref<50048x32xf32, #tpu.memory_space<vmem_shared>>
        tpu.wait_indirect_dma semaphore(%run_scoped3A_254 : memref<!tpu.dma_semaphore, #tpu.memory_space<semaphore_mem>>) src(%dma_wait3A_268 : memref<128x32xf32, #tpu.memory_space<vmem>>) dst(%dma_wait3A_274 : memref<50048x32xf32, #tpu.memory_space<vmem_shared>>)
        tpu.yield
      }) : () -> ()
    } else {
    }
    %barrier3A_50 = arith.constant 0 : index
    tpu.barrier barrier_id(%barrier3A_50)
    %eq3A_51 = arith.constant 0 : i32
    %eq3A_52 = arith.cmpi eq, %arg0, %eq3A_51 : i32
    %convert_element_type3A_53 = arith.extui %eq3A_52 : i1 to i32
    %cond3A_54 = arith.constant 0 : i32
    %cond3A_55 = arith.cmpi ne, %convert_element_type3A_53, %cond3A_54 : i32
    scf.if %cond3A_55 {
      %mul3A = arith.constant 3200 : i32
      %mul3A_62 = arith.muli %arg1, %mul3A : i32
      %multiple_of3A = tpu.assume_multiple %mul3A_62, 3200 : i32
      %lt3A = arith.constant 15 : i32
      %lt3A_63 = arith.cmpi slt, %arg1, %lt3A : i32
      %convert_element_type3A_64 = arith.extui %lt3A_63 : i1 to i32
      %cond3A_65 = arith.constant 0 : i32
      %cond3A_66 = arith.cmpi ne, %convert_element_type3A_64, %cond3A_65 : i32
      scf.if %cond3A_66 {
        %run_scoped3A = arith.constant 1 : i32
        "tpu.region"() ({
          %run_scoped3A_72 = tpu.sem_alloc : memref<!tpu.dma_semaphore, #tpu.memory_space<semaphore_mem>>
          %dma_start3A = arith.constant 0 : i32
          %dma_start3A_73 = tpu.memref_slice %arg4[%run_scoped3A, %multiple_of3A, %dma_start3A] : memref<4x50000x32xf32, #tpu.memory_space<hbm>> -> memref<1x3200x32xf32, #tpu.memory_space<hbm>>
          %dma_start3A_74 = tpu.memref_squeeze %dma_start3A_73 : memref<1x3200x32xf32, #tpu.memory_space<hbm>> -> memref<3200x32xf32, #tpu.memory_space<hbm>>
          %dma_start3A_75 = arith.constant 0 : i32
          %dma_start3A_76 = tpu.memref_slice %arg5[%multiple_of3A, %dma_start3A_75] : memref<50048x32xf32, #tpu.memory_space<vmem_shared>> -> memref<3200x32xf32, #tpu.memory_space<vmem_shared>>
          tpu.enqueue_dma source(%dma_start3A_76 : memref<3200x32xf32, #tpu.memory_space<vmem_shared>>) target(%dma_start3A_74 : memref<3200x32xf32, #tpu.memory_space<hbm>>) target_semaphore(%run_scoped3A_72 : memref<!tpu.dma_semaphore, #tpu.memory_space<semaphore_mem>>)
          %dma_wait3A = arith.constant 0 : i32
          %dma_wait3A_77 = tpu.memref_slice %arg4[%run_scoped3A, %multiple_of3A, %dma_wait3A] : memref<4x50000x32xf32, #tpu.memory_space<hbm>> -> memref<1x3200x32xf32, #tpu.memory_space<hbm>>
          %dma_wait3A_78 = tpu.memref_squeeze %dma_wait3A_77 : memref<1x3200x32xf32, #tpu.memory_space<hbm>> -> memref<3200x32xf32, #tpu.memory_space<hbm>>
          %dma_wait3A_79 = arith.constant 0 : i32
          %dma_wait3A_80 = tpu.memref_slice %arg5[%multiple_of3A, %dma_wait3A_79] : memref<50048x32xf32, #tpu.memory_space<vmem_shared>> -> memref<3200x32xf32, #tpu.memory_space<vmem_shared>>
          tpu.wait_dma2 semaphore(%run_scoped3A_72 : memref<!tpu.dma_semaphore, #tpu.memory_space<semaphore_mem>>) src(%dma_wait3A_80 : memref<3200x32xf32, #tpu.memory_space<vmem_shared>>) dst(%dma_wait3A_78 : memref<3200x32xf32, #tpu.memory_space<hbm>>)
          tpu.yield
        }) : () -> ()
      } else {
      }
      %eq3A_67 = arith.constant 15 : i32
      %eq3A_68 = arith.cmpi eq, %arg1, %eq3A_67 : i32
      %convert_element_type3A_69 = arith.extui %eq3A_68 : i1 to i32
      %cond3A_70 = arith.constant 0 : i32
      %cond3A_71 = arith.cmpi ne, %convert_element_type3A_69, %cond3A_70 : i32
      scf.if %cond3A_71 {
        %run_scoped3A = arith.constant 1 : i32
        "tpu.region"() ({
          %run_scoped3A_72 = tpu.sem_alloc : memref<!tpu.dma_semaphore, #tpu.memory_space<semaphore_mem>>
          %dma_start3A = arith.constant 48000 : i32
          %dma_start3A_73 = arith.constant 0 : i32
          %dma_start3A_74 = tpu.memref_slice %arg4[%run_scoped3A, %dma_start3A, %dma_start3A_73] : memref<4x50000x32xf32, #tpu.memory_space<hbm>> -> memref<1x2000x32xf32, #tpu.memory_space<hbm>>
          %dma_start3A_75 = tpu.memref_squeeze %dma_start3A_74 : memref<1x2000x32xf32, #tpu.memory_space<hbm>> -> memref<2000x32xf32, #tpu.memory_space<hbm>>
          %dma_start3A_76 = arith.constant 48000 : i32
          %dma_start3A_77 = arith.constant 0 : i32
          %dma_start3A_78 = tpu.memref_slice %arg5[%dma_start3A_76, %dma_start3A_77] : memref<50048x32xf32, #tpu.memory_space<vmem_shared>> -> memref<2000x32xf32, #tpu.memory_space<vmem_shared>>
          tpu.enqueue_dma source(%dma_start3A_78 : memref<2000x32xf32, #tpu.memory_space<vmem_shared>>) target(%dma_start3A_75 : memref<2000x32xf32, #tpu.memory_space<hbm>>) target_semaphore(%run_scoped3A_72 : memref<!tpu.dma_semaphore, #tpu.memory_space<semaphore_mem>>)
          %dma_wait3A = arith.constant 48000 : i32
          %dma_wait3A_79 = arith.constant 0 : i32
          %dma_wait3A_80 = tpu.memref_slice %arg4[%run_scoped3A, %dma_wait3A, %dma_wait3A_79] : memref<4x50000x32xf32, #tpu.memory_space<hbm>> -> memref<1x2000x32xf32, #tpu.memory_space<hbm>>
          %dma_wait3A_81 = tpu.memref_squeeze %dma_wait3A_80 : memref<1x2000x32xf32, #tpu.memory_space<hbm>> -> memref<2000x32xf32, #tpu.memory_space<hbm>>
          %dma_wait3A_82 = arith.constant 48000 : i32
          %dma_wait3A_83 = arith.constant 0 : i32
          %dma_wait3A_84 = tpu.memref_slice %arg5[%dma_wait3A_82, %dma_wait3A_83] : memref<50048x32xf32, #tpu.memory_space<vmem_shared>> -> memref<2000x32xf32, #tpu.memory_space<vmem_shared>>
          tpu.wait_dma2 semaphore(%run_scoped3A_72 : memref<!tpu.dma_semaphore, #tpu.memory_space<semaphore_mem>>) src(%dma_wait3A_84 : memref<2000x32xf32, #tpu.memory_space<vmem_shared>>) dst(%dma_wait3A_81 : memref<2000x32xf32, #tpu.memory_space<hbm>>)
          tpu.yield
        }) : () -> ()
      } else {
      }
    } else {
    }
    %eq3A_56 = arith.constant 1 : i32
    %eq3A_57 = arith.cmpi eq, %arg0, %eq3A_56 : i32
    %convert_element_type3A_58 = arith.extui %eq3A_57 : i1 to i32
    %cond3A_59 = arith.constant 0 : i32
    %cond3A_60 = arith.cmpi ne, %convert_element_type3A_58, %cond3A_59 : i32
    scf.if %cond3A_60 {
      %mul3A = arith.constant 3200 : i32
      %mul3A_62 = arith.muli %arg1, %mul3A : i32
      %multiple_of3A = tpu.assume_multiple %mul3A_62, 3200 : i32
      %lt3A = arith.constant 15 : i32
      %lt3A_63 = arith.cmpi slt, %arg1, %lt3A : i32
      %convert_element_type3A_64 = arith.extui %lt3A_63 : i1 to i32
      %cond3A_65 = arith.constant 0 : i32
      %cond3A_66 = arith.cmpi ne, %convert_element_type3A_64, %cond3A_65 : i32
      scf.if %cond3A_66 {
        %run_scoped3A = arith.constant 3 : i32
        "tpu.region"() ({
          %run_scoped3A_72 = tpu.sem_alloc : memref<!tpu.dma_semaphore, #tpu.memory_space<semaphore_mem>>
          %dma_start3A = arith.constant 0 : i32
          %dma_start3A_73 = tpu.memref_slice %arg4[%run_scoped3A, %multiple_of3A, %dma_start3A] : memref<4x50000x32xf32, #tpu.memory_space<hbm>> -> memref<1x3200x32xf32, #tpu.memory_space<hbm>>
          %dma_start3A_74 = tpu.memref_squeeze %dma_start3A_73 : memref<1x3200x32xf32, #tpu.memory_space<hbm>> -> memref<3200x32xf32, #tpu.memory_space<hbm>>
          %dma_start3A_75 = arith.constant 0 : i32
          %dma_start3A_76 = tpu.memref_slice %arg5[%multiple_of3A, %dma_start3A_75] : memref<50048x32xf32, #tpu.memory_space<vmem_shared>> -> memref<3200x32xf32, #tpu.memory_space<vmem_shared>>
          tpu.enqueue_dma source(%dma_start3A_76 : memref<3200x32xf32, #tpu.memory_space<vmem_shared>>) target(%dma_start3A_74 : memref<3200x32xf32, #tpu.memory_space<hbm>>) target_semaphore(%run_scoped3A_72 : memref<!tpu.dma_semaphore, #tpu.memory_space<semaphore_mem>>)
          %dma_wait3A = arith.constant 0 : i32
          %dma_wait3A_77 = tpu.memref_slice %arg4[%run_scoped3A, %multiple_of3A, %dma_wait3A] : memref<4x50000x32xf32, #tpu.memory_space<hbm>> -> memref<1x3200x32xf32, #tpu.memory_space<hbm>>
          %dma_wait3A_78 = tpu.memref_squeeze %dma_wait3A_77 : memref<1x3200x32xf32, #tpu.memory_space<hbm>> -> memref<3200x32xf32, #tpu.memory_space<hbm>>
          %dma_wait3A_79 = arith.constant 0 : i32
          %dma_wait3A_80 = tpu.memref_slice %arg5[%multiple_of3A, %dma_wait3A_79] : memref<50048x32xf32, #tpu.memory_space<vmem_shared>> -> memref<3200x32xf32, #tpu.memory_space<vmem_shared>>
          tpu.wait_dma2 semaphore(%run_scoped3A_72 : memref<!tpu.dma_semaphore, #tpu.memory_space<semaphore_mem>>) src(%dma_wait3A_80 : memref<3200x32xf32, #tpu.memory_space<vmem_shared>>) dst(%dma_wait3A_78 : memref<3200x32xf32, #tpu.memory_space<hbm>>)
          tpu.yield
        }) : () -> ()
      } else {
      }
      %eq3A_67 = arith.constant 15 : i32
      %eq3A_68 = arith.cmpi eq, %arg1, %eq3A_67 : i32
      %convert_element_type3A_69 = arith.extui %eq3A_68 : i1 to i32
      %cond3A_70 = arith.constant 0 : i32
      %cond3A_71 = arith.cmpi ne, %convert_element_type3A_69, %cond3A_70 : i32
      scf.if %cond3A_71 {
        %run_scoped3A = arith.constant 3 : i32
        "tpu.region"() ({
          %run_scoped3A_72 = tpu.sem_alloc : memref<!tpu.dma_semaphore, #tpu.memory_space<semaphore_mem>>
          %dma_start3A = arith.constant 48000 : i32
          %dma_start3A_73 = arith.constant 0 : i32
          %dma_start3A_74 = tpu.memref_slice %arg4[%run_scoped3A, %dma_start3A, %dma_start3A_73] : memref<4x50000x32xf32, #tpu.memory_space<hbm>> -> memref<1x2000x32xf32, #tpu.memory_space<hbm>>
          %dma_start3A_75 = tpu.memref_squeeze %dma_start3A_74 : memref<1x2000x32xf32, #tpu.memory_space<hbm>> -> memref<2000x32xf32, #tpu.memory_space<hbm>>
          %dma_start3A_76 = arith.constant 48000 : i32
          %dma_start3A_77 = arith.constant 0 : i32
          %dma_start3A_78 = tpu.memref_slice %arg5[%dma_start3A_76, %dma_start3A_77] : memref<50048x32xf32, #tpu.memory_space<vmem_shared>> -> memref<2000x32xf32, #tpu.memory_space<vmem_shared>>
          tpu.enqueue_dma source(%dma_start3A_78 : memref<2000x32xf32, #tpu.memory_space<vmem_shared>>) target(%dma_start3A_75 : memref<2000x32xf32, #tpu.memory_space<hbm>>) target_semaphore(%run_scoped3A_72 : memref<!tpu.dma_semaphore, #tpu.memory_space<semaphore_mem>>)
          %dma_wait3A = arith.constant 48000 : i32
          %dma_wait3A_79 = arith.constant 0 : i32
          %dma_wait3A_80 = tpu.memref_slice %arg4[%run_scoped3A, %dma_wait3A, %dma_wait3A_79] : memref<4x50000x32xf32, #tpu.memory_space<hbm>> -> memref<1x2000x32xf32, #tpu.memory_space<hbm>>
          %dma_wait3A_81 = tpu.memref_squeeze %dma_wait3A_80 : memref<1x2000x32xf32, #tpu.memory_space<hbm>> -> memref<2000x32xf32, #tpu.memory_space<hbm>>
          %dma_wait3A_82 = arith.constant 48000 : i32
          %dma_wait3A_83 = arith.constant 0 : i32
          %dma_wait3A_84 = tpu.memref_slice %arg5[%dma_wait3A_82, %dma_wait3A_83] : memref<50048x32xf32, #tpu.memory_space<vmem_shared>> -> memref<2000x32xf32, #tpu.memory_space<vmem_shared>>
          tpu.wait_dma2 semaphore(%run_scoped3A_72 : memref<!tpu.dma_semaphore, #tpu.memory_space<semaphore_mem>>) src(%dma_wait3A_84 : memref<2000x32xf32, #tpu.memory_space<vmem_shared>>) dst(%dma_wait3A_81 : memref<2000x32xf32, #tpu.memory_space<hbm>>)
          tpu.yield
        }) : () -> ()
      } else {
      }
    } else {
    }
    %barrier3A_61 = arith.constant 0 : index
    tpu.barrier barrier_id(%barrier3A_61)
    return
  }
}

#map = affine_map<(d0, d1) -> (0)>
module attributes {stable_mosaic.version = 14 : i64} {
  func.func @_gather_body(%arg0: i32, %arg1: i32, %arg2: memref<50000xf32, #tpu.memory_space<hbm>>, %arg3: memref<800000xi32, #tpu.memory_space<hbm>>, %arg4: memref<800000xf32, #tpu.memory_space<hbm>>, %arg5: memref<50000xf32, #tpu.memory_space<vmem>>, %arg6: memref<800xi32, #tpu.memory_space<vmem>>, %arg7: memref<800xf32, #tpu.memory_space<vmem>>) attributes {dimension_semantics = [#tpu.dimension_semantics<core_parallel>, #tpu.dimension_semantics<subcore_parallel>], iteration_bounds = array<i64: 2, 16>, scalar_prefetch = 0 : i64, scratch_operands = 3 : i64, tpu.core_type = #tpu.core_type<sc_vector_subcore>, window_params = [{transform_indices = #map}, {transform_indices = #map}, {transform_indices = #map}]} {
    %mul3A = arith.constant 2 : i32
    %mul3A_0 = arith.muli %arg1, %mul3A : i32
    %add3A = arith.addi %mul3A_0, %arg0 : i32
    "tpu.region"() ({
      %run_scoped3A = tpu.sem_alloc : memref<!tpu.dma_semaphore, #tpu.memory_space<semaphore_mem>>
      tpu.enqueue_dma source(%arg2 : memref<50000xf32, #tpu.memory_space<hbm>>) target(%arg5 : memref<50000xf32, #tpu.memory_space<vmem>>) target_semaphore(%run_scoped3A : memref<!tpu.dma_semaphore, #tpu.memory_space<semaphore_mem>>)
      tpu.wait_dma2 semaphore(%run_scoped3A : memref<!tpu.dma_semaphore, #tpu.memory_space<semaphore_mem>>) src(%arg2 : memref<50000xf32, #tpu.memory_space<hbm>>) dst(%arg5 : memref<50000xf32, #tpu.memory_space<vmem>>)
      tpu.yield
    }) : () -> ()
    %lt3A = arith.constant 8 : i32
    %lt3A_1 = arith.cmpi slt, %add3A, %lt3A : i32
    %jit3A = arith.constant 1 : i32
    %jit3A_2 = arith.constant 0 : i32
    %select_n3A = arith.select %lt3A_1, %jit3A, %jit3A_2 : i32
    %add3A_3 = arith.constant 31 : i32
    %add3A_4 = arith.addi %add3A_3, %select_n3A : i32
    %while3A = arith.constant 0 : i32
    %while3A_5 = arith.constant 0 : i32
    %while3A_6 = arith.subi %add3A_4, %while3A_5 : i32
    %while3A_7 = arith.addi %while3A_5, %while3A_6 : i32
    %while3A_8 = arith.constant 1 : i32
    %while3A_9 = arith.divsi %while3A_6, %while3A_8 : i32
    %while3A_10 = arith.muli %while3A_9, %while3A_8 : i32
    %while3A_11 = arith.addi %while3A_5, %while3A_10 : i32
    %while3A_12 = arith.constant 1 : i32
    scf.for %while3A_14 = %while3A_5 to %while3A_11 step %while3A_12  : i32 {
      %mul3A_15 = arith.constant 32 : i32
      %mul3A_16 = arith.muli %while3A_14, %mul3A_15 : i32
      %add3A_17 = arith.addi %add3A, %mul3A_16 : i32
      %mul3A_18 = arith.constant 800 : i32
      %mul3A_19 = arith.muli %add3A_17, %mul3A_18 : i32
      %multiple_of3A = tpu.assume_multiple %mul3A_19, 800 : i32
      "tpu.region"() ({
        %run_scoped3A = tpu.sem_alloc : memref<!tpu.dma_semaphore, #tpu.memory_space<semaphore_mem>>
        %dma_start3A = tpu.memref_slice %arg3[%multiple_of3A] : memref<800000xi32, #tpu.memory_space<hbm>> -> memref<800xi32, #tpu.memory_space<hbm>>
        %dma_start3A_25 = tpu.memref_slice %arg3[%multiple_of3A] : memref<800000xi32, #tpu.memory_space<hbm>> -> memref<800xi32, #tpu.memory_space<hbm>>
        tpu.enqueue_dma source(%dma_start3A_25 : memref<800xi32, #tpu.memory_space<hbm>>) target(%arg6 : memref<800xi32, #tpu.memory_space<vmem>>) target_semaphore(%run_scoped3A : memref<!tpu.dma_semaphore, #tpu.memory_space<semaphore_mem>>)
        %dma_wait3A = tpu.memref_slice %arg3[%multiple_of3A] : memref<800000xi32, #tpu.memory_space<hbm>> -> memref<800xi32, #tpu.memory_space<hbm>>
        %dma_wait3A_26 = tpu.memref_slice %arg3[%multiple_of3A] : memref<800000xi32, #tpu.memory_space<hbm>> -> memref<800xi32, #tpu.memory_space<hbm>>
        tpu.wait_dma2 semaphore(%run_scoped3A : memref<!tpu.dma_semaphore, #tpu.memory_space<semaphore_mem>>) src(%dma_wait3A_26 : memref<800xi32, #tpu.memory_space<hbm>>) dst(%arg6 : memref<800xi32, #tpu.memory_space<vmem>>)
        tpu.yield
      }) : () -> ()
      %scan3A = arith.constant 0 : i32
      %scan3A_20 = arith.constant 0 : i32
      %scan3A_21 = arith.constant 50 : i32
      %scan3A_22 = arith.addi %scan3A_20, %scan3A_21 : i32
      %scan3A_23 = arith.constant 1 : i32
      scf.for %scan3A_25 = %scan3A_20 to %scan3A_22 step %scan3A_23  : i32 {
        %mul3A_26 = arith.constant 16 : i32
        %mul3A_27 = arith.muli %scan3A_25, %mul3A_26 : i32
        %get3A = arith.index_cast %mul3A_27 : i32 to index
        %get3A_28 = tpu.vector_load %arg6[%get3A] {strides = array<i32>} : memref<800xi32, #tpu.memory_space<vmem>>, vector<16xi32>,
        %gather3A = tpu.vector_load_idx %arg5[%get3A_28] : memref<50000xf32, #tpu.memory_space<vmem>>[vector<16xi32>], vector<16xf32>,
        %mul3A_29 = arith.constant 16 : i32
        %mul3A_30 = arith.muli %scan3A_25, %mul3A_29 : i32
        %swap3A = arith.index_cast %mul3A_30 : i32 to index
        %swap3A_31 = tpu.vector_load %arg7[%swap3A] {strides = array<i32>} : memref<800xf32, #tpu.memory_space<vmem>>, vector<16xf32>,
        tpu.vector_store %arg7[%swap3A], %gather3A {strides = array<i32>} : memref<800xf32, #tpu.memory_space<vmem>>, vector<16xf32>,
      }
      %scan3A_24 = arith.constant 50 : i32
      "tpu.region"() ({
        %run_scoped3A = tpu.sem_alloc : memref<!tpu.dma_semaphore, #tpu.memory_space<semaphore_mem>>
        %dma_start3A = tpu.memref_slice %arg4[%multiple_of3A] : memref<800000xf32, #tpu.memory_space<hbm>> -> memref<800xf32, #tpu.memory_space<hbm>>
        %dma_start3A_25 = tpu.memref_slice %arg4[%multiple_of3A] : memref<800000xf32, #tpu.memory_space<hbm>> -> memref<800xf32, #tpu.memory_space<hbm>>
        tpu.enqueue_dma source(%arg7 : memref<800xf32, #tpu.memory_space<vmem>>) target(%dma_start3A_25 : memref<800xf32, #tpu.memory_space<hbm>>) target_semaphore(%run_scoped3A : memref<!tpu.dma_semaphore, #tpu.memory_space<semaphore_mem>>)
        %dma_wait3A = tpu.memref_slice %arg4[%multiple_of3A] : memref<800000xf32, #tpu.memory_space<hbm>> -> memref<800xf32, #tpu.memory_space<hbm>>
        %dma_wait3A_26 = tpu.memref_slice %arg4[%multiple_of3A] : memref<800000xf32, #tpu.memory_space<hbm>> -> memref<800xf32, #tpu.memory_space<hbm>>
        tpu.wait_dma2 semaphore(%run_scoped3A : memref<!tpu.dma_semaphore, #tpu.memory_space<semaphore_mem>>) src(%arg7 : memref<800xf32, #tpu.memory_space<vmem>>) dst(%dma_wait3A_26 : memref<800xf32, #tpu.memory_space<hbm>>)
        tpu.yield
      }) : () -> ()
    }
    %while3A_13 = arith.constant 1 : i32
    scf.for %while3A_14 = %while3A_11 to %while3A_7 step %while3A_13  : i32 {
      %mul3A_15 = arith.constant 32 : i32
      %mul3A_16 = arith.muli %while3A_14, %mul3A_15 : i32
      %add3A_17 = arith.addi %add3A, %mul3A_16 : i32
      %mul3A_18 = arith.constant 800 : i32
      %mul3A_19 = arith.muli %add3A_17, %mul3A_18 : i32
      %multiple_of3A = tpu.assume_multiple %mul3A_19, 800 : i32
      "tpu.region"() ({
        %run_scoped3A = tpu.sem_alloc : memref<!tpu.dma_semaphore, #tpu.memory_space<semaphore_mem>>
        %dma_start3A = tpu.memref_slice %arg3[%multiple_of3A] : memref<800000xi32, #tpu.memory_space<hbm>> -> memref<800xi32, #tpu.memory_space<hbm>>
        %dma_start3A_25 = tpu.memref_slice %arg3[%multiple_of3A] : memref<800000xi32, #tpu.memory_space<hbm>> -> memref<800xi32, #tpu.memory_space<hbm>>
        tpu.enqueue_dma source(%dma_start3A_25 : memref<800xi32, #tpu.memory_space<hbm>>) target(%arg6 : memref<800xi32, #tpu.memory_space<vmem>>) target_semaphore(%run_scoped3A : memref<!tpu.dma_semaphore, #tpu.memory_space<semaphore_mem>>)
        %dma_wait3A = tpu.memref_slice %arg3[%multiple_of3A] : memref<800000xi32, #tpu.memory_space<hbm>> -> memref<800xi32, #tpu.memory_space<hbm>>
        %dma_wait3A_26 = tpu.memref_slice %arg3[%multiple_of3A] : memref<800000xi32, #tpu.memory_space<hbm>> -> memref<800xi32, #tpu.memory_space<hbm>>
        tpu.wait_dma2 semaphore(%run_scoped3A : memref<!tpu.dma_semaphore, #tpu.memory_space<semaphore_mem>>) src(%dma_wait3A_26 : memref<800xi32, #tpu.memory_space<hbm>>) dst(%arg6 : memref<800xi32, #tpu.memory_space<vmem>>)
        tpu.yield
      }) : () -> ()
      %scan3A = arith.constant 0 : i32
      %scan3A_20 = arith.constant 0 : i32
      %scan3A_21 = arith.constant 50 : i32
      %scan3A_22 = arith.addi %scan3A_20, %scan3A_21 : i32
      %scan3A_23 = arith.constant 1 : i32
      scf.for %scan3A_25 = %scan3A_20 to %scan3A_22 step %scan3A_23  : i32 {
        %mul3A_26 = arith.constant 16 : i32
        %mul3A_27 = arith.muli %scan3A_25, %mul3A_26 : i32
        %get3A = arith.index_cast %mul3A_27 : i32 to index
        %get3A_28 = tpu.vector_load %arg6[%get3A] {strides = array<i32>} : memref<800xi32, #tpu.memory_space<vmem>>, vector<16xi32>,
        %gather3A = tpu.vector_load_idx %arg5[%get3A_28] : memref<50000xf32, #tpu.memory_space<vmem>>[vector<16xi32>], vector<16xf32>,
        %mul3A_29 = arith.constant 16 : i32
        %mul3A_30 = arith.muli %scan3A_25, %mul3A_29 : i32
        %swap3A = arith.index_cast %mul3A_30 : i32 to index
        %swap3A_31 = tpu.vector_load %arg7[%swap3A] {strides = array<i32>} : memref<800xf32, #tpu.memory_space<vmem>>, vector<16xf32>,
        tpu.vector_store %arg7[%swap3A], %gather3A {strides = array<i32>} : memref<800xf32, #tpu.memory_space<vmem>>, vector<16xf32>,
      }
      %scan3A_24 = arith.constant 50 : i32
      "tpu.region"() ({
        %run_scoped3A = tpu.sem_alloc : memref<!tpu.dma_semaphore, #tpu.memory_space<semaphore_mem>>
        %dma_start3A = tpu.memref_slice %arg4[%multiple_of3A] : memref<800000xf32, #tpu.memory_space<hbm>> -> memref<800xf32, #tpu.memory_space<hbm>>
        %dma_start3A_25 = tpu.memref_slice %arg4[%multiple_of3A] : memref<800000xf32, #tpu.memory_space<hbm>> -> memref<800xf32, #tpu.memory_space<hbm>>
        tpu.enqueue_dma source(%arg7 : memref<800xf32, #tpu.memory_space<vmem>>) target(%dma_start3A_25 : memref<800xf32, #tpu.memory_space<hbm>>) target_semaphore(%run_scoped3A : memref<!tpu.dma_semaphore, #tpu.memory_space<semaphore_mem>>)
        %dma_wait3A = tpu.memref_slice %arg4[%multiple_of3A] : memref<800000xf32, #tpu.memory_space<hbm>> -> memref<800xf32, #tpu.memory_space<hbm>>
        %dma_wait3A_26 = tpu.memref_slice %arg4[%multiple_of3A] : memref<800000xf32, #tpu.memory_space<hbm>> -> memref<800xf32, #tpu.memory_space<hbm>>
        tpu.wait_dma2 semaphore(%run_scoped3A : memref<!tpu.dma_semaphore, #tpu.memory_space<semaphore_mem>>) src(%arg7 : memref<800xf32, #tpu.memory_space<vmem>>) dst(%dma_wait3A_26 : memref<800xf32, #tpu.memory_space<hbm>>)
        tpu.yield
      }) : () -> ()
    }
    return
  }
}

module attributes {stable_mosaic.version = 14 : i64} {
  func.func @_mlp_body(%arg0: i32, %arg1: memref<4x1000x32xf32, #tpu.memory_space<vmem>>, %arg2: memref<128x256xf32, #tpu.memory_space<vmem>>, %arg3: memref<1x256xf32, #tpu.memory_space<vmem>>, %arg4: memref<256x256xf32, #tpu.memory_space<vmem>>, %arg5: memref<1x256xf32, #tpu.memory_space<vmem>>, %arg6: memref<1000x1xf32, #tpu.memory_space<vmem>>) attributes {dimension_semantics = [#tpu.dimension_semantics<arbitrary>], iteration_bounds = array<i64: 50>, scalar_prefetch = 0 : i64, scratch_operands = 0 : i64, tpu.core_type = #tpu.core_type<tc>, window_params = [{transform_indices = @transform_0, window_bounds = array<i64: 4, 1000, 32>}, {pipeline_mode = #tpu.pipeline_mode<synchronous>, transform_indices = @transform_1, window_bounds = array<i64: 128, 256>}, {pipeline_mode = #tpu.pipeline_mode<synchronous>, transform_indices = @transform_2, window_bounds = array<i64: 1, 256>}, {pipeline_mode = #tpu.pipeline_mode<synchronous>, transform_indices = @transform_3, window_bounds = array<i64: 256, 256>}, {pipeline_mode = #tpu.pipeline_mode<synchronous>, transform_indices = @transform_4, window_bounds = array<i64: 1, 256>}, {transform_indices = @transform_5, window_bounds = array<i64: 1000, 1>}]} {
    %get3A = arith.constant 0 : index
    %get3A_0 = arith.constant 0 : index
    %get3A_1 = arith.constant 0 : index
    %get3A_2 = vector.load %arg1[%get3A, %get3A_0, %get3A_1] : memref<4x1000x32xf32, #tpu.memory_space<vmem>>, vector<1x1000x32xf32>
    %get3A_3 = vector.shape_cast %get3A_2 : vector<1x1000x32xf32> to vector<1000x32xf32>
    %get3A_4 = arith.constant 1 : index
    %get3A_5 = arith.constant 0 : index
    %get3A_6 = arith.constant 0 : index
    %get3A_7 = vector.load %arg1[%get3A_4, %get3A_5, %get3A_6] : memref<4x1000x32xf32, #tpu.memory_space<vmem>>, vector<1x1000x32xf32>
    %get3A_8 = vector.shape_cast %get3A_7 : vector<1x1000x32xf32> to vector<1000x32xf32>
    %get3A_9 = arith.constant 2 : index
    %get3A_10 = arith.constant 0 : index
    %get3A_11 = arith.constant 0 : index
    %get3A_12 = vector.load %arg1[%get3A_9, %get3A_10, %get3A_11] : memref<4x1000x32xf32, #tpu.memory_space<vmem>>, vector<1x1000x32xf32>
    %get3A_13 = vector.shape_cast %get3A_12 : vector<1x1000x32xf32> to vector<1000x32xf32>
    %get3A_14 = arith.constant 3 : index
    %get3A_15 = arith.constant 0 : index
    %get3A_16 = arith.constant 0 : index
    %get3A_17 = vector.load %arg1[%get3A_14, %get3A_15, %get3A_16] : memref<4x1000x32xf32, #tpu.memory_space<vmem>>, vector<1x1000x32xf32>
    %get3A_18 = vector.shape_cast %get3A_17 : vector<1x1000x32xf32> to vector<1000x32xf32>
    %concatenate3A = tpu.concatenate %get3A_3, %get3A_8, %get3A_13, %get3A_18 in 1 : vector<1000x32xf32>, vector<1000x32xf32>, vector<1000x32xf32>, vector<1000x32xf32> -> vector<1000x128xf32>
    %get3A_19 = arith.constant 0 : index
    %get3A_20 = arith.constant 0 : index
    %get3A_21 = vector.load %arg2[%get3A_19, %get3A_20] : memref<128x256xf32, #tpu.memory_space<vmem>>, vector<128x256xf32>
    %dot_general3A = arith.constant dense<0.000000e+00> : vector<1000x256xf32>
    %dot_general3A_22 = tpu.matmul %concatenate3A, %get3A_21, %dot_general3A {dimension_numbers = #tpu.dot_dimension_numbers<[1], [0], [0], [1], [0, 0, 1, 1], [], []>, precision = #tpu.contract_precision<fp32>, transpose_lhs_hint = false} : vector<1000x128xf32>, vector<128x256xf32>, vector<1000x256xf32> -> vector<1000x256xf32>
    %get3A_23 = arith.constant 0 : index
    %get3A_24 = arith.constant 0 : index
    %get3A_25 = vector.load %arg3[%get3A_23, %get3A_24] : memref<1x256xf32, #tpu.memory_space<vmem>>, vector<1x256xf32>
    %add3A = vector.broadcast %get3A_25 : vector<1x256xf32> to vector<1000x256xf32>
    %add3A_26 = arith.addf %dot_general3A_22, %add3A : vector<1000x256xf32>
    %max3A = arith.constant 0.000000e+00 : f32
    %max3A_27 = vector.broadcast %max3A : f32 to vector<1000x256xf32>
    %max3A_28 = arith.maximumf %add3A_26, %max3A_27 : vector<1000x256xf32>
    %get3A_29 = arith.constant 0 : index
    %get3A_30 = arith.constant 0 : index
    %get3A_31 = vector.load %arg4[%get3A_29, %get3A_30] : memref<256x256xf32, #tpu.memory_space<vmem>>, vector<256x256xf32>
    %reduce_sum3A = arith.constant dense<0.000000e+00> : vector<256xf32>
    %reduce_sum3A_32 = vector.multi_reduction <add>, %get3A_31, %reduce_sum3A [1] : vector<256x256xf32> to vector<256xf32>
    %broadcast_in_dim3A = vector.shape_cast %reduce_sum3A_32 : vector<256xf32> to vector<1x256xf32>
    %mul3A = vector.broadcast %broadcast_in_dim3A : vector<1x256xf32> to vector<1000x256xf32>
    %mul3A_33 = arith.mulf %max3A_28, %mul3A : vector<1000x256xf32>
    %reduce_sum3A_34 = arith.constant dense<0.000000e+00> : vector<1000xf32>
    %reduce_sum3A_35 = vector.multi_reduction <add>, %mul3A_33, %reduce_sum3A_34 [1] : vector<1000x256xf32> to vector<1000xf32>
    %broadcast_in_dim3A_36 = vector.shape_cast %reduce_sum3A_35 : vector<1000xf32> to vector<1000x1xf32>
    %get3A_37 = arith.constant 0 : index
    %get3A_38 = arith.constant 0 : index
    %get3A_39 = vector.load %arg5[%get3A_37, %get3A_38] : memref<1x256xf32, #tpu.memory_space<vmem>>, vector<1x256xf32>
    %reduce_sum3A_40 = vector.shape_cast %get3A_39 : vector<1x256xf32> to vector<1x1x256xf32>
    %reduce_sum3A_41 = arith.constant dense<0.000000e+00> : vector<1xf32>
    %reduce_sum3A_42 = vector.multi_reduction <add>, %reduce_sum3A_40, %reduce_sum3A_41 [1, 2] : vector<1x1x256xf32> to vector<1xf32>
    %reduce_sum3A_43 = vector.shape_cast %reduce_sum3A_42 : vector<1xf32> to vector<1x1x1xf32>
    %reduce_sum3A_44 = vector.extract %reduce_sum3A_43[0, 0, 0] : f32 from vector<1x1x1xf32>
    %add3A_45 = vector.broadcast %reduce_sum3A_44 : f32 to vector<1000x1xf32>
    %add3A_46 = arith.addf %broadcast_in_dim3A_36, %add3A_45 : vector<1000x1xf32>
    %swap3A = arith.constant 0 : index
    %swap3A_47 = arith.constant 0 : index
    %swap3A_48 = vector.load %arg6[%swap3A, %swap3A_47] : memref<1000x1xf32, #tpu.memory_space<vmem>>, vector<1000x1xf32>
    tpu.vector_store %arg6[%swap3A, %swap3A_47], %add3A_46 {strides = array<i32>} : memref<1000x1xf32, #tpu.memory_space<vmem>>, vector<1000x1xf32>,
    return
  }
  func.func @transform_0(%arg0: i32) -> (i32, i32, i32) {
    %c0_i32 = arith.constant 0 : i32
    %c0_i32_0 = arith.constant 0 : i32
    %c0_i32_1 = arith.constant 0 : i32
    return %c0_i32, %arg0, %c0_i32_0 : i32, i32, i32
  }
  func.func @transform_1(%arg0: i32) -> (i32, i32) {
    %c0_i32 = arith.constant 0 : i32
    %c0_i32_0 = arith.constant 0 : i32
    %c0_i32_1 = arith.constant 0 : i32
    return %c0_i32, %c0_i32_0 : i32, i32
  }
  func.func @transform_2(%arg0: i32) -> (i32, i32) {
    %c0_i32 = arith.constant 0 : i32
    %c0_i32_0 = arith.constant 0 : i32
    %c0_i32_1 = arith.constant 0 : i32
    return %c0_i32, %c0_i32_0 : i32, i32
  }
  func.func @transform_3(%arg0: i32) -> (i32, i32) {
    %c0_i32 = arith.constant 0 : i32
    %c0_i32_0 = arith.constant 0 : i32
    %c0_i32_1 = arith.constant 0 : i32
    return %c0_i32, %c0_i32_0 : i32, i32
  }
  func.func @transform_4(%arg0: i32) -> (i32, i32) {
    %c0_i32 = arith.constant 0 : i32
    %c0_i32_0 = arith.constant 0 : i32
    %c0_i32_1 = arith.constant 0 : i32
    return %c0_i32, %c0_i32_0 : i32, i32
  }
  func.func @transform_5(%arg0: i32) -> (i32, i32) {
    %c0_i32 = arith.constant 0 : i32
    %c0_i32_0 = arith.constant 0 : i32
    return %arg0, %c0_i32 : i32, i32
  }
}

</mosaic_0001>

<sc_bundles>
// kernel: kernel.5.cloned.1.call-start
scs
__scs_entry_jumppad:
0x0: {  	(pc) =	sbr.rel $0x88, $3  }
0x1: {  	(tag) =	ssettag $0x0;
	lr =	simm.s32 $0x1  }
0x2: {  	[smem:$0x3F9B] =	sst lr;
	_ =	strace $0xD0000000  }
0x3: {  	_ = 	snop  }
0x4: {  	_ = 	snop  }
0x5: {  	_ = 	snop  }
0x6: {  	_ = 	snop  }
0x7: {  	_ = 	snop  }
__scs_overlays_trampoline_lowered:
0x8: {  	[smem:$0x3FAA] =	sst s0  }
0x9: {  	[smem:$0x3FAB] =	sst s1  }
0xa: {  	[smem:$0x3FAC] =	sst s2  }
0xb: {  	[smem:$0x3FAD] =	sst s3  }
0xc: {  	[smem:$0x3FAE] =	sst s4  }
0xd: {  	[smem:$0x3FAF] =	sst s5  }
0xe: {  	[smem:$0x3FB0] =	sst s6  }
0xf: {  	[smem:$0x3FB1] =	sst s7  }
0x10: {  	[smem:$0x3FB2] =	sst s8  }
0x11: {  	[smem:$0x3FB3] =	sst s9;
	s0 =	simm.s32 @!p0 $0x0  }
0x12: {  	s1 =	sld [smem:$0x3F99];
	s0 =	simm.s32 @p0 $0x1  }
0x13: {  	[smem:$0x3FB4] =	sst s0;
	s0 =	simm.s32 @!p1 $0x0  }
0x14: {  	s2 =	sld [smem:$0x3F98];
	s0 =	simm.s32 @p1 $0x1  }
0x15: {  	[smem:$0x3FB5] =	sst s0;
	s0 =	simm.s32 @!p2 $0x0  }
0x16: {  	s3 =	sld [smem:$0x3FDB];
	s0 =	simm.s32 @p2 $0x1  }
0x17: {  	s4 =	simm.s32 $0x1BF5;
	[smem:$0x3FB7] =	sst s0  }
0x18: {  	s0 =	sld [smem:$0x3F9A];
	_ =	swait.ge [sflag:s4], $0x0  }
0x19: {  	s7 =	sld [smem:$0x3F9B]  }
0x1a: {  	s8 =	sadd.s32 $0xFFFFE003, lr  }
0x1b: {  	s9 =	sadd.s32 $0xFFFFFEF7, lr;
	s5 =	simm.s32 $0xFFFFFFFF;
	p2 =	slt.u32 s8, $0xFFFFF086  }
0x1c: {  	p1 =	slt.u32 s9, $0xF7A;
	s5 =	simm.s32 @!p2 $0x0  }
0x1d: {  	s5 =	simm.s32 @p1 $0x1;
	p0 =	seq.s32 s7, s2  }
0x1e: {  	s7 =	smul.u32 @!p0 $0xF7A, s2;
	p2 =	seq.s32 @!p0 s5, $0x0  }
0x1f: {  	s9 =	smul.u32 $0xF7A, s1;
	s8 =	simm.s32 @!p0 $0x1BF5;
	p2 =	por !p2, p0  }
0x20: {  	[sflag:s8] =	ssyncset.s32 @!p0 $0xFFFFF086;
	s6 =	sadd.s32 @!p0 s3, s7;
	s7 =	simm.s32 @!p0 $0x108  }
0x21: {  	s3 =	sadd.s32 s3, s9;
	s6 =	sadd.s32 @!p0 $0x88, s6;
	s7 =	simm.s32 @p2 $0x1082  }
0x22: {  	[simem:s7], [sflag:s8] =	dma.local @!p0 [hbm:s6], $0xF7A  }
0x23: {  	s9 =	sor.u32 $0xD0000000, s2;
	s6 =	simm.s32 $0x108;
	_ =	swait.ge @!p0 [sflag:s8], $0x0  }
0x24: {  	s3 =	sadd.s32 $0x88, s3;
	s6 =	simm.s32 @!p1 $0x1082;
	[sflag:s4] =	ssyncset.s32 $0xFFFFF086  }
0x25: {  	[simem:s6], [sflag:s4] =	dma.local [hbm:s3], $0xF7A  }
0x26: {  	[smem:$0x3F9B] =	sst s1;
	(tag) =	ssettag s2;
	_ =	strace s9  }
0x27: {  	s1 =	sld [smem:$0x3FAB]  }
0x28: {  	s2 =	sld [smem:$0x3FAC]  }
0x29: {  	s4 =	sld [smem:$0x3FAE]  }
0x2a: {  	p0 =	seq.s32 s5, $0x0;
	s5 =	sld [smem:$0x3FAF]  }
0x2b: {  	s6 =	sld [smem:$0x3FB0]  }
0x2c: {  	s7 =	sld [smem:$0x3FB1]  }
0x2d: {  	s3 =	simm.s32 $0x108;
	s8 =	sld [smem:$0x3FB2]  }
0x2e: {  	s3 =	simm.s32 @!p0 $0x1082;
	s9 =	sld [smem:$0x3FB3]  }
0x2f: {  	lr =	sadd.s32 s0, s3;
	s0 =	sld [smem:$0x3FAA]  }
0x30: {  	s3 =	sld [smem:$0x3FAD]  }
0x31: {  	[smem:$0x3FB6] =	sst s10  }
0x32: {  	s10 =	sld [smem:$0x3FB4];
	_ =	sdelay $0x3  }
0x33: {  	p0 =	seq.s32 s10, $0x1;
	s10 =	sld [smem:$0x3FB6];
	_ =	sdelay $0x3  }
0x34: {  	[smem:$0x3FB6] =	sst s10  }
0x35: {  	s10 =	sld [smem:$0x3FB5];
	_ =	sdelay $0x3  }
0x36: {  	p1 =	seq.s32 s10, $0x1;
	s10 =	sld [smem:$0x3FB6];
	_ =	sdelay $0x3  }
0x37: {  	[smem:$0x3FB6] =	sst s10  }
0x38: {  	s10 =	sld [smem:$0x3FB7]  }
0x39: {  	_ = 	snop;
	(pc) =	sbr.ind lr, $3  }
0x3a: {  	_ = 	snop  }
0x3b: {  	_ = 	snop  }
0x3c: {  	p2 =	seq.s32 s10, $0x1;
	s10 =	sld [smem:$0x3FB6]  }
0x3d: {  	_ =	shalt  }
0x3e: {  	_ =	shalt  }
0x3f: {  	_ =	shalt  }
0x40: {  	_ =	shalt  }
0x41: {  	_ =	shalt  }
0x42: {  	_ =	shalt  }
0x43: {  	_ =	shalt  }
0x44: {  	_ =	shalt  }
0x45: {  	_ =	shalt  }
0x46: {  	_ =	shalt  }
0x47: {  	_ =	shalt  }
0x48: {  	_ =	shalt  }
0x49: {  	_ =	shalt  }
0x4a: {  	_ =	shalt  }
0x4b: {  	_ =	shalt  }
0x4c: {  	_ =	shalt  }
0x4d: {  	_ =	shalt  }
0x4e: {  	_ =	shalt  }
0x4f: {  	_ =	shalt  }
0x50: {  	_ =	shalt  }
0x51: {  	_ =	shalt  }
0x52: {  	_ =	shalt  }
0x53: {  	_ =	shalt  }
0x54: {  	_ =	shalt  }
0x55: {  	_ =	shalt  }
0x56: {  	_ =	shalt  }
0x57: {  	_ =	shalt  }
0x58: {  	_ =	shalt  }
0x59: {  	_ =	shalt  }
0x5a: {  	_ =	shalt  }
0x5b: {  	_ =	shalt  }
0x5c: {  	_ =	shalt  }
0x5d: {  	_ =	shalt  }
0x5e: {  	_ =	shalt  }
0x5f: {  	_ =	shalt  }
0x60: {  	_ =	shalt  }
0x61: {  	_ =	shalt  }
0x62: {  	_ =	shalt  }
0x63: {  	_ =	shalt  }
0x64: {  	_ =	shalt  }
0x65: {  	_ =	shalt  }
0x66: {  	_ =	shalt  }
0x67: {  	_ =	shalt  }
0x68: {  	_ =	shalt  }
0x69: {  	_ =	shalt  }
0x6a: {  	_ =	shalt  }
0x6b: {  	_ =	shalt  }
0x6c: {  	_ =	shalt  }
0x6d: {  	_ =	shalt  }
0x6e: {  	_ =	shalt  }
0x6f: {  	_ =	shalt  }
0x70: {  	_ =	shalt  }
0x71: {  	_ =	shalt  }
0x72: {  	_ =	shalt  }
0x73: {  	_ =	shalt  }
0x74: {  	_ =	shalt  }
0x75: {  	_ =	shalt  }
0x76: {  	_ =	shalt  }
0x77: {  	_ =	shalt  }
0x78: {  	_ =	shalt  }
0x79: {  	_ =	shalt  }
0x7a: {  	_ =	shalt  }
0x7b: {  	_ =	shalt  }
0x7c: {  	_ =	shalt  }
0x7d: {  	_ =	shalt  }
0x7e: {  	_ =	shalt  }
0x7f: {  	_ =	shalt  }
0x80: {  	_ =	shalt  }
0x81: {  	_ =	shalt  }
0x82: {  	_ =	shalt  }
0x83: {  	_ =	shalt  }
0x84: {  	_ =	shalt  }
0x85: {  	_ =	shalt  }
0x86: {  	_ =	shalt  }
0x87: {  	_ =	shalt  }
.Lfunc_end0:
.L_simem_size_0:
called_computation_lowered:
.L_overlay_start_0:
0x88: {  	s2 =	sld [smem:$0x3FD9]  }
0x89: {  	s3 =	sld [smem:$0x3FFE];
	_ =	sdelay $0x1  }
0x8a: {  	s1 =	srdreg.scid  }
0x8b: {  	s0 =	sand.u32 $0x1, s1  }
0x8c: {  	s16 =	sshll.u32 s0, $0xA;
	s2 =	sadd.s32 s3, s2  }
0x8d: {  	s2 =	sadd.s32 s2, s16  }
0x8e: {  	[smem:$0x3FC2] =	sst s2  }
0x8f: {  	_ = 	snop  }
0x90: {  	(tm) =	ssettm $0x1  }
0x91: {  	s17 =	sld [smem:$0x3FFB];
	_ =	sdelay $0x3  }
0x92: {  	_ =	strace s17  }
0x93: {  	s2 =	sld [smem:$0x3FFC];
	_ =	sdelay $0x3  }
0x94: {  	_ =	strace s2  }
0x95: {  	s2 =	sld [smem:$0x3FFD];
	_ =	sdelay $0x3  }
0x96: {  	_ =	strace s2  }
0x97: {  	_ =	strace $0x8FFFFFFF  }
0x98: {  	s18 =	sld [smem:$0x3FDB];
	_ =	sdelay $0x1  }
0x99: {  	s19 =	simm.s32 $_scs_section_size  }
0x9a: {  	s4 =	simm.s32 $_size__tile_overlayer_lowered;
	s5 =	simm.s32 $_tile_overlayer_lowered  }
0x9b: {  	s22 =	simm.s32 $0x1BFF;
	s21 =	sshll.u32 s5, $0x1;
	s2 =	sadd.s32 s19, s18  }
0x9c: {  	s6 =	simm.s32 $0x0;
	s20 =	sshll.u32 s4, $0x1;
	s4 =	sadd.s32 s21, s2  }
0x9d: {  	[timem:s6], [sflag:s22] =	dma.local [hbm:s4], s20  }
0x9e: {  	_ =	swait.ge [sflag:s22], s20  }
0x9f: {  	s3 =	ssub.s32 $0x0, s20;
	[sflag:s22] =	ssyncset.done $0x0  }
0xa0: {  	[sflag:s22] =	ssyncadd.s32 s3;
	_ =	sdelay $0x1  }
0xa1: {  	s23 =	simm.s32 $0x1B8B  }
0xa2: {  	_ =	swait.ge [sflag:s23], $0x1  }
0xa3: {  	[sflag:s23] =	ssyncset.done $0x0  }
0xa4: {  	s25 =	simm.s32 $0x1B8E;
	s24 =	sld [smem:$0x3FFE];
	[sflag:s23] =	ssyncadd.s32 $0xFFFFFFFF  }
0xa5: {  	s26 =	simm.s32 $execute0_lowered;
	[smem:$0x3FD2] =	sst s25  }
0xa6: {  	s4 =	sshll.u32 s26, $0x1;
	_ =	strace $0x80000046;
	[dreg:$0x1] =	wrdreg $0xFFFFFFFF  }
0xa7: {  	s28 =	simm.s32 $_size_execute0_lowered;
	s2 =	sadd.s32 s2, s4;
	[dreg:$0x0] =	wrdreg $0x0  }
0xa8: {  	s4 =	sshll.u32 s28, $0x1;
	[dreg:$0x2] =	wrdreg s2  }
0xa9: {  	[dreg:$0x3] =	wrdreg s4  }
0xaa: {  	[dreg:$0x4] =	wrdreg $0xC0  }
0xab: {  	_ =	task [dreg:s6], $0x5FFFF  }
0xac: {  	[dreg:$0x1] =	wrdreg $0xFFFFFFFF  }
0xad: {  	[dreg:$0x0] =	wrdreg $0x60  }
0xae: {  	[dreg:$0x2] =	wrdreg s24  }
0xaf: {  	[dreg:$0x3] =	wrdreg $0x0  }
0xb0: {  	[dreg:$0x4] =	wrdreg $0x9  }
0xb1: {  	_ =	task.clear_ibuf [dreg:s6], $0x5FFFF;
	_ =	strace $0x90000046  }
0xb2: {  	s29 =	simm.s32 $0x9;
	_ =	strace $0x80000048  }
0xb3: {  	_ =	swait.ge [sflag:s29], $0x1  }
0xb4: {  	[sflag:s29] =	ssyncadd.s32 $0xFFFFFFFF  }
0xb5: {  	_ =	strace $0x90000048  }
0xb6: {  	_ =	sfence  }
0xb7: {  	s30 =	sld [smem:$0x0];
	_ =	sdelay $0x2  }
0xb8: {  	s31 =	sshll.u32 s1, $0xD;
	s1 =	sshrl.u32 s1, $0x2  }
0xb9: {  	s3 =	sand.u32 $0x4000, s31;
	s1 =	sadd.s32 s1, s30  }
0xba: {  	s0 =	sor.u32 s3, s0;
	s1 =	sshll.u32 s1, $0x11  }
0xbb: {  	s0 =	sor.u32 s1, s0  }
0xbc: {  	s0 =	sadd.s32 $0x8F2B, s0  }
0xbd: {  	[sflag:s0] =	ssyncadd.remote.s32 $0x1  }
0xbe: {  	_ =	sfence.sel $0xFFFF  }
0xbf: {  	[dreg:$0x0] =	wrdreg $0xFFFFFFFF;
	(pc) =	sbr.abs _section_cstart, $3  }
0xc0: {  	[dreg:$0x1] =	wrdreg $0xFFFFFFFF  }
0xc1: {  	_ =	task.clear_ibuf [dreg:s6], $0x2FFFF;
	_ =	strace $0x9FFFFFFF  }
0xc2: {  	(tm) =	ssettm $0x7FFFFFFF  }
0xc3: {  	_ =	shalt  }
tec
execute0_lowered:
.L_overlay_start_1:
0x0: {  	(tag) =	ssettag $0x1  }
0x1: {  	s0 =	rddreg [dreg:$0x0]  }
0x2: {  	s2 =	rddreg [dreg:$0x1]  }
0x3: {  	s3 =	simm.s32 $0x0;
	s13 =	stileid.u32;
	s5 =	srdreg.scid  }
0x4: {  	s30 =	simm.s32 $0x18700;
	s31 =	simm.s32 $0x18900;
	s1 =	smul.u32 $0x3100, s13  }
0x5: {  	[smem:$0x7FF] =	sst s3;
	s6 =	smul.u32 $0x19000, s13;
	s4 =	sadd.s32 $0xC00, s0  }
0x6: {  	s5 =	sand.u32 $0x1, s5;
	s11 =	sadd.s32 $0x10DA00, s0;
	s10 =	sadd.s32 $0x91480, s0  }
0x7: {  	s17 =	sadd.s32 $0x19E280, s0;
	_ =	strace $0x80000047;
	[dreg:$0x5] =	wrdreg s10  }
0x8: {  	s18 =	sadd.s32 $0xC21C0, s0;
	s20 =	sadd.s32 $0x2FA00, s0;
	[dreg:$0x9] =	wrdreg s17  }
0x9: {  	s23 =	sadd.s32 $0x13C800, s0;
	s25 =	sadd.s32 $0x60740, s0;
	[dreg:$0xa] =	wrdreg s18  }
0xa: {  	s26 =	sadd.s32 $0x1CEFC0, s0;
	p1 =	seq.s32 s13, $0xF;
	[dreg:$0xc] =	wrdreg s20  }
0xb: {  	s29 =	sadd.s32 $0x177000, s2;
	s13 =	simm.s32 $0x3;
	[dreg:$0xf] =	wrdreg s23  }
0xc: {  	s7 =	ssub.s32 $0x2, s5;
	s10 =	sadd.s32 $0x62680, s0;
	[dreg:$0x12] =	wrdreg s25  }
0xd: {  	p0 =	sne.s32 s5, $0x0;
	s23 =	sadd.s32 $0x31940, s0;
	[dreg:$0x13] =	wrdreg s26  }
0xe: {  	[dreg:$0x16] =	wrdreg s29;
	s17 =	simm.s32 $0x1BB00;
	s18 =	simm.s32 $0x18780  }
0xf: {  	s20 =	simm.s32 $0x18880;
	s25 =	simm.s32 $0x18A80;
	s26 =	simm.s32 $0x0  }
0x10: {  	s1 =	sadd.s32 s1, s0;
	s9 =	sshrl.u32 s6, $0x3;
	s8 =	sshrl.u32 s7, $0x1  }
0x11: {  	s6 =	sadd.s32 s6, s2;
	s12 =	sadd.s32 $0x61A80, s9;
	s7 =	ssub.s32 s7, s8  }
0x12: {  	[dreg:$0x3] =	wrdreg s6;
	s15 =	sadd.s32 $0x927C0, s9;
	s19 =	sadd.s32 s4, s9  }
0x13: {  	s21 =	sadd.s32 $0x30D40, s9;
	s9 =	sadd.s32 s11, s9;
	s6 =	simm.s32 $0x80  }
0x14: {  	s8 =	sadd.s32 s4, s12;
	s14 =	sadd.s32 s11, s12;
	[dreg:$0xb] =	wrdreg s19  }
0x15: {  	s16 =	sadd.s32 s4, s15;
	[dreg:$0xd] =	wrdreg s9;
	s22 =	sadd.s32 s4, s21  }
0x16: {  	s24 =	sadd.s32 s11, s21;
	s28 =	smax.u32 s7, $0x1;
	[dreg:$0x4] =	wrdreg s8  }
0x17: {  	s7 =	simm.s32 $0x18B00;
	s12 =	simm.s32 $0x19B00;
	[dreg:$0x7] =	wrdreg s14  }
0x18: {  	s19 =	simm.s32 $0x5;
	s21 =	simm.s32 $0x4;
	[dreg:$0x8] =	wrdreg s16  }
0x19: {  	s8 =	sadd.s32 $0xDCA00, s1;
	s1 =	sadd.s32 $0xDCA40, s1;
	[dreg:$0xe] =	wrdreg s22  }
.Ltmp0:
0x1a: {  	[dreg:$0x11] =	wrdreg s24;
	s24 =	sadd.s32 $0x933C0, s0;
	(pc) =	sbr.rel .LBB2_1-.Ltmp0, $4  }
0x1b: {  	s0 =	sadd.s32 $0x16D540, s0;
	[dreg:$0x15] =	wrdreg s28;
	s14 =	simm.s32 $0x2  }
0x1c: {  	s16 =	simm.s32 $0x18A00;
	s22 =	simm.s32 $0x18980;
	[dreg:$0x6] =	wrdreg s1  }
0x1d: {  	s1 =	sadd.s32 s11, s15;
	[dreg:$0x14] =	wrdreg s0;
	s0 =	simm.s32 $0x1  }
0x1e: {  	s11 =	simm.s32 $0x18800;
	s15 =	simm.s32 $0x1AB00;
	[dreg:$0x10] =	wrdreg s1  }
.LBB2_11:
0x1f: {  	[tilespmem:s31], [sflag:$0x2] =	stream.linear.gather [hbm4b:s9+s3], $0x200, $0x38;
	[tilespmem:$0x1CB00] =	vst v63  }
0x20: {  	_ =	swait.ge [sflag:s13], $0x1000  }
0x21: {  	[sflag:s13] =	ssyncset.done $0x0  }
0x22: {  	[sflag:s13] =	ssyncadd.s32 $0xFFFFF000  }
0x23: {  	_ =	swait.ge [sflag:s13], $0x1000  }
0x24: {  	[sflag:s13] =	ssyncset.done $0x0  }
0x25: {  	[sflag:s13] =	ssyncadd.s32 $0xFFFFF000  }
0x26: {  	_ =	swait.ge [sflag:s14], $0x200  }
0x27: {  	[sflag:s14] =	ssyncset.done $0x0  }
0x28: {  	[sflag:s14] =	ssyncadd.s32 $0xFFFFFE00  }
0x29: {  	[tilespmem:s15], [sflag:$0x4] =	stream.indirect.gather [hbm4b:s24+s6], $0x20, s31, s6, $0xb8;
	[tilespmem:$0x1CB00] =	vst v63  }
0x2a: {  	_ = 	snop  }
0x2b: {  	[tilespmem:s17], [sflag:$0x4] =	stream.indirect.gather [hbm4b:s24+s6], $0x20, s16, s6, $0xb8;
	[tilespmem:$0x1CB00] =	vst v63  }
0x2c: {  	_ = 	snop  }
0x2d: {  	[spmem:s2] =	stream.indirect.scatter.add.f32 [tilespmem:s7], [sflag:$0x5], $0x20, s18, s6, $0xb8;
	[tilespmem:$0x1CB00] =	vst v63  }
0x2e: {  	_ =	swait.ge [sflag:s19], $0x1000  }
0x2f: {  	[sflag:s19] =	ssyncset.done $0x0  }
0x30: {  	[sflag:s19] =	ssyncadd.s32 $0xFFFFF000  }
0x31: {  	[spmem:s2] =	stream.indirect.scatter.add.f32 [tilespmem:s12], [sflag:$0x5], $0x20, s20, s6, $0xb8;
	[tilespmem:$0x1CB00] =	vst v63  }
0x32: {  	_ =	swait.ge [sflag:s19], $0x1000  }
0x33: {  	[sflag:s19] =	ssyncset.done $0x0  }
0x34: {  	[sflag:s19] =	ssyncadd.s32 $0xFFFFF000  }
0x35: {  	_ =	swait.ge [sflag:s21], $0x1000  }
0x36: {  	[sflag:s21] =	ssyncset.done $0x0  }
0x37: {  	[sflag:s21] =	ssyncadd.s32 $0xFFFFF000  }
0x38: {  	_ =	swait.ge [sflag:s21], $0x1000  }
0x39: {  	[sflag:s21] =	ssyncset.done $0x0  }
0x3a: {  	[sflag:s21] =	ssyncadd.s32 $0xFFFFF000  }
0x3b: {  	[spmem:s2] =	stream.indirect.scatter.add.f32 [tilespmem:s15], [sflag:$0x5], $0x20, s22, s6, $0xb8;
	[tilespmem:$0x1CB00] =	vst v63  }
0x3c: {  	_ =	swait.ge [sflag:s19], $0x1000  }
0x3d: {  	[sflag:s19] =	ssyncset.done $0x0  }
0x3e: {  	[sflag:s19] =	ssyncadd.s32 $0xFFFFF000  }
0x3f: {  	[spmem:s2] =	stream.indirect.scatter.add.f32 [tilespmem:s17], [sflag:$0x5], $0x20, s25, s6, $0xb8;
	[tilespmem:$0x1CB00] =	vst v63  }
0x40: {  	_ =	swait.ge [sflag:s19], $0x1000  }
0x41: {  	[sflag:s19] =	ssyncset.done $0x0  }
0x42: {  	[sflag:s19] =	ssyncadd.s32 $0xFFFFF000  }
0x43: {  	[bflag:$0x0] =	sbarrier.arrive $0xFFFF  }
0x44: {  	s1 =	simm.s32 @p1 $0x1FC5;
	s9 =	rddreg [dreg:$0x13]  }
0x45: {  	[hbm:s9], [sflag:s1] =	dma.local @p1 [spmem:s28], $0x1F40  }
0x46: {  	s1 =	simm.s32 @p1 $0x5  }
0x47: {  	_ =	swait.ge @p1 [sflag:s1], $0x1F40  }
0x48: {  	[sflag:s1] =	ssyncset.done @p1 $0x0;
	s9 =	rddreg [dreg:$0x17]  }
0x49: {  	[sflag:s1] =	ssyncadd.s32 @p1 $0xFFFFE0C0;
	s1 =	rddreg [dreg:$0x10]  }
0x4a: {  	[hbm:s1], [sflag:s5] =	dma.local @!p1 [spmem:s9], $0x3200  }
0x4b: {  	s1 =	simm.s32 @!p1 $0x5  }
0x4c: {  	_ =	swait.ge @!p1 [sflag:s1], $0x3200  }
0x4d: {  	[sflag:s1] =	ssyncset.done @!p1 $0x0  }
0x4e: {  	[sflag:s1] =	ssyncadd.s32 @!p1 $0xFFFFCE00  }
.LBB2_12:
0x4f: {  	s26 =	sadd.s32 $0x1, s26;
	s1 =	rddreg [dreg:$0x15]  }
0x50: {  	p2 =	sne.s32 s26, s1  }
.Ltmp1:
0x51: {  	_ = 	snop;
	(pc) =	sbr.rel @!p2 .LBB2_13-.Ltmp1, $2  }
0x52: {  	_ =	sdelay $0x1  }
0x53: {  	[bflag:$0x0] =	sbarrier.arrive $0xFFFF;
	_ =	sdelay $0x1  }
.LBB2_1:
.Ltmp2:
0x54: {  	s1 =	stileid.u32;
	(pc) =	sbr.rel @p0 .LBB2_7-.Ltmp2, $4  }
0x55: {  	s5 =	sshll.u32 @!p1 s1, $0x6;
	s1 =	rddreg [dreg:$0x16]  }
0x56: {  	s28 =	sshrl.u32 @p1 s1, $0x3;
	s1 =	rddreg [dreg:$0x3]  }
0x57: {  	s29 =	sshrl.u32 @!p1 s1, $0x3  }
0x58: {  	s5 =	sor.u32 @!p1 $0x1C05, s5;
	[dreg:$0x17] =	wrdreg s29  }
0x59: {  	s9 =	simm.s32 @p1 $0x1FC5;
	s1 =	rddreg [dreg:$0xc]  }
0x5a: {  	[spmem:s28], [sflag:s9] =	dma.local @p1 [hbm:s1], $0x1F40  }
0x5b: {  	s9 =	simm.s32 @p1 $0x5  }
0x5c: {  	_ =	swait.ge @p1 [sflag:s9], $0x1F40  }
0x5d: {  	[sflag:s9] =	ssyncset.done @p1 $0x0  }
0x5e: {  	s1 =	rddreg [dreg:$0xb];
	[sflag:s9] =	ssyncadd.s32 @p1 $0xFFFFE0C0;
	s9 =	simm.s32 @!p1 $0x5  }
0x5f: {  	[spmem:s29], [sflag:s5] =	dma.local @!p1 [hbm:s1], $0x3200  }
0x60: {  	_ =	swait.ge @!p1 [sflag:s9], $0x3200  }
0x61: {  	[sflag:s9] =	ssyncset.done @!p1 $0x0  }
0x62: {  	[sflag:s9] =	ssyncadd.s32 @!p1 $0xFFFFCE00  }
0x63: {  	[bflag:$0x0] =	sbarrier.arrive $0xFFFF  }
0x64: {  	[tilespmem:s30], [sflag:$0x1] =	stream.linear.gather [hbm4b:s8+s3], $0x200, $0x38;
	[tilespmem:$0x1CB00] =	vst v63  }
0x65: {  	s9 =	rddreg [dreg:$0x6]  }
0x66: {  	[tilespmem:s31], [sflag:$0x2] =	stream.linear.gather [hbm4b:s9+s3], $0x200, $0x38;
	[tilespmem:$0x1CB00] =	vst v63  }
0x67: {  	_ =	swait.ge [sflag:s0], $0x200  }
0x68: {  	[sflag:s0] =	ssyncset.done $0x0  }
0x69: {  	[sflag:s0] =	ssyncadd.s32 $0xFFFFFE00  }
0x6a: {  	[tilespmem:s7], [sflag:$0x3] =	stream.indirect.gather [hbm4b:s4+s6], $0x20, s30, s6, $0xb8;
	[tilespmem:$0x1CB00] =	vst v63  }
0x6b: {  	_ = 	snop  }
0x6c: {  	[tilespmem:s12], [sflag:$0x3] =	stream.indirect.gather [hbm4b:s4+s6], $0x20, s11, s6, $0xb8;
	[tilespmem:$0x1CB00] =	vst v63  }
0x6d: {  	_ =	swait.ge [sflag:s13], $0x1000  }
0x6e: {  	[sflag:s13] =	ssyncset.done $0x0  }
0x6f: {  	[sflag:s13] =	ssyncadd.s32 $0xFFFFF000  }
0x70: {  	_ =	swait.ge [sflag:s13], $0x1000  }
0x71: {  	[sflag:s13] =	ssyncset.done $0x0  }
0x72: {  	[sflag:s13] =	ssyncadd.s32 $0xFFFFF000  }
0x73: {  	_ =	swait.ge [sflag:s14], $0x200  }
0x74: {  	[sflag:s14] =	ssyncset.done $0x0  }
0x75: {  	[sflag:s14] =	ssyncadd.s32 $0xFFFFFE00  }
0x76: {  	[tilespmem:s15], [sflag:$0x4] =	stream.indirect.gather [hbm4b:s4+s6], $0x20, s31, s6, $0xb8;
	[tilespmem:$0x1CB00] =	vst v63  }
0x77: {  	_ = 	snop  }
0x78: {  	[tilespmem:s17], [sflag:$0x4] =	stream.indirect.gather [hbm4b:s4+s6], $0x20, s16, s6, $0xb8;
	[tilespmem:$0x1CB00] =	vst v63  }
0x79: {  	_ = 	snop  }
0x7a: {  	[spmem:s2] =	stream.indirect.scatter.add.f32 [tilespmem:s7], [sflag:$0x5], $0x20, s18, s6, $0xb8;
	[tilespmem:$0x1CB00] =	vst v63  }
0x7b: {  	_ =	swait.ge [sflag:s19], $0x1000  }
0x7c: {  	[sflag:s19] =	ssyncset.done $0x0  }
0x7d: {  	[sflag:s19] =	ssyncadd.s32 $0xFFFFF000  }
0x7e: {  	[spmem:s2] =	stream.indirect.scatter.add.f32 [tilespmem:s12], [sflag:$0x5], $0x20, s20, s6, $0xb8;
	[tilespmem:$0x1CB00] =	vst v63  }
0x7f: {  	_ =	swait.ge [sflag:s19], $0x1000  }
0x80: {  	s1 =	sadd.s32 $0xFFFFCF80, s8;
	[sflag:s19] =	ssyncset.done $0x0  }
0x81: {  	s29 =	sadd.s32 $0x3100, s1;
	[sflag:s19] =	ssyncadd.s32 $0xFFFFF000  }
0x82: {  	[tilespmem:s30], [sflag:$0x1] =	stream.linear.gather [hbm4b:s29+s3], $0x200, $0x38;
	[tilespmem:$0x1CB00] =	vst v63  }
0x83: {  	_ =	swait.ge [sflag:s21], $0x1000  }
0x84: {  	[sflag:s21] =	ssyncset.done $0x0  }
0x85: {  	[sflag:s21] =	ssyncadd.s32 $0xFFFFF000  }
0x86: {  	_ =	swait.ge [sflag:s21], $0x1000  }
0x87: {  	[sflag:s21] =	ssyncset.done $0x0  }
0x88: {  	[sflag:s21] =	ssyncadd.s32 $0xFFFFF000  }
0x89: {  	_ =	swait.ge [sflag:s0], $0x200  }
0x8a: {  	[sflag:s0] =	ssyncset.done $0x0  }
0x8b: {  	[sflag:s0] =	ssyncadd.s32 $0xFFFFFE00  }
0x8c: {  	[tilespmem:s7], [sflag:$0x3] =	stream.indirect.gather [hbm4b:s4+s6], $0x20, s30, s6, $0xb8;
	[tilespmem:$0x1CB00] =	vst v63  }
0x8d: {  	_ = 	snop  }
0x8e: {  	[tilespmem:s12], [sflag:$0x3] =	stream.indirect.gather [hbm4b:s4+s6], $0x20, s11, s6, $0xb8;
	[tilespmem:$0x1CB00] =	vst v63  }
0x8f: {  	_ = 	snop  }
0x90: {  	[spmem:s2] =	stream.indirect.scatter.add.f32 [tilespmem:s15], [sflag:$0x5], $0x20, s22, s6, $0xb8;
	[tilespmem:$0x1CB00] =	vst v63  }
0x91: {  	_ =	swait.ge [sflag:s19], $0x1000  }
0x92: {  	[sflag:s19] =	ssyncset.done $0x0  }
0x93: {  	[sflag:s19] =	ssyncadd.s32 $0xFFFFF000  }
0x94: {  	[spmem:s2] =	stream.indirect.scatter.add.f32 [tilespmem:s17], [sflag:$0x5], $0x20, s25, s6, $0xb8;
	[tilespmem:$0x1CB00] =	vst v63  }
0x95: {  	_ =	swait.ge [sflag:s19], $0x1000  }
0x96: {  	[sflag:s19] =	ssyncset.done $0x0  }
0x97: {  	s9 =	sadd.s32 $0x3140, s1;
	s29 =	simm.s32 $0xFFFFD000;
	[sflag:s19] =	ssyncadd.s32 $0xFFFFF000  }
.LBB2_3:
0x98: {  	[tilespmem:s31], [sflag:$0x2] =	stream.linear.gather [hbm4b:s9+s3], $0x200, $0x38;
	[tilespmem:$0x1CB00] =	vst v63  }
0x99: {  	s9 =	smov.u32 s29  }
0x9a: {  	p2 =	sne.s32 s29, $0xFFFFFF80;
	s29 =	sadd.s32 $0x80, s29;
	_ =	swait.ge [sflag:s13], $0x1000  }
0x9b: {  	[sflag:s13] =	ssyncset.done $0x0  }
0x9c: {  	[sflag:s13] =	ssyncadd.s32 $0xFFFFF000  }
0x9d: {  	_ =	swait.ge [sflag:s13], $0x1000  }
0x9e: {  	[sflag:s13] =	ssyncset.done $0x0  }
0x9f: {  	[sflag:s13] =	ssyncadd.s32 $0xFFFFF000  }
0xa0: {  	_ =	swait.ge [sflag:s14], $0x200  }
0xa1: {  	[sflag:s14] =	ssyncset.done $0x0  }
0xa2: {  	[sflag:s14] =	ssyncadd.s32 $0xFFFFFE00  }
0xa3: {  	[tilespmem:s15], [sflag:$0x4] =	stream.indirect.gather [hbm4b:s4+s6], $0x20, s31, s6, $0xb8;
	[tilespmem:$0x1CB00] =	vst v63  }
0xa4: {  	_ = 	snop  }
0xa5: {  	[tilespmem:s17], [sflag:$0x4] =	stream.indirect.gather [hbm4b:s4+s6], $0x20, s16, s6, $0xb8;
	[tilespmem:$0x1CB00] =	vst v63  }
0xa6: {  	_ = 	snop  }
0xa7: {  	[spmem:s2] =	stream.indirect.scatter.add.f32 [tilespmem:s7], [sflag:$0x5], $0x20, s18, s6, $0xb8;
	[tilespmem:$0x1CB00] =	vst v63  }
0xa8: {  	_ =	swait.ge [sflag:s19], $0x1000  }
0xa9: {  	[sflag:s19] =	ssyncset.done $0x0  }
0xaa: {  	[sflag:s19] =	ssyncadd.s32 $0xFFFFF000  }
0xab: {  	[spmem:s2] =	stream.indirect.scatter.add.f32 [tilespmem:s12], [sflag:$0x5], $0x20, s20, s6, $0xb8;
	[tilespmem:$0x1CB00] =	vst v63  }
0xac: {  	_ =	swait.ge [sflag:s19], $0x1000  }
0xad: {  	s9 =	sadd.s32 s9, s8;
	[sflag:s19] =	ssyncset.done $0x0  }
0xae: {  	s1 =	sadd.s32 $0x3100, s9;
	[sflag:s19] =	ssyncadd.s32 $0xFFFFF000  }
0xaf: {  	[tilespmem:s30], [sflag:$0x1] =	stream.linear.gather [hbm4b:s1+s3], $0x200, $0x38;
	[tilespmem:$0x1CB00] =	vst v63  }
0xb0: {  	_ =	swait.ge [sflag:s21], $0x1000  }
0xb1: {  	[sflag:s21] =	ssyncset.done $0x0  }
0xb2: {  	[sflag:s21] =	ssyncadd.s32 $0xFFFFF000  }
0xb3: {  	_ =	swait.ge [sflag:s21], $0x1000  }
0xb4: {  	[sflag:s21] =	ssyncset.done $0x0  }
0xb5: {  	[sflag:s21] =	ssyncadd.s32 $0xFFFFF000  }
0xb6: {  	_ =	swait.ge [sflag:s0], $0x200  }
0xb7: {  	[sflag:s0] =	ssyncset.done $0x0  }
0xb8: {  	[sflag:s0] =	ssyncadd.s32 $0xFFFFFE00  }
0xb9: {  	[tilespmem:s7], [sflag:$0x3] =	stream.indirect.gather [hbm4b:s4+s6], $0x20, s30, s6, $0xb8;
	[tilespmem:$0x1CB00] =	vst v63  }
0xba: {  	_ = 	snop  }
0xbb: {  	[tilespmem:s12], [sflag:$0x3] =	stream.indirect.gather [hbm4b:s4+s6], $0x20, s11, s6, $0xb8;
	[tilespmem:$0x1CB00] =	vst v63  }
0xbc: {  	_ = 	snop  }
0xbd: {  	[spmem:s2] =	stream.indirect.scatter.add.f32 [tilespmem:s15], [sflag:$0x5], $0x20, s22, s6, $0xb8;
	[tilespmem:$0x1CB00] =	vst v63  }
0xbe: {  	_ =	swait.ge [sflag:s19], $0x1000  }
0xbf: {  	[sflag:s19] =	ssyncset.done $0x0  }
.Ltmp3:
0xc0: {  	[sflag:s19] =	ssyncadd.s32 $0xFFFFF000;
	(pc) =	sbr.rel @p2 .LBB2_3-.Ltmp3, $4  }
0xc1: {  	[spmem:s2] =	stream.indirect.scatter.add.f32 [tilespmem:s17], [sflag:$0x5], $0x20, s25, s6, $0xb8;
	[tilespmem:$0x1CB00] =	vst v63  }
0xc2: {  	_ =	swait.ge [sflag:s19], $0x1000  }
0xc3: {  	[sflag:s19] =	ssyncset.done $0x0  }
0xc4: {  	s9 =	sadd.s32 $0x3140, s9;
	[sflag:s19] =	ssyncadd.s32 $0xFFFFF000  }
0xc5: {  	[tilespmem:s31], [sflag:$0x2] =	stream.linear.gather [hbm4b:s9+s3], $0x200, $0x38;
	[tilespmem:$0x1CB00] =	vst v63  }
0xc6: {  	_ =	swait.ge [sflag:s13], $0x1000  }
0xc7: {  	[sflag:s13] =	ssyncset.done $0x0  }
0xc8: {  	[sflag:s13] =	ssyncadd.s32 $0xFFFFF000  }
0xc9: {  	_ =	swait.ge [sflag:s13], $0x1000  }
0xca: {  	[sflag:s13] =	ssyncset.done $0x0  }
0xcb: {  	[sflag:s13] =	ssyncadd.s32 $0xFFFFF000  }
0xcc: {  	_ =	swait.ge [sflag:s14], $0x200  }
0xcd: {  	[sflag:s14] =	ssyncset.done $0x0  }
0xce: {  	[sflag:s14] =	ssyncadd.s32 $0xFFFFFE00  }
0xcf: {  	[tilespmem:s15], [sflag:$0x4] =	stream.indirect.gather [hbm4b:s4+s6], $0x20, s31, s6, $0xb8;
	[tilespmem:$0x1CB00] =	vst v63  }
0xd0: {  	_ = 	snop  }
0xd1: {  	[tilespmem:s17], [sflag:$0x4] =	stream.indirect.gather [hbm4b:s4+s6], $0x20, s16, s6, $0xb8;
	[tilespmem:$0x1CB00] =	vst v63  }
0xd2: {  	_ = 	snop  }
0xd3: {  	[spmem:s2] =	stream.indirect.scatter.add.f32 [tilespmem:s7], [sflag:$0x5], $0x20, s18, s6, $0xb8;
	[tilespmem:$0x1CB00] =	vst v63  }
0xd4: {  	_ =	swait.ge [sflag:s19], $0x1000  }
0xd5: {  	[sflag:s19] =	ssyncset.done $0x0  }
0xd6: {  	[sflag:s19] =	ssyncadd.s32 $0xFFFFF000  }
0xd7: {  	[spmem:s2] =	stream.indirect.scatter.add.f32 [tilespmem:s12], [sflag:$0x5], $0x20, s20, s6, $0xb8;
	[tilespmem:$0x1CB00] =	vst v63  }
0xd8: {  	_ =	swait.ge [sflag:s19], $0x1000  }
0xd9: {  	[sflag:s19] =	ssyncset.done $0x0  }
0xda: {  	[sflag:s19] =	ssyncadd.s32 $0xFFFFF000  }
0xdb: {  	_ =	swait.ge [sflag:s21], $0x1000  }
0xdc: {  	[sflag:s21] =	ssyncset.done $0x0  }
0xdd: {  	[sflag:s21] =	ssyncadd.s32 $0xFFFFF000  }
0xde: {  	_ =	swait.ge [sflag:s21], $0x1000  }
0xdf: {  	[sflag:s21] =	ssyncset.done $0x0  }
0xe0: {  	[sflag:s21] =	ssyncadd.s32 $0xFFFFF000  }
0xe1: {  	[spmem:s2] =	stream.indirect.scatter.add.f32 [tilespmem:s15], [sflag:$0x5], $0x20, s22, s6, $0xb8;
	[tilespmem:$0x1CB00] =	vst v63  }
0xe2: {  	_ =	swait.ge [sflag:s19], $0x1000  }
0xe3: {  	[sflag:s19] =	ssyncset.done $0x0  }
0xe4: {  	[sflag:s19] =	ssyncadd.s32 $0xFFFFF000  }
0xe5: {  	[spmem:s2] =	stream.indirect.scatter.add.f32 [tilespmem:s17], [sflag:$0x5], $0x20, s25, s6, $0xb8;
	[tilespmem:$0x1CB00] =	vst v63  }
0xe6: {  	_ =	swait.ge [sflag:s19], $0x1000  }
0xe7: {  	[sflag:s19] =	ssyncset.done $0x0  }
0xe8: {  	[sflag:s19] =	ssyncadd.s32 $0xFFFFF000  }
0xe9: {  	[bflag:$0x0] =	sbarrier.arrive $0xFFFF  }
0xea: {  	s1 =	simm.s32 @p1 $0x1FC5;
	s9 =	rddreg [dreg:$0xf]  }
0xeb: {  	[hbm:s9], [sflag:s1] =	dma.local @p1 [spmem:s28], $0x1F40  }
0xec: {  	s9 =	simm.s32 @p1 $0x5  }
0xed: {  	_ =	swait.ge @p1 [sflag:s9], $0x1F40  }
0xee: {  	[sflag:s9] =	ssyncset.done @p1 $0x0  }
0xef: {  	[sflag:s9] =	ssyncadd.s32 @p1 $0xFFFFE0C0  }
0xf0: {  	[bflag:$0x0] =	sbarrier.arrive @p1 $0xFFFF  }
0xf1: {  	s29 =	rddreg [dreg:$0x12]  }
0xf2: {  	[spmem:s28], [sflag:s1] =	dma.local @p1 [hbm:s29], $0x1F40  }
0xf3: {  	_ =	swait.ge @p1 [sflag:s9], $0x1F40  }
0xf4: {  	[sflag:s9] =	ssyncset.done @p1 $0x0;
	s1 =	rddreg [dreg:$0xd]  }
0xf5: {  	s29 =	rddreg [dreg:$0x17];
	[sflag:s9] =	ssyncadd.s32 @p1 $0xFFFFE0C0  }
0xf6: {  	[hbm:s1], [sflag:s5] =	dma.local @!p1 [spmem:s29], $0x3200  }
0xf7: {  	s1 =	simm.s32 @!p1 $0x5  }
0xf8: {  	_ =	swait.ge @!p1 [sflag:s1], $0x3200  }
0xf9: {  	[sflag:s1] =	ssyncset.done @!p1 $0x0  }
0xfa: {  	[sflag:s1] =	ssyncadd.s32 @!p1 $0xFFFFCE00  }
0xfb: {  	[bflag:$0x0] =	sbarrier.arrive @!p1 $0xFFFF  }
0xfc: {  	s9 =	rddreg [dreg:$0xe]  }
0xfd: {  	[spmem:s29], [sflag:s5] =	dma.local @!p1 [hbm:s9], $0x3200  }
0xfe: {  	_ =	swait.ge @!p1 [sflag:s1], $0x3200  }
0xff: {  	[sflag:s1] =	ssyncset.done @!p1 $0x0  }
0x100: {  	[sflag:s1] =	ssyncadd.s32 @!p1 $0xFFFFCE00  }
0x101: {  	[bflag:$0x0] =	sbarrier.arrive $0xFFFF  }
0x102: {  	[tilespmem:s30], [sflag:$0x1] =	stream.linear.gather [hbm4b:s8+s3], $0x200, $0x38;
	[tilespmem:$0x1CB00] =	vst v63  }
0x103: {  	s9 =	rddreg [dreg:$0x6]  }
0x104: {  	[tilespmem:s31], [sflag:$0x2] =	stream.linear.gather [hbm4b:s9+s3], $0x200, $0x38;
	[tilespmem:$0x1CB00] =	vst v63  }
0x105: {  	_ =	swait.ge [sflag:s0], $0x200  }
0x106: {  	[sflag:s0] =	ssyncset.done $0x0  }
0x107: {  	[sflag:s0] =	ssyncadd.s32 $0xFFFFFE00  }
0x108: {  	[tilespmem:s7], [sflag:$0x3] =	stream.indirect.gather [hbm4b:s23+s6], $0x20, s30, s6, $0xb8;
	[tilespmem:$0x1CB00] =	vst v63  }
0x109: {  	_ = 	snop  }
0x10a: {  	[tilespmem:s12], [sflag:$0x3] =	stream.indirect.gather [hbm4b:s23+s6], $0x20, s11, s6, $0xb8;
	[tilespmem:$0x1CB00] =	vst v63  }
0x10b: {  	_ =	swait.ge [sflag:s13], $0x1000  }
0x10c: {  	[sflag:s13] =	ssyncset.done $0x0  }
0x10d: {  	[sflag:s13] =	ssyncadd.s32 $0xFFFFF000  }
0x10e: {  	_ =	swait.ge [sflag:s13], $0x1000  }
0x10f: {  	[sflag:s13] =	ssyncset.done $0x0  }
0x110: {  	[sflag:s13] =	ssyncadd.s32 $0xFFFFF000  }
0x111: {  	_ =	swait.ge [sflag:s14], $0x200  }
0x112: {  	[sflag:s14] =	ssyncset.done $0x0  }
0x113: {  	[sflag:s14] =	ssyncadd.s32 $0xFFFFFE00  }
0x114: {  	[tilespmem:s15], [sflag:$0x4] =	stream.indirect.gather [hbm4b:s23+s6], $0x20, s31, s6, $0xb8;
	[tilespmem:$0x1CB00] =	vst v63  }
0x115: {  	_ = 	snop  }
0x116: {  	[tilespmem:s17], [sflag:$0x4] =	stream.indirect.gather [hbm4b:s23+s6], $0x20, s16, s6, $0xb8;
	[tilespmem:$0x1CB00] =	vst v63  }
0x117: {  	_ = 	snop  }
0x118: {  	[spmem:s2] =	stream.indirect.scatter.add.f32 [tilespmem:s7], [sflag:$0x5], $0x20, s18, s6, $0xb8;
	[tilespmem:$0x1CB00] =	vst v63  }
0x119: {  	_ =	swait.ge [sflag:s19], $0x1000  }
0x11a: {  	[sflag:s19] =	ssyncset.done $0x0  }
0x11b: {  	[sflag:s19] =	ssyncadd.s32 $0xFFFFF000  }
0x11c: {  	[spmem:s2] =	stream.indirect.scatter.add.f32 [tilespmem:s12], [sflag:$0x5], $0x20, s20, s6, $0xb8;
	[tilespmem:$0x1CB00] =	vst v63  }
0x11d: {  	_ =	swait.ge [sflag:s19], $0x1000  }
0x11e: {  	s1 =	sadd.s32 $0xFFFFCF80, s8;
	[sflag:s19] =	ssyncset.done $0x0  }
0x11f: {  	s9 =	sadd.s32 $0x3100, s1;
	[sflag:s19] =	ssyncadd.s32 $0xFFFFF000  }
0x120: {  	[tilespmem:s30], [sflag:$0x1] =	stream.linear.gather [hbm4b:s9+s3], $0x200, $0x38;
	[tilespmem:$0x1CB00] =	vst v63  }
0x121: {  	_ =	swait.ge [sflag:s21], $0x1000  }
0x122: {  	[sflag:s21] =	ssyncset.done $0x0  }
0x123: {  	[sflag:s21] =	ssyncadd.s32 $0xFFFFF000  }
0x124: {  	_ =	swait.ge [sflag:s21], $0x1000  }
0x125: {  	[sflag:s21] =	ssyncset.done $0x0  }
0x126: {  	[sflag:s21] =	ssyncadd.s32 $0xFFFFF000  }
0x127: {  	_ =	swait.ge [sflag:s0], $0x200  }
0x128: {  	[sflag:s0] =	ssyncset.done $0x0  }
0x129: {  	[sflag:s0] =	ssyncadd.s32 $0xFFFFFE00  }
0x12a: {  	[tilespmem:s7], [sflag:$0x3] =	stream.indirect.gather [hbm4b:s23+s6], $0x20, s30, s6, $0xb8;
	[tilespmem:$0x1CB00] =	vst v63  }
0x12b: {  	_ = 	snop  }
0x12c: {  	[tilespmem:s12], [sflag:$0x3] =	stream.indirect.gather [hbm4b:s23+s6], $0x20, s11, s6, $0xb8;
	[tilespmem:$0x1CB00] =	vst v63  }
0x12d: {  	_ = 	snop  }
0x12e: {  	[spmem:s2] =	stream.indirect.scatter.add.f32 [tilespmem:s15], [sflag:$0x5], $0x20, s22, s6, $0xb8;
	[tilespmem:$0x1CB00] =	vst v63  }
0x12f: {  	_ =	swait.ge [sflag:s19], $0x1000  }
0x130: {  	[sflag:s19] =	ssyncset.done $0x0  }
0x131: {  	[sflag:s19] =	ssyncadd.s32 $0xFFFFF000  }
0x132: {  	[spmem:s2] =	stream.indirect.scatter.add.f32 [tilespmem:s17], [sflag:$0x5], $0x20, s25, s6, $0xb8;
	[tilespmem:$0x1CB00] =	vst v63  }
0x133: {  	_ =	swait.ge [sflag:s19], $0x1000  }
0x134: {  	[sflag:s19] =	ssyncset.done $0x0  }
0x135: {  	s29 =	simm.s32 $0xFFFFD000;
	s9 =	sadd.s32 $0x3140, s1;
	[sflag:s19] =	ssyncadd.s32 $0xFFFFF000  }
.LBB2_5:
0x136: {  	[tilespmem:s31], [sflag:$0x2] =	stream.linear.gather [hbm4b:s9+s3], $0x200, $0x38;
	[tilespmem:$0x1CB00] =	vst v63  }
0x137: {  	s1 =	smov.u32 s29  }
0x138: {  	p2 =	seq.s32 s29, $0xFFFFFF80;
	s29 =	sadd.s32 $0x80, s29;
	_ =	swait.ge [sflag:s13], $0x1000  }
0x139: {  	[sflag:s13] =	ssyncset.done $0x0  }
0x13a: {  	[sflag:s13] =	ssyncadd.s32 $0xFFFFF000  }
0x13b: {  	_ =	swait.ge [sflag:s13], $0x1000  }
0x13c: {  	[sflag:s13] =	ssyncset.done $0x0  }
0x13d: {  	[sflag:s13] =	ssyncadd.s32 $0xFFFFF000  }
0x13e: {  	_ =	swait.ge [sflag:s14], $0x200  }
0x13f: {  	[sflag:s14] =	ssyncset.done $0x0  }
0x140: {  	[sflag:s14] =	ssyncadd.s32 $0xFFFFFE00  }
0x141: {  	[tilespmem:s15], [sflag:$0x4] =	stream.indirect.gather [hbm4b:s23+s6], $0x20, s31, s6, $0xb8;
	[tilespmem:$0x1CB00] =	vst v63  }
0x142: {  	_ = 	snop  }
0x143: {  	[tilespmem:s17], [sflag:$0x4] =	stream.indirect.gather [hbm4b:s23+s6], $0x20, s16, s6, $0xb8;
	[tilespmem:$0x1CB00] =	vst v63  }
0x144: {  	_ = 	snop  }
0x145: {  	[spmem:s2] =	stream.indirect.scatter.add.f32 [tilespmem:s7], [sflag:$0x5], $0x20, s18, s6, $0xb8;
	[tilespmem:$0x1CB00] =	vst v63  }
0x146: {  	_ =	swait.ge [sflag:s19], $0x1000  }
0x147: {  	[sflag:s19] =	ssyncset.done $0x0  }
0x148: {  	[sflag:s19] =	ssyncadd.s32 $0xFFFFF000  }
0x149: {  	[spmem:s2] =	stream.indirect.scatter.add.f32 [tilespmem:s12], [sflag:$0x5], $0x20, s20, s6, $0xb8;
	[tilespmem:$0x1CB00] =	vst v63  }
0x14a: {  	_ =	swait.ge [sflag:s19], $0x1000  }
0x14b: {  	s1 =	sadd.s32 s1, s8;
	[sflag:s19] =	ssyncset.done $0x0  }
0x14c: {  	s9 =	sadd.s32 $0x3100, s1;
	[sflag:s19] =	ssyncadd.s32 $0xFFFFF000  }
0x14d: {  	[tilespmem:s30], [sflag:$0x1] =	stream.linear.gather [hbm4b:s9+s3], $0x200, $0x38;
	[tilespmem:$0x1CB00] =	vst v63  }
0x14e: {  	_ =	swait.ge [sflag:s21], $0x1000  }
0x14f: {  	[sflag:s21] =	ssyncset.done $0x0  }
0x150: {  	[sflag:s21] =	ssyncadd.s32 $0xFFFFF000  }
0x151: {  	_ =	swait.ge [sflag:s21], $0x1000  }
0x152: {  	[sflag:s21] =	ssyncset.done $0x0  }
0x153: {  	[sflag:s21] =	ssyncadd.s32 $0xFFFFF000  }
0x154: {  	_ =	swait.ge [sflag:s0], $0x200  }
0x155: {  	[sflag:s0] =	ssyncset.done $0x0  }
0x156: {  	[sflag:s0] =	ssyncadd.s32 $0xFFFFFE00  }
0x157: {  	[tilespmem:s7], [sflag:$0x3] =	stream.indirect.gather [hbm4b:s23+s6], $0x20, s30, s6, $0xb8;
	[tilespmem:$0x1CB00] =	vst v63  }
0x158: {  	_ = 	snop  }
0x159: {  	[tilespmem:s12], [sflag:$0x3] =	stream.indirect.gather [hbm4b:s23+s6], $0x20, s11, s6, $0xb8;
	[tilespmem:$0x1CB00] =	vst v63  }
0x15a: {  	_ = 	snop  }
0x15b: {  	[spmem:s2] =	stream.indirect.scatter.add.f32 [tilespmem:s15], [sflag:$0x5], $0x20, s22, s6, $0xb8;
	[tilespmem:$0x1CB00] =	vst v63  }
0x15c: {  	_ =	swait.ge [sflag:s19], $0x1000  }
0x15d: {  	[sflag:s19] =	ssyncset.done $0x0  }
.Ltmp4:
0x15e: {  	[sflag:s19] =	ssyncadd.s32 $0xFFFFF000;
	(pc) =	sbr.rel @!p2 .LBB2_5-.Ltmp4, $4  }
0x15f: {  	[spmem:s2] =	stream.indirect.scatter.add.f32 [tilespmem:s17], [sflag:$0x5], $0x20, s25, s6, $0xb8;
	[tilespmem:$0x1CB00] =	vst v63  }
0x160: {  	_ =	swait.ge [sflag:s19], $0x1000  }
0x161: {  	[sflag:s19] =	ssyncset.done $0x0  }
0x162: {  	s9 =	sadd.s32 $0x3140, s1;
	[sflag:s19] =	ssyncadd.s32 $0xFFFFF000  }
0x163: {  	[tilespmem:s31], [sflag:$0x2] =	stream.linear.gather [hbm4b:s9+s3], $0x200, $0x38;
	[tilespmem:$0x1CB00] =	vst v63  }
0x164: {  	_ =	swait.ge [sflag:s13], $0x1000  }
0x165: {  	[sflag:s13] =	ssyncset.done $0x0  }
0x166: {  	[sflag:s13] =	ssyncadd.s32 $0xFFFFF000  }
0x167: {  	_ =	swait.ge [sflag:s13], $0x1000  }
0x168: {  	[sflag:s13] =	ssyncset.done $0x0  }
0x169: {  	[sflag:s13] =	ssyncadd.s32 $0xFFFFF000  }
0x16a: {  	_ =	swait.ge [sflag:s14], $0x200  }
0x16b: {  	[sflag:s14] =	ssyncset.done $0x0  }
0x16c: {  	[sflag:s14] =	ssyncadd.s32 $0xFFFFFE00  }
0x16d: {  	[tilespmem:s15], [sflag:$0x4] =	stream.indirect.gather [hbm4b:s23+s6], $0x20, s31, s6, $0xb8;
	[tilespmem:$0x1CB00] =	vst v63  }
0x16e: {  	_ = 	snop  }
0x16f: {  	[tilespmem:s17], [sflag:$0x4] =	stream.indirect.gather [hbm4b:s23+s6], $0x20, s16, s6, $0xb8;
	[tilespmem:$0x1CB00] =	vst v63  }
0x170: {  	_ = 	snop  }
0x171: {  	[spmem:s2] =	stream.indirect.scatter.add.f32 [tilespmem:s7], [sflag:$0x5], $0x20, s18, s6, $0xb8;
	[tilespmem:$0x1CB00] =	vst v63  }
0x172: {  	_ =	swait.ge [sflag:s19], $0x1000  }
0x173: {  	[sflag:s19] =	ssyncset.done $0x0  }
0x174: {  	[sflag:s19] =	ssyncadd.s32 $0xFFFFF000  }
0x175: {  	[spmem:s2] =	stream.indirect.scatter.add.f32 [tilespmem:s12], [sflag:$0x5], $0x20, s20, s6, $0xb8;
	[tilespmem:$0x1CB00] =	vst v63  }
0x176: {  	_ =	swait.ge [sflag:s19], $0x1000  }
0x177: {  	[sflag:s19] =	ssyncset.done $0x0  }
0x178: {  	[sflag:s19] =	ssyncadd.s32 $0xFFFFF000  }
0x179: {  	_ =	swait.ge [sflag:s21], $0x1000  }
0x17a: {  	[sflag:s21] =	ssyncset.done $0x0  }
0x17b: {  	[sflag:s21] =	ssyncadd.s32 $0xFFFFF000  }
0x17c: {  	_ =	swait.ge [sflag:s21], $0x1000  }
0x17d: {  	[sflag:s21] =	ssyncset.done $0x0  }
0x17e: {  	[sflag:s21] =	ssyncadd.s32 $0xFFFFF000  }
0x17f: {  	[spmem:s2] =	stream.indirect.scatter.add.f32 [tilespmem:s15], [sflag:$0x5], $0x20, s22, s6, $0xb8;
	[tilespmem:$0x1CB00] =	vst v63  }
0x180: {  	_ =	swait.ge [sflag:s19], $0x1000  }
0x181: {  	[sflag:s19] =	ssyncset.done $0x0  }
0x182: {  	[sflag:s19] =	ssyncadd.s32 $0xFFFFF000  }
0x183: {  	[spmem:s2] =	stream.indirect.scatter.add.f32 [tilespmem:s17], [sflag:$0x5], $0x20, s25, s6, $0xb8;
	[tilespmem:$0x1CB00] =	vst v63  }
0x184: {  	_ =	swait.ge [sflag:s19], $0x1000  }
0x185: {  	[sflag:s19] =	ssyncset.done $0x0  }
0x186: {  	[sflag:s19] =	ssyncadd.s32 $0xFFFFF000  }
0x187: {  	[bflag:$0x0] =	sbarrier.arrive $0xFFFF  }
0x188: {  	s1 =	simm.s32 @p1 $0x1FC5;
	s9 =	rddreg [dreg:$0x14]  }
0x189: {  	[hbm:s9], [sflag:s1] =	dma.local @p1 [spmem:s28], $0x1F40  }
0x18a: {  	s1 =	simm.s32 @p1 $0x5  }
0x18b: {  	_ =	swait.ge @p1 [sflag:s1], $0x1F40  }
0x18c: {  	[sflag:s1] =	ssyncset.done @p1 $0x0;
	s9 =	rddreg [dreg:$0x17]  }
0x18d: {  	[sflag:s1] =	ssyncadd.s32 @p1 $0xFFFFE0C0;
	s1 =	rddreg [dreg:$0x11]  }
0x18e: {  	[hbm:s1], [sflag:s5] =	dma.local @!p1 [spmem:s9], $0x3200  }
.Ltmp5:
0x18f: {  	_ = 	snop;
	(pc) =	sbr.rel .LBB2_12-.Ltmp5, $4  }
0x190: {  	s1 =	simm.s32 @!p1 $0x5  }
0x191: {  	_ =	swait.ge @!p1 [sflag:s1], $0x3200  }
0x192: {  	[sflag:s1] =	ssyncset.done @!p1 $0x0  }
0x193: {  	[sflag:s1] =	ssyncadd.s32 @!p1 $0xFFFFCE00  }
.LBB2_7:
0x194: {  	s9 =	simm.s32 @p1 $0x1FC5;
	s1 =	rddreg [dreg:$0x5]  }
0x195: {  	[spmem:s28], [sflag:s9] =	dma.local @p1 [hbm:s1], $0x1F40  }
0x196: {  	s9 =	simm.s32 @p1 $0x5  }
0x197: {  	_ =	swait.ge @p1 [sflag:s9], $0x1F40  }
0x198: {  	[sflag:s9] =	ssyncset.done @p1 $0x0  }
0x199: {  	s1 =	rddreg [dreg:$0x4];
	[sflag:s9] =	ssyncadd.s32 @p1 $0xFFFFE0C0;
	s9 =	simm.s32 @!p1 $0x5  }
0x19a: {  	[spmem:s29], [sflag:s5] =	dma.local @!p1 [hbm:s1], $0x3200  }
0x19b: {  	_ =	swait.ge @!p1 [sflag:s9], $0x3200  }
0x19c: {  	[sflag:s9] =	ssyncset.done @!p1 $0x0  }
0x19d: {  	[sflag:s9] =	ssyncadd.s32 @!p1 $0xFFFFCE00  }
0x19e: {  	[bflag:$0x0] =	sbarrier.arrive $0xFFFF  }
0x19f: {  	[tilespmem:s30], [sflag:$0x1] =	stream.linear.gather [hbm4b:s8+s3], $0x200, $0x38;
	[tilespmem:$0x1CB00] =	vst v63  }
0x1a0: {  	s9 =	rddreg [dreg:$0x6]  }
0x1a1: {  	[tilespmem:s31], [sflag:$0x2] =	stream.linear.gather [hbm4b:s9+s3], $0x200, $0x38;
	[tilespmem:$0x1CB00] =	vst v63  }
0x1a2: {  	_ =	swait.ge [sflag:s0], $0x200  }
0x1a3: {  	[sflag:s0] =	ssyncset.done $0x0  }
0x1a4: {  	[sflag:s0] =	ssyncadd.s32 $0xFFFFFE00  }
0x1a5: {  	[tilespmem:s7], [sflag:$0x3] =	stream.indirect.gather [hbm4b:s10+s6], $0x20, s30, s6, $0xb8;
	[tilespmem:$0x1CB00] =	vst v63  }
0x1a6: {  	_ = 	snop  }
0x1a7: {  	[tilespmem:s12], [sflag:$0x3] =	stream.indirect.gather [hbm4b:s10+s6], $0x20, s11, s6, $0xb8;
	[tilespmem:$0x1CB00] =	vst v63  }
0x1a8: {  	_ =	swait.ge [sflag:s13], $0x1000  }
0x1a9: {  	[sflag:s13] =	ssyncset.done $0x0  }
0x1aa: {  	[sflag:s13] =	ssyncadd.s32 $0xFFFFF000  }
0x1ab: {  	_ =	swait.ge [sflag:s13], $0x1000  }
0x1ac: {  	[sflag:s13] =	ssyncset.done $0x0  }
0x1ad: {  	[sflag:s13] =	ssyncadd.s32 $0xFFFFF000  }
0x1ae: {  	_ =	swait.ge [sflag:s14], $0x200  }
0x1af: {  	[sflag:s14] =	ssyncset.done $0x0  }
0x1b0: {  	[sflag:s14] =	ssyncadd.s32 $0xFFFFFE00  }
0x1b1: {  	[tilespmem:s15], [sflag:$0x4] =	stream.indirect.gather [hbm4b:s10+s6], $0x20, s31, s6, $0xb8;
	[tilespmem:$0x1CB00] =	vst v63  }
0x1b2: {  	_ = 	snop  }
0x1b3: {  	[tilespmem:s17], [sflag:$0x4] =	stream.indirect.gather [hbm4b:s10+s6], $0x20, s16, s6, $0xb8;
	[tilespmem:$0x1CB00] =	vst v63  }
0x1b4: {  	_ = 	snop  }
0x1b5: {  	[spmem:s2] =	stream.indirect.scatter.add.f32 [tilespmem:s7], [sflag:$0x5], $0x20, s18, s6, $0xb8;
	[tilespmem:$0x1CB00] =	vst v63  }
0x1b6: {  	_ =	swait.ge [sflag:s19], $0x1000  }
0x1b7: {  	[sflag:s19] =	ssyncset.done $0x0  }
0x1b8: {  	[sflag:s19] =	ssyncadd.s32 $0xFFFFF000  }
0x1b9: {  	[spmem:s2] =	stream.indirect.scatter.add.f32 [tilespmem:s12], [sflag:$0x5], $0x20, s20, s6, $0xb8;
	[tilespmem:$0x1CB00] =	vst v63  }
0x1ba: {  	_ =	swait.ge [sflag:s19], $0x1000  }
0x1bb: {  	s1 =	sadd.s32 $0xFFFFCF80, s8;
	[sflag:s19] =	ssyncset.done $0x0  }
0x1bc: {  	s9 =	sadd.s32 $0x3100, s1;
	[sflag:s19] =	ssyncadd.s32 $0xFFFFF000  }
0x1bd: {  	[tilespmem:s30], [sflag:$0x1] =	stream.linear.gather [hbm4b:s9+s3], $0x200, $0x38;
	[tilespmem:$0x1CB00] =	vst v63  }
0x1be: {  	_ =	swait.ge [sflag:s21], $0x1000  }
0x1bf: {  	[sflag:s21] =	ssyncset.done $0x0  }
0x1c0: {  	[sflag:s21] =	ssyncadd.s32 $0xFFFFF000  }
0x1c1: {  	_ =	swait.ge [sflag:s21], $0x1000  }
0x1c2: {  	[sflag:s21] =	ssyncset.done $0x0  }
0x1c3: {  	[sflag:s21] =	ssyncadd.s32 $0xFFFFF000  }
0x1c4: {  	_ =	swait.ge [sflag:s0], $0x200  }
0x1c5: {  	[sflag:s0] =	ssyncset.done $0x0  }
0x1c6: {  	[sflag:s0] =	ssyncadd.s32 $0xFFFFFE00  }
0x1c7: {  	[tilespmem:s7], [sflag:$0x3] =	stream.indirect.gather [hbm4b:s10+s6], $0x20, s30, s6, $0xb8;
	[tilespmem:$0x1CB00] =	vst v63  }
0x1c8: {  	_ = 	snop  }
0x1c9: {  	[tilespmem:s12], [sflag:$0x3] =	stream.indirect.gather [hbm4b:s10+s6], $0x20, s11, s6, $0xb8;
	[tilespmem:$0x1CB00] =	vst v63  }
0x1ca: {  	_ = 	snop  }
0x1cb: {  	[spmem:s2] =	stream.indirect.scatter.add.f32 [tilespmem:s15], [sflag:$0x5], $0x20, s22, s6, $0xb8;
	[tilespmem:$0x1CB00] =	vst v63  }
0x1cc: {  	_ =	swait.ge [sflag:s19], $0x1000  }
0x1cd: {  	[sflag:s19] =	ssyncset.done $0x0  }
0x1ce: {  	[sflag:s19] =	ssyncadd.s32 $0xFFFFF000  }
0x1cf: {  	[spmem:s2] =	stream.indirect.scatter.add.f32 [tilespmem:s17], [sflag:$0x5], $0x20, s25, s6, $0xb8;
	[tilespmem:$0x1CB00] =	vst v63  }
0x1d0: {  	_ =	swait.ge [sflag:s19], $0x1000  }
0x1d1: {  	[sflag:s19] =	ssyncset.done $0x0  }
0x1d2: {  	s29 =	simm.s32 $0xFFFFD000;
	s9 =	sadd.s32 $0x3140, s1;
	[sflag:s19] =	ssyncadd.s32 $0xFFFFF000  }
.LBB2_8:
0x1d3: {  	[tilespmem:s31], [sflag:$0x2] =	stream.linear.gather [hbm4b:s9+s3], $0x200, $0x38;
	[tilespmem:$0x1CB00] =	vst v63  }
0x1d4: {  	s1 =	smov.u32 s29  }
0x1d5: {  	p2 =	sne.s32 s29, $0xFFFFFF80;
	s29 =	sadd.s32 $0x80, s29;
	_ =	swait.ge [sflag:s13], $0x1000  }
0x1d6: {  	[sflag:s13] =	ssyncset.done $0x0  }
0x1d7: {  	[sflag:s13] =	ssyncadd.s32 $0xFFFFF000  }
0x1d8: {  	_ =	swait.ge [sflag:s13], $0x1000  }
0x1d9: {  	[sflag:s13] =	ssyncset.done $0x0  }
0x1da: {  	[sflag:s13] =	ssyncadd.s32 $0xFFFFF000  }
0x1db: {  	_ =	swait.ge [sflag:s14], $0x200  }
0x1dc: {  	[sflag:s14] =	ssyncset.done $0x0  }
0x1dd: {  	[sflag:s14] =	ssyncadd.s32 $0xFFFFFE00  }
0x1de: {  	[tilespmem:s15], [sflag:$0x4] =	stream.indirect.gather [hbm4b:s10+s6], $0x20, s31, s6, $0xb8;
	[tilespmem:$0x1CB00] =	vst v63  }
0x1df: {  	_ = 	snop  }
0x1e0: {  	[tilespmem:s17], [sflag:$0x4] =	stream.indirect.gather [hbm4b:s10+s6], $0x20, s16, s6, $0xb8;
	[tilespmem:$0x1CB00] =	vst v63  }
0x1e1: {  	_ = 	snop  }
0x1e2: {  	[spmem:s2] =	stream.indirect.scatter.add.f32 [tilespmem:s7], [sflag:$0x5], $0x20, s18, s6, $0xb8;
	[tilespmem:$0x1CB00] =	vst v63  }
0x1e3: {  	_ =	swait.ge [sflag:s19], $0x1000  }
0x1e4: {  	[sflag:s19] =	ssyncset.done $0x0  }
0x1e5: {  	[sflag:s19] =	ssyncadd.s32 $0xFFFFF000  }
0x1e6: {  	[spmem:s2] =	stream.indirect.scatter.add.f32 [tilespmem:s12], [sflag:$0x5], $0x20, s20, s6, $0xb8;
	[tilespmem:$0x1CB00] =	vst v63  }
0x1e7: {  	_ =	swait.ge [sflag:s19], $0x1000  }
0x1e8: {  	s1 =	sadd.s32 s1, s8;
	[sflag:s19] =	ssyncset.done $0x0  }
0x1e9: {  	s9 =	sadd.s32 $0x3100, s1;
	[sflag:s19] =	ssyncadd.s32 $0xFFFFF000  }
0x1ea: {  	[tilespmem:s30], [sflag:$0x1] =	stream.linear.gather [hbm4b:s9+s3], $0x200, $0x38;
	[tilespmem:$0x1CB00] =	vst v63  }
0x1eb: {  	_ =	swait.ge [sflag:s21], $0x1000  }
0x1ec: {  	[sflag:s21] =	ssyncset.done $0x0  }
0x1ed: {  	[sflag:s21] =	ssyncadd.s32 $0xFFFFF000  }
0x1ee: {  	_ =	swait.ge [sflag:s21], $0x1000  }
0x1ef: {  	[sflag:s21] =	ssyncset.done $0x0  }
0x1f0: {  	[sflag:s21] =	ssyncadd.s32 $0xFFFFF000  }
0x1f1: {  	_ =	swait.ge [sflag:s0], $0x200  }
0x1f2: {  	[sflag:s0] =	ssyncset.done $0x0  }
0x1f3: {  	[sflag:s0] =	ssyncadd.s32 $0xFFFFFE00  }
0x1f4: {  	[tilespmem:s7], [sflag:$0x3] =	stream.indirect.gather [hbm4b:s10+s6], $0x20, s30, s6, $0xb8;
	[tilespmem:$0x1CB00] =	vst v63  }
0x1f5: {  	_ = 	snop  }
0x1f6: {  	[tilespmem:s12], [sflag:$0x3] =	stream.indirect.gather [hbm4b:s10+s6], $0x20, s11, s6, $0xb8;
	[tilespmem:$0x1CB00] =	vst v63  }
0x1f7: {  	_ = 	snop  }
0x1f8: {  	[spmem:s2] =	stream.indirect.scatter.add.f32 [tilespmem:s15], [sflag:$0x5], $0x20, s22, s6, $0xb8;
	[tilespmem:$0x1CB00] =	vst v63  }
0x1f9: {  	_ =	swait.ge [sflag:s19], $0x1000  }
0x1fa: {  	[sflag:s19] =	ssyncset.done $0x0  }
.Ltmp6:
0x1fb: {  	[sflag:s19] =	ssyncadd.s32 $0xFFFFF000;
	(pc) =	sbr.rel @p2 .LBB2_8-.Ltmp6, $4  }
0x1fc: {  	[spmem:s2] =	stream.indirect.scatter.add.f32 [tilespmem:s17], [sflag:$0x5], $0x20, s25, s6, $0xb8;
	[tilespmem:$0x1CB00] =	vst v63  }
0x1fd: {  	_ =	swait.ge [sflag:s19], $0x1000  }
0x1fe: {  	[sflag:s19] =	ssyncset.done $0x0  }
0x1ff: {  	s9 =	sadd.s32 $0x3140, s1;
	[sflag:s19] =	ssyncadd.s32 $0xFFFFF000  }
0x200: {  	[tilespmem:s31], [sflag:$0x2] =	stream.linear.gather [hbm4b:s9+s3], $0x200, $0x38;
	[tilespmem:$0x1CB00] =	vst v63  }
0x201: {  	_ =	swait.ge [sflag:s13], $0x1000  }
0x202: {  	[sflag:s13] =	ssyncset.done $0x0  }
0x203: {  	[sflag:s13] =	ssyncadd.s32 $0xFFFFF000  }
0x204: {  	_ =	swait.ge [sflag:s13], $0x1000  }
0x205: {  	[sflag:s13] =	ssyncset.done $0x0  }
0x206: {  	[sflag:s13] =	ssyncadd.s32 $0xFFFFF000  }
0x207: {  	_ =	swait.ge [sflag:s14], $0x200  }
0x208: {  	[sflag:s14] =	ssyncset.done $0x0  }
0x209: {  	[sflag:s14] =	ssyncadd.s32 $0xFFFFFE00  }
0x20a: {  	[tilespmem:s15], [sflag:$0x4] =	stream.indirect.gather [hbm4b:s10+s6], $0x20, s31, s6, $0xb8;
	[tilespmem:$0x1CB00] =	vst v63  }
0x20b: {  	_ = 	snop  }
0x20c: {  	[tilespmem:s17], [sflag:$0x4] =	stream.indirect.gather [hbm4b:s10+s6], $0x20, s16, s6, $0xb8;
	[tilespmem:$0x1CB00] =	vst v63  }
0x20d: {  	_ = 	snop  }
0x20e: {  	[spmem:s2] =	stream.indirect.scatter.add.f32 [tilespmem:s7], [sflag:$0x5], $0x20, s18, s6, $0xb8;
	[tilespmem:$0x1CB00] =	vst v63  }
0x20f: {  	_ =	swait.ge [sflag:s19], $0x1000  }
0x210: {  	[sflag:s19] =	ssyncset.done $0x0  }
0x211: {  	[sflag:s19] =	ssyncadd.s32 $0xFFFFF000  }
0x212: {  	[spmem:s2] =	stream.indirect.scatter.add.f32 [tilespmem:s12], [sflag:$0x5], $0x20, s20, s6, $0xb8;
	[tilespmem:$0x1CB00] =	vst v63  }
0x213: {  	_ =	swait.ge [sflag:s19], $0x1000  }
0x214: {  	[sflag:s19] =	ssyncset.done $0x0  }
0x215: {  	[sflag:s19] =	ssyncadd.s32 $0xFFFFF000  }
0x216: {  	_ =	swait.ge [sflag:s21], $0x1000  }
0x217: {  	[sflag:s21] =	ssyncset.done $0x0  }
0x218: {  	[sflag:s21] =	ssyncadd.s32 $0xFFFFF000  }
0x219: {  	_ =	swait.ge [sflag:s21], $0x1000  }
0x21a: {  	[sflag:s21] =	ssyncset.done $0x0  }
0x21b: {  	[sflag:s21] =	ssyncadd.s32 $0xFFFFF000  }
0x21c: {  	[spmem:s2] =	stream.indirect.scatter.add.f32 [tilespmem:s15], [sflag:$0x5], $0x20, s22, s6, $0xb8;
	[tilespmem:$0x1CB00] =	vst v63  }
0x21d: {  	_ =	swait.ge [sflag:s19], $0x1000  }
0x21e: {  	[sflag:s19] =	ssyncset.done $0x0  }
0x21f: {  	[sflag:s19] =	ssyncadd.s32 $0xFFFFF000  }
0x220: {  	[spmem:s2] =	stream.indirect.scatter.add.f32 [tilespmem:s17], [sflag:$0x5], $0x20, s25, s6, $0xb8;
	[tilespmem:$0x1CB00] =	vst v63  }
0x221: {  	_ =	swait.ge [sflag:s19], $0x1000  }
0x222: {  	[sflag:s19] =	ssyncset.done $0x0  }
0x223: {  	[sflag:s19] =	ssyncadd.s32 $0xFFFFF000  }
0x224: {  	[bflag:$0x0] =	sbarrier.arrive $0xFFFF  }
0x225: {  	s1 =	simm.s32 @p1 $0x1FC5;
	s9 =	rddreg [dreg:$0x9]  }
0x226: {  	[hbm:s9], [sflag:s1] =	dma.local @p1 [spmem:s28], $0x1F40  }
0x227: {  	s9 =	simm.s32 @p1 $0x5  }
0x228: {  	_ =	swait.ge @p1 [sflag:s9], $0x1F40  }
0x229: {  	[sflag:s9] =	ssyncset.done @p1 $0x0  }
0x22a: {  	[sflag:s9] =	ssyncadd.s32 @p1 $0xFFFFE0C0  }
0x22b: {  	[bflag:$0x0] =	sbarrier.arrive @p1 $0xFFFF  }
0x22c: {  	s29 =	rddreg [dreg:$0xa]  }
0x22d: {  	[spmem:s28], [sflag:s1] =	dma.local @p1 [hbm:s29], $0x1F40  }
0x22e: {  	_ =	swait.ge @p1 [sflag:s9], $0x1F40  }
0x22f: {  	[sflag:s9] =	ssyncset.done @p1 $0x0;
	s1 =	rddreg [dreg:$0x7]  }
0x230: {  	s29 =	rddreg [dreg:$0x17];
	[sflag:s9] =	ssyncadd.s32 @p1 $0xFFFFE0C0  }
0x231: {  	[hbm:s1], [sflag:s5] =	dma.local @!p1 [spmem:s29], $0x3200  }
0x232: {  	s1 =	simm.s32 @!p1 $0x5  }
0x233: {  	_ =	swait.ge @!p1 [sflag:s1], $0x3200  }
0x234: {  	[sflag:s1] =	ssyncset.done @!p1 $0x0  }
0x235: {  	[sflag:s1] =	ssyncadd.s32 @!p1 $0xFFFFCE00  }
0x236: {  	[bflag:$0x0] =	sbarrier.arrive @!p1 $0xFFFF  }
0x237: {  	s9 =	rddreg [dreg:$0x8]  }
0x238: {  	[spmem:s29], [sflag:s5] =	dma.local @!p1 [hbm:s9], $0x3200  }
0x239: {  	_ =	swait.ge @!p1 [sflag:s1], $0x3200  }
0x23a: {  	[sflag:s1] =	ssyncset.done @!p1 $0x0  }
0x23b: {  	[sflag:s1] =	ssyncadd.s32 @!p1 $0xFFFFCE00  }
0x23c: {  	[bflag:$0x0] =	sbarrier.arrive $0xFFFF  }
0x23d: {  	[tilespmem:s30], [sflag:$0x1] =	stream.linear.gather [hbm4b:s8+s3], $0x200, $0x38;
	[tilespmem:$0x1CB00] =	vst v63  }
0x23e: {  	s9 =	rddreg [dreg:$0x6]  }
0x23f: {  	[tilespmem:s31], [sflag:$0x2] =	stream.linear.gather [hbm4b:s9+s3], $0x200, $0x38;
	[tilespmem:$0x1CB00] =	vst v63  }
0x240: {  	_ =	swait.ge [sflag:s0], $0x200  }
0x241: {  	[sflag:s0] =	ssyncset.done $0x0  }
0x242: {  	[sflag:s0] =	ssyncadd.s32 $0xFFFFFE00  }
0x243: {  	[tilespmem:s7], [sflag:$0x3] =	stream.indirect.gather [hbm4b:s24+s6], $0x20, s30, s6, $0xb8;
	[tilespmem:$0x1CB00] =	vst v63  }
0x244: {  	_ = 	snop  }
0x245: {  	[tilespmem:s12], [sflag:$0x3] =	stream.indirect.gather [hbm4b:s24+s6], $0x20, s11, s6, $0xb8;
	[tilespmem:$0x1CB00] =	vst v63  }
0x246: {  	_ =	swait.ge [sflag:s13], $0x1000  }
0x247: {  	[sflag:s13] =	ssyncset.done $0x0  }
0x248: {  	[sflag:s13] =	ssyncadd.s32 $0xFFFFF000  }
0x249: {  	_ =	swait.ge [sflag:s13], $0x1000  }
0x24a: {  	[sflag:s13] =	ssyncset.done $0x0  }
0x24b: {  	[sflag:s13] =	ssyncadd.s32 $0xFFFFF000  }
0x24c: {  	_ =	swait.ge [sflag:s14], $0x200  }
0x24d: {  	[sflag:s14] =	ssyncset.done $0x0  }
0x24e: {  	[sflag:s14] =	ssyncadd.s32 $0xFFFFFE00  }
0x24f: {  	[tilespmem:s15], [sflag:$0x4] =	stream.indirect.gather [hbm4b:s24+s6], $0x20, s31, s6, $0xb8;
	[tilespmem:$0x1CB00] =	vst v63  }
0x250: {  	_ = 	snop  }
0x251: {  	[tilespmem:s17], [sflag:$0x4] =	stream.indirect.gather [hbm4b:s24+s6], $0x20, s16, s6, $0xb8;
	[tilespmem:$0x1CB00] =	vst v63  }
0x252: {  	_ = 	snop  }
0x253: {  	[spmem:s2] =	stream.indirect.scatter.add.f32 [tilespmem:s7], [sflag:$0x5], $0x20, s18, s6, $0xb8;
	[tilespmem:$0x1CB00] =	vst v63  }
0x254: {  	_ =	swait.ge [sflag:s19], $0x1000  }
0x255: {  	[sflag:s19] =	ssyncset.done $0x0  }
0x256: {  	[sflag:s19] =	ssyncadd.s32 $0xFFFFF000  }
0x257: {  	[spmem:s2] =	stream.indirect.scatter.add.f32 [tilespmem:s12], [sflag:$0x5], $0x20, s20, s6, $0xb8;
	[tilespmem:$0x1CB00] =	vst v63  }
0x258: {  	_ =	swait.ge [sflag:s19], $0x1000  }
0x259: {  	s1 =	sadd.s32 $0xFFFFCF80, s8;
	[sflag:s19] =	ssyncset.done $0x0  }
0x25a: {  	s9 =	sadd.s32 $0x3100, s1;
	[sflag:s19] =	ssyncadd.s32 $0xFFFFF000  }
0x25b: {  	[tilespmem:s30], [sflag:$0x1] =	stream.linear.gather [hbm4b:s9+s3], $0x200, $0x38;
	[tilespmem:$0x1CB00] =	vst v63  }
0x25c: {  	_ =	swait.ge [sflag:s21], $0x1000  }
0x25d: {  	[sflag:s21] =	ssyncset.done $0x0  }
0x25e: {  	[sflag:s21] =	ssyncadd.s32 $0xFFFFF000  }
0x25f: {  	_ =	swait.ge [sflag:s21], $0x1000  }
0x260: {  	[sflag:s21] =	ssyncset.done $0x0  }
0x261: {  	[sflag:s21] =	ssyncadd.s32 $0xFFFFF000  }
0x262: {  	_ =	swait.ge [sflag:s0], $0x200  }
0x263: {  	[sflag:s0] =	ssyncset.done $0x0  }
0x264: {  	[sflag:s0] =	ssyncadd.s32 $0xFFFFFE00  }
0x265: {  	[tilespmem:s7], [sflag:$0x3] =	stream.indirect.gather [hbm4b:s24+s6], $0x20, s30, s6, $0xb8;
	[tilespmem:$0x1CB00] =	vst v63  }
0x266: {  	_ = 	snop  }
0x267: {  	[tilespmem:s12], [sflag:$0x3] =	stream.indirect.gather [hbm4b:s24+s6], $0x20, s11, s6, $0xb8;
	[tilespmem:$0x1CB00] =	vst v63  }
0x268: {  	_ = 	snop  }
0x269: {  	[spmem:s2] =	stream.indirect.scatter.add.f32 [tilespmem:s15], [sflag:$0x5], $0x20, s22, s6, $0xb8;
	[tilespmem:$0x1CB00] =	vst v63  }
0x26a: {  	_ =	swait.ge [sflag:s19], $0x1000  }
0x26b: {  	[sflag:s19] =	ssyncset.done $0x0  }
0x26c: {  	[sflag:s19] =	ssyncadd.s32 $0xFFFFF000  }
0x26d: {  	[spmem:s2] =	stream.indirect.scatter.add.f32 [tilespmem:s17], [sflag:$0x5], $0x20, s25, s6, $0xb8;
	[tilespmem:$0x1CB00] =	vst v63  }
0x26e: {  	_ =	swait.ge [sflag:s19], $0x1000  }
0x26f: {  	[sflag:s19] =	ssyncset.done $0x0  }
0x270: {  	s29 =	simm.s32 $0xFFFFD000;
	s9 =	sadd.s32 $0x3140, s1;
	[sflag:s19] =	ssyncadd.s32 $0xFFFFF000  }
.LBB2_10:
0x271: {  	[tilespmem:s31], [sflag:$0x2] =	stream.linear.gather [hbm4b:s9+s3], $0x200, $0x38;
	[tilespmem:$0x1CB00] =	vst v63  }
0x272: {  	s1 =	smov.u32 s29  }
0x273: {  	p2 =	seq.s32 s29, $0xFFFFFF80;
	s29 =	sadd.s32 $0x80, s29;
	_ =	swait.ge [sflag:s13], $0x1000  }
0x274: {  	[sflag:s13] =	ssyncset.done $0x0  }
0x275: {  	[sflag:s13] =	ssyncadd.s32 $0xFFFFF000  }
0x276: {  	_ =	swait.ge [sflag:s13], $0x1000  }
0x277: {  	[sflag:s13] =	ssyncset.done $0x0  }
0x278: {  	[sflag:s13] =	ssyncadd.s32 $0xFFFFF000  }
0x279: {  	_ =	swait.ge [sflag:s14], $0x200  }
0x27a: {  	[sflag:s14] =	ssyncset.done $0x0  }
0x27b: {  	[sflag:s14] =	ssyncadd.s32 $0xFFFFFE00  }
0x27c: {  	[tilespmem:s15], [sflag:$0x4] =	stream.indirect.gather [hbm4b:s24+s6], $0x20, s31, s6, $0xb8;
	[tilespmem:$0x1CB00] =	vst v63  }
0x27d: {  	_ = 	snop  }
0x27e: {  	[tilespmem:s17], [sflag:$0x4] =	stream.indirect.gather [hbm4b:s24+s6], $0x20, s16, s6, $0xb8;
	[tilespmem:$0x1CB00] =	vst v63  }
0x27f: {  	_ = 	snop  }
0x280: {  	[spmem:s2] =	stream.indirect.scatter.add.f32 [tilespmem:s7], [sflag:$0x5], $0x20, s18, s6, $0xb8;
	[tilespmem:$0x1CB00] =	vst v63  }
0x281: {  	_ =	swait.ge [sflag:s19], $0x1000  }
0x282: {  	[sflag:s19] =	ssyncset.done $0x0  }
0x283: {  	[sflag:s19] =	ssyncadd.s32 $0xFFFFF000  }
0x284: {  	[spmem:s2] =	stream.indirect.scatter.add.f32 [tilespmem:s12], [sflag:$0x5], $0x20, s20, s6, $0xb8;
	[tilespmem:$0x1CB00] =	vst v63  }
0x285: {  	_ =	swait.ge [sflag:s19], $0x1000  }
0x286: {  	s1 =	sadd.s32 s1, s8;
	[sflag:s19] =	ssyncset.done $0x0  }
0x287: {  	s9 =	sadd.s32 $0x3100, s1;
	[sflag:s19] =	ssyncadd.s32 $0xFFFFF000  }
0x288: {  	[tilespmem:s30], [sflag:$0x1] =	stream.linear.gather [hbm4b:s9+s3], $0x200, $0x38;
	[tilespmem:$0x1CB00] =	vst v63  }
0x289: {  	_ =	swait.ge [sflag:s21], $0x1000  }
0x28a: {  	[sflag:s21] =	ssyncset.done $0x0  }
0x28b: {  	[sflag:s21] =	ssyncadd.s32 $0xFFFFF000  }
0x28c: {  	_ =	swait.ge [sflag:s21], $0x1000  }
0x28d: {  	[sflag:s21] =	ssyncset.done $0x0  }
0x28e: {  	[sflag:s21] =	ssyncadd.s32 $0xFFFFF000  }
0x28f: {  	_ =	swait.ge [sflag:s0], $0x200  }
0x290: {  	[sflag:s0] =	ssyncset.done $0x0  }
0x291: {  	[sflag:s0] =	ssyncadd.s32 $0xFFFFFE00  }
0x292: {  	[tilespmem:s7], [sflag:$0x3] =	stream.indirect.gather [hbm4b:s24+s6], $0x20, s30, s6, $0xb8;
	[tilespmem:$0x1CB00] =	vst v63  }
0x293: {  	_ = 	snop  }
0x294: {  	[tilespmem:s12], [sflag:$0x3] =	stream.indirect.gather [hbm4b:s24+s6], $0x20, s11, s6, $0xb8;
	[tilespmem:$0x1CB00] =	vst v63  }
0x295: {  	_ = 	snop  }
0x296: {  	[spmem:s2] =	stream.indirect.scatter.add.f32 [tilespmem:s15], [sflag:$0x5], $0x20, s22, s6, $0xb8;
	[tilespmem:$0x1CB00] =	vst v63  }
0x297: {  	_ =	swait.ge [sflag:s19], $0x1000  }
0x298: {  	[sflag:s19] =	ssyncset.done $0x0  }
.Ltmp7:
0x299: {  	[sflag:s19] =	ssyncadd.s32 $0xFFFFF000;
	(pc) =	sbr.rel @!p2 .LBB2_10-.Ltmp7, $4  }
0x29a: {  	[spmem:s2] =	stream.indirect.scatter.add.f32 [tilespmem:s17], [sflag:$0x5], $0x20, s25, s6, $0xb8;
	[tilespmem:$0x1CB00] =	vst v63  }
0x29b: {  	_ =	swait.ge [sflag:s19], $0x1000  }
0x29c: {  	[sflag:s19] =	ssyncset.done $0x0  }
0x29d: {  	s9 =	sadd.s32 $0x3140, s1;
	[sflag:s19] =	ssyncadd.s32 $0xFFFFF000  }
.Ltmp8:
0x29e: {  	_ = 	snop;
	(pc) =	sbr.rel .LBB2_11-.Ltmp8, $1  }
0x29f: {  	_ =	sdelay $0x3  }
.LBB2_13:
0x2a0: {  	_ =	sfence.sel $0x180000  }
0x2a1: {  	[bflag:$0x0] =	sbarrier.arrive $0xFFFF  }
0x2a2: {  	_ =	strace $0x90000047  }
0x2a3: {  	s0 =	stileid.u32;
	[bflag:$0x2] =	sbarrier.arrive $0xFFFF  }
0x2a4: {  	p0 =	sne.s32 s0, $0x0;
	s0 =	rddreg [dreg:$0x2]  }
0x2a5: {  	s0 =	sadd.s32 @!p0 $0x100000, s0  }
0x2a6: {  	[sflag:s0] =	ssyncadd.tile.s32 @!p0 $0x1;
	_ =	shalt  }
.Lfunc_end2:
_tile_overlayer_lowered:
.L_overlay_start_2:
0x2a7: {  	(tag) =	ssettag $0x2  }
0x2a8: {  	s0 =	rddreg [dreg:$0x0];
	s2 =	stileid.u32  }
0x2a9: {  	s1 =	rddreg [dreg:$0x1];
	p0 =	sne.s32 s2, $0x0  }
0x2aa: {  	s3 =	rddreg [dreg:$0x2];
	[bflag:$0x3] =	sbarrier.arrive $0xFFFF;
	s2 =	simm.s32 @!p0 $0x1C05  }
0x2ab: {  	[timem:s3], [sflag:s2] =	dma.local @!p0 [hbm:s0], s1  }
0x2ac: {  	s0 =	simm.s32 @!p0 $0x5  }
0x2ad: {  	_ =	swait.ge @!p0 [sflag:s0], s1  }
0x2ae: {  	s1 =	ssub.s32 @!p0 $0x0, s1;
	[sflag:s0] =	ssyncset.done @!p0 $0x0  }
0x2af: {  	[sflag:s0] =	ssyncadd.s32 @!p0 s1  }
0x2b0: {  	[bflag:$0x3] =	sbarrier.arrive $0xFFFF  }
0x2b1: {  	_ =	shalt  }

// kernel: kernel.8.cloned.1.call-start
scs
__scs_entry_jumppad:
0x0: {  	(pc) =	sbr.rel $0x88, $3  }
0x1: {  	(tag) =	ssettag $0x0;
	lr =	simm.s32 $0x1  }
0x2: {  	[smem:$0x3F9B] =	sst lr;
	_ =	strace $0xD0000000  }
0x3: {  	_ = 	snop  }
0x4: {  	_ = 	snop  }
0x5: {  	_ = 	snop  }
0x6: {  	_ = 	snop  }
0x7: {  	_ = 	snop  }
__scs_overlays_trampoline_lowered:
0x8: {  	[smem:$0x3FAA] =	sst s0  }
0x9: {  	[smem:$0x3FAB] =	sst s1  }
0xa: {  	[smem:$0x3FAC] =	sst s2  }
0xb: {  	[smem:$0x3FAD] =	sst s3  }
0xc: {  	[smem:$0x3FAE] =	sst s4  }
0xd: {  	[smem:$0x3FAF] =	sst s5  }
0xe: {  	[smem:$0x3FB0] =	sst s6  }
0xf: {  	[smem:$0x3FB1] =	sst s7  }
0x10: {  	[smem:$0x3FB2] =	sst s8  }
0x11: {  	[smem:$0x3FB3] =	sst s9;
	s0 =	simm.s32 @!p0 $0x0  }
0x12: {  	s1 =	sld [smem:$0x3F99];
	s0 =	simm.s32 @p0 $0x1  }
0x13: {  	[smem:$0x3FB4] =	sst s0;
	s0 =	simm.s32 @!p1 $0x0  }
0x14: {  	s2 =	sld [smem:$0x3F98];
	s0 =	simm.s32 @p1 $0x1  }
0x15: {  	[smem:$0x3FB5] =	sst s0;
	s0 =	simm.s32 @!p2 $0x0  }
0x16: {  	s3 =	sld [smem:$0x3FDB];
	s0 =	simm.s32 @p2 $0x1  }
0x17: {  	s4 =	simm.s32 $0x1BF5;
	[smem:$0x3FB7] =	sst s0  }
0x18: {  	s0 =	sld [smem:$0x3F9A];
	_ =	swait.ge [sflag:s4], $0x0  }
0x19: {  	s7 =	sld [smem:$0x3F9B]  }
0x1a: {  	s8 =	sadd.s32 $0xFFFFE003, lr  }
0x1b: {  	s9 =	sadd.s32 $0xFFFFFEF7, lr;
	s5 =	simm.s32 $0xFFFFFFFF;
	p2 =	slt.u32 s8, $0xFFFFF086  }
0x1c: {  	p1 =	slt.u32 s9, $0xF7A;
	s5 =	simm.s32 @!p2 $0x0  }
0x1d: {  	s5 =	simm.s32 @p1 $0x1;
	p0 =	seq.s32 s7, s2  }
0x1e: {  	s7 =	smul.u32 @!p0 $0xF7A, s2;
	p2 =	seq.s32 @!p0 s5, $0x0  }
0x1f: {  	s9 =	smul.u32 $0xF7A, s1;
	s8 =	simm.s32 @!p0 $0x1BF5;
	p2 =	por !p2, p0  }
0x20: {  	[sflag:s8] =	ssyncset.s32 @!p0 $0xFFFFF086;
	s6 =	sadd.s32 @!p0 s3, s7;
	s7 =	simm.s32 @!p0 $0x108  }
0x21: {  	s3 =	sadd.s32 s3, s9;
	s6 =	sadd.s32 @!p0 $0x88, s6;
	s7 =	simm.s32 @p2 $0x1082  }
0x22: {  	[simem:s7], [sflag:s8] =	dma.local @!p0 [hbm:s6], $0xF7A  }
0x23: {  	s9 =	sor.u32 $0xD0000000, s2;
	s6 =	simm.s32 $0x108;
	_ =	swait.ge @!p0 [sflag:s8], $0x0  }
0x24: {  	s3 =	sadd.s32 $0x88, s3;
	s6 =	simm.s32 @!p1 $0x1082;
	[sflag:s4] =	ssyncset.s32 $0xFFFFF086  }
0x25: {  	[simem:s6], [sflag:s4] =	dma.local [hbm:s3], $0xF7A  }
0x26: {  	[smem:$0x3F9B] =	sst s1;
	(tag) =	ssettag s2;
	_ =	strace s9  }
0x27: {  	s1 =	sld [smem:$0x3FAB]  }
0x28: {  	s2 =	sld [smem:$0x3FAC]  }
0x29: {  	s4 =	sld [smem:$0x3FAE]  }
0x2a: {  	p0 =	seq.s32 s5, $0x0;
	s5 =	sld [smem:$0x3FAF]  }
0x2b: {  	s6 =	sld [smem:$0x3FB0]  }
0x2c: {  	s7 =	sld [smem:$0x3FB1]  }
0x2d: {  	s3 =	simm.s32 $0x108;
	s8 =	sld [smem:$0x3FB2]  }
0x2e: {  	s3 =	simm.s32 @!p0 $0x1082;
	s9 =	sld [smem:$0x3FB3]  }
0x2f: {  	lr =	sadd.s32 s0, s3;
	s0 =	sld [smem:$0x3FAA]  }
0x30: {  	s3 =	sld [smem:$0x3FAD]  }
0x31: {  	[smem:$0x3FB6] =	sst s10  }
0x32: {  	s10 =	sld [smem:$0x3FB4];
	_ =	sdelay $0x3  }
0x33: {  	p0 =	seq.s32 s10, $0x1;
	s10 =	sld [smem:$0x3FB6];
	_ =	sdelay $0x3  }
0x34: {  	[smem:$0x3FB6] =	sst s10  }
0x35: {  	s10 =	sld [smem:$0x3FB5];
	_ =	sdelay $0x3  }
0x36: {  	p1 =	seq.s32 s10, $0x1;
	s10 =	sld [smem:$0x3FB6];
	_ =	sdelay $0x3  }
0x37: {  	[smem:$0x3FB6] =	sst s10  }
0x38: {  	s10 =	sld [smem:$0x3FB7]  }
0x39: {  	_ = 	snop;
	(pc) =	sbr.ind lr, $3  }
0x3a: {  	_ = 	snop  }
0x3b: {  	_ = 	snop  }
0x3c: {  	p2 =	seq.s32 s10, $0x1;
	s10 =	sld [smem:$0x3FB6]  }
0x3d: {  	_ =	shalt  }
0x3e: {  	_ =	shalt  }
0x3f: {  	_ =	shalt  }
0x40: {  	_ =	shalt  }
0x41: {  	_ =	shalt  }
0x42: {  	_ =	shalt  }
0x43: {  	_ =	shalt  }
0x44: {  	_ =	shalt  }
0x45: {  	_ =	shalt  }
0x46: {  	_ =	shalt  }
0x47: {  	_ =	shalt  }
0x48: {  	_ =	shalt  }
0x49: {  	_ =	shalt  }
0x4a: {  	_ =	shalt  }
0x4b: {  	_ =	shalt  }
0x4c: {  	_ =	shalt  }
0x4d: {  	_ =	shalt  }
0x4e: {  	_ =	shalt  }
0x4f: {  	_ =	shalt  }
0x50: {  	_ =	shalt  }
0x51: {  	_ =	shalt  }
0x52: {  	_ =	shalt  }
0x53: {  	_ =	shalt  }
0x54: {  	_ =	shalt  }
0x55: {  	_ =	shalt  }
0x56: {  	_ =	shalt  }
0x57: {  	_ =	shalt  }
0x58: {  	_ =	shalt  }
0x59: {  	_ =	shalt  }
0x5a: {  	_ =	shalt  }
0x5b: {  	_ =	shalt  }
0x5c: {  	_ =	shalt  }
0x5d: {  	_ =	shalt  }
0x5e: {  	_ =	shalt  }
0x5f: {  	_ =	shalt  }
0x60: {  	_ =	shalt  }
0x61: {  	_ =	shalt  }
0x62: {  	_ =	shalt  }
0x63: {  	_ =	shalt  }
0x64: {  	_ =	shalt  }
0x65: {  	_ =	shalt  }
0x66: {  	_ =	shalt  }
0x67: {  	_ =	shalt  }
0x68: {  	_ =	shalt  }
0x69: {  	_ =	shalt  }
0x6a: {  	_ =	shalt  }
0x6b: {  	_ =	shalt  }
0x6c: {  	_ =	shalt  }
0x6d: {  	_ =	shalt  }
0x6e: {  	_ =	shalt  }
0x6f: {  	_ =	shalt  }
0x70: {  	_ =	shalt  }
0x71: {  	_ =	shalt  }
0x72: {  	_ =	shalt  }
0x73: {  	_ =	shalt  }
0x74: {  	_ =	shalt  }
0x75: {  	_ =	shalt  }
0x76: {  	_ =	shalt  }
0x77: {  	_ =	shalt  }
0x78: {  	_ =	shalt  }
0x79: {  	_ =	shalt  }
0x7a: {  	_ =	shalt  }
0x7b: {  	_ =	shalt  }
0x7c: {  	_ =	shalt  }
0x7d: {  	_ =	shalt  }
0x7e: {  	_ =	shalt  }
0x7f: {  	_ =	shalt  }
0x80: {  	_ =	shalt  }
0x81: {  	_ =	shalt  }
0x82: {  	_ =	shalt  }
0x83: {  	_ =	shalt  }
0x84: {  	_ =	shalt  }
0x85: {  	_ =	shalt  }
0x86: {  	_ =	shalt  }
0x87: {  	_ =	shalt  }
.Lfunc_end0:
.L_simem_size_0:
called_computation.1_lowered:
.L_overlay_start_0:
0x88: {  	s2 =	sld [smem:$0x3FD9]  }
0x89: {  	s3 =	sld [smem:$0x3FFE];
	_ =	sdelay $0x1  }
0x8a: {  	s1 =	srdreg.scid  }
0x8b: {  	s0 =	sand.u32 $0x1, s1  }
0x8c: {  	s17 =	sshll.u32 s0, $0xA;
	s2 =	sadd.s32 s3, s2  }
0x8d: {  	s2 =	sadd.s32 s2, s17  }
0x8e: {  	[smem:$0x3FC2] =	sst s2  }
0x8f: {  	_ = 	snop  }
0x90: {  	s2 =	sld [smem:$0x3FD0];
	(tm) =	ssettm $0x1  }
0x91: {  	s18 =	sld [smem:$0x3FFB];
	_ =	sdelay $0x3  }
0x92: {  	_ =	strace s18  }
0x93: {  	s3 =	sld [smem:$0x3FFC];
	_ =	sdelay $0x3  }
0x94: {  	_ =	strace s3  }
0x95: {  	s3 =	sld [smem:$0x3FFD];
	_ =	sdelay $0x3  }
0x96: {  	_ =	strace s3  }
0x97: {  	_ =	strace $0x8FFFFFFF  }
0x98: {  	s19 =	sld [smem:$0x3FDB];
	_ =	sdelay $0x1  }
0x99: {  	s4 =	simm.s32 $_scs_section_size  }
0x9a: {  	s5 =	simm.s32 $_size__tile_overlayer_lowered;
	s6 =	simm.s32 $_tile_overlayer_lowered  }
0x9b: {  	s22 =	simm.s32 $0x1BFF;
	s21 =	sshll.u32 s6, $0x1;
	s3 =	sadd.s32 s4, s19  }
0x9c: {  	s7 =	simm.s32 $0x0;
	s20 =	sshll.u32 s5, $0x1;
	s5 =	sadd.s32 s21, s3  }
0x9d: {  	[timem:s7], [sflag:s22] =	dma.local [hbm:s5], s20  }
0x9e: {  	_ =	swait.ge [sflag:s22], s20  }
0x9f: {  	s4 =	ssub.s32 $0x0, s20;
	[sflag:s22] =	ssyncset.done $0x0  }
0xa0: {  	[sflag:s22] =	ssyncadd.s32 s4;
	_ =	sdelay $0x1  }
0xa1: {  	s23 =	simm.s32 $0x1B8B  }
0xa2: {  	_ =	swait.ge [sflag:s23], $0x1  }
0xa3: {  	[sflag:s23] =	ssyncset.done $0x0  }
0xa4: {  	s25 =	simm.s32 $0x1B8E;
	s24 =	sld [smem:$0x3FFE];
	[sflag:s23] =	ssyncadd.s32 $0xFFFFFFFF  }
0xa5: {  	s26 =	simm.s32 $execute0_lowered;
	[smem:$0x3FD2] =	sst s25  }
0xa6: {  	s5 =	sshll.u32 s26, $0x1;
	_ =	strace $0x80000049;
	[dreg:$0x1] =	wrdreg $0xFFFFFFFF  }
0xa7: {  	s28 =	simm.s32 $_size_execute0_lowered;
	s3 =	sadd.s32 s3, s5;
	[dreg:$0x0] =	wrdreg $0x0  }
0xa8: {  	s5 =	sshll.u32 s28, $0x1;
	[dreg:$0x2] =	wrdreg s3  }
0xa9: {  	[dreg:$0x3] =	wrdreg s5  }
0xaa: {  	[dreg:$0x4] =	wrdreg $0xC0  }
0xab: {  	_ =	task [dreg:s7], $0x5FFFF  }
0xac: {  	[dreg:$0x1] =	wrdreg $0xFFFFFFFF  }
0xad: {  	[dreg:$0x0] =	wrdreg $0x60  }
0xae: {  	[dreg:$0x2] =	wrdreg s24  }
0xaf: {  	[dreg:$0x3] =	wrdreg s2  }
0xb0: {  	[dreg:$0x4] =	wrdreg $0x9  }
0xb1: {  	_ =	task.clear_ibuf [dreg:s7], $0x5FFFF;
	_ =	strace $0x90000049  }
0xb2: {  	s29 =	simm.s32 $0x9;
	_ =	strace $0x8000004B  }
0xb3: {  	_ =	swait.ge [sflag:s29], $0x1  }
0xb4: {  	[sflag:s29] =	ssyncadd.s32 $0xFFFFFFFF  }
0xb5: {  	_ =	strace $0x9000004B  }
0xb6: {  	_ =	sfence  }
0xb7: {  	s30 =	sld [smem:$0x0];
	_ =	sdelay $0x2  }
0xb8: {  	s31 =	sshll.u32 s1, $0xD;
	s1 =	sshrl.u32 s1, $0x2  }
0xb9: {  	s3 =	sand.u32 $0x4000, s31;
	s1 =	sadd.s32 s1, s30  }
0xba: {  	s0 =	sor.u32 s3, s0;
	s1 =	sshll.u32 s1, $0x11  }
0xbb: {  	s0 =	sor.u32 s1, s0  }
0xbc: {  	s0 =	sadd.s32 $0x8F2B, s0  }
0xbd: {  	[sflag:s0] =	ssyncadd.remote.s32 $0x1  }
0xbe: {  	_ =	sfence.sel $0xFFFF  }
0xbf: {  	[dreg:$0x0] =	wrdreg $0xFFFFFFFF;
	(pc) =	sbr.abs _section_cstart, $3  }
0xc0: {  	[dreg:$0x1] =	wrdreg $0xFFFFFFFF  }
0xc1: {  	_ =	task.clear_ibuf [dreg:s7], $0x2FFFF;
	_ =	strace $0x9FFFFFFF  }
0xc2: {  	(tm) =	ssettm $0x7FFFFFFF  }
0xc3: {  	_ =	shalt  }
tec
execute0_lowered:
.L_overlay_start_1:
0x0: {  	(tag) =	ssettag $0x1  }
0x1: {  	s4 =	rddreg [dreg:$0x0]  }
0x2: {  	s1 =	rddreg [dreg:$0x1]  }
0x3: {  	s3 =	srdreg.scid;
	s0 =	rddreg [dreg:$0x2];
	s2 =	simm.s32 $0x0  }
0x4: {  	s10 =	simm.s32 $0x1;
	s11 =	simm.s32 $0xC380;
	s12 =	simm.s32 $0xC700  }
0x5: {  	s13 =	simm.s32 $0x0;
	s3 =	sand.u32 $0x1, s3;
	[smem:$0x7FF] =	sst s2  }
0x6: {  	s5 =	sadd.s32 $0xDCA00, s4;
	s6 =	sadd.s32 $0xC4200, s4;
	s7 =	ssub.s32 $0x2, s3  }
0x7: {  	s4 =	stileid.u32;
	_ =	strace $0x8000004A;
	s8 =	sshrl.u32 s7, $0x1  }
0x8: {  	p0 =	slt.u32 s4, $0x4;
	s9 =	ssub.s32 s7, s8;
	s8 =	simm.s32 $0x20  }
0x9: {  	s7 =	sshll.u32 s4, $0x1;
	s8 =	simm.s32 @!p0 $0x1F;
	s9 =	smax.u32 s9, $0x1  }
.LBB2_1:
0xa: {  	[tilespmem:s2], [sflag:$0x1] =	stream.linear.gather [hbm4b:s5+s2], $0xC380, $0x38;
	[tilespmem:$0xCA80] =	vst v63  }
0xb: {  	_ =	swait.ge [sflag:s10], $0xC380  }
0xc: {  	[sflag:s10] =	ssyncset.done $0x0  }
0xd: {  	s14 =	simm.s32 $0x0;
	[sflag:s10] =	ssyncadd.s32 $0xFFFF3C80  }
.LBB2_2:
0xe: {  	s15 =	sshll.u32 s14, $0x5  }
0xf: {  	s15 =	sor.u32 s15, s7  }
0x10: {  	s15 =	sor.u32 s3, s15  }
0x11: {  	s15 =	smul.u32 $0x320, s15;
	_ =	sdelay $0x1  }
0x12: {  	s15 =	sshrl.u32 s15, $0x3  }
0x13: {  	s17 =	simm.s32 $0x0;
	s16 =	sadd.s32 s6, s15  }
0x14: {  	[tilespmem:s11], [sflag:$0x1] =	stream.linear.gather [hbm4b:s16+s17], $0x320, $0x38;
	[tilespmem:$0xCA80] =	vst v63  }
0x15: {  	_ =	swait.ge [sflag:s10], $0x320  }
0x16: {  	[sflag:s10] =	ssyncset.done $0x0  }
0x17: {  	s16 =	simm.s32 $0x0;
	[sflag:s10] =	ssyncadd.s32 $0xFFFFFCE0  }
0x18: {  	v0 =	vld [tilespmem:s16+$0xC380];
	_ =	sdelay $0x7  }
0x19: {  	s18 =	simm.s32 $0x80;
	s17 =	simm.s32 $0x10;
	v0 =	vld.idx.msk [tilespmem:v0+s2+$0x0], $0xffff  }
.LBB2_3:
0x1a: {  	p0 =	sne.s32 s18, $0xC40;
	v1 =	vld [tilespmem:s17+$0xC380];
	_ =	sdelay $0x3  }
.Ltmp0:
0x1b: {  	(pc) =	sbr.rel @p0 .LBB2_3-.Ltmp0, $2  }
0x1c: {  	[tilespmem:s16+$0xC700] =	vst v0;
	s16 =	smov.u32 s17;
	_ =	sdelay $0x2  }
0x1d: {  	s17 =	sshra.s32 s18, $0x2;
	s18 =	sadd.s32 $0x40, s18;
	v0 =	vld.idx.msk [tilespmem:v1+s2+$0x0], $0xffff  }
0x1e: {  	v1 =	vld [tilespmem:s17+$0xC380];
	_ =	sdelay $0x6  }
0x1f: {  	[tilespmem:s16+$0xC700] =	vst v0  }
0x20: {  	v0 =	vld.idx.msk [tilespmem:v1+s2+$0x0], $0xffff;
	_ =	sdelay $0x2  }
0x21: {  	s14 =	sadd.s32 $0x1, s14  }
0x22: {  	p0 =	sne.s32 s14, s8  }
.Ltmp1:
0x23: {  	s15 =	sadd.s32 s1, s15;
	[tilespmem:s17+$0xC700] =	vst v0;
	(pc) =	sbr.rel @p0 .LBB2_2-.Ltmp1, $4  }
0x24: {  	[hbm4b:s15+s2] =	stream.linear.scatter [tilespmem:s12], [sflag:$0x1], $0x320, $0x38;
	[tilespmem:$0xCA80] =	vst v63  }
0x25: {  	_ =	swait.ge [sflag:s10], $0x320  }
0x26: {  	[sflag:s10] =	ssyncset.done $0x0  }
0x27: {  	[sflag:s10] =	ssyncadd.s32 $0xFFFFFCE0  }
0x28: {  	s13 =	sadd.s32 $0x1, s13  }
0x29: {  	p0 =	sne.s32 s13, s9  }
.Ltmp2:
0x2a: {  	_ = 	snop;
	(pc) =	sbr.rel @p0 .LBB2_1-.Ltmp2, $1  }
0x2b: {  	_ =	sdelay $0x3  }
0x2c: {  	_ =	sfence.sel $0x180000  }
0x2d: {  	[bflag:$0x0] =	sbarrier.arrive $0xFFFF  }
0x2e: {  	p0 =	sne.s32 s4, $0x0;
	_ =	strace $0x9000004A  }
0x2f: {  	s0 =	sadd.s32 @!p0 $0x100000, s0;
	[bflag:$0x2] =	sbarrier.arrive $0xFFFF  }
0x30: {  	[sflag:s0] =	ssyncadd.tile.s32 @!p0 $0x1;
	_ =	shalt  }
.Lfunc_end2:
_tile_overlayer_lowered:
.L_overlay_start_2:
0x31: {  	(tag) =	ssettag $0x2  }
0x32: {  	s0 =	rddreg [dreg:$0x0];
	s2 =	stileid.u32  }
0x33: {  	s1 =	rddreg [dreg:$0x1];
	p0 =	sne.s32 s2, $0x0  }
0x34: {  	s3 =	rddreg [dreg:$0x2];
	[bflag:$0x3] =	sbarrier.arrive $0xFFFF;
	s2 =	simm.s32 @!p0 $0x1C01  }
0x35: {  	[timem:s3], [sflag:s2] =	dma.local @!p0 [hbm:s0], s1  }
0x36: {  	s0 =	simm.s32 @!p0 $0x1  }
0x37: {  	_ =	swait.ge @!p0 [sflag:s0], s1  }
0x38: {  	s1 =	ssub.s32 @!p0 $0x0, s1;
	[sflag:s0] =	ssyncset.done @!p0 $0x0  }
0x39: {  	[sflag:s0] =	ssyncadd.s32 @!p0 s1  }
0x3a: {  	[bflag:$0x3] =	sbarrier.arrive $0xFFFF  }
0x3b: {  	_ =	shalt  }

</sc_bundles>
